<compile_context>
chip_gen: v7x
topology: tpu7x:2x2x1
jax: 0.10.2.dev20260603
libtpu: 0.0.44.dev20260713+nightly
codegen_flags: <defaults>
</compile_context>

<pallas_src>
import functools

import jax
import jax.numpy as jnp
from jax import lax
from jax.experimental import pallas as pl
from jax.experimental.pallas import tpu as pltpu
from jax.experimental.pallas import tpu_sc as plsc

F32 = jnp.float32
EPS = 1e-5

NW = 32
SB = 10000
BE = 8192
BN = 4096

_MESH = None


def _mesh():
    global _MESH
    if _MESH is None:
        _MESH = plsc.VectorSubcoreMesh(
            core_axis_name="c", subcore_axis_name="s", num_cores=2,
            num_subcores=16)
    return _MESH


_SC_PARAMS = pltpu.CompilerParams(needs_layout_passes=False)


def _wid():
    return lax.axis_index("s") * 2 + lax.axis_index("c")


def _worker_blocks(wid, nblk, fn):
    nb = nblk // NW

    def body(k, _):
        fn((wid * nb + k) * SB)
        return 0

    lax.fori_loop(0, nb, body, 0)


def _gather_block(table_v, idx_v, out_v):
    def body(i, _):
        base = i * 80
        for u in range(5):
            o = base + u * 16
            idx = idx_v[pl.ds(o, 16)]
            out_v[pl.ds(o, 16)] = plsc.load_gather(table_v, [idx])
        return 0

    lax.fori_loop(0, SB // 80, body, 0)


def _scatter_block(acc_v, idx_v, val_v):
    def body(i, _):
        base = i * 80
        for u in range(5):
            o = base + u * 16
            idx = idx_v[pl.ds(o, 16)]
            v = val_v[pl.ds(o, 16)]
            plsc.addupdate_scatter(acc_v, [idx], v)
        return 0

    lax.fori_loop(0, SB // 80, body, 0)


def _fill(ref, n, value):
    vec = jnp.full((16,), value, F32)

    def body(i, _):
        base = i * 80
        for u in range(5):
            ref[pl.ds(base + u * 16, 16)] = vec
        return 0

    lax.fori_loop(0, n // 80, body, 0)


def _sc_gather_x(xt_flat, tgt):
    n = xt_flat.shape[0] // 3
    e = tgt.shape[0]
    nblk = e // SB
    shp = jax.ShapeDtypeStruct((e,), F32)

    @functools.partial(
        pl.kernel,
        out_type=[shp, shp, shp],
        mesh=_mesh(),
        scratch_types=[
            pltpu.VMEM((n,), F32),
            pltpu.VMEM((SB,), jnp.int32),
            pltpu.VMEM((SB,), F32),
        ],
        compiler_params=_SC_PARAMS,
    )
    def k(xt_h, tgt_h, o0_h, o1_h, o2_h, table_v, idx_v, out_v):
        wid = _wid()
        for j, o_h in enumerate((o0_h, o1_h, o2_h)):
            pltpu.sync_copy(xt_h.at[pl.ds(j * n, n)], table_v)

            def do(base, o_h=o_h):
                pltpu.sync_copy(tgt_h.at[pl.ds(base, SB)], idx_v)
                _gather_block(table_v, idx_v, out_v)
                pltpu.sync_copy(out_v, o_h.at[pl.ds(base, SB)])

            _worker_blocks(wid, nblk, do)

    return k(xt_flat, tgt)


def _sc_gather_xe(xe0, xe1, tgt, src):
    e = tgt.shape[0]
    n = xe0.shape[0]
    nblk = e // SB
    shp = jax.ShapeDtypeStruct((e,), F32)

    @functools.partial(
        pl.kernel,
        out_type=[shp, shp, shp, shp],
        mesh=_mesh(),
        scratch_types=[
            pltpu.VMEM((n,), F32),
            pltpu.VMEM((SB,), jnp.int32),
            pltpu.VMEM((SB,), F32),
        ],
        compiler_params=_SC_PARAMS,
    )
    def k(xe0_h, xe1_h, tgt_h, src_h, o0_h, o1_h, o2_h, o3_h,
          table_v, idx_v, out_v):
        wid = _wid()
        for tab_h, outs in ((xe0_h, (o0_h, o2_h)), (xe1_h, (o1_h, o3_h))):
            pltpu.sync_copy(tab_h, table_v)
            for o_h, idx_h in zip(outs, (tgt_h, src_h)):

                def do(base, o_h=o_h, idx_h=idx_h):
                    pltpu.sync_copy(idx_h.at[pl.ds(base, SB)], idx_v)
                    _gather_block(table_v, idx_v, out_v)
                    pltpu.sync_copy(out_v, o_h.at[pl.ds(base, SB)])

                _worker_blocks(wid, nblk, do)

    return k(xe0, xe1, tgt, src)


def _sc_scatter4(tgt, src, msg0, msg1, n):
    e = tgt.shape[0]
    nblk = e // SB
    shp = jax.ShapeDtypeStruct((NW * n,), F32)

    @functools.partial(
        pl.kernel,
        out_type=[shp, shp, shp, shp],
        mesh=_mesh(),
        scratch_types=[
            pltpu.VMEM((n,), F32),
            pltpu.VMEM((SB,), jnp.int32),
            pltpu.VMEM((SB,), F32),
        ],
        compiler_params=_SC_PARAMS,
    )
    def k(tgt_h, src_h, m0_h, m1_h, o0_h, o1_h, o2_h, o3_h,
          acc_v, idx_v, val_v):
        wid = _wid()
        for col, (o_h, idx_h, val_h) in enumerate((
                (o0_h, tgt_h, m0_h), (o1_h, tgt_h, m1_h),
                (o2_h, tgt_h, None), (o3_h, src_h, None))):
            _fill(acc_v, n, 0.0)
            if val_h is None:
                _fill(val_v, SB, 1.0)

            def do(base, idx_h=idx_h, val_h=val_h):
                pltpu.sync_copy(idx_h.at[pl.ds(base, SB)], idx_v)
                if val_h is not None:
                    pltpu.sync_copy(val_h.at[pl.ds(base, SB)], val_v)
                _scatter_block(acc_v, idx_v, val_v)

            _worker_blocks(wid, nblk, do)
            pltpu.sync_copy(acc_v, o_h.at[pl.ds(wid * n, n)])

    return k(tgt, src, msg0, msg1)


def _sc_scatter3(tgt, m0, m1, m2, n):
    e = tgt.shape[0]
    nblk = e // SB
    shp = jax.ShapeDtypeStruct((NW * n,), F32)

    @functools.partial(
        pl.kernel,
        out_type=[shp, shp, shp],
        mesh=_mesh(),
        scratch_types=[
            pltpu.VMEM((n,), F32),
            pltpu.VMEM((SB,), jnp.int32),
            pltpu.VMEM((SB,), F32),
        ],
        compiler_params=_SC_PARAMS,
    )
    def k(tgt_h, m0_h, m1_h, m2_h, o0_h, o1_h, o2_h, acc_v, idx_v, val_v):
        wid = _wid()
        for o_h, val_h in ((o0_h, m0_h), (o1_h, m1_h), (o2_h, m2_h)):
            _fill(acc_v, n, 0.0)

            def do(base, val_h=val_h):
                pltpu.sync_copy(tgt_h.at[pl.ds(base, SB)], idx_v)
                pltpu.sync_copy(val_h.at[pl.ds(base, SB)], val_v)
                _scatter_block(acc_v, idx_v, val_v)

            _worker_blocks(wid, nblk, do)
            pltpu.sync_copy(acc_v, o_h.at[pl.ds(wid * n, n)])

    return k(tgt, m0, m1, m2)



def _dgf(a, x):
    return lax.dot_general(a, x, (((0,), (0,)), ((), ())),
                           preferred_element_type=F32)


def _params_tc(dimsem=("arbitrary",)):
    return pltpu.CompilerParams(dimension_semantics=dimsem)


def _full(shape):
    return pl.BlockSpec(shape, lambda *a: (0,) * len(shape))


def _row(r):
    return r[...].reshape(1, BE)


def _colstats(xT):
    f, n = xT.shape

    def body(x_ref, st_ref):
        i = pl.program_id(0)
        xb = x_ref[...]
        s = jnp.sum(xb, axis=1, keepdims=True)
        q = jnp.sum(xb * xb, axis=1, keepdims=True)
        blk = jnp.concatenate([s, q], axis=1)

        @pl.when(i == 0)
        def _():
            st_ref[...] = jnp.zeros_like(st_ref)

        st_ref[...] += blk

    return pl.pallas_call(
        body,
        grid=(n // BN,),
        in_specs=[pl.BlockSpec((f, BN), lambda i: (0, i))],
        out_specs=_full((f, 2)),
        out_shape=jax.ShapeDtypeStruct((f, 2), F32),
        compiler_params=_params_tc(),
    )(xT)


def _enc_mlp(xg0, xg1, xg2, eaT, a1c1, Wx, Wea, b0, W2, b2, W3, b3, W4,
             b4):
    e = eaT.shape[1]

    def body(x0_r, x1_r, x2_r, ea_ref, a1_r, Wx_r, Wea_r, b0_r, W2_r, b2_r,
             W3_r, b3_r, W4_r, b4_r, o0_ref, o1_ref):
        xg = jnp.concatenate([_row(x0_r), _row(x1_r), _row(x2_r)], axis=0)
        a1 = a1_r[...]
        xn = xg * a1[:, 0:1] + a1[:, 1:2]
        h = _dgf(Wx_r[...], xn)
        h = h + _dgf(Wea_r[...], ea_ref[...])
        h = jnp.maximum(h + b0_r[...], 0.0)
        h = jnp.maximum(_dgf(W2_r[...], h) + b2_r[...], 0.0)
        h = jnp.maximum(_dgf(W3_r[...], h) + b3_r[...], 0.0)
        h = jnp.maximum(_dgf(W4_r[...], h) + b4_r[...], 0.0)
        o0_ref[...] = h[0]
        o1_ref[...] = h[1]

    eb = pl.BlockSpec((BE,), lambda i: (i,))
    shp = jax.ShapeDtypeStruct((e,), F32)
    return pl.pallas_call(
        body,
        grid=(-(-e // BE),),
        in_specs=[
            eb, eb, eb,
            pl.BlockSpec((4, BE), lambda i: (0, i)),
            _full((3, 2)), _full(Wx.shape), _full(Wea.shape), _full(b0.shape),
            _full(W2.shape), _full(b2.shape), _full(W3.shape),
            _full(b3.shape), _full(W4.shape), _full(b4.shape),
        ],
        out_specs=[eb, eb],
        out_shape=[shp, shp],
        compiler_params=_params_tc(),
    )(xg0, xg1, xg2, eaT, a1c1, Wx, Wea, b0, W2, b2, W3, b3, W4, b4)


def _node_finalize_a(p0, p1, p2, p3, n):
    jb = n // BN

    def body(p0_r, p1_r, p2_r, p3_r, r0_ref, r1_ref, ct_ref, cs_ref,
             st_ref):
        j = pl.program_id(0)
        w = pl.program_id(1)

        @pl.when(w == 0)
        def _():
            r0_ref[...] = jnp.zeros_like(r0_ref)
            r1_ref[...] = jnp.zeros_like(r1_ref)
            ct_ref[...] = jnp.zeros_like(ct_ref)
            cs_ref[...] = jnp.zeros_like(cs_ref)

        r0_ref[...] += p0_r[...]
        r1_ref[...] += p1_r[...]
        ct_ref[...] += p2_r[...]
        cs_ref[...] += p3_r[...]

        @pl.when(w == NW - 1)
        def _():
            safe = jnp.maximum(ct_ref[...], 1.0)
            raw0 = r0_ref[...] / safe
            raw1 = r1_ref[...] / safe
            r0_ref[...] = raw0
            r1_ref[...] = raw1
            a = raw0.reshape(1, BN)
            b = raw1.reshape(1, BN)
            blk = jnp.concatenate(
                [jnp.sum(a, axis=1, keepdims=True),
                 jnp.sum(a * a, axis=1, keepdims=True),
                 jnp.sum(b, axis=1, keepdims=True),
                 jnp.sum(b * b, axis=1, keepdims=True)], axis=1)

            @pl.when(j == 0)
            def _():
                st_ref[...] = jnp.zeros_like(st_ref)

            st_ref[...] += blk

    pb = pl.BlockSpec((BN,), lambda j, w: (w * jb + j,))
    nb = pl.BlockSpec((BN,), lambda j, w: (j,))
    shp = jax.ShapeDtypeStruct((n,), F32)
    return pl.pallas_call(
        body,
        grid=(jb, NW),
        in_specs=[pb, pb, pb, pb],
        out_specs=[nb, nb, nb, nb, _full((1, 4))],
        out_shape=[shp, shp, shp, shp, jax.ShapeDtypeStruct((1, 4), F32)],
        compiler_params=_params_tc(("arbitrary", "arbitrary")),
    )(p0, p1, p2, p3)


def _node_finalize_b(raw0, raw1, ct, cs, a2c2):
    n = raw0.shape[0]

    def body(r0_r, r1_r, ct_r, cs_r, a_ref, xe0_ref, xe1_ref, ws_ref):
        j = pl.program_id(0)
        a = a_ref[...]
        xe0 = r0_r[...] * a[0, 0] + a[0, 1]
        xe1 = r1_r[...] * a[0, 2] + a[0, 3]
        xe0_ref[...] = xe0
        xe1_ref[...] = xe1
        ct = ct_r[...].reshape(1, BN)
        cs = cs_r[...].reshape(1, BN)
        e0 = xe0.reshape(1, BN)
        e1 = xe1.reshape(1, BN)
        cols = [cs * e0, cs * e0 * e0, cs * e1, cs * e1 * e1,
                ct * e0, ct * e0 * e0, ct * e1, ct * e1 * e1]
        blk = jnp.concatenate(
            [jnp.sum(c, axis=1, keepdims=True) for c in cols], axis=1)

        @pl.when(j == 0)
        def _():
            ws_ref[...] = jnp.zeros_like(ws_ref)

        ws_ref[...] += blk

    nb = pl.BlockSpec((BN,), lambda j: (j,))
    shp = jax.ShapeDtypeStruct((n,), F32)
    return pl.pallas_call(
        body,
        grid=(n // BN,),
        in_specs=[nb, nb, nb, nb, _full((1, 4))],
        out_specs=[nb, nb, _full((1, 8))],
        out_shape=[shp, shp, jax.ShapeDtypeStruct((1, 8), F32)],
        compiler_params=_params_tc(),
    )(raw0, raw1, ct, cs, a2c2)


def _dec_ep1(g0, g1, g2, g3, Wd1, bd1, Wd2, bd2, Wd3, bd3, Wd4, bd4,
             a3c3, W1s, W1t, b1f):
    e = g0.shape[0]

    def body(g0_r, g1_r, g2_r, g3_r, Wd1_r, bd1_r, Wd2_r, bd2_r, Wd3_r,
             bd3_r, Wd4_r, bd4_r, a3_r, W1s_r, W1t_r, b1f_r,
             m0_ref, m1_ref, m2_ref, hs_ref):
        i = pl.program_id(0)
        xi = jnp.concatenate([_row(g0_r), _row(g1_r)], axis=0)
        xj = jnp.concatenate([_row(g2_r), _row(g3_r)], axis=0)
        d = xj - xi
        W = Wd1_r[...]
        h = jnp.maximum(_dgf(W[0:2], xi) + _dgf(W[2:4], d) + bd1_r[...], 0.0)
        h = jnp.maximum(_dgf(Wd2_r[...], h) + bd2_r[...], 0.0)
        h = jnp.maximum(_dgf(Wd3_r[...], h) + bd3_r[...], 0.0)
        m = _dgf(Wd4_r[...], h) + bd4_r[...]
        m0_ref[...] = m[0]
        m1_ref[...] = m[1]
        m2_ref[...] = m[2]

        a3 = a3_r[...]
        xjn = xj * a3[0:2, 0:1] + a3[0:2, 1:2]
        xin = xi * a3[2:4, 0:1] + a3[2:4, 1:2]
        he = jnp.maximum(
            _dgf(W1s_r[...], xjn) + _dgf(W1t_r[...], xin) + b1f_r[...], 0.0)
        col = lax.broadcasted_iota(jnp.int32, (1, BE), 1) + i * BE
        hm = jnp.where(col < e, he, 0.0)
        s = jnp.sum(hm, axis=1, keepdims=True)
        q = jnp.sum(hm * hm, axis=1, keepdims=True)
        blk = jnp.concatenate([s, q], axis=1)

        @pl.when(i == 0)
        def _():
            hs_ref[...] = jnp.zeros_like(hs_ref)

        hs_ref[...] += blk

    eb = pl.BlockSpec((BE,), lambda i: (i,))
    shp = jax.ShapeDtypeStruct((e,), F32)
    return pl.pallas_call(
        body,
        grid=(-(-e // BE),),
        in_specs=[
            eb, eb, eb, eb,
            _full(Wd1.shape), _full(bd1.shape), _full(Wd2.shape),
            _full(bd2.shape), _full(Wd3.shape), _full(bd3.shape),
            _full(Wd4.shape), _full(bd4.shape), _full((4, 2)),
            _full(W1s.shape), _full(W1t.shape), _full(b1f.shape),
        ],
        out_specs=[eb, eb, eb, _full((32, 2))],
        out_shape=[shp, shp, shp, jax.ShapeDtypeStruct((32, 2), F32)],
        compiler_params=_params_tc(),
    )(g0, g1, g2, g3, Wd1, bd1, Wd2, bd2, Wd3, bd3, Wd4, bd4, a3c3, W1s,
      W1t, b1f)


def _ep2_stats(g0, g1, g2, g3, a3c3, W1s, W1t, b1f, a4, c4, W2, b2):
    e = g0.shape[0]

    def body(g0_r, g1_r, g2_r, g3_r, a3_r, W1s_r, W1t_r, b1f_r, a4_r, c4_r,
             W2_r, b2_r, rs_ref):
        i = pl.program_id(0)
        xi = jnp.concatenate([_row(g0_r), _row(g1_r)], axis=0)
        xj = jnp.concatenate([_row(g2_r), _row(g3_r)], axis=0)
        a3 = a3_r[...]
        xjn = xj * a3[0:2, 0:1] + a3[0:2, 1:2]
        xin = xi * a3[2:4, 0:1] + a3[2:4, 1:2]
        he = jnp.maximum(
            _dgf(W1s_r[...], xjn) + _dgf(W1t_r[...], xin) + b1f_r[...], 0.0)
        hb = he * a4_r[...] + c4_r[...]
        hr = jnp.maximum(_dgf(W2_r[...], hb) + b2_r[...], 0.0)
        col = lax.broadcasted_iota(jnp.int32, (1, BE), 1) + i * BE
        hm = jnp.where(col < e, hr, 0.0)
        s = jnp.sum(hm, axis=1, keepdims=True)
        q = jnp.sum(hm * hm, axis=1, keepdims=True)
        blk = jnp.concatenate([s, q], axis=1)

        @pl.when(i == 0)
        def _():
            rs_ref[...] = jnp.zeros_like(rs_ref)

        rs_ref[...] += blk

    eb = pl.BlockSpec((BE,), lambda i: (i,))
    return pl.pallas_call(
        body,
        grid=(-(-e // BE),),
        in_specs=[
            eb, eb, eb, eb, _full((4, 2)),
            _full(W1s.shape), _full(W1t.shape), _full(b1f.shape),
            _full(a4.shape), _full(c4.shape), _full(W2.shape),
            _full(b2.shape),
        ],
        out_specs=_full((32, 2)),
        out_shape=jax.ShapeDtypeStruct((32, 2), F32),
        compiler_params=_params_tc(),
    )(g0, g1, g2, g3, a3c3, W1s, W1t, b1f, a4, c4, W2, b2)


def _ep_final(g0, g1, g2, g3, a3c3, W1s, W1t, b1f, a4, c4, W2, b2, a5, c5,
              W4, b4):
    e = g0.shape[0]

    def body(g0_r, g1_r, g2_r, g3_r, a3_r, W1s_r, W1t_r, b1f_r, a4_r, c4_r,
             W2_r, b2_r, a5_r, c5_r, W4_r, b4_r, out_ref):
        xi = jnp.concatenate([_row(g0_r), _row(g1_r)], axis=0)
        xj = jnp.concatenate([_row(g2_r), _row(g3_r)], axis=0)
        a3 = a3_r[...]
        xjn = xj * a3[0:2, 0:1] + a3[0:2, 1:2]
        xin = xi * a3[2:4, 0:1] + a3[2:4, 1:2]
        he = jnp.maximum(
            _dgf(W1s_r[...], xjn) + _dgf(W1t_r[...], xin) + b1f_r[...], 0.0)
        hb = he * a4_r[...] + c4_r[...]
        hr = jnp.maximum(_dgf(W2_r[...], hb) + b2_r[...], 0.0)
        hh = hb + hr * a5_r[...] + c5_r[...]
        out_ref[...] = lax.dot_general(
            hh, W4_r[...], (((0,), (0,)), ((), ())),
            preferred_element_type=F32) + b4_r[...]

    eb = pl.BlockSpec((BE,), lambda i: (i,))
    return pl.pallas_call(
        body,
        grid=(-(-e // BE),),
        in_specs=[
            eb, eb, eb, eb, _full((4, 2)),
            _full(W1s.shape), _full(W1t.shape), _full(b1f.shape),
            _full(a4.shape), _full(c4.shape), _full(W2.shape),
            _full(b2.shape), _full(a5.shape), _full(c5.shape),
            _full(W4.shape), _full(b4.shape),
        ],
        out_specs=pl.BlockSpec((BE, 4), lambda i: (i, 0)),
        out_shape=jax.ShapeDtypeStruct((e, 4), F32),
        compiler_params=_params_tc(),
    )(g0, g1, g2, g3, a3c3, W1s, W1t, b1f, a4, c4, W2, b2, a5, c5, W4, b4)


def _recon_finalize(q0, q1, q2, ct, n):
    jb = n // BN

    def body(q0_r, q1_r, q2_r, ct_r, r0_ref, r1_ref, r2_ref):
        w = pl.program_id(1)

        @pl.when(w == 0)
        def _():
            r0_ref[...] = jnp.zeros_like(r0_ref)
            r1_ref[...] = jnp.zeros_like(r1_ref)
            r2_ref[...] = jnp.zeros_like(r2_ref)

        r0_ref[...] += q0_r[...]
        r1_ref[...] += q1_r[...]
        r2_ref[...] += q2_r[...]

        @pl.when(w == NW - 1)
        def _():
            inv = 1.0 / jnp.maximum(ct_r[...], 1.0)
            r0_ref[...] *= inv
            r1_ref[...] *= inv
            r2_ref[...] *= inv

    pb = pl.BlockSpec((BN,), lambda j, w: (w * jb + j,))
    nb = pl.BlockSpec((BN,), lambda j, w: (j,))
    shp = jax.ShapeDtypeStruct((n,), F32)
    return pl.pallas_call(
        body,
        grid=(jb, NW),
        in_specs=[pb, pb, pb, nb],
        out_specs=[nb, nb, nb],
        out_shape=[shp, shp, shp],
        compiler_params=_params_tc(("arbitrary", "arbitrary")),
    )(q0, q1, q2, ct)


def _affine(g, b, s, q, count):
    m = s / count
    v = q / count - m * m
    a = g / jnp.sqrt(v + EPS)
    return a, b - m * a


def kernel(x, edge_index, edge_attr, params):
    n = x.shape[0]
    e = edge_index.shape[1]
    npad = -(-n // BN) * BN
    src = edge_index[0].astype(jnp.int32)
    tgt = edge_index[1].astype(jnp.int32)
    xT = jnp.pad(x.T, ((0, 0), (0, npad - n)))

    st1 = _colstats(xT)
    a1, c1 = _affine(params['bn1g'], params['bn1b'], st1[:, 0], st1[:, 1], n)
    We0, be0 = params['enc'][0]
    Wx = We0[:3]
    Wea = We0[3:]
    b0 = be0.reshape(32, 1)
    a1c1 = jnp.stack([a1, c1], axis=1)

    xg0, xg1, xg2 = _sc_gather_x(xT.reshape(-1), tgt)
    (W2e, b2e), (W3e, b3e), (W4e, b4e) = params['enc'][1:]
    msg0, msg1 = _enc_mlp(xg0, xg1, xg2, edge_attr.T, a1c1, Wx, Wea, b0,
                          W2e, b2e.reshape(-1, 1), W3e, b3e.reshape(-1, 1),
                          W4e, b4e.reshape(-1, 1))

    p0, p1, p2, p3 = _sc_scatter4(tgt, src, msg0, msg1, npad)
    raw0, raw1, cnt_t, cnt_s, rst = _node_finalize_a(p0, p1, p2, p3, npad)

    a2, c2 = _affine(params['bn2g'], params['bn2b'],
                     jnp.stack([rst[0, 0], rst[0, 2]]),
                     jnp.stack([rst[0, 1], rst[0, 3]]), n)
    a2c2 = jnp.stack([a2[0], c2[0], a2[1], c2[1]]).reshape(1, 4)
    xe0, xe1, ws = _node_finalize_b(raw0, raw1, cnt_t, cnt_s, a2c2)

    a3, c3 = _affine(params['epbn1g'], params['epbn1b'],
                     jnp.stack([ws[0, 0], ws[0, 2], ws[0, 4], ws[0, 6]]),
                     jnp.stack([ws[0, 1], ws[0, 3], ws[0, 5], ws[0, 7]]), e)
    W1, b1 = params['ep_fc1']
    W1s = W1[:2]
    W1t = W1[2:]
    b1f = b1.reshape(32, 1)
    a3c3 = jnp.stack([a3, c3], axis=1)

    g0, g1, g2, g3 = _sc_gather_xe(xe0, xe1, tgt, src)
    (Wd1, bd1), (Wd2, bd2), (Wd3, bd3), (Wd4, bd4) = params['dec']
    m0, m1, m2, hs = _dec_ep1(
        g0, g1, g2, g3, Wd1, bd1.reshape(-1, 1), Wd2, bd2.reshape(-1, 1),
        Wd3, bd3.reshape(-1, 1), Wd4, bd4.reshape(-1, 1), a3c3, W1s, W1t,
        b1f)

    q0, q1, q2 = _sc_scatter3(tgt, m0, m1, m2, npad)
    r0, r1, r2 = _recon_finalize(q0, q1, q2, cnt_t, npad)
    x_recon = jnp.stack([r0[:n], r1[:n], r2[:n]], axis=1)

    a4, c4 = _affine(params['epbn2g'], params['epbn2b'], hs[:, 0], hs[:, 1], e)
    a4 = a4.reshape(32, 1)
    c4 = c4.reshape(32, 1)
    W2, b2 = params['ep_fc2']
    rs = _ep2_stats(g0, g1, g2, g3, a3c3, W1s, W1t, b1f, a4, c4, W2,
                    b2.reshape(-1, 1))

    a5, c5 = _affine(params['epbn3g'], params['epbn3b'], rs[:, 0], rs[:, 1], e)
    W4, b4 = params['ep_fc4']
    pred = _ep_final(g0, g1, g2, g3, a3c3, W1s, W1t, b1f, a4, c4, W2,
                     b2.reshape(-1, 1), a5.reshape(32, 1), c5.reshape(32, 1),
                     W4, b4.reshape(1, -1))
    return (x_recon, pred)

# --- scband reference (transcript-rebuilt; emitter-appended) ---
"""Pipeline reference for scband-edge-net-edge-old-45526653337877 (READ-ONLY COPY).

The authoritative reference and input builder live on the scoring server;
editing this copy changes nothing except your own understanding.
"""

import jax, jax.numpy as jnp
import numpy as np

N = 100000
E = 1600000
IN = 3
ED = 4
BIG = 32
LAT = 2
OUT = 3


def _lin(key, fin, fout):
    k1, k2 = jax.random.split(key)
    W = jax.random.normal(k1, (fin, fout), jnp.float32) * 0.05
    b = jnp.zeros((fout,), jnp.float32)
    return (W, b)


def setup_inputs(seed: int = 0):
    key = jax.random.key(seed)
    ks = jax.random.split(key, 16)
    x = jax.random.normal(ks[0], (N, IN), jnp.float32)
    edge_index = jax.random.randint(ks[1], (2, E), 0, N, dtype=jnp.int64 if jax.config.read('jax_enable_x64') else jnp.int32)
    edge_attr = jax.random.normal(ks[2], (E, ED), jnp.float32)
    params = {
        'enc': [_lin(ks[3], IN + ED, BIG), _lin(ks[4], BIG, 2 * BIG), _lin(ks[5], 2 * BIG, BIG), _lin(ks[6], BIG, LAT)],
        'dec': [_lin(ks[7], 2 * LAT, BIG), _lin(ks[8], BIG, 2 * BIG), _lin(ks[9], 2 * BIG, BIG), _lin(ks[10], BIG, OUT)],
        'ep_fc1': _lin(ks[11], 2 * LAT, 32),
        'ep_fc2': _lin(ks[12], 32, 32),
        'ep_fc4': _lin(ks[13], 32, ED),
        'bn1g': jnp.ones((IN,), jnp.float32), 'bn1b': jnp.zeros((IN,), jnp.float32),
        'bn2g': jnp.ones((LAT,), jnp.float32), 'bn2b': jnp.zeros((LAT,), jnp.float32),
        'epbn1g': jnp.ones((2 * LAT,), jnp.float32), 'epbn1b': jnp.zeros((2 * LAT,), jnp.float32),
        'epbn2g': jnp.ones((32,), jnp.float32), 'epbn2b': jnp.zeros((32,), jnp.float32),
        'epbn3g': jnp.ones((32,), jnp.float32), 'epbn3b': jnp.zeros((32,), jnp.float32),
    }
    return {'x': x, 'edge_index': edge_index, 'edge_attr': edge_attr, 'params': params}


def _bn(h, g, b, eps=1e-5):
    m = jnp.mean(h, axis=0)
    v = jnp.var(h, axis=0)
    return (h - m) / jnp.sqrt(v + eps) * g + b


def _mlp(layers, h, relu_last):
    n = len(layers)
    for i, (W, b) in enumerate(layers):
        h = h @ W + b
        if i < n - 1 or relu_last:
            h = jax.nn.relu(h)
    return h


def _mean_aggr(msgs, tgt, n):
    s = jax.ops.segment_sum(msgs, tgt, num_segments=n)
    c = jax.ops.segment_sum(jnp.ones((msgs.shape[0], 1), msgs.dtype), tgt, num_segments=n)
    return s / jnp.maximum(c, 1.0)


def _forward(x, edge_attr, params, edge_index):
    src = edge_index[0]
    tgt = edge_index[1]
    # BatchNorm on input nodes (training-mode batch stats; dropout = identity/eval)
    xn = _bn(x, params['bn1g'], params['bn1b'])
    # Encoder EdgeConv (dec=False): message = nn(cat([x_i, edge_attr])), x_i = target feats
    x_i = xn[tgt]
    msg = _mlp(params['enc'], jnp.concatenate([x_i, edge_attr], axis=-1), True)
    x_enc = _mean_aggr(msg, tgt, x.shape[0])
    x_enc = _bn(x_enc, params['bn2g'], params['bn2b'])
    # Decoder EdgeConv (dec=True): edge_attr := x_j - x_i; message = nn(cat([x_i, x_j - x_i]))
    xi = x_enc[tgt]
    xj = x_enc[src]
    msg2 = _mlp(params['dec'], jnp.concatenate([xi, xj - xi], axis=-1), False)
    x_recon = _mean_aggr(msg2, tgt, x.shape[0])
    # EdgeAttrPredictor
    xc = jnp.concatenate([x_enc[src], x_enc[tgt]], axis=-1)
    xc = _bn(xc, params['epbn1g'], params['epbn1b'])
    W1, b1 = params['ep_fc1']
    W2, b2 = params['ep_fc2']
    W4, b4 = params['ep_fc4']
    h = jax.nn.relu(xc @ W1 + b1)
    h = _bn(h, params['epbn2g'], params['epbn2b'])
    h_res = h @ W2 + b2
    h = h + _bn(jax.nn.relu(h_res), params['epbn3g'], params['epbn3b'])
    pred_edge_attr = h @ W4 + b4
    return (x_recon, pred_edge_attr)


def reference(x, edge_index, edge_attr, params):
    return _forward(x, edge_attr, params, edge_index)

if __name__ == "__main__":
    import jax
    _d = setup_inputs()
    print(jax.jit(kernel)(*tuple(_d.values())))

</pallas_src>

<mosaic_0001>
#map = affine_map<(d0, d1) -> (0)>
module attributes {stable_mosaic.version = 14 : i64} {
  func.func @k(%arg0: i32, %arg1: i32, %arg2: memref<102400xf32, #tpu.memory_space<hbm>>, %arg3: memref<102400xf32, #tpu.memory_space<hbm>>, %arg4: memref<1600000xi32, #tpu.memory_space<hbm>>, %arg5: memref<1600000xi32, #tpu.memory_space<hbm>>, %arg6: memref<1600000xf32, #tpu.memory_space<hbm>>, %arg7: memref<1600000xf32, #tpu.memory_space<hbm>>, %arg8: memref<1600000xf32, #tpu.memory_space<hbm>>, %arg9: memref<1600000xf32, #tpu.memory_space<hbm>>, %arg10: memref<102400xf32, #tpu.memory_space<vmem>>, %arg11: memref<10000xi32, #tpu.memory_space<vmem>>, %arg12: memref<10000xf32, #tpu.memory_space<vmem>>) attributes {dimension_semantics = [#tpu.dimension_semantics<core_parallel>, #tpu.dimension_semantics<subcore_parallel>], iteration_bounds = array<i64: 2, 16>, scalar_prefetch = 0 : i64, scratch_operands = 3 : i64, tpu.core_type = #tpu.core_type<sc_vector_subcore>, window_params = [{transform_indices = #map}, {transform_indices = #map}, {transform_indices = #map}, {transform_indices = #map}, {transform_indices = #map}, {transform_indices = #map}, {transform_indices = #map}, {transform_indices = #map}]} {
    %mul3A = arith.constant 2 : i32
    %mul3A_0 = arith.muli %arg1, %mul3A : i32
    %add3A = arith.addi %mul3A_0, %arg0 : i32
    "tpu.region"() ({
      %run_scoped3A = tpu.sem_alloc : memref<!tpu.dma_semaphore, #tpu.memory_space<semaphore_mem>>
      tpu.enqueue_dma source(%arg2 : memref<102400xf32, #tpu.memory_space<hbm>>) target(%arg10 : memref<102400xf32, #tpu.memory_space<vmem>>) target_semaphore(%run_scoped3A : memref<!tpu.dma_semaphore, #tpu.memory_space<semaphore_mem>>)
      tpu.wait_dma2 semaphore(%run_scoped3A : memref<!tpu.dma_semaphore, #tpu.memory_space<semaphore_mem>>) src(%arg2 : memref<102400xf32, #tpu.memory_space<hbm>>) dst(%arg10 : memref<102400xf32, #tpu.memory_space<vmem>>)
      tpu.yield
    }) : () -> ()
    %scan3A = arith.constant 0 : i32
    %scan3A_1 = arith.constant 0 : i32
    %scan3A_2 = arith.constant 5 : i32
    %scan3A_3 = arith.addi %scan3A_1, %scan3A_2 : i32
    %scan3A_4 = arith.constant 1 : i32
    %scan3A_5 = scf.for %scan3A_28 = %scan3A_1 to %scan3A_3 step %scan3A_4 iter_args(%scan3A_29 = %scan3A) -> (i32)  : i32 {
      %mul3A_30 = arith.constant 5 : i32
      %mul3A_31 = arith.muli %add3A, %mul3A_30 : i32
      %add3A_32 = arith.addi %mul3A_31, %scan3A_28 : i32
      %mul3A_33 = arith.constant 10000 : i32
      %mul3A_34 = arith.muli %add3A_32, %mul3A_33 : i32
      "tpu.region"() ({
        %run_scoped3A = tpu.sem_alloc : memref<!tpu.dma_semaphore, #tpu.memory_space<semaphore_mem>>
        %dma_start3A = tpu.memref_slice %arg4[%mul3A_34] : memref<1600000xi32, #tpu.memory_space<hbm>> -> memref<10000xi32, #tpu.memory_space<hbm>>
        %dma_start3A_43 = tpu.memref_slice %arg4[%mul3A_34] : memref<1600000xi32, #tpu.memory_space<hbm>> -> memref<10000xi32, #tpu.memory_space<hbm>>
        tpu.enqueue_dma source(%dma_start3A_43 : memref<10000xi32, #tpu.memory_space<hbm>>) target(%arg11 : memref<10000xi32, #tpu.memory_space<vmem>>) target_semaphore(%run_scoped3A : memref<!tpu.dma_semaphore, #tpu.memory_space<semaphore_mem>>)
        %dma_wait3A = tpu.memref_slice %arg4[%mul3A_34] : memref<1600000xi32, #tpu.memory_space<hbm>> -> memref<10000xi32, #tpu.memory_space<hbm>>
        %dma_wait3A_44 = tpu.memref_slice %arg4[%mul3A_34] : memref<1600000xi32, #tpu.memory_space<hbm>> -> memref<10000xi32, #tpu.memory_space<hbm>>
        tpu.wait_dma2 semaphore(%run_scoped3A : memref<!tpu.dma_semaphore, #tpu.memory_space<semaphore_mem>>) src(%dma_wait3A_44 : memref<10000xi32, #tpu.memory_space<hbm>>) dst(%arg11 : memref<10000xi32, #tpu.memory_space<vmem>>)
        tpu.yield
      }) : () -> ()
      %scan3A_35 = arith.constant 0 : i32
      %scan3A_36 = arith.constant 0 : i32
      %scan3A_37 = arith.constant 125 : i32
      %scan3A_38 = arith.addi %scan3A_36, %scan3A_37 : i32
      %scan3A_39 = arith.constant 1 : i32
      %scan3A_40 = scf.for %scan3A_43 = %scan3A_36 to %scan3A_38 step %scan3A_39 iter_args(%scan3A_44 = %scan3A_35) -> (i32)  : i32 {
        %mul3A_45 = arith.constant 80 : i32
        %mul3A_46 = arith.muli %scan3A_43, %mul3A_45 : i32
        %add3A_47 = arith.constant 0 : i32
        %add3A_48 = arith.addi %mul3A_46, %add3A_47 : i32
        %get3A = arith.index_cast %add3A_48 : i32 to index
        %get3A_49 = tpu.vector_load %arg11[%get3A] {strides = array<i32>} : memref<10000xi32, #tpu.memory_space<vmem>>, vector<16xi32>,
        %gather3A = tpu.vector_load_idx %arg10[%get3A_49] : memref<102400xf32, #tpu.memory_space<vmem>>[vector<16xi32>], vector<16xf32>,
        %swap3A = arith.index_cast %add3A_48 : i32 to index
        %swap3A_50 = tpu.vector_load %arg12[%swap3A] {strides = array<i32>} : memref<10000xf32, #tpu.memory_space<vmem>>, vector<16xf32>,
        tpu.vector_store %arg12[%swap3A], %gather3A {strides = array<i32>} : memref<10000xf32, #tpu.memory_space<vmem>>, vector<16xf32>,
        %add3A_51 = arith.constant 16 : i32
        %add3A_52 = arith.addi %mul3A_46, %add3A_51 : i32
        %get3A_53 = arith.index_cast %add3A_52 : i32 to index
        %get3A_54 = tpu.vector_load %arg11[%get3A_53] {strides = array<i32>} : memref<10000xi32, #tpu.memory_space<vmem>>, vector<16xi32>,
        %gather3A_55 = tpu.vector_load_idx %arg10[%get3A_54] : memref<102400xf32, #tpu.memory_space<vmem>>[vector<16xi32>], vector<16xf32>,
        %swap3A_56 = arith.index_cast %add3A_52 : i32 to index
        %swap3A_57 = tpu.vector_load %arg12[%swap3A_56] {strides = array<i32>} : memref<10000xf32, #tpu.memory_space<vmem>>, vector<16xf32>,
        tpu.vector_store %arg12[%swap3A_56], %gather3A_55 {strides = array<i32>} : memref<10000xf32, #tpu.memory_space<vmem>>, vector<16xf32>,
        %add3A_58 = arith.constant 32 : i32
        %add3A_59 = arith.addi %mul3A_46, %add3A_58 : i32
        %get3A_60 = arith.index_cast %add3A_59 : i32 to index
        %get3A_61 = tpu.vector_load %arg11[%get3A_60] {strides = array<i32>} : memref<10000xi32, #tpu.memory_space<vmem>>, vector<16xi32>,
        %gather3A_62 = tpu.vector_load_idx %arg10[%get3A_61] : memref<102400xf32, #tpu.memory_space<vmem>>[vector<16xi32>], vector<16xf32>,
        %swap3A_63 = arith.index_cast %add3A_59 : i32 to index
        %swap3A_64 = tpu.vector_load %arg12[%swap3A_63] {strides = array<i32>} : memref<10000xf32, #tpu.memory_space<vmem>>, vector<16xf32>,
        tpu.vector_store %arg12[%swap3A_63], %gather3A_62 {strides = array<i32>} : memref<10000xf32, #tpu.memory_space<vmem>>, vector<16xf32>,
        %add3A_65 = arith.constant 48 : i32
        %add3A_66 = arith.addi %mul3A_46, %add3A_65 : i32
        %get3A_67 = arith.index_cast %add3A_66 : i32 to index
        %get3A_68 = tpu.vector_load %arg11[%get3A_67] {strides = array<i32>} : memref<10000xi32, #tpu.memory_space<vmem>>, vector<16xi32>,
        %gather3A_69 = tpu.vector_load_idx %arg10[%get3A_68] : memref<102400xf32, #tpu.memory_space<vmem>>[vector<16xi32>], vector<16xf32>,
        %swap3A_70 = arith.index_cast %add3A_66 : i32 to index
        %swap3A_71 = tpu.vector_load %arg12[%swap3A_70] {strides = array<i32>} : memref<10000xf32, #tpu.memory_space<vmem>>, vector<16xf32>,
        tpu.vector_store %arg12[%swap3A_70], %gather3A_69 {strides = array<i32>} : memref<10000xf32, #tpu.memory_space<vmem>>, vector<16xf32>,
        %add3A_72 = arith.constant 64 : i32
        %add3A_73 = arith.addi %mul3A_46, %add3A_72 : i32
        %get3A_74 = arith.index_cast %add3A_73 : i32 to index
        %get3A_75 = tpu.vector_load %arg11[%get3A_74] {strides = array<i32>} : memref<10000xi32, #tpu.memory_space<vmem>>, vector<16xi32>,
        %gather3A_76 = tpu.vector_load_idx %arg10[%get3A_75] : memref<102400xf32, #tpu.memory_space<vmem>>[vector<16xi32>], vector<16xf32>,
        %swap3A_77 = arith.index_cast %add3A_73 : i32 to index
        %swap3A_78 = tpu.vector_load %arg12[%swap3A_77] {strides = array<i32>} : memref<10000xf32, #tpu.memory_space<vmem>>, vector<16xf32>,
        tpu.vector_store %arg12[%swap3A_77], %gather3A_76 {strides = array<i32>} : memref<10000xf32, #tpu.memory_space<vmem>>, vector<16xf32>,
        %scan3A_79 = arith.constant 0 : i32
        scf.yield %scan3A_79 : i32
      }
      %scan3A_41 = arith.constant 125 : i32
      "tpu.region"() ({
        %run_scoped3A = tpu.sem_alloc : memref<!tpu.dma_semaphore, #tpu.memory_space<semaphore_mem>>
        %dma_start3A = tpu.memref_slice %arg6[%mul3A_34] : memref<1600000xf32, #tpu.memory_space<hbm>> -> memref<10000xf32, #tpu.memory_space<hbm>>
        %dma_start3A_43 = tpu.memref_slice %arg6[%mul3A_34] : memref<1600000xf32, #tpu.memory_space<hbm>> -> memref<10000xf32, #tpu.memory_space<hbm>>
        tpu.enqueue_dma source(%arg12 : memref<10000xf32, #tpu.memory_space<vmem>>) target(%dma_start3A_43 : memref<10000xf32, #tpu.memory_space<hbm>>) target_semaphore(%run_scoped3A : memref<!tpu.dma_semaphore, #tpu.memory_space<semaphore_mem>>)
        %dma_wait3A = tpu.memref_slice %arg6[%mul3A_34] : memref<1600000xf32, #tpu.memory_space<hbm>> -> memref<10000xf32, #tpu.memory_space<hbm>>
        %dma_wait3A_44 = tpu.memref_slice %arg6[%mul3A_34] : memref<1600000xf32, #tpu.memory_space<hbm>> -> memref<10000xf32, #tpu.memory_space<hbm>>
        tpu.wait_dma2 semaphore(%run_scoped3A : memref<!tpu.dma_semaphore, #tpu.memory_space<semaphore_mem>>) src(%arg12 : memref<10000xf32, #tpu.memory_space<vmem>>) dst(%dma_wait3A_44 : memref<10000xf32, #tpu.memory_space<hbm>>)
        tpu.yield
      }) : () -> ()
      %scan3A_42 = arith.constant 0 : i32
      scf.yield %scan3A_42 : i32
    }
    %scan3A_6 = arith.constant 5 : i32
    %scan3A_7 = arith.constant 0 : i32
    %scan3A_8 = arith.constant 0 : i32
    %scan3A_9 = arith.constant 5 : i32
    %scan3A_10 = arith.addi %scan3A_8, %scan3A_9 : i32
    %scan3A_11 = arith.constant 1 : i32
    %scan3A_12 = scf.for %scan3A_28 = %scan3A_8 to %scan3A_10 step %scan3A_11 iter_args(%scan3A_29 = %scan3A_7) -> (i32)  : i32 {
      %mul3A_30 = arith.constant 5 : i32
      %mul3A_31 = arith.muli %add3A, %mul3A_30 : i32
      %add3A_32 = arith.addi %mul3A_31, %scan3A_28 : i32
      %mul3A_33 = arith.constant 10000 : i32
      %mul3A_34 = arith.muli %add3A_32, %mul3A_33 : i32
      "tpu.region"() ({
        %run_scoped3A = tpu.sem_alloc : memref<!tpu.dma_semaphore, #tpu.memory_space<semaphore_mem>>
        %dma_start3A = tpu.memref_slice %arg5[%mul3A_34] : memref<1600000xi32, #tpu.memory_space<hbm>> -> memref<10000xi32, #tpu.memory_space<hbm>>
        %dma_start3A_43 = tpu.memref_slice %arg5[%mul3A_34] : memref<1600000xi32, #tpu.memory_space<hbm>> -> memref<10000xi32, #tpu.memory_space<hbm>>
        tpu.enqueue_dma source(%dma_start3A_43 : memref<10000xi32, #tpu.memory_space<hbm>>) target(%arg11 : memref<10000xi32, #tpu.memory_space<vmem>>) target_semaphore(%run_scoped3A : memref<!tpu.dma_semaphore, #tpu.memory_space<semaphore_mem>>)
        %dma_wait3A = tpu.memref_slice %arg5[%mul3A_34] : memref<1600000xi32, #tpu.memory_space<hbm>> -> memref<10000xi32, #tpu.memory_space<hbm>>
        %dma_wait3A_44 = tpu.memref_slice %arg5[%mul3A_34] : memref<1600000xi32, #tpu.memory_space<hbm>> -> memref<10000xi32, #tpu.memory_space<hbm>>
        tpu.wait_dma2 semaphore(%run_scoped3A : memref<!tpu.dma_semaphore, #tpu.memory_space<semaphore_mem>>) src(%dma_wait3A_44 : memref<10000xi32, #tpu.memory_space<hbm>>) dst(%arg11 : memref<10000xi32, #tpu.memory_space<vmem>>)
        tpu.yield
      }) : () -> ()
      %scan3A_35 = arith.constant 0 : i32
      %scan3A_36 = arith.constant 0 : i32
      %scan3A_37 = arith.constant 125 : i32
      %scan3A_38 = arith.addi %scan3A_36, %scan3A_37 : i32
      %scan3A_39 = arith.constant 1 : i32
      %scan3A_40 = scf.for %scan3A_43 = %scan3A_36 to %scan3A_38 step %scan3A_39 iter_args(%scan3A_44 = %scan3A_35) -> (i32)  : i32 {
        %mul3A_45 = arith.constant 80 : i32
        %mul3A_46 = arith.muli %scan3A_43, %mul3A_45 : i32
        %add3A_47 = arith.constant 0 : i32
        %add3A_48 = arith.addi %mul3A_46, %add3A_47 : i32
        %get3A = arith.index_cast %add3A_48 : i32 to index
        %get3A_49 = tpu.vector_load %arg11[%get3A] {strides = array<i32>} : memref<10000xi32, #tpu.memory_space<vmem>>, vector<16xi32>,
        %gather3A = tpu.vector_load_idx %arg10[%get3A_49] : memref<102400xf32, #tpu.memory_space<vmem>>[vector<16xi32>], vector<16xf32>,
        %swap3A = arith.index_cast %add3A_48 : i32 to index
        %swap3A_50 = tpu.vector_load %arg12[%swap3A] {strides = array<i32>} : memref<10000xf32, #tpu.memory_space<vmem>>, vector<16xf32>,
        tpu.vector_store %arg12[%swap3A], %gather3A {strides = array<i32>} : memref<10000xf32, #tpu.memory_space<vmem>>, vector<16xf32>,
        %add3A_51 = arith.constant 16 : i32
        %add3A_52 = arith.addi %mul3A_46, %add3A_51 : i32
        %get3A_53 = arith.index_cast %add3A_52 : i32 to index
        %get3A_54 = tpu.vector_load %arg11[%get3A_53] {strides = array<i32>} : memref<10000xi32, #tpu.memory_space<vmem>>, vector<16xi32>,
        %gather3A_55 = tpu.vector_load_idx %arg10[%get3A_54] : memref<102400xf32, #tpu.memory_space<vmem>>[vector<16xi32>], vector<16xf32>,
        %swap3A_56 = arith.index_cast %add3A_52 : i32 to index
        %swap3A_57 = tpu.vector_load %arg12[%swap3A_56] {strides = array<i32>} : memref<10000xf32, #tpu.memory_space<vmem>>, vector<16xf32>,
        tpu.vector_store %arg12[%swap3A_56], %gather3A_55 {strides = array<i32>} : memref<10000xf32, #tpu.memory_space<vmem>>, vector<16xf32>,
        %add3A_58 = arith.constant 32 : i32
        %add3A_59 = arith.addi %mul3A_46, %add3A_58 : i32
        %get3A_60 = arith.index_cast %add3A_59 : i32 to index
        %get3A_61 = tpu.vector_load %arg11[%get3A_60] {strides = array<i32>} : memref<10000xi32, #tpu.memory_space<vmem>>, vector<16xi32>,
        %gather3A_62 = tpu.vector_load_idx %arg10[%get3A_61] : memref<102400xf32, #tpu.memory_space<vmem>>[vector<16xi32>], vector<16xf32>,
        %swap3A_63 = arith.index_cast %add3A_59 : i32 to index
        %swap3A_64 = tpu.vector_load %arg12[%swap3A_63] {strides = array<i32>} : memref<10000xf32, #tpu.memory_space<vmem>>, vector<16xf32>,
        tpu.vector_store %arg12[%swap3A_63], %gather3A_62 {strides = array<i32>} : memref<10000xf32, #tpu.memory_space<vmem>>, vector<16xf32>,
        %add3A_65 = arith.constant 48 : i32
        %add3A_66 = arith.addi %mul3A_46, %add3A_65 : i32
        %get3A_67 = arith.index_cast %add3A_66 : i32 to index
        %get3A_68 = tpu.vector_load %arg11[%get3A_67] {strides = array<i32>} : memref<10000xi32, #tpu.memory_space<vmem>>, vector<16xi32>,
        %gather3A_69 = tpu.vector_load_idx %arg10[%get3A_68] : memref<102400xf32, #tpu.memory_space<vmem>>[vector<16xi32>], vector<16xf32>,
        %swap3A_70 = arith.index_cast %add3A_66 : i32 to index
        %swap3A_71 = tpu.vector_load %arg12[%swap3A_70] {strides = array<i32>} : memref<10000xf32, #tpu.memory_space<vmem>>, vector<16xf32>,
        tpu.vector_store %arg12[%swap3A_70], %gather3A_69 {strides = array<i32>} : memref<10000xf32, #tpu.memory_space<vmem>>, vector<16xf32>,
        %add3A_72 = arith.constant 64 : i32
        %add3A_73 = arith.addi %mul3A_46, %add3A_72 : i32
        %get3A_74 = arith.index_cast %add3A_73 : i32 to index
        %get3A_75 = tpu.vector_load %arg11[%get3A_74] {strides = array<i32>} : memref<10000xi32, #tpu.memory_space<vmem>>, vector<16xi32>,
        %gather3A_76 = tpu.vector_load_idx %arg10[%get3A_75] : memref<102400xf32, #tpu.memory_space<vmem>>[vector<16xi32>], vector<16xf32>,
        %swap3A_77 = arith.index_cast %add3A_73 : i32 to index
        %swap3A_78 = tpu.vector_load %arg12[%swap3A_77] {strides = array<i32>} : memref<10000xf32, #tpu.memory_space<vmem>>, vector<16xf32>,
        tpu.vector_store %arg12[%swap3A_77], %gather3A_76 {strides = array<i32>} : memref<10000xf32, #tpu.memory_space<vmem>>, vector<16xf32>,
        %scan3A_79 = arith.constant 0 : i32
        scf.yield %scan3A_79 : i32
      }
      %scan3A_41 = arith.constant 125 : i32
      "tpu.region"() ({
        %run_scoped3A = tpu.sem_alloc : memref<!tpu.dma_semaphore, #tpu.memory_space<semaphore_mem>>
        %dma_start3A = tpu.memref_slice %arg8[%mul3A_34] : memref<1600000xf32, #tpu.memory_space<hbm>> -> memref<10000xf32, #tpu.memory_space<hbm>>
        %dma_start3A_43 = tpu.memref_slice %arg8[%mul3A_34] : memref<1600000xf32, #tpu.memory_space<hbm>> -> memref<10000xf32, #tpu.memory_space<hbm>>
        tpu.enqueue_dma source(%arg12 : memref<10000xf32, #tpu.memory_space<vmem>>) target(%dma_start3A_43 : memref<10000xf32, #tpu.memory_space<hbm>>) target_semaphore(%run_scoped3A : memref<!tpu.dma_semaphore, #tpu.memory_space<semaphore_mem>>)
        %dma_wait3A = tpu.memref_slice %arg8[%mul3A_34] : memref<1600000xf32, #tpu.memory_space<hbm>> -> memref<10000xf32, #tpu.memory_space<hbm>>
        %dma_wait3A_44 = tpu.memref_slice %arg8[%mul3A_34] : memref<1600000xf32, #tpu.memory_space<hbm>> -> memref<10000xf32, #tpu.memory_space<hbm>>
        tpu.wait_dma2 semaphore(%run_scoped3A : memref<!tpu.dma_semaphore, #tpu.memory_space<semaphore_mem>>) src(%arg12 : memref<10000xf32, #tpu.memory_space<vmem>>) dst(%dma_wait3A_44 : memref<10000xf32, #tpu.memory_space<hbm>>)
        tpu.yield
      }) : () -> ()
      %scan3A_42 = arith.constant 0 : i32
      scf.yield %scan3A_42 : i32
    }
    %scan3A_13 = arith.constant 5 : i32
    "tpu.region"() ({
      %run_scoped3A = tpu.sem_alloc : memref<!tpu.dma_semaphore, #tpu.memory_space<semaphore_mem>>
      tpu.enqueue_dma source(%arg3 : memref<102400xf32, #tpu.memory_space<hbm>>) target(%arg10 : memref<102400xf32, #tpu.memory_space<vmem>>) target_semaphore(%run_scoped3A : memref<!tpu.dma_semaphore, #tpu.memory_space<semaphore_mem>>)
      tpu.wait_dma2 semaphore(%run_scoped3A : memref<!tpu.dma_semaphore, #tpu.memory_space<semaphore_mem>>) src(%arg3 : memref<102400xf32, #tpu.memory_space<hbm>>) dst(%arg10 : memref<102400xf32, #tpu.memory_space<vmem>>)
      tpu.yield
    }) : () -> ()
    %scan3A_14 = arith.constant 0 : i32
    %scan3A_15 = arith.constant 0 : i32
    %scan3A_16 = arith.constant 5 : i32
    %scan3A_17 = arith.addi %scan3A_15, %scan3A_16 : i32
    %scan3A_18 = arith.constant 1 : i32
    %scan3A_19 = scf.for %scan3A_28 = %scan3A_15 to %scan3A_17 step %scan3A_18 iter_args(%scan3A_29 = %scan3A_14) -> (i32)  : i32 {
      %mul3A_30 = arith.constant 5 : i32
      %mul3A_31 = arith.muli %add3A, %mul3A_30 : i32
      %add3A_32 = arith.addi %mul3A_31, %scan3A_28 : i32
      %mul3A_33 = arith.constant 10000 : i32
      %mul3A_34 = arith.muli %add3A_32, %mul3A_33 : i32
      "tpu.region"() ({
        %run_scoped3A = tpu.sem_alloc : memref<!tpu.dma_semaphore, #tpu.memory_space<semaphore_mem>>
        %dma_start3A = tpu.memref_slice %arg4[%mul3A_34] : memref<1600000xi32, #tpu.memory_space<hbm>> -> memref<10000xi32, #tpu.memory_space<hbm>>
        %dma_start3A_43 = tpu.memref_slice %arg4[%mul3A_34] : memref<1600000xi32, #tpu.memory_space<hbm>> -> memref<10000xi32, #tpu.memory_space<hbm>>
        tpu.enqueue_dma source(%dma_start3A_43 : memref<10000xi32, #tpu.memory_space<hbm>>) target(%arg11 : memref<10000xi32, #tpu.memory_space<vmem>>) target_semaphore(%run_scoped3A : memref<!tpu.dma_semaphore, #tpu.memory_space<semaphore_mem>>)
        %dma_wait3A = tpu.memref_slice %arg4[%mul3A_34] : memref<1600000xi32, #tpu.memory_space<hbm>> -> memref<10000xi32, #tpu.memory_space<hbm>>
        %dma_wait3A_44 = tpu.memref_slice %arg4[%mul3A_34] : memref<1600000xi32, #tpu.memory_space<hbm>> -> memref<10000xi32, #tpu.memory_space<hbm>>
        tpu.wait_dma2 semaphore(%run_scoped3A : memref<!tpu.dma_semaphore, #tpu.memory_space<semaphore_mem>>) src(%dma_wait3A_44 : memref<10000xi32, #tpu.memory_space<hbm>>) dst(%arg11 : memref<10000xi32, #tpu.memory_space<vmem>>)
        tpu.yield
      }) : () -> ()
      %scan3A_35 = arith.constant 0 : i32
      %scan3A_36 = arith.constant 0 : i32
      %scan3A_37 = arith.constant 125 : i32
      %scan3A_38 = arith.addi %scan3A_36, %scan3A_37 : i32
      %scan3A_39 = arith.constant 1 : i32
      %scan3A_40 = scf.for %scan3A_43 = %scan3A_36 to %scan3A_38 step %scan3A_39 iter_args(%scan3A_44 = %scan3A_35) -> (i32)  : i32 {
        %mul3A_45 = arith.constant 80 : i32
        %mul3A_46 = arith.muli %scan3A_43, %mul3A_45 : i32
        %add3A_47 = arith.constant 0 : i32
        %add3A_48 = arith.addi %mul3A_46, %add3A_47 : i32
        %get3A = arith.index_cast %add3A_48 : i32 to index
        %get3A_49 = tpu.vector_load %arg11[%get3A] {strides = array<i32>} : memref<10000xi32, #tpu.memory_space<vmem>>, vector<16xi32>,
        %gather3A = tpu.vector_load_idx %arg10[%get3A_49] : memref<102400xf32, #tpu.memory_space<vmem>>[vector<16xi32>], vector<16xf32>,
        %swap3A = arith.index_cast %add3A_48 : i32 to index
        %swap3A_50 = tpu.vector_load %arg12[%swap3A] {strides = array<i32>} : memref<10000xf32, #tpu.memory_space<vmem>>, vector<16xf32>,
        tpu.vector_store %arg12[%swap3A], %gather3A {strides = array<i32>} : memref<10000xf32, #tpu.memory_space<vmem>>, vector<16xf32>,
        %add3A_51 = arith.constant 16 : i32
        %add3A_52 = arith.addi %mul3A_46, %add3A_51 : i32
        %get3A_53 = arith.index_cast %add3A_52 : i32 to index
        %get3A_54 = tpu.vector_load %arg11[%get3A_53] {strides = array<i32>} : memref<10000xi32, #tpu.memory_space<vmem>>, vector<16xi32>,
        %gather3A_55 = tpu.vector_load_idx %arg10[%get3A_54] : memref<102400xf32, #tpu.memory_space<vmem>>[vector<16xi32>], vector<16xf32>,
        %swap3A_56 = arith.index_cast %add3A_52 : i32 to index
        %swap3A_57 = tpu.vector_load %arg12[%swap3A_56] {strides = array<i32>} : memref<10000xf32, #tpu.memory_space<vmem>>, vector<16xf32>,
        tpu.vector_store %arg12[%swap3A_56], %gather3A_55 {strides = array<i32>} : memref<10000xf32, #tpu.memory_space<vmem>>, vector<16xf32>,
        %add3A_58 = arith.constant 32 : i32
        %add3A_59 = arith.addi %mul3A_46, %add3A_58 : i32
        %get3A_60 = arith.index_cast %add3A_59 : i32 to index
        %get3A_61 = tpu.vector_load %arg11[%get3A_60] {strides = array<i32>} : memref<10000xi32, #tpu.memory_space<vmem>>, vector<16xi32>,
        %gather3A_62 = tpu.vector_load_idx %arg10[%get3A_61] : memref<102400xf32, #tpu.memory_space<vmem>>[vector<16xi32>], vector<16xf32>,
        %swap3A_63 = arith.index_cast %add3A_59 : i32 to index
        %swap3A_64 = tpu.vector_load %arg12[%swap3A_63] {strides = array<i32>} : memref<10000xf32, #tpu.memory_space<vmem>>, vector<16xf32>,
        tpu.vector_store %arg12[%swap3A_63], %gather3A_62 {strides = array<i32>} : memref<10000xf32, #tpu.memory_space<vmem>>, vector<16xf32>,
        %add3A_65 = arith.constant 48 : i32
        %add3A_66 = arith.addi %mul3A_46, %add3A_65 : i32
        %get3A_67 = arith.index_cast %add3A_66 : i32 to index
        %get3A_68 = tpu.vector_load %arg11[%get3A_67] {strides = array<i32>} : memref<10000xi32, #tpu.memory_space<vmem>>, vector<16xi32>,
        %gather3A_69 = tpu.vector_load_idx %arg10[%get3A_68] : memref<102400xf32, #tpu.memory_space<vmem>>[vector<16xi32>], vector<16xf32>,
        %swap3A_70 = arith.index_cast %add3A_66 : i32 to index
        %swap3A_71 = tpu.vector_load %arg12[%swap3A_70] {strides = array<i32>} : memref<10000xf32, #tpu.memory_space<vmem>>, vector<16xf32>,
        tpu.vector_store %arg12[%swap3A_70], %gather3A_69 {strides = array<i32>} : memref<10000xf32, #tpu.memory_space<vmem>>, vector<16xf32>,
        %add3A_72 = arith.constant 64 : i32
        %add3A_73 = arith.addi %mul3A_46, %add3A_72 : i32
        %get3A_74 = arith.index_cast %add3A_73 : i32 to index
        %get3A_75 = tpu.vector_load %arg11[%get3A_74] {strides = array<i32>} : memref<10000xi32, #tpu.memory_space<vmem>>, vector<16xi32>,
        %gather3A_76 = tpu.vector_load_idx %arg10[%get3A_75] : memref<102400xf32, #tpu.memory_space<vmem>>[vector<16xi32>], vector<16xf32>,
        %swap3A_77 = arith.index_cast %add3A_73 : i32 to index
        %swap3A_78 = tpu.vector_load %arg12[%swap3A_77] {strides = array<i32>} : memref<10000xf32, #tpu.memory_space<vmem>>, vector<16xf32>,
        tpu.vector_store %arg12[%swap3A_77], %gather3A_76 {strides = array<i32>} : memref<10000xf32, #tpu.memory_space<vmem>>, vector<16xf32>,
        %scan3A_79 = arith.constant 0 : i32
        scf.yield %scan3A_79 : i32
      }
      %scan3A_41 = arith.constant 125 : i32
      "tpu.region"() ({
        %run_scoped3A = tpu.sem_alloc : memref<!tpu.dma_semaphore, #tpu.memory_space<semaphore_mem>>
        %dma_start3A = tpu.memref_slice %arg7[%mul3A_34] : memref<1600000xf32, #tpu.memory_space<hbm>> -> memref<10000xf32, #tpu.memory_space<hbm>>
        %dma_start3A_43 = tpu.memref_slice %arg7[%mul3A_34] : memref<1600000xf32, #tpu.memory_space<hbm>> -> memref<10000xf32, #tpu.memory_space<hbm>>
        tpu.enqueue_dma source(%arg12 : memref<10000xf32, #tpu.memory_space<vmem>>) target(%dma_start3A_43 : memref<10000xf32, #tpu.memory_space<hbm>>) target_semaphore(%run_scoped3A : memref<!tpu.dma_semaphore, #tpu.memory_space<semaphore_mem>>)
        %dma_wait3A = tpu.memref_slice %arg7[%mul3A_34] : memref<1600000xf32, #tpu.memory_space<hbm>> -> memref<10000xf32, #tpu.memory_space<hbm>>
        %dma_wait3A_44 = tpu.memref_slice %arg7[%mul3A_34] : memref<1600000xf32, #tpu.memory_space<hbm>> -> memref<10000xf32, #tpu.memory_space<hbm>>
        tpu.wait_dma2 semaphore(%run_scoped3A : memref<!tpu.dma_semaphore, #tpu.memory_space<semaphore_mem>>) src(%arg12 : memref<10000xf32, #tpu.memory_space<vmem>>) dst(%dma_wait3A_44 : memref<10000xf32, #tpu.memory_space<hbm>>)
        tpu.yield
      }) : () -> ()
      %scan3A_42 = arith.constant 0 : i32
      scf.yield %scan3A_42 : i32
    }
    %scan3A_20 = arith.constant 5 : i32
    %scan3A_21 = arith.constant 0 : i32
    %scan3A_22 = arith.constant 0 : i32
    %scan3A_23 = arith.constant 5 : i32
    %scan3A_24 = arith.addi %scan3A_22, %scan3A_23 : i32
    %scan3A_25 = arith.constant 1 : i32
    %scan3A_26 = scf.for %scan3A_28 = %scan3A_22 to %scan3A_24 step %scan3A_25 iter_args(%scan3A_29 = %scan3A_21) -> (i32)  : i32 {
      %mul3A_30 = arith.constant 5 : i32
      %mul3A_31 = arith.muli %add3A, %mul3A_30 : i32
      %add3A_32 = arith.addi %mul3A_31, %scan3A_28 : i32
      %mul3A_33 = arith.constant 10000 : i32
      %mul3A_34 = arith.muli %add3A_32, %mul3A_33 : i32
      "tpu.region"() ({
        %run_scoped3A = tpu.sem_alloc : memref<!tpu.dma_semaphore, #tpu.memory_space<semaphore_mem>>
        %dma_start3A = tpu.memref_slice %arg5[%mul3A_34] : memref<1600000xi32, #tpu.memory_space<hbm>> -> memref<10000xi32, #tpu.memory_space<hbm>>
        %dma_start3A_43 = tpu.memref_slice %arg5[%mul3A_34] : memref<1600000xi32, #tpu.memory_space<hbm>> -> memref<10000xi32, #tpu.memory_space<hbm>>
        tpu.enqueue_dma source(%dma_start3A_43 : memref<10000xi32, #tpu.memory_space<hbm>>) target(%arg11 : memref<10000xi32, #tpu.memory_space<vmem>>) target_semaphore(%run_scoped3A : memref<!tpu.dma_semaphore, #tpu.memory_space<semaphore_mem>>)
        %dma_wait3A = tpu.memref_slice %arg5[%mul3A_34] : memref<1600000xi32, #tpu.memory_space<hbm>> -> memref<10000xi32, #tpu.memory_space<hbm>>
        %dma_wait3A_44 = tpu.memref_slice %arg5[%mul3A_34] : memref<1600000xi32, #tpu.memory_space<hbm>> -> memref<10000xi32, #tpu.memory_space<hbm>>
        tpu.wait_dma2 semaphore(%run_scoped3A : memref<!tpu.dma_semaphore, #tpu.memory_space<semaphore_mem>>) src(%dma_wait3A_44 : memref<10000xi32, #tpu.memory_space<hbm>>) dst(%arg11 : memref<10000xi32, #tpu.memory_space<vmem>>)
        tpu.yield
      }) : () -> ()
      %scan3A_35 = arith.constant 0 : i32
      %scan3A_36 = arith.constant 0 : i32
      %scan3A_37 = arith.constant 125 : i32
      %scan3A_38 = arith.addi %scan3A_36, %scan3A_37 : i32
      %scan3A_39 = arith.constant 1 : i32
      %scan3A_40 = scf.for %scan3A_43 = %scan3A_36 to %scan3A_38 step %scan3A_39 iter_args(%scan3A_44 = %scan3A_35) -> (i32)  : i32 {
        %mul3A_45 = arith.constant 80 : i32
        %mul3A_46 = arith.muli %scan3A_43, %mul3A_45 : i32
        %add3A_47 = arith.constant 0 : i32
        %add3A_48 = arith.addi %mul3A_46, %add3A_47 : i32
        %get3A = arith.index_cast %add3A_48 : i32 to index
        %get3A_49 = tpu.vector_load %arg11[%get3A] {strides = array<i32>} : memref<10000xi32, #tpu.memory_space<vmem>>, vector<16xi32>,
        %gather3A = tpu.vector_load_idx %arg10[%get3A_49] : memref<102400xf32, #tpu.memory_space<vmem>>[vector<16xi32>], vector<16xf32>,
        %swap3A = arith.index_cast %add3A_48 : i32 to index
        %swap3A_50 = tpu.vector_load %arg12[%swap3A] {strides = array<i32>} : memref<10000xf32, #tpu.memory_space<vmem>>, vector<16xf32>,
        tpu.vector_store %arg12[%swap3A], %gather3A {strides = array<i32>} : memref<10000xf32, #tpu.memory_space<vmem>>, vector<16xf32>,
        %add3A_51 = arith.constant 16 : i32
        %add3A_52 = arith.addi %mul3A_46, %add3A_51 : i32
        %get3A_53 = arith.index_cast %add3A_52 : i32 to index
        %get3A_54 = tpu.vector_load %arg11[%get3A_53] {strides = array<i32>} : memref<10000xi32, #tpu.memory_space<vmem>>, vector<16xi32>,
        %gather3A_55 = tpu.vector_load_idx %arg10[%get3A_54] : memref<102400xf32, #tpu.memory_space<vmem>>[vector<16xi32>], vector<16xf32>,
        %swap3A_56 = arith.index_cast %add3A_52 : i32 to index
        %swap3A_57 = tpu.vector_load %arg12[%swap3A_56] {strides = array<i32>} : memref<10000xf32, #tpu.memory_space<vmem>>, vector<16xf32>,
        tpu.vector_store %arg12[%swap3A_56], %gather3A_55 {strides = array<i32>} : memref<10000xf32, #tpu.memory_space<vmem>>, vector<16xf32>,
        %add3A_58 = arith.constant 32 : i32
        %add3A_59 = arith.addi %mul3A_46, %add3A_58 : i32
        %get3A_60 = arith.index_cast %add3A_59 : i32 to index
        %get3A_61 = tpu.vector_load %arg11[%get3A_60] {strides = array<i32>} : memref<10000xi32, #tpu.memory_space<vmem>>, vector<16xi32>,
        %gather3A_62 = tpu.vector_load_idx %arg10[%get3A_61] : memref<102400xf32, #tpu.memory_space<vmem>>[vector<16xi32>], vector<16xf32>,
        %swap3A_63 = arith.index_cast %add3A_59 : i32 to index
        %swap3A_64 = tpu.vector_load %arg12[%swap3A_63] {strides = array<i32>} : memref<10000xf32, #tpu.memory_space<vmem>>, vector<16xf32>,
        tpu.vector_store %arg12[%swap3A_63], %gather3A_62 {strides = array<i32>} : memref<10000xf32, #tpu.memory_space<vmem>>, vector<16xf32>,
        %add3A_65 = arith.constant 48 : i32
        %add3A_66 = arith.addi %mul3A_46, %add3A_65 : i32
        %get3A_67 = arith.index_cast %add3A_66 : i32 to index
        %get3A_68 = tpu.vector_load %arg11[%get3A_67] {strides = array<i32>} : memref<10000xi32, #tpu.memory_space<vmem>>, vector<16xi32>,
        %gather3A_69 = tpu.vector_load_idx %arg10[%get3A_68] : memref<102400xf32, #tpu.memory_space<vmem>>[vector<16xi32>], vector<16xf32>,
        %swap3A_70 = arith.index_cast %add3A_66 : i32 to index
        %swap3A_71 = tpu.vector_load %arg12[%swap3A_70] {strides = array<i32>} : memref<10000xf32, #tpu.memory_space<vmem>>, vector<16xf32>,
        tpu.vector_store %arg12[%swap3A_70], %gather3A_69 {strides = array<i32>} : memref<10000xf32, #tpu.memory_space<vmem>>, vector<16xf32>,
        %add3A_72 = arith.constant 64 : i32
        %add3A_73 = arith.addi %mul3A_46, %add3A_72 : i32
        %get3A_74 = arith.index_cast %add3A_73 : i32 to index
        %get3A_75 = tpu.vector_load %arg11[%get3A_74] {strides = array<i32>} : memref<10000xi32, #tpu.memory_space<vmem>>, vector<16xi32>,
        %gather3A_76 = tpu.vector_load_idx %arg10[%get3A_75] : memref<102400xf32, #tpu.memory_space<vmem>>[vector<16xi32>], vector<16xf32>,
        %swap3A_77 = arith.index_cast %add3A_73 : i32 to index
        %swap3A_78 = tpu.vector_load %arg12[%swap3A_77] {strides = array<i32>} : memref<10000xf32, #tpu.memory_space<vmem>>, vector<16xf32>,
        tpu.vector_store %arg12[%swap3A_77], %gather3A_76 {strides = array<i32>} : memref<10000xf32, #tpu.memory_space<vmem>>, vector<16xf32>,
        %scan3A_79 = arith.constant 0 : i32
        scf.yield %scan3A_79 : i32
      }
      %scan3A_41 = arith.constant 125 : i32
      "tpu.region"() ({
        %run_scoped3A = tpu.sem_alloc : memref<!tpu.dma_semaphore, #tpu.memory_space<semaphore_mem>>
        %dma_start3A = tpu.memref_slice %arg9[%mul3A_34] : memref<1600000xf32, #tpu.memory_space<hbm>> -> memref<10000xf32, #tpu.memory_space<hbm>>
        %dma_start3A_43 = tpu.memref_slice %arg9[%mul3A_34] : memref<1600000xf32, #tpu.memory_space<hbm>> -> memref<10000xf32, #tpu.memory_space<hbm>>
        tpu.enqueue_dma source(%arg12 : memref<10000xf32, #tpu.memory_space<vmem>>) target(%dma_start3A_43 : memref<10000xf32, #tpu.memory_space<hbm>>) target_semaphore(%run_scoped3A : memref<!tpu.dma_semaphore, #tpu.memory_space<semaphore_mem>>)
        %dma_wait3A = tpu.memref_slice %arg9[%mul3A_34] : memref<1600000xf32, #tpu.memory_space<hbm>> -> memref<10000xf32, #tpu.memory_space<hbm>>
        %dma_wait3A_44 = tpu.memref_slice %arg9[%mul3A_34] : memref<1600000xf32, #tpu.memory_space<hbm>> -> memref<10000xf32, #tpu.memory_space<hbm>>
        tpu.wait_dma2 semaphore(%run_scoped3A : memref<!tpu.dma_semaphore, #tpu.memory_space<semaphore_mem>>) src(%arg12 : memref<10000xf32, #tpu.memory_space<vmem>>) dst(%dma_wait3A_44 : memref<10000xf32, #tpu.memory_space<hbm>>)
        tpu.yield
      }) : () -> ()
      %scan3A_42 = arith.constant 0 : i32
      scf.yield %scan3A_42 : i32
    }
    %scan3A_27 = arith.constant 5 : i32
    return
  }
}

#map = affine_map<(d0, d1) -> (0)>
module attributes {stable_mosaic.version = 14 : i64} {
  func.func @k(%arg0: i32, %arg1: i32, %arg2: memref<1600000xi32, #tpu.memory_space<hbm>>, %arg3: memref<1600000xf32, #tpu.memory_space<hbm>>, %arg4: memref<1600000xf32, #tpu.memory_space<hbm>>, %arg5: memref<1600000xf32, #tpu.memory_space<hbm>>, %arg6: memref<3276800xf32, #tpu.memory_space<hbm>>, %arg7: memref<3276800xf32, #tpu.memory_space<hbm>>, %arg8: memref<3276800xf32, #tpu.memory_space<hbm>>, %arg9: memref<102400xf32, #tpu.memory_space<vmem>>, %arg10: memref<10000xi32, #tpu.memory_space<vmem>>, %arg11: memref<10000xf32, #tpu.memory_space<vmem>>) attributes {dimension_semantics = [#tpu.dimension_semantics<core_parallel>, #tpu.dimension_semantics<subcore_parallel>], iteration_bounds = array<i64: 2, 16>, scalar_prefetch = 0 : i64, scratch_operands = 3 : i64, tpu.core_type = #tpu.core_type<sc_vector_subcore>, window_params = [{transform_indices = #map}, {transform_indices = #map}, {transform_indices = #map}, {transform_indices = #map}, {transform_indices = #map}, {transform_indices = #map}, {transform_indices = #map}]} {
    %mul3A = arith.constant 2 : i32
    %mul3A_0 = arith.muli %arg1, %mul3A : i32
    %add3A = arith.addi %mul3A_0, %arg0 : i32
    %broadcast_in_dim3A = arith.constant 0.000000e+00 : f32
    %broadcast_in_dim3A_1 = vector.broadcast %broadcast_in_dim3A : f32 to vector<16xf32>
    %scan3A = arith.constant 0 : i32
    %scan3A_2 = arith.constant 0 : i32
    %scan3A_3 = arith.constant 1280 : i32
    %scan3A_4 = arith.addi %scan3A_2, %scan3A_3 : i32
    %scan3A_5 = arith.constant 1 : i32
    %scan3A_6 = scf.for %scan3A_53 = %scan3A_2 to %scan3A_4 step %scan3A_5 iter_args(%scan3A_54 = %scan3A) -> (i32)  : i32 {
      %mul3A_55 = arith.constant 80 : i32
      %mul3A_56 = arith.muli %scan3A_53, %mul3A_55 : i32
      %add3A_57 = arith.constant 0 : i32
      %add3A_58 = arith.addi %mul3A_56, %add3A_57 : i32
      %swap3A = arith.index_cast %add3A_58 : i32 to index
      %swap3A_59 = tpu.vector_load %arg9[%swap3A] {strides = array<i32>} : memref<102400xf32, #tpu.memory_space<vmem>>, vector<16xf32>,
      tpu.vector_store %arg9[%swap3A], %broadcast_in_dim3A_1 {strides = array<i32>} : memref<102400xf32, #tpu.memory_space<vmem>>, vector<16xf32>,
      %add3A_60 = arith.constant 16 : i32
      %add3A_61 = arith.addi %mul3A_56, %add3A_60 : i32
      %swap3A_62 = arith.index_cast %add3A_61 : i32 to index
      %swap3A_63 = tpu.vector_load %arg9[%swap3A_62] {strides = array<i32>} : memref<102400xf32, #tpu.memory_space<vmem>>, vector<16xf32>,
      tpu.vector_store %arg9[%swap3A_62], %broadcast_in_dim3A_1 {strides = array<i32>} : memref<102400xf32, #tpu.memory_space<vmem>>, vector<16xf32>,
      %add3A_64 = arith.constant 32 : i32
      %add3A_65 = arith.addi %mul3A_56, %add3A_64 : i32
      %swap3A_66 = arith.index_cast %add3A_65 : i32 to index
      %swap3A_67 = tpu.vector_load %arg9[%swap3A_66] {strides = array<i32>} : memref<102400xf32, #tpu.memory_space<vmem>>, vector<16xf32>,
      tpu.vector_store %arg9[%swap3A_66], %broadcast_in_dim3A_1 {strides = array<i32>} : memref<102400xf32, #tpu.memory_space<vmem>>, vector<16xf32>,
      %add3A_68 = arith.constant 48 : i32
      %add3A_69 = arith.addi %mul3A_56, %add3A_68 : i32
      %swap3A_70 = arith.index_cast %add3A_69 : i32 to index
      %swap3A_71 = tpu.vector_load %arg9[%swap3A_70] {strides = array<i32>} : memref<102400xf32, #tpu.memory_space<vmem>>, vector<16xf32>,
      tpu.vector_store %arg9[%swap3A_70], %broadcast_in_dim3A_1 {strides = array<i32>} : memref<102400xf32, #tpu.memory_space<vmem>>, vector<16xf32>,
      %add3A_72 = arith.constant 64 : i32
      %add3A_73 = arith.addi %mul3A_56, %add3A_72 : i32
      %swap3A_74 = arith.index_cast %add3A_73 : i32 to index
      %swap3A_75 = tpu.vector_load %arg9[%swap3A_74] {strides = array<i32>} : memref<102400xf32, #tpu.memory_space<vmem>>, vector<16xf32>,
      tpu.vector_store %arg9[%swap3A_74], %broadcast_in_dim3A_1 {strides = array<i32>} : memref<102400xf32, #tpu.memory_space<vmem>>, vector<16xf32>,
      %scan3A_76 = arith.constant 0 : i32
      scf.yield %scan3A_76 : i32
    }
    %scan3A_7 = arith.constant 1280 : i32
    %scan3A_8 = arith.constant 0 : i32
    %scan3A_9 = arith.constant 0 : i32
    %scan3A_10 = arith.constant 5 : i32
    %scan3A_11 = arith.addi %scan3A_9, %scan3A_10 : i32
    %scan3A_12 = arith.constant 1 : i32
    %scan3A_13 = scf.for %scan3A_53 = %scan3A_9 to %scan3A_11 step %scan3A_12 iter_args(%scan3A_54 = %scan3A_8) -> (i32)  : i32 {
      %mul3A_55 = arith.constant 5 : i32
      %mul3A_56 = arith.muli %add3A, %mul3A_55 : i32
      %add3A_57 = arith.addi %mul3A_56, %scan3A_53 : i32
      %mul3A_58 = arith.constant 10000 : i32
      %mul3A_59 = arith.muli %add3A_57, %mul3A_58 : i32
      "tpu.region"() ({
        %run_scoped3A = tpu.sem_alloc : memref<!tpu.dma_semaphore, #tpu.memory_space<semaphore_mem>>
        %dma_start3A = tpu.memref_slice %arg2[%mul3A_59] : memref<1600000xi32, #tpu.memory_space<hbm>> -> memref<10000xi32, #tpu.memory_space<hbm>>
        %dma_start3A_68 = tpu.memref_slice %arg2[%mul3A_59] : memref<1600000xi32, #tpu.memory_space<hbm>> -> memref<10000xi32, #tpu.memory_space<hbm>>
        tpu.enqueue_dma source(%dma_start3A_68 : memref<10000xi32, #tpu.memory_space<hbm>>) target(%arg10 : memref<10000xi32, #tpu.memory_space<vmem>>) target_semaphore(%run_scoped3A : memref<!tpu.dma_semaphore, #tpu.memory_space<semaphore_mem>>)
        %dma_wait3A = tpu.memref_slice %arg2[%mul3A_59] : memref<1600000xi32, #tpu.memory_space<hbm>> -> memref<10000xi32, #tpu.memory_space<hbm>>
        %dma_wait3A_69 = tpu.memref_slice %arg2[%mul3A_59] : memref<1600000xi32, #tpu.memory_space<hbm>> -> memref<10000xi32, #tpu.memory_space<hbm>>
        tpu.wait_dma2 semaphore(%run_scoped3A : memref<!tpu.dma_semaphore, #tpu.memory_space<semaphore_mem>>) src(%dma_wait3A_69 : memref<10000xi32, #tpu.memory_space<hbm>>) dst(%arg10 : memref<10000xi32, #tpu.memory_space<vmem>>)
        tpu.yield
      }) : () -> ()
      "tpu.region"() ({
        %run_scoped3A = tpu.sem_alloc : memref<!tpu.dma_semaphore, #tpu.memory_space<semaphore_mem>>
        %dma_start3A = tpu.memref_slice %arg3[%mul3A_59] : memref<1600000xf32, #tpu.memory_space<hbm>> -> memref<10000xf32, #tpu.memory_space<hbm>>
        %dma_start3A_68 = tpu.memref_slice %arg3[%mul3A_59] : memref<1600000xf32, #tpu.memory_space<hbm>> -> memref<10000xf32, #tpu.memory_space<hbm>>
        tpu.enqueue_dma source(%dma_start3A_68 : memref<10000xf32, #tpu.memory_space<hbm>>) target(%arg11 : memref<10000xf32, #tpu.memory_space<vmem>>) target_semaphore(%run_scoped3A : memref<!tpu.dma_semaphore, #tpu.memory_space<semaphore_mem>>)
        %dma_wait3A = tpu.memref_slice %arg3[%mul3A_59] : memref<1600000xf32, #tpu.memory_space<hbm>> -> memref<10000xf32, #tpu.memory_space<hbm>>
        %dma_wait3A_69 = tpu.memref_slice %arg3[%mul3A_59] : memref<1600000xf32, #tpu.memory_space<hbm>> -> memref<10000xf32, #tpu.memory_space<hbm>>
        tpu.wait_dma2 semaphore(%run_scoped3A : memref<!tpu.dma_semaphore, #tpu.memory_space<semaphore_mem>>) src(%dma_wait3A_69 : memref<10000xf32, #tpu.memory_space<hbm>>) dst(%arg11 : memref<10000xf32, #tpu.memory_space<vmem>>)
        tpu.yield
      }) : () -> ()
      %scan3A_60 = arith.constant 0 : i32
      %scan3A_61 = arith.constant 0 : i32
      %scan3A_62 = arith.constant 125 : i32
      %scan3A_63 = arith.addi %scan3A_61, %scan3A_62 : i32
      %scan3A_64 = arith.constant 1 : i32
      %scan3A_65 = scf.for %scan3A_68 = %scan3A_61 to %scan3A_63 step %scan3A_64 iter_args(%scan3A_69 = %scan3A_60) -> (i32)  : i32 {
        %mul3A_70 = arith.constant 80 : i32
        %mul3A_71 = arith.muli %scan3A_68, %mul3A_70 : i32
        %add3A_72 = arith.constant 0 : i32
        %add3A_73 = arith.addi %mul3A_71, %add3A_72 : i32
        %get3A = arith.index_cast %add3A_73 : i32 to index
        %get3A_74 = tpu.vector_load %arg10[%get3A] {strides = array<i32>} : memref<10000xi32, #tpu.memory_space<vmem>>, vector<16xi32>,
        %get3A_75 = arith.index_cast %add3A_73 : i32 to index
        %get3A_76 = tpu.vector_load %arg11[%get3A_75] {strides = array<i32>} : memref<10000xf32, #tpu.memory_space<vmem>>, vector<16xf32>,
        tpu.vector_store_idx %arg9[%get3A_74], %get3A_76 {add = true} : memref<102400xf32, #tpu.memory_space<vmem>>[vector<16xi32>], vector<16xf32>,
        %add3A_77 = arith.constant 16 : i32
        %add3A_78 = arith.addi %mul3A_71, %add3A_77 : i32
        %get3A_79 = arith.index_cast %add3A_78 : i32 to index
        %get3A_80 = tpu.vector_load %arg10[%get3A_79] {strides = array<i32>} : memref<10000xi32, #tpu.memory_space<vmem>>, vector<16xi32>,
        %get3A_81 = arith.index_cast %add3A_78 : i32 to index
        %get3A_82 = tpu.vector_load %arg11[%get3A_81] {strides = array<i32>} : memref<10000xf32, #tpu.memory_space<vmem>>, vector<16xf32>,
        tpu.vector_store_idx %arg9[%get3A_80], %get3A_82 {add = true} : memref<102400xf32, #tpu.memory_space<vmem>>[vector<16xi32>], vector<16xf32>,
        %add3A_83 = arith.constant 32 : i32
        %add3A_84 = arith.addi %mul3A_71, %add3A_83 : i32
        %get3A_85 = arith.index_cast %add3A_84 : i32 to index
        %get3A_86 = tpu.vector_load %arg10[%get3A_85] {strides = array<i32>} : memref<10000xi32, #tpu.memory_space<vmem>>, vector<16xi32>,
        %get3A_87 = arith.index_cast %add3A_84 : i32 to index
        %get3A_88 = tpu.vector_load %arg11[%get3A_87] {strides = array<i32>} : memref<10000xf32, #tpu.memory_space<vmem>>, vector<16xf32>,
        tpu.vector_store_idx %arg9[%get3A_86], %get3A_88 {add = true} : memref<102400xf32, #tpu.memory_space<vmem>>[vector<16xi32>], vector<16xf32>,
        %add3A_89 = arith.constant 48 : i32
        %add3A_90 = arith.addi %mul3A_71, %add3A_89 : i32
        %get3A_91 = arith.index_cast %add3A_90 : i32 to index
        %get3A_92 = tpu.vector_load %arg10[%get3A_91] {strides = array<i32>} : memref<10000xi32, #tpu.memory_space<vmem>>, vector<16xi32>,
        %get3A_93 = arith.index_cast %add3A_90 : i32 to index
        %get3A_94 = tpu.vector_load %arg11[%get3A_93] {strides = array<i32>} : memref<10000xf32, #tpu.memory_space<vmem>>, vector<16xf32>,
        tpu.vector_store_idx %arg9[%get3A_92], %get3A_94 {add = true} : memref<102400xf32, #tpu.memory_space<vmem>>[vector<16xi32>], vector<16xf32>,
        %add3A_95 = arith.constant 64 : i32
        %add3A_96 = arith.addi %mul3A_71, %add3A_95 : i32
        %get3A_97 = arith.index_cast %add3A_96 : i32 to index
        %get3A_98 = tpu.vector_load %arg10[%get3A_97] {strides = array<i32>} : memref<10000xi32, #tpu.memory_space<vmem>>, vector<16xi32>,
        %get3A_99 = arith.index_cast %add3A_96 : i32 to index
        %get3A_100 = tpu.vector_load %arg11[%get3A_99] {strides = array<i32>} : memref<10000xf32, #tpu.memory_space<vmem>>, vector<16xf32>,
        tpu.vector_store_idx %arg9[%get3A_98], %get3A_100 {add = true} : memref<102400xf32, #tpu.memory_space<vmem>>[vector<16xi32>], vector<16xf32>,
        %scan3A_101 = arith.constant 0 : i32
        scf.yield %scan3A_101 : i32
      }
      %scan3A_66 = arith.constant 125 : i32
      %scan3A_67 = arith.constant 0 : i32
      scf.yield %scan3A_67 : i32
    }
    %scan3A_14 = arith.constant 5 : i32
    %mul3A_15 = arith.constant 102400 : i32
    %mul3A_16 = arith.muli %add3A, %mul3A_15 : i32
    "tpu.region"() ({
      %run_scoped3A = tpu.sem_alloc : memref<!tpu.dma_semaphore, #tpu.memory_space<semaphore_mem>>
      %dma_start3A = tpu.memref_slice %arg6[%mul3A_16] : memref<3276800xf32, #tpu.memory_space<hbm>> -> memref<102400xf32, #tpu.memory_space<hbm>>
      %dma_start3A_53 = tpu.memref_slice %arg6[%mul3A_16] : memref<3276800xf32, #tpu.memory_space<hbm>> -> memref<102400xf32, #tpu.memory_space<hbm>>
      tpu.enqueue_dma source(%arg9 : memref<102400xf32, #tpu.memory_space<vmem>>) target(%dma_start3A_53 : memref<102400xf32, #tpu.memory_space<hbm>>) target_semaphore(%run_scoped3A : memref<!tpu.dma_semaphore, #tpu.memory_space<semaphore_mem>>)
      %dma_wait3A = tpu.memref_slice %arg6[%mul3A_16] : memref<3276800xf32, #tpu.memory_space<hbm>> -> memref<102400xf32, #tpu.memory_space<hbm>>
      %dma_wait3A_54 = tpu.memref_slice %arg6[%mul3A_16] : memref<3276800xf32, #tpu.memory_space<hbm>> -> memref<102400xf32, #tpu.memory_space<hbm>>
      tpu.wait_dma2 semaphore(%run_scoped3A : memref<!tpu.dma_semaphore, #tpu.memory_space<semaphore_mem>>) src(%arg9 : memref<102400xf32, #tpu.memory_space<vmem>>) dst(%dma_wait3A_54 : memref<102400xf32, #tpu.memory_space<hbm>>)
      tpu.yield
    }) : () -> ()
    %broadcast_in_dim3A_17 = arith.constant 0.000000e+00 : f32
    %broadcast_in_dim3A_18 = vector.broadcast %broadcast_in_dim3A_17 : f32 to vector<16xf32>
    %scan3A_19 = arith.constant 0 : i32
    %scan3A_20 = arith.constant 0 : i32
    %scan3A_21 = arith.constant 1280 : i32
    %scan3A_22 = arith.addi %scan3A_20, %scan3A_21 : i32
    %scan3A_23 = arith.constant 1 : i32
    %scan3A_24 = scf.for %scan3A_53 = %scan3A_20 to %scan3A_22 step %scan3A_23 iter_args(%scan3A_54 = %scan3A_19) -> (i32)  : i32 {
      %mul3A_55 = arith.constant 80 : i32
      %mul3A_56 = arith.muli %scan3A_53, %mul3A_55 : i32
      %add3A_57 = arith.constant 0 : i32
      %add3A_58 = arith.addi %mul3A_56, %add3A_57 : i32
      %swap3A = arith.index_cast %add3A_58 : i32 to index
      %swap3A_59 = tpu.vector_load %arg9[%swap3A] {strides = array<i32>} : memref<102400xf32, #tpu.memory_space<vmem>>, vector<16xf32>,
      tpu.vector_store %arg9[%swap3A], %broadcast_in_dim3A_18 {strides = array<i32>} : memref<102400xf32, #tpu.memory_space<vmem>>, vector<16xf32>,
      %add3A_60 = arith.constant 16 : i32
      %add3A_61 = arith.addi %mul3A_56, %add3A_60 : i32
      %swap3A_62 = arith.index_cast %add3A_61 : i32 to index
      %swap3A_63 = tpu.vector_load %arg9[%swap3A_62] {strides = array<i32>} : memref<102400xf32, #tpu.memory_space<vmem>>, vector<16xf32>,
      tpu.vector_store %arg9[%swap3A_62], %broadcast_in_dim3A_18 {strides = array<i32>} : memref<102400xf32, #tpu.memory_space<vmem>>, vector<16xf32>,
      %add3A_64 = arith.constant 32 : i32
      %add3A_65 = arith.addi %mul3A_56, %add3A_64 : i32
      %swap3A_66 = arith.index_cast %add3A_65 : i32 to index
      %swap3A_67 = tpu.vector_load %arg9[%swap3A_66] {strides = array<i32>} : memref<102400xf32, #tpu.memory_space<vmem>>, vector<16xf32>,
      tpu.vector_store %arg9[%swap3A_66], %broadcast_in_dim3A_18 {strides = array<i32>} : memref<102400xf32, #tpu.memory_space<vmem>>, vector<16xf32>,
      %add3A_68 = arith.constant 48 : i32
      %add3A_69 = arith.addi %mul3A_56, %add3A_68 : i32
      %swap3A_70 = arith.index_cast %add3A_69 : i32 to index
      %swap3A_71 = tpu.vector_load %arg9[%swap3A_70] {strides = array<i32>} : memref<102400xf32, #tpu.memory_space<vmem>>, vector<16xf32>,
      tpu.vector_store %arg9[%swap3A_70], %broadcast_in_dim3A_18 {strides = array<i32>} : memref<102400xf32, #tpu.memory_space<vmem>>, vector<16xf32>,
      %add3A_72 = arith.constant 64 : i32
      %add3A_73 = arith.addi %mul3A_56, %add3A_72 : i32
      %swap3A_74 = arith.index_cast %add3A_73 : i32 to index
      %swap3A_75 = tpu.vector_load %arg9[%swap3A_74] {strides = array<i32>} : memref<102400xf32, #tpu.memory_space<vmem>>, vector<16xf32>,
      tpu.vector_store %arg9[%swap3A_74], %broadcast_in_dim3A_18 {strides = array<i32>} : memref<102400xf32, #tpu.memory_space<vmem>>, vector<16xf32>,
      %scan3A_76 = arith.constant 0 : i32
      scf.yield %scan3A_76 : i32
    }
    %scan3A_25 = arith.constant 1280 : i32
    %scan3A_26 = arith.constant 0 : i32
    %scan3A_27 = arith.constant 0 : i32
    %scan3A_28 = arith.constant 5 : i32
    %scan3A_29 = arith.addi %scan3A_27, %scan3A_28 : i32
    %scan3A_30 = arith.constant 1 : i32
    %scan3A_31 = scf.for %scan3A_53 = %scan3A_27 to %scan3A_29 step %scan3A_30 iter_args(%scan3A_54 = %scan3A_26) -> (i32)  : i32 {
      %mul3A_55 = arith.constant 5 : i32
      %mul3A_56 = arith.muli %add3A, %mul3A_55 : i32
      %add3A_57 = arith.addi %mul3A_56, %scan3A_53 : i32
      %mul3A_58 = arith.constant 10000 : i32
      %mul3A_59 = arith.muli %add3A_57, %mul3A_58 : i32
      "tpu.region"() ({
        %run_scoped3A = tpu.sem_alloc : memref<!tpu.dma_semaphore, #tpu.memory_space<semaphore_mem>>
        %dma_start3A = tpu.memref_slice %arg2[%mul3A_59] : memref<1600000xi32, #tpu.memory_space<hbm>> -> memref<10000xi32, #tpu.memory_space<hbm>>
        %dma_start3A_68 = tpu.memref_slice %arg2[%mul3A_59] : memref<1600000xi32, #tpu.memory_space<hbm>> -> memref<10000xi32, #tpu.memory_space<hbm>>
        tpu.enqueue_dma source(%dma_start3A_68 : memref<10000xi32, #tpu.memory_space<hbm>>) target(%arg10 : memref<10000xi32, #tpu.memory_space<vmem>>) target_semaphore(%run_scoped3A : memref<!tpu.dma_semaphore, #tpu.memory_space<semaphore_mem>>)
        %dma_wait3A = tpu.memref_slice %arg2[%mul3A_59] : memref<1600000xi32, #tpu.memory_space<hbm>> -> memref<10000xi32, #tpu.memory_space<hbm>>
        %dma_wait3A_69 = tpu.memref_slice %arg2[%mul3A_59] : memref<1600000xi32, #tpu.memory_space<hbm>> -> memref<10000xi32, #tpu.memory_space<hbm>>
        tpu.wait_dma2 semaphore(%run_scoped3A : memref<!tpu.dma_semaphore, #tpu.memory_space<semaphore_mem>>) src(%dma_wait3A_69 : memref<10000xi32, #tpu.memory_space<hbm>>) dst(%arg10 : memref<10000xi32, #tpu.memory_space<vmem>>)
        tpu.yield
      }) : () -> ()
      "tpu.region"() ({
        %run_scoped3A = tpu.sem_alloc : memref<!tpu.dma_semaphore, #tpu.memory_space<semaphore_mem>>
        %dma_start3A = tpu.memref_slice %arg4[%mul3A_59] : memref<1600000xf32, #tpu.memory_space<hbm>> -> memref<10000xf32, #tpu.memory_space<hbm>>
        %dma_start3A_68 = tpu.memref_slice %arg4[%mul3A_59] : memref<1600000xf32, #tpu.memory_space<hbm>> -> memref<10000xf32, #tpu.memory_space<hbm>>
        tpu.enqueue_dma source(%dma_start3A_68 : memref<10000xf32, #tpu.memory_space<hbm>>) target(%arg11 : memref<10000xf32, #tpu.memory_space<vmem>>) target_semaphore(%run_scoped3A : memref<!tpu.dma_semaphore, #tpu.memory_space<semaphore_mem>>)
        %dma_wait3A = tpu.memref_slice %arg4[%mul3A_59] : memref<1600000xf32, #tpu.memory_space<hbm>> -> memref<10000xf32, #tpu.memory_space<hbm>>
        %dma_wait3A_69 = tpu.memref_slice %arg4[%mul3A_59] : memref<1600000xf32, #tpu.memory_space<hbm>> -> memref<10000xf32, #tpu.memory_space<hbm>>
        tpu.wait_dma2 semaphore(%run_scoped3A : memref<!tpu.dma_semaphore, #tpu.memory_space<semaphore_mem>>) src(%dma_wait3A_69 : memref<10000xf32, #tpu.memory_space<hbm>>) dst(%arg11 : memref<10000xf32, #tpu.memory_space<vmem>>)
        tpu.yield
      }) : () -> ()
      %scan3A_60 = arith.constant 0 : i32
      %scan3A_61 = arith.constant 0 : i32
      %scan3A_62 = arith.constant 125 : i32
      %scan3A_63 = arith.addi %scan3A_61, %scan3A_62 : i32
      %scan3A_64 = arith.constant 1 : i32
      %scan3A_65 = scf.for %scan3A_68 = %scan3A_61 to %scan3A_63 step %scan3A_64 iter_args(%scan3A_69 = %scan3A_60) -> (i32)  : i32 {
        %mul3A_70 = arith.constant 80 : i32
        %mul3A_71 = arith.muli %scan3A_68, %mul3A_70 : i32
        %add3A_72 = arith.constant 0 : i32
        %add3A_73 = arith.addi %mul3A_71, %add3A_72 : i32
        %get3A = arith.index_cast %add3A_73 : i32 to index
        %get3A_74 = tpu.vector_load %arg10[%get3A] {strides = array<i32>} : memref<10000xi32, #tpu.memory_space<vmem>>, vector<16xi32>,
        %get3A_75 = arith.index_cast %add3A_73 : i32 to index
        %get3A_76 = tpu.vector_load %arg11[%get3A_75] {strides = array<i32>} : memref<10000xf32, #tpu.memory_space<vmem>>, vector<16xf32>,
        tpu.vector_store_idx %arg9[%get3A_74], %get3A_76 {add = true} : memref<102400xf32, #tpu.memory_space<vmem>>[vector<16xi32>], vector<16xf32>,
        %add3A_77 = arith.constant 16 : i32
        %add3A_78 = arith.addi %mul3A_71, %add3A_77 : i32
        %get3A_79 = arith.index_cast %add3A_78 : i32 to index
        %get3A_80 = tpu.vector_load %arg10[%get3A_79] {strides = array<i32>} : memref<10000xi32, #tpu.memory_space<vmem>>, vector<16xi32>,
        %get3A_81 = arith.index_cast %add3A_78 : i32 to index
        %get3A_82 = tpu.vector_load %arg11[%get3A_81] {strides = array<i32>} : memref<10000xf32, #tpu.memory_space<vmem>>, vector<16xf32>,
        tpu.vector_store_idx %arg9[%get3A_80], %get3A_82 {add = true} : memref<102400xf32, #tpu.memory_space<vmem>>[vector<16xi32>], vector<16xf32>,
        %add3A_83 = arith.constant 32 : i32
        %add3A_84 = arith.addi %mul3A_71, %add3A_83 : i32
        %get3A_85 = arith.index_cast %add3A_84 : i32 to index
        %get3A_86 = tpu.vector_load %arg10[%get3A_85] {strides = array<i32>} : memref<10000xi32, #tpu.memory_space<vmem>>, vector<16xi32>,
        %get3A_87 = arith.index_cast %add3A_84 : i32 to index
        %get3A_88 = tpu.vector_load %arg11[%get3A_87] {strides = array<i32>} : memref<10000xf32, #tpu.memory_space<vmem>>, vector<16xf32>,
        tpu.vector_store_idx %arg9[%get3A_86], %get3A_88 {add = true} : memref<102400xf32, #tpu.memory_space<vmem>>[vector<16xi32>], vector<16xf32>,
        %add3A_89 = arith.constant 48 : i32
        %add3A_90 = arith.addi %mul3A_71, %add3A_89 : i32
        %get3A_91 = arith.index_cast %add3A_90 : i32 to index
        %get3A_92 = tpu.vector_load %arg10[%get3A_91] {strides = array<i32>} : memref<10000xi32, #tpu.memory_space<vmem>>, vector<16xi32>,
        %get3A_93 = arith.index_cast %add3A_90 : i32 to index
        %get3A_94 = tpu.vector_load %arg11[%get3A_93] {strides = array<i32>} : memref<10000xf32, #tpu.memory_space<vmem>>, vector<16xf32>,
        tpu.vector_store_idx %arg9[%get3A_92], %get3A_94 {add = true} : memref<102400xf32, #tpu.memory_space<vmem>>[vector<16xi32>], vector<16xf32>,
        %add3A_95 = arith.constant 64 : i32
        %add3A_96 = arith.addi %mul3A_71, %add3A_95 : i32
        %get3A_97 = arith.index_cast %add3A_96 : i32 to index
        %get3A_98 = tpu.vector_load %arg10[%get3A_97] {strides = array<i32>} : memref<10000xi32, #tpu.memory_space<vmem>>, vector<16xi32>,
        %get3A_99 = arith.index_cast %add3A_96 : i32 to index
        %get3A_100 = tpu.vector_load %arg11[%get3A_99] {strides = array<i32>} : memref<10000xf32, #tpu.memory_space<vmem>>, vector<16xf32>,
        tpu.vector_store_idx %arg9[%get3A_98], %get3A_100 {add = true} : memref<102400xf32, #tpu.memory_space<vmem>>[vector<16xi32>], vector<16xf32>,
        %scan3A_101 = arith.constant 0 : i32
        scf.yield %scan3A_101 : i32
      }
      %scan3A_66 = arith.constant 125 : i32
      %scan3A_67 = arith.constant 0 : i32
      scf.yield %scan3A_67 : i32
    }
    %scan3A_32 = arith.constant 5 : i32
    %mul3A_33 = arith.constant 102400 : i32
    %mul3A_34 = arith.muli %add3A, %mul3A_33 : i32
    "tpu.region"() ({
      %run_scoped3A = tpu.sem_alloc : memref<!tpu.dma_semaphore, #tpu.memory_space<semaphore_mem>>
      %dma_start3A = tpu.memref_slice %arg7[%mul3A_34] : memref<3276800xf32, #tpu.memory_space<hbm>> -> memref<102400xf32, #tpu.memory_space<hbm>>
      %dma_start3A_53 = tpu.memref_slice %arg7[%mul3A_34] : memref<3276800xf32, #tpu.memory_space<hbm>> -> memref<102400xf32, #tpu.memory_space<hbm>>
      tpu.enqueue_dma source(%arg9 : memref<102400xf32, #tpu.memory_space<vmem>>) target(%dma_start3A_53 : memref<102400xf32, #tpu.memory_space<hbm>>) target_semaphore(%run_scoped3A : memref<!tpu.dma_semaphore, #tpu.memory_space<semaphore_mem>>)
      %dma_wait3A = tpu.memref_slice %arg7[%mul3A_34] : memref<3276800xf32, #tpu.memory_space<hbm>> -> memref<102400xf32, #tpu.memory_space<hbm>>
      %dma_wait3A_54 = tpu.memref_slice %arg7[%mul3A_34] : memref<3276800xf32, #tpu.memory_space<hbm>> -> memref<102400xf32, #tpu.memory_space<hbm>>
      tpu.wait_dma2 semaphore(%run_scoped3A : memref<!tpu.dma_semaphore, #tpu.memory_space<semaphore_mem>>) src(%arg9 : memref<102400xf32, #tpu.memory_space<vmem>>) dst(%dma_wait3A_54 : memref<102400xf32, #tpu.memory_space<hbm>>)
      tpu.yield
    }) : () -> ()
    %broadcast_in_dim3A_35 = arith.constant 0.000000e+00 : f32
    %broadcast_in_dim3A_36 = vector.broadcast %broadcast_in_dim3A_35 : f32 to vector<16xf32>
    %scan3A_37 = arith.constant 0 : i32
    %scan3A_38 = arith.constant 0 : i32
    %scan3A_39 = arith.constant 1280 : i32
    %scan3A_40 = arith.addi %scan3A_38, %scan3A_39 : i32
    %scan3A_41 = arith.constant 1 : i32
    %scan3A_42 = scf.for %scan3A_53 = %scan3A_38 to %scan3A_40 step %scan3A_41 iter_args(%scan3A_54 = %scan3A_37) -> (i32)  : i32 {
      %mul3A_55 = arith.constant 80 : i32
      %mul3A_56 = arith.muli %scan3A_53, %mul3A_55 : i32
      %add3A_57 = arith.constant 0 : i32
      %add3A_58 = arith.addi %mul3A_56, %add3A_57 : i32
      %swap3A = arith.index_cast %add3A_58 : i32 to index
      %swap3A_59 = tpu.vector_load %arg9[%swap3A] {strides = array<i32>} : memref<102400xf32, #tpu.memory_space<vmem>>, vector<16xf32>,
      tpu.vector_store %arg9[%swap3A], %broadcast_in_dim3A_36 {strides = array<i32>} : memref<102400xf32, #tpu.memory_space<vmem>>, vector<16xf32>,
      %add3A_60 = arith.constant 16 : i32
      %add3A_61 = arith.addi %mul3A_56, %add3A_60 : i32
      %swap3A_62 = arith.index_cast %add3A_61 : i32 to index
      %swap3A_63 = tpu.vector_load %arg9[%swap3A_62] {strides = array<i32>} : memref<102400xf32, #tpu.memory_space<vmem>>, vector<16xf32>,
      tpu.vector_store %arg9[%swap3A_62], %broadcast_in_dim3A_36 {strides = array<i32>} : memref<102400xf32, #tpu.memory_space<vmem>>, vector<16xf32>,
      %add3A_64 = arith.constant 32 : i32
      %add3A_65 = arith.addi %mul3A_56, %add3A_64 : i32
      %swap3A_66 = arith.index_cast %add3A_65 : i32 to index
      %swap3A_67 = tpu.vector_load %arg9[%swap3A_66] {strides = array<i32>} : memref<102400xf32, #tpu.memory_space<vmem>>, vector<16xf32>,
      tpu.vector_store %arg9[%swap3A_66], %broadcast_in_dim3A_36 {strides = array<i32>} : memref<102400xf32, #tpu.memory_space<vmem>>, vector<16xf32>,
      %add3A_68 = arith.constant 48 : i32
      %add3A_69 = arith.addi %mul3A_56, %add3A_68 : i32
      %swap3A_70 = arith.index_cast %add3A_69 : i32 to index
      %swap3A_71 = tpu.vector_load %arg9[%swap3A_70] {strides = array<i32>} : memref<102400xf32, #tpu.memory_space<vmem>>, vector<16xf32>,
      tpu.vector_store %arg9[%swap3A_70], %broadcast_in_dim3A_36 {strides = array<i32>} : memref<102400xf32, #tpu.memory_space<vmem>>, vector<16xf32>,
      %add3A_72 = arith.constant 64 : i32
      %add3A_73 = arith.addi %mul3A_56, %add3A_72 : i32
      %swap3A_74 = arith.index_cast %add3A_73 : i32 to index
      %swap3A_75 = tpu.vector_load %arg9[%swap3A_74] {strides = array<i32>} : memref<102400xf32, #tpu.memory_space<vmem>>, vector<16xf32>,
      tpu.vector_store %arg9[%swap3A_74], %broadcast_in_dim3A_36 {strides = array<i32>} : memref<102400xf32, #tpu.memory_space<vmem>>, vector<16xf32>,
      %scan3A_76 = arith.constant 0 : i32
      scf.yield %scan3A_76 : i32
    }
    %scan3A_43 = arith.constant 1280 : i32
    %scan3A_44 = arith.constant 0 : i32
    %scan3A_45 = arith.constant 0 : i32
    %scan3A_46 = arith.constant 5 : i32
    %scan3A_47 = arith.addi %scan3A_45, %scan3A_46 : i32
    %scan3A_48 = arith.constant 1 : i32
    %scan3A_49 = scf.for %scan3A_53 = %scan3A_45 to %scan3A_47 step %scan3A_48 iter_args(%scan3A_54 = %scan3A_44) -> (i32)  : i32 {
      %mul3A_55 = arith.constant 5 : i32
      %mul3A_56 = arith.muli %add3A, %mul3A_55 : i32
      %add3A_57 = arith.addi %mul3A_56, %scan3A_53 : i32
      %mul3A_58 = arith.constant 10000 : i32
      %mul3A_59 = arith.muli %add3A_57, %mul3A_58 : i32
      "tpu.region"() ({
        %run_scoped3A = tpu.sem_alloc : memref<!tpu.dma_semaphore, #tpu.memory_space<semaphore_mem>>
        %dma_start3A = tpu.memref_slice %arg2[%mul3A_59] : memref<1600000xi32, #tpu.memory_space<hbm>> -> memref<10000xi32, #tpu.memory_space<hbm>>
        %dma_start3A_68 = tpu.memref_slice %arg2[%mul3A_59] : memref<1600000xi32, #tpu.memory_space<hbm>> -> memref<10000xi32, #tpu.memory_space<hbm>>
        tpu.enqueue_dma source(%dma_start3A_68 : memref<10000xi32, #tpu.memory_space<hbm>>) target(%arg10 : memref<10000xi32, #tpu.memory_space<vmem>>) target_semaphore(%run_scoped3A : memref<!tpu.dma_semaphore, #tpu.memory_space<semaphore_mem>>)
        %dma_wait3A = tpu.memref_slice %arg2[%mul3A_59] : memref<1600000xi32, #tpu.memory_space<hbm>> -> memref<10000xi32, #tpu.memory_space<hbm>>
        %dma_wait3A_69 = tpu.memref_slice %arg2[%mul3A_59] : memref<1600000xi32, #tpu.memory_space<hbm>> -> memref<10000xi32, #tpu.memory_space<hbm>>
        tpu.wait_dma2 semaphore(%run_scoped3A : memref<!tpu.dma_semaphore, #tpu.memory_space<semaphore_mem>>) src(%dma_wait3A_69 : memref<10000xi32, #tpu.memory_space<hbm>>) dst(%arg10 : memref<10000xi32, #tpu.memory_space<vmem>>)
        tpu.yield
      }) : () -> ()
      "tpu.region"() ({
        %run_scoped3A = tpu.sem_alloc : memref<!tpu.dma_semaphore, #tpu.memory_space<semaphore_mem>>
        %dma_start3A = tpu.memref_slice %arg5[%mul3A_59] : memref<1600000xf32, #tpu.memory_space<hbm>> -> memref<10000xf32, #tpu.memory_space<hbm>>
        %dma_start3A_68 = tpu.memref_slice %arg5[%mul3A_59] : memref<1600000xf32, #tpu.memory_space<hbm>> -> memref<10000xf32, #tpu.memory_space<hbm>>
        tpu.enqueue_dma source(%dma_start3A_68 : memref<10000xf32, #tpu.memory_space<hbm>>) target(%arg11 : memref<10000xf32, #tpu.memory_space<vmem>>) target_semaphore(%run_scoped3A : memref<!tpu.dma_semaphore, #tpu.memory_space<semaphore_mem>>)
        %dma_wait3A = tpu.memref_slice %arg5[%mul3A_59] : memref<1600000xf32, #tpu.memory_space<hbm>> -> memref<10000xf32, #tpu.memory_space<hbm>>
        %dma_wait3A_69 = tpu.memref_slice %arg5[%mul3A_59] : memref<1600000xf32, #tpu.memory_space<hbm>> -> memref<10000xf32, #tpu.memory_space<hbm>>
        tpu.wait_dma2 semaphore(%run_scoped3A : memref<!tpu.dma_semaphore, #tpu.memory_space<semaphore_mem>>) src(%dma_wait3A_69 : memref<10000xf32, #tpu.memory_space<hbm>>) dst(%arg11 : memref<10000xf32, #tpu.memory_space<vmem>>)
        tpu.yield
      }) : () -> ()
      %scan3A_60 = arith.constant 0 : i32
      %scan3A_61 = arith.constant 0 : i32
      %scan3A_62 = arith.constant 125 : i32
      %scan3A_63 = arith.addi %scan3A_61, %scan3A_62 : i32
      %scan3A_64 = arith.constant 1 : i32
      %scan3A_65 = scf.for %scan3A_68 = %scan3A_61 to %scan3A_63 step %scan3A_64 iter_args(%scan3A_69 = %scan3A_60) -> (i32)  : i32 {
        %mul3A_70 = arith.constant 80 : i32
        %mul3A_71 = arith.muli %scan3A_68, %mul3A_70 : i32
        %add3A_72 = arith.constant 0 : i32
        %add3A_73 = arith.addi %mul3A_71, %add3A_72 : i32
        %get3A = arith.index_cast %add3A_73 : i32 to index
        %get3A_74 = tpu.vector_load %arg10[%get3A] {strides = array<i32>} : memref<10000xi32, #tpu.memory_space<vmem>>, vector<16xi32>,
        %get3A_75 = arith.index_cast %add3A_73 : i32 to index
        %get3A_76 = tpu.vector_load %arg11[%get3A_75] {strides = array<i32>} : memref<10000xf32, #tpu.memory_space<vmem>>, vector<16xf32>,
        tpu.vector_store_idx %arg9[%get3A_74], %get3A_76 {add = true} : memref<102400xf32, #tpu.memory_space<vmem>>[vector<16xi32>], vector<16xf32>,
        %add3A_77 = arith.constant 16 : i32
        %add3A_78 = arith.addi %mul3A_71, %add3A_77 : i32
        %get3A_79 = arith.index_cast %add3A_78 : i32 to index
        %get3A_80 = tpu.vector_load %arg10[%get3A_79] {strides = array<i32>} : memref<10000xi32, #tpu.memory_space<vmem>>, vector<16xi32>,
        %get3A_81 = arith.index_cast %add3A_78 : i32 to index
        %get3A_82 = tpu.vector_load %arg11[%get3A_81] {strides = array<i32>} : memref<10000xf32, #tpu.memory_space<vmem>>, vector<16xf32>,
        tpu.vector_store_idx %arg9[%get3A_80], %get3A_82 {add = true} : memref<102400xf32, #tpu.memory_space<vmem>>[vector<16xi32>], vector<16xf32>,
        %add3A_83 = arith.constant 32 : i32
        %add3A_84 = arith.addi %mul3A_71, %add3A_83 : i32
        %get3A_85 = arith.index_cast %add3A_84 : i32 to index
        %get3A_86 = tpu.vector_load %arg10[%get3A_85] {strides = array<i32>} : memref<10000xi32, #tpu.memory_space<vmem>>, vector<16xi32>,
        %get3A_87 = arith.index_cast %add3A_84 : i32 to index
        %get3A_88 = tpu.vector_load %arg11[%get3A_87] {strides = array<i32>} : memref<10000xf32, #tpu.memory_space<vmem>>, vector<16xf32>,
        tpu.vector_store_idx %arg9[%get3A_86], %get3A_88 {add = true} : memref<102400xf32, #tpu.memory_space<vmem>>[vector<16xi32>], vector<16xf32>,
        %add3A_89 = arith.constant 48 : i32
        %add3A_90 = arith.addi %mul3A_71, %add3A_89 : i32
        %get3A_91 = arith.index_cast %add3A_90 : i32 to index
        %get3A_92 = tpu.vector_load %arg10[%get3A_91] {strides = array<i32>} : memref<10000xi32, #tpu.memory_space<vmem>>, vector<16xi32>,
        %get3A_93 = arith.index_cast %add3A_90 : i32 to index
        %get3A_94 = tpu.vector_load %arg11[%get3A_93] {strides = array<i32>} : memref<10000xf32, #tpu.memory_space<vmem>>, vector<16xf32>,
        tpu.vector_store_idx %arg9[%get3A_92], %get3A_94 {add = true} : memref<102400xf32, #tpu.memory_space<vmem>>[vector<16xi32>], vector<16xf32>,
        %add3A_95 = arith.constant 64 : i32
        %add3A_96 = arith.addi %mul3A_71, %add3A_95 : i32
        %get3A_97 = arith.index_cast %add3A_96 : i32 to index
        %get3A_98 = tpu.vector_load %arg10[%get3A_97] {strides = array<i32>} : memref<10000xi32, #tpu.memory_space<vmem>>, vector<16xi32>,
        %get3A_99 = arith.index_cast %add3A_96 : i32 to index
        %get3A_100 = tpu.vector_load %arg11[%get3A_99] {strides = array<i32>} : memref<10000xf32, #tpu.memory_space<vmem>>, vector<16xf32>,
        tpu.vector_store_idx %arg9[%get3A_98], %get3A_100 {add = true} : memref<102400xf32, #tpu.memory_space<vmem>>[vector<16xi32>], vector<16xf32>,
        %scan3A_101 = arith.constant 0 : i32
        scf.yield %scan3A_101 : i32
      }
      %scan3A_66 = arith.constant 125 : i32
      %scan3A_67 = arith.constant 0 : i32
      scf.yield %scan3A_67 : i32
    }
    %scan3A_50 = arith.constant 5 : i32
    %mul3A_51 = arith.constant 102400 : i32
    %mul3A_52 = arith.muli %add3A, %mul3A_51 : i32
    "tpu.region"() ({
      %run_scoped3A = tpu.sem_alloc : memref<!tpu.dma_semaphore, #tpu.memory_space<semaphore_mem>>
      %dma_start3A = tpu.memref_slice %arg8[%mul3A_52] : memref<3276800xf32, #tpu.memory_space<hbm>> -> memref<102400xf32, #tpu.memory_space<hbm>>
      %dma_start3A_53 = tpu.memref_slice %arg8[%mul3A_52] : memref<3276800xf32, #tpu.memory_space<hbm>> -> memref<102400xf32, #tpu.memory_space<hbm>>
      tpu.enqueue_dma source(%arg9 : memref<102400xf32, #tpu.memory_space<vmem>>) target(%dma_start3A_53 : memref<102400xf32, #tpu.memory_space<hbm>>) target_semaphore(%run_scoped3A : memref<!tpu.dma_semaphore, #tpu.memory_space<semaphore_mem>>)
      %dma_wait3A = tpu.memref_slice %arg8[%mul3A_52] : memref<3276800xf32, #tpu.memory_space<hbm>> -> memref<102400xf32, #tpu.memory_space<hbm>>
      %dma_wait3A_54 = tpu.memref_slice %arg8[%mul3A_52] : memref<3276800xf32, #tpu.memory_space<hbm>> -> memref<102400xf32, #tpu.memory_space<hbm>>
      tpu.wait_dma2 semaphore(%run_scoped3A : memref<!tpu.dma_semaphore, #tpu.memory_space<semaphore_mem>>) src(%arg9 : memref<102400xf32, #tpu.memory_space<vmem>>) dst(%dma_wait3A_54 : memref<102400xf32, #tpu.memory_space<hbm>>)
      tpu.yield
    }) : () -> ()
    return
  }
}

#map = affine_map<(d0, d1) -> (0)>
module attributes {stable_mosaic.version = 14 : i64} {
  func.func @k(%arg0: i32, %arg1: i32, %arg2: memref<307200xf32, #tpu.memory_space<hbm>>, %arg3: memref<1600000xi32, #tpu.memory_space<hbm>>, %arg4: memref<1600000xf32, #tpu.memory_space<hbm>>, %arg5: memref<1600000xf32, #tpu.memory_space<hbm>>, %arg6: memref<1600000xf32, #tpu.memory_space<hbm>>, %arg7: memref<102400xf32, #tpu.memory_space<vmem>>, %arg8: memref<10000xi32, #tpu.memory_space<vmem>>, %arg9: memref<10000xf32, #tpu.memory_space<vmem>>) attributes {dimension_semantics = [#tpu.dimension_semantics<core_parallel>, #tpu.dimension_semantics<subcore_parallel>], iteration_bounds = array<i64: 2, 16>, scalar_prefetch = 0 : i64, scratch_operands = 3 : i64, tpu.core_type = #tpu.core_type<sc_vector_subcore>, window_params = [{transform_indices = #map}, {transform_indices = #map}, {transform_indices = #map}, {transform_indices = #map}, {transform_indices = #map}]} {
    %mul3A = arith.constant 2 : i32
    %mul3A_0 = arith.muli %arg1, %mul3A : i32
    %add3A = arith.addi %mul3A_0, %arg0 : i32
    "tpu.region"() ({
      %run_scoped3A = tpu.sem_alloc : memref<!tpu.dma_semaphore, #tpu.memory_space<semaphore_mem>>
      %dma_start3A = arith.constant 0 : i32
      %dma_start3A_21 = tpu.memref_slice %arg2[%dma_start3A] : memref<307200xf32, #tpu.memory_space<hbm>> -> memref<102400xf32, #tpu.memory_space<hbm>>
      %dma_start3A_22 = arith.constant 0 : i32
      %dma_start3A_23 = tpu.memref_slice %arg2[%dma_start3A_22] : memref<307200xf32, #tpu.memory_space<hbm>> -> memref<102400xf32, #tpu.memory_space<hbm>>
      tpu.enqueue_dma source(%dma_start3A_23 : memref<102400xf32, #tpu.memory_space<hbm>>) target(%arg7 : memref<102400xf32, #tpu.memory_space<vmem>>) target_semaphore(%run_scoped3A : memref<!tpu.dma_semaphore, #tpu.memory_space<semaphore_mem>>)
      %dma_wait3A = arith.constant 0 : i32
      %dma_wait3A_24 = tpu.memref_slice %arg2[%dma_wait3A] : memref<307200xf32, #tpu.memory_space<hbm>> -> memref<102400xf32, #tpu.memory_space<hbm>>
      %dma_wait3A_25 = arith.constant 0 : i32
      %dma_wait3A_26 = tpu.memref_slice %arg2[%dma_wait3A_25] : memref<307200xf32, #tpu.memory_space<hbm>> -> memref<102400xf32, #tpu.memory_space<hbm>>
      tpu.wait_dma2 semaphore(%run_scoped3A : memref<!tpu.dma_semaphore, #tpu.memory_space<semaphore_mem>>) src(%dma_wait3A_26 : memref<102400xf32, #tpu.memory_space<hbm>>) dst(%arg7 : memref<102400xf32, #tpu.memory_space<vmem>>)
      tpu.yield
    }) : () -> ()
    %scan3A = arith.constant 0 : i32
    %scan3A_1 = arith.constant 0 : i32
    %scan3A_2 = arith.constant 5 : i32
    %scan3A_3 = arith.addi %scan3A_1, %scan3A_2 : i32
    %scan3A_4 = arith.constant 1 : i32
    %scan3A_5 = scf.for %scan3A_21 = %scan3A_1 to %scan3A_3 step %scan3A_4 iter_args(%scan3A_22 = %scan3A) -> (i32)  : i32 {
      %mul3A_23 = arith.constant 5 : i32
      %mul3A_24 = arith.muli %add3A, %mul3A_23 : i32
      %add3A_25 = arith.addi %mul3A_24, %scan3A_21 : i32
      %mul3A_26 = arith.constant 10000 : i32
      %mul3A_27 = arith.muli %add3A_25, %mul3A_26 : i32
      "tpu.region"() ({
        %run_scoped3A = tpu.sem_alloc : memref<!tpu.dma_semaphore, #tpu.memory_space<semaphore_mem>>
        %dma_start3A = tpu.memref_slice %arg3[%mul3A_27] : memref<1600000xi32, #tpu.memory_space<hbm>> -> memref<10000xi32, #tpu.memory_space<hbm>>
        %dma_start3A_36 = tpu.memref_slice %arg3[%mul3A_27] : memref<1600000xi32, #tpu.memory_space<hbm>> -> memref<10000xi32, #tpu.memory_space<hbm>>
        tpu.enqueue_dma source(%dma_start3A_36 : memref<10000xi32, #tpu.memory_space<hbm>>) target(%arg8 : memref<10000xi32, #tpu.memory_space<vmem>>) target_semaphore(%run_scoped3A : memref<!tpu.dma_semaphore, #tpu.memory_space<semaphore_mem>>)
        %dma_wait3A = tpu.memref_slice %arg3[%mul3A_27] : memref<1600000xi32, #tpu.memory_space<hbm>> -> memref<10000xi32, #tpu.memory_space<hbm>>
        %dma_wait3A_37 = tpu.memref_slice %arg3[%mul3A_27] : memref<1600000xi32, #tpu.memory_space<hbm>> -> memref<10000xi32, #tpu.memory_space<hbm>>
        tpu.wait_dma2 semaphore(%run_scoped3A : memref<!tpu.dma_semaphore, #tpu.memory_space<semaphore_mem>>) src(%dma_wait3A_37 : memref<10000xi32, #tpu.memory_space<hbm>>) dst(%arg8 : memref<10000xi32, #tpu.memory_space<vmem>>)
        tpu.yield
      }) : () -> ()
      %scan3A_28 = arith.constant 0 : i32
      %scan3A_29 = arith.constant 0 : i32
      %scan3A_30 = arith.constant 125 : i32
      %scan3A_31 = arith.addi %scan3A_29, %scan3A_30 : i32
      %scan3A_32 = arith.constant 1 : i32
      %scan3A_33 = scf.for %scan3A_36 = %scan3A_29 to %scan3A_31 step %scan3A_32 iter_args(%scan3A_37 = %scan3A_28) -> (i32)  : i32 {
        %mul3A_38 = arith.constant 80 : i32
        %mul3A_39 = arith.muli %scan3A_36, %mul3A_38 : i32
        %add3A_40 = arith.constant 0 : i32
        %add3A_41 = arith.addi %mul3A_39, %add3A_40 : i32
        %get3A = arith.index_cast %add3A_41 : i32 to index
        %get3A_42 = tpu.vector_load %arg8[%get3A] {strides = array<i32>} : memref<10000xi32, #tpu.memory_space<vmem>>, vector<16xi32>,
        %gather3A = tpu.vector_load_idx %arg7[%get3A_42] : memref<102400xf32, #tpu.memory_space<vmem>>[vector<16xi32>], vector<16xf32>,
        %swap3A = arith.index_cast %add3A_41 : i32 to index
        %swap3A_43 = tpu.vector_load %arg9[%swap3A] {strides = array<i32>} : memref<10000xf32, #tpu.memory_space<vmem>>, vector<16xf32>,
        tpu.vector_store %arg9[%swap3A], %gather3A {strides = array<i32>} : memref<10000xf32, #tpu.memory_space<vmem>>, vector<16xf32>,
        %add3A_44 = arith.constant 16 : i32
        %add3A_45 = arith.addi %mul3A_39, %add3A_44 : i32
        %get3A_46 = arith.index_cast %add3A_45 : i32 to index
        %get3A_47 = tpu.vector_load %arg8[%get3A_46] {strides = array<i32>} : memref<10000xi32, #tpu.memory_space<vmem>>, vector<16xi32>,
        %gather3A_48 = tpu.vector_load_idx %arg7[%get3A_47] : memref<102400xf32, #tpu.memory_space<vmem>>[vector<16xi32>], vector<16xf32>,
        %swap3A_49 = arith.index_cast %add3A_45 : i32 to index
        %swap3A_50 = tpu.vector_load %arg9[%swap3A_49] {strides = array<i32>} : memref<10000xf32, #tpu.memory_space<vmem>>, vector<16xf32>,
        tpu.vector_store %arg9[%swap3A_49], %gather3A_48 {strides = array<i32>} : memref<10000xf32, #tpu.memory_space<vmem>>, vector<16xf32>,
        %add3A_51 = arith.constant 32 : i32
        %add3A_52 = arith.addi %mul3A_39, %add3A_51 : i32
        %get3A_53 = arith.index_cast %add3A_52 : i32 to index
        %get3A_54 = tpu.vector_load %arg8[%get3A_53] {strides = array<i32>} : memref<10000xi32, #tpu.memory_space<vmem>>, vector<16xi32>,
        %gather3A_55 = tpu.vector_load_idx %arg7[%get3A_54] : memref<102400xf32, #tpu.memory_space<vmem>>[vector<16xi32>], vector<16xf32>,
        %swap3A_56 = arith.index_cast %add3A_52 : i32 to index
        %swap3A_57 = tpu.vector_load %arg9[%swap3A_56] {strides = array<i32>} : memref<10000xf32, #tpu.memory_space<vmem>>, vector<16xf32>,
        tpu.vector_store %arg9[%swap3A_56], %gather3A_55 {strides = array<i32>} : memref<10000xf32, #tpu.memory_space<vmem>>, vector<16xf32>,
        %add3A_58 = arith.constant 48 : i32
        %add3A_59 = arith.addi %mul3A_39, %add3A_58 : i32
        %get3A_60 = arith.index_cast %add3A_59 : i32 to index
        %get3A_61 = tpu.vector_load %arg8[%get3A_60] {strides = array<i32>} : memref<10000xi32, #tpu.memory_space<vmem>>, vector<16xi32>,
        %gather3A_62 = tpu.vector_load_idx %arg7[%get3A_61] : memref<102400xf32, #tpu.memory_space<vmem>>[vector<16xi32>], vector<16xf32>,
        %swap3A_63 = arith.index_cast %add3A_59 : i32 to index
        %swap3A_64 = tpu.vector_load %arg9[%swap3A_63] {strides = array<i32>} : memref<10000xf32, #tpu.memory_space<vmem>>, vector<16xf32>,
        tpu.vector_store %arg9[%swap3A_63], %gather3A_62 {strides = array<i32>} : memref<10000xf32, #tpu.memory_space<vmem>>, vector<16xf32>,
        %add3A_65 = arith.constant 64 : i32
        %add3A_66 = arith.addi %mul3A_39, %add3A_65 : i32
        %get3A_67 = arith.index_cast %add3A_66 : i32 to index
        %get3A_68 = tpu.vector_load %arg8[%get3A_67] {strides = array<i32>} : memref<10000xi32, #tpu.memory_space<vmem>>, vector<16xi32>,
        %gather3A_69 = tpu.vector_load_idx %arg7[%get3A_68] : memref<102400xf32, #tpu.memory_space<vmem>>[vector<16xi32>], vector<16xf32>,
        %swap3A_70 = arith.index_cast %add3A_66 : i32 to index
        %swap3A_71 = tpu.vector_load %arg9[%swap3A_70] {strides = array<i32>} : memref<10000xf32, #tpu.memory_space<vmem>>, vector<16xf32>,
        tpu.vector_store %arg9[%swap3A_70], %gather3A_69 {strides = array<i32>} : memref<10000xf32, #tpu.memory_space<vmem>>, vector<16xf32>,
        %scan3A_72 = arith.constant 0 : i32
        scf.yield %scan3A_72 : i32
      }
      %scan3A_34 = arith.constant 125 : i32
      "tpu.region"() ({
        %run_scoped3A = tpu.sem_alloc : memref<!tpu.dma_semaphore, #tpu.memory_space<semaphore_mem>>
        %dma_start3A = tpu.memref_slice %arg4[%mul3A_27] : memref<1600000xf32, #tpu.memory_space<hbm>> -> memref<10000xf32, #tpu.memory_space<hbm>>
        %dma_start3A_36 = tpu.memref_slice %arg4[%mul3A_27] : memref<1600000xf32, #tpu.memory_space<hbm>> -> memref<10000xf32, #tpu.memory_space<hbm>>
        tpu.enqueue_dma source(%arg9 : memref<10000xf32, #tpu.memory_space<vmem>>) target(%dma_start3A_36 : memref<10000xf32, #tpu.memory_space<hbm>>) target_semaphore(%run_scoped3A : memref<!tpu.dma_semaphore, #tpu.memory_space<semaphore_mem>>)
        %dma_wait3A = tpu.memref_slice %arg4[%mul3A_27] : memref<1600000xf32, #tpu.memory_space<hbm>> -> memref<10000xf32, #tpu.memory_space<hbm>>
        %dma_wait3A_37 = tpu.memref_slice %arg4[%mul3A_27] : memref<1600000xf32, #tpu.memory_space<hbm>> -> memref<10000xf32, #tpu.memory_space<hbm>>
        tpu.wait_dma2 semaphore(%run_scoped3A : memref<!tpu.dma_semaphore, #tpu.memory_space<semaphore_mem>>) src(%arg9 : memref<10000xf32, #tpu.memory_space<vmem>>) dst(%dma_wait3A_37 : memref<10000xf32, #tpu.memory_space<hbm>>)
        tpu.yield
      }) : () -> ()
      %scan3A_35 = arith.constant 0 : i32
      scf.yield %scan3A_35 : i32
    }
    %scan3A_6 = arith.constant 5 : i32
    "tpu.region"() ({
      %run_scoped3A = tpu.sem_alloc : memref<!tpu.dma_semaphore, #tpu.memory_space<semaphore_mem>>
      %dma_start3A = arith.constant 102400 : i32
      %dma_start3A_21 = tpu.memref_slice %arg2[%dma_start3A] : memref<307200xf32, #tpu.memory_space<hbm>> -> memref<102400xf32, #tpu.memory_space<hbm>>
      %dma_start3A_22 = arith.constant 102400 : i32
      %dma_start3A_23 = tpu.memref_slice %arg2[%dma_start3A_22] : memref<307200xf32, #tpu.memory_space<hbm>> -> memref<102400xf32, #tpu.memory_space<hbm>>
      tpu.enqueue_dma source(%dma_start3A_23 : memref<102400xf32, #tpu.memory_space<hbm>>) target(%arg7 : memref<102400xf32, #tpu.memory_space<vmem>>) target_semaphore(%run_scoped3A : memref<!tpu.dma_semaphore, #tpu.memory_space<semaphore_mem>>)
      %dma_wait3A = arith.constant 102400 : i32
      %dma_wait3A_24 = tpu.memref_slice %arg2[%dma_wait3A] : memref<307200xf32, #tpu.memory_space<hbm>> -> memref<102400xf32, #tpu.memory_space<hbm>>
      %dma_wait3A_25 = arith.constant 102400 : i32
      %dma_wait3A_26 = tpu.memref_slice %arg2[%dma_wait3A_25] : memref<307200xf32, #tpu.memory_space<hbm>> -> memref<102400xf32, #tpu.memory_space<hbm>>
      tpu.wait_dma2 semaphore(%run_scoped3A : memref<!tpu.dma_semaphore, #tpu.memory_space<semaphore_mem>>) src(%dma_wait3A_26 : memref<102400xf32, #tpu.memory_space<hbm>>) dst(%arg7 : memref<102400xf32, #tpu.memory_space<vmem>>)
      tpu.yield
    }) : () -> ()
    %scan3A_7 = arith.constant 0 : i32
    %scan3A_8 = arith.constant 0 : i32
    %scan3A_9 = arith.constant 5 : i32
    %scan3A_10 = arith.addi %scan3A_8, %scan3A_9 : i32
    %scan3A_11 = arith.constant 1 : i32
    %scan3A_12 = scf.for %scan3A_21 = %scan3A_8 to %scan3A_10 step %scan3A_11 iter_args(%scan3A_22 = %scan3A_7) -> (i32)  : i32 {
      %mul3A_23 = arith.constant 5 : i32
      %mul3A_24 = arith.muli %add3A, %mul3A_23 : i32
      %add3A_25 = arith.addi %mul3A_24, %scan3A_21 : i32
      %mul3A_26 = arith.constant 10000 : i32
      %mul3A_27 = arith.muli %add3A_25, %mul3A_26 : i32
      "tpu.region"() ({
        %run_scoped3A = tpu.sem_alloc : memref<!tpu.dma_semaphore, #tpu.memory_space<semaphore_mem>>
        %dma_start3A = tpu.memref_slice %arg3[%mul3A_27] : memref<1600000xi32, #tpu.memory_space<hbm>> -> memref<10000xi32, #tpu.memory_space<hbm>>
        %dma_start3A_36 = tpu.memref_slice %arg3[%mul3A_27] : memref<1600000xi32, #tpu.memory_space<hbm>> -> memref<10000xi32, #tpu.memory_space<hbm>>
        tpu.enqueue_dma source(%dma_start3A_36 : memref<10000xi32, #tpu.memory_space<hbm>>) target(%arg8 : memref<10000xi32, #tpu.memory_space<vmem>>) target_semaphore(%run_scoped3A : memref<!tpu.dma_semaphore, #tpu.memory_space<semaphore_mem>>)
        %dma_wait3A = tpu.memref_slice %arg3[%mul3A_27] : memref<1600000xi32, #tpu.memory_space<hbm>> -> memref<10000xi32, #tpu.memory_space<hbm>>
        %dma_wait3A_37 = tpu.memref_slice %arg3[%mul3A_27] : memref<1600000xi32, #tpu.memory_space<hbm>> -> memref<10000xi32, #tpu.memory_space<hbm>>
        tpu.wait_dma2 semaphore(%run_scoped3A : memref<!tpu.dma_semaphore, #tpu.memory_space<semaphore_mem>>) src(%dma_wait3A_37 : memref<10000xi32, #tpu.memory_space<hbm>>) dst(%arg8 : memref<10000xi32, #tpu.memory_space<vmem>>)
        tpu.yield
      }) : () -> ()
      %scan3A_28 = arith.constant 0 : i32
      %scan3A_29 = arith.constant 0 : i32
      %scan3A_30 = arith.constant 125 : i32
      %scan3A_31 = arith.addi %scan3A_29, %scan3A_30 : i32
      %scan3A_32 = arith.constant 1 : i32
      %scan3A_33 = scf.for %scan3A_36 = %scan3A_29 to %scan3A_31 step %scan3A_32 iter_args(%scan3A_37 = %scan3A_28) -> (i32)  : i32 {
        %mul3A_38 = arith.constant 80 : i32
        %mul3A_39 = arith.muli %scan3A_36, %mul3A_38 : i32
        %add3A_40 = arith.constant 0 : i32
        %add3A_41 = arith.addi %mul3A_39, %add3A_40 : i32
        %get3A = arith.index_cast %add3A_41 : i32 to index
        %get3A_42 = tpu.vector_load %arg8[%get3A] {strides = array<i32>} : memref<10000xi32, #tpu.memory_space<vmem>>, vector<16xi32>,
        %gather3A = tpu.vector_load_idx %arg7[%get3A_42] : memref<102400xf32, #tpu.memory_space<vmem>>[vector<16xi32>], vector<16xf32>,
        %swap3A = arith.index_cast %add3A_41 : i32 to index
        %swap3A_43 = tpu.vector_load %arg9[%swap3A] {strides = array<i32>} : memref<10000xf32, #tpu.memory_space<vmem>>, vector<16xf32>,
        tpu.vector_store %arg9[%swap3A], %gather3A {strides = array<i32>} : memref<10000xf32, #tpu.memory_space<vmem>>, vector<16xf32>,
        %add3A_44 = arith.constant 16 : i32
        %add3A_45 = arith.addi %mul3A_39, %add3A_44 : i32
        %get3A_46 = arith.index_cast %add3A_45 : i32 to index
        %get3A_47 = tpu.vector_load %arg8[%get3A_46] {strides = array<i32>} : memref<10000xi32, #tpu.memory_space<vmem>>, vector<16xi32>,
        %gather3A_48 = tpu.vector_load_idx %arg7[%get3A_47] : memref<102400xf32, #tpu.memory_space<vmem>>[vector<16xi32>], vector<16xf32>,
        %swap3A_49 = arith.index_cast %add3A_45 : i32 to index
        %swap3A_50 = tpu.vector_load %arg9[%swap3A_49] {strides = array<i32>} : memref<10000xf32, #tpu.memory_space<vmem>>, vector<16xf32>,
        tpu.vector_store %arg9[%swap3A_49], %gather3A_48 {strides = array<i32>} : memref<10000xf32, #tpu.memory_space<vmem>>, vector<16xf32>,
        %add3A_51 = arith.constant 32 : i32
        %add3A_52 = arith.addi %mul3A_39, %add3A_51 : i32
        %get3A_53 = arith.index_cast %add3A_52 : i32 to index
        %get3A_54 = tpu.vector_load %arg8[%get3A_53] {strides = array<i32>} : memref<10000xi32, #tpu.memory_space<vmem>>, vector<16xi32>,
        %gather3A_55 = tpu.vector_load_idx %arg7[%get3A_54] : memref<102400xf32, #tpu.memory_space<vmem>>[vector<16xi32>], vector<16xf32>,
        %swap3A_56 = arith.index_cast %add3A_52 : i32 to index
        %swap3A_57 = tpu.vector_load %arg9[%swap3A_56] {strides = array<i32>} : memref<10000xf32, #tpu.memory_space<vmem>>, vector<16xf32>,
        tpu.vector_store %arg9[%swap3A_56], %gather3A_55 {strides = array<i32>} : memref<10000xf32, #tpu.memory_space<vmem>>, vector<16xf32>,
        %add3A_58 = arith.constant 48 : i32
        %add3A_59 = arith.addi %mul3A_39, %add3A_58 : i32
        %get3A_60 = arith.index_cast %add3A_59 : i32 to index
        %get3A_61 = tpu.vector_load %arg8[%get3A_60] {strides = array<i32>} : memref<10000xi32, #tpu.memory_space<vmem>>, vector<16xi32>,
        %gather3A_62 = tpu.vector_load_idx %arg7[%get3A_61] : memref<102400xf32, #tpu.memory_space<vmem>>[vector<16xi32>], vector<16xf32>,
        %swap3A_63 = arith.index_cast %add3A_59 : i32 to index
        %swap3A_64 = tpu.vector_load %arg9[%swap3A_63] {strides = array<i32>} : memref<10000xf32, #tpu.memory_space<vmem>>, vector<16xf32>,
        tpu.vector_store %arg9[%swap3A_63], %gather3A_62 {strides = array<i32>} : memref<10000xf32, #tpu.memory_space<vmem>>, vector<16xf32>,
        %add3A_65 = arith.constant 64 : i32
        %add3A_66 = arith.addi %mul3A_39, %add3A_65 : i32
        %get3A_67 = arith.index_cast %add3A_66 : i32 to index
        %get3A_68 = tpu.vector_load %arg8[%get3A_67] {strides = array<i32>} : memref<10000xi32, #tpu.memory_space<vmem>>, vector<16xi32>,
        %gather3A_69 = tpu.vector_load_idx %arg7[%get3A_68] : memref<102400xf32, #tpu.memory_space<vmem>>[vector<16xi32>], vector<16xf32>,
        %swap3A_70 = arith.index_cast %add3A_66 : i32 to index
        %swap3A_71 = tpu.vector_load %arg9[%swap3A_70] {strides = array<i32>} : memref<10000xf32, #tpu.memory_space<vmem>>, vector<16xf32>,
        tpu.vector_store %arg9[%swap3A_70], %gather3A_69 {strides = array<i32>} : memref<10000xf32, #tpu.memory_space<vmem>>, vector<16xf32>,
        %scan3A_72 = arith.constant 0 : i32
        scf.yield %scan3A_72 : i32
      }
      %scan3A_34 = arith.constant 125 : i32
      "tpu.region"() ({
        %run_scoped3A = tpu.sem_alloc : memref<!tpu.dma_semaphore, #tpu.memory_space<semaphore_mem>>
        %dma_start3A = tpu.memref_slice %arg5[%mul3A_27] : memref<1600000xf32, #tpu.memory_space<hbm>> -> memref<10000xf32, #tpu.memory_space<hbm>>
        %dma_start3A_36 = tpu.memref_slice %arg5[%mul3A_27] : memref<1600000xf32, #tpu.memory_space<hbm>> -> memref<10000xf32, #tpu.memory_space<hbm>>
        tpu.enqueue_dma source(%arg9 : memref<10000xf32, #tpu.memory_space<vmem>>) target(%dma_start3A_36 : memref<10000xf32, #tpu.memory_space<hbm>>) target_semaphore(%run_scoped3A : memref<!tpu.dma_semaphore, #tpu.memory_space<semaphore_mem>>)
        %dma_wait3A = tpu.memref_slice %arg5[%mul3A_27] : memref<1600000xf32, #tpu.memory_space<hbm>> -> memref<10000xf32, #tpu.memory_space<hbm>>
        %dma_wait3A_37 = tpu.memref_slice %arg5[%mul3A_27] : memref<1600000xf32, #tpu.memory_space<hbm>> -> memref<10000xf32, #tpu.memory_space<hbm>>
        tpu.wait_dma2 semaphore(%run_scoped3A : memref<!tpu.dma_semaphore, #tpu.memory_space<semaphore_mem>>) src(%arg9 : memref<10000xf32, #tpu.memory_space<vmem>>) dst(%dma_wait3A_37 : memref<10000xf32, #tpu.memory_space<hbm>>)
        tpu.yield
      }) : () -> ()
      %scan3A_35 = arith.constant 0 : i32
      scf.yield %scan3A_35 : i32
    }
    %scan3A_13 = arith.constant 5 : i32
    "tpu.region"() ({
      %run_scoped3A = tpu.sem_alloc : memref<!tpu.dma_semaphore, #tpu.memory_space<semaphore_mem>>
      %dma_start3A = arith.constant 204800 : i32
      %dma_start3A_21 = tpu.memref_slice %arg2[%dma_start3A] : memref<307200xf32, #tpu.memory_space<hbm>> -> memref<102400xf32, #tpu.memory_space<hbm>>
      %dma_start3A_22 = arith.constant 204800 : i32
      %dma_start3A_23 = tpu.memref_slice %arg2[%dma_start3A_22] : memref<307200xf32, #tpu.memory_space<hbm>> -> memref<102400xf32, #tpu.memory_space<hbm>>
      tpu.enqueue_dma source(%dma_start3A_23 : memref<102400xf32, #tpu.memory_space<hbm>>) target(%arg7 : memref<102400xf32, #tpu.memory_space<vmem>>) target_semaphore(%run_scoped3A : memref<!tpu.dma_semaphore, #tpu.memory_space<semaphore_mem>>)
      %dma_wait3A = arith.constant 204800 : i32
      %dma_wait3A_24 = tpu.memref_slice %arg2[%dma_wait3A] : memref<307200xf32, #tpu.memory_space<hbm>> -> memref<102400xf32, #tpu.memory_space<hbm>>
      %dma_wait3A_25 = arith.constant 204800 : i32
      %dma_wait3A_26 = tpu.memref_slice %arg2[%dma_wait3A_25] : memref<307200xf32, #tpu.memory_space<hbm>> -> memref<102400xf32, #tpu.memory_space<hbm>>
      tpu.wait_dma2 semaphore(%run_scoped3A : memref<!tpu.dma_semaphore, #tpu.memory_space<semaphore_mem>>) src(%dma_wait3A_26 : memref<102400xf32, #tpu.memory_space<hbm>>) dst(%arg7 : memref<102400xf32, #tpu.memory_space<vmem>>)
      tpu.yield
    }) : () -> ()
    %scan3A_14 = arith.constant 0 : i32
    %scan3A_15 = arith.constant 0 : i32
    %scan3A_16 = arith.constant 5 : i32
    %scan3A_17 = arith.addi %scan3A_15, %scan3A_16 : i32
    %scan3A_18 = arith.constant 1 : i32
    %scan3A_19 = scf.for %scan3A_21 = %scan3A_15 to %scan3A_17 step %scan3A_18 iter_args(%scan3A_22 = %scan3A_14) -> (i32)  : i32 {
      %mul3A_23 = arith.constant 5 : i32
      %mul3A_24 = arith.muli %add3A, %mul3A_23 : i32
      %add3A_25 = arith.addi %mul3A_24, %scan3A_21 : i32
      %mul3A_26 = arith.constant 10000 : i32
      %mul3A_27 = arith.muli %add3A_25, %mul3A_26 : i32
      "tpu.region"() ({
        %run_scoped3A = tpu.sem_alloc : memref<!tpu.dma_semaphore, #tpu.memory_space<semaphore_mem>>
        %dma_start3A = tpu.memref_slice %arg3[%mul3A_27] : memref<1600000xi32, #tpu.memory_space<hbm>> -> memref<10000xi32, #tpu.memory_space<hbm>>
        %dma_start3A_36 = tpu.memref_slice %arg3[%mul3A_27] : memref<1600000xi32, #tpu.memory_space<hbm>> -> memref<10000xi32, #tpu.memory_space<hbm>>
        tpu.enqueue_dma source(%dma_start3A_36 : memref<10000xi32, #tpu.memory_space<hbm>>) target(%arg8 : memref<10000xi32, #tpu.memory_space<vmem>>) target_semaphore(%run_scoped3A : memref<!tpu.dma_semaphore, #tpu.memory_space<semaphore_mem>>)
        %dma_wait3A = tpu.memref_slice %arg3[%mul3A_27] : memref<1600000xi32, #tpu.memory_space<hbm>> -> memref<10000xi32, #tpu.memory_space<hbm>>
        %dma_wait3A_37 = tpu.memref_slice %arg3[%mul3A_27] : memref<1600000xi32, #tpu.memory_space<hbm>> -> memref<10000xi32, #tpu.memory_space<hbm>>
        tpu.wait_dma2 semaphore(%run_scoped3A : memref<!tpu.dma_semaphore, #tpu.memory_space<semaphore_mem>>) src(%dma_wait3A_37 : memref<10000xi32, #tpu.memory_space<hbm>>) dst(%arg8 : memref<10000xi32, #tpu.memory_space<vmem>>)
        tpu.yield
      }) : () -> ()
      %scan3A_28 = arith.constant 0 : i32
      %scan3A_29 = arith.constant 0 : i32
      %scan3A_30 = arith.constant 125 : i32
      %scan3A_31 = arith.addi %scan3A_29, %scan3A_30 : i32
      %scan3A_32 = arith.constant 1 : i32
      %scan3A_33 = scf.for %scan3A_36 = %scan3A_29 to %scan3A_31 step %scan3A_32 iter_args(%scan3A_37 = %scan3A_28) -> (i32)  : i32 {
        %mul3A_38 = arith.constant 80 : i32
        %mul3A_39 = arith.muli %scan3A_36, %mul3A_38 : i32
        %add3A_40 = arith.constant 0 : i32
        %add3A_41 = arith.addi %mul3A_39, %add3A_40 : i32
        %get3A = arith.index_cast %add3A_41 : i32 to index
        %get3A_42 = tpu.vector_load %arg8[%get3A] {strides = array<i32>} : memref<10000xi32, #tpu.memory_space<vmem>>, vector<16xi32>,
        %gather3A = tpu.vector_load_idx %arg7[%get3A_42] : memref<102400xf32, #tpu.memory_space<vmem>>[vector<16xi32>], vector<16xf32>,
        %swap3A = arith.index_cast %add3A_41 : i32 to index
        %swap3A_43 = tpu.vector_load %arg9[%swap3A] {strides = array<i32>} : memref<10000xf32, #tpu.memory_space<vmem>>, vector<16xf32>,
        tpu.vector_store %arg9[%swap3A], %gather3A {strides = array<i32>} : memref<10000xf32, #tpu.memory_space<vmem>>, vector<16xf32>,
        %add3A_44 = arith.constant 16 : i32
        %add3A_45 = arith.addi %mul3A_39, %add3A_44 : i32
        %get3A_46 = arith.index_cast %add3A_45 : i32 to index
        %get3A_47 = tpu.vector_load %arg8[%get3A_46] {strides = array<i32>} : memref<10000xi32, #tpu.memory_space<vmem>>, vector<16xi32>,
        %gather3A_48 = tpu.vector_load_idx %arg7[%get3A_47] : memref<102400xf32, #tpu.memory_space<vmem>>[vector<16xi32>], vector<16xf32>,
        %swap3A_49 = arith.index_cast %add3A_45 : i32 to index
        %swap3A_50 = tpu.vector_load %arg9[%swap3A_49] {strides = array<i32>} : memref<10000xf32, #tpu.memory_space<vmem>>, vector<16xf32>,
        tpu.vector_store %arg9[%swap3A_49], %gather3A_48 {strides = array<i32>} : memref<10000xf32, #tpu.memory_space<vmem>>, vector<16xf32>,
        %add3A_51 = arith.constant 32 : i32
        %add3A_52 = arith.addi %mul3A_39, %add3A_51 : i32
        %get3A_53 = arith.index_cast %add3A_52 : i32 to index
        %get3A_54 = tpu.vector_load %arg8[%get3A_53] {strides = array<i32>} : memref<10000xi32, #tpu.memory_space<vmem>>, vector<16xi32>,
        %gather3A_55 = tpu.vector_load_idx %arg7[%get3A_54] : memref<102400xf32, #tpu.memory_space<vmem>>[vector<16xi32>], vector<16xf32>,
        %swap3A_56 = arith.index_cast %add3A_52 : i32 to index
        %swap3A_57 = tpu.vector_load %arg9[%swap3A_56] {strides = array<i32>} : memref<10000xf32, #tpu.memory_space<vmem>>, vector<16xf32>,
        tpu.vector_store %arg9[%swap3A_56], %gather3A_55 {strides = array<i32>} : memref<10000xf32, #tpu.memory_space<vmem>>, vector<16xf32>,
        %add3A_58 = arith.constant 48 : i32
        %add3A_59 = arith.addi %mul3A_39, %add3A_58 : i32
        %get3A_60 = arith.index_cast %add3A_59 : i32 to index
        %get3A_61 = tpu.vector_load %arg8[%get3A_60] {strides = array<i32>} : memref<10000xi32, #tpu.memory_space<vmem>>, vector<16xi32>,
        %gather3A_62 = tpu.vector_load_idx %arg7[%get3A_61] : memref<102400xf32, #tpu.memory_space<vmem>>[vector<16xi32>], vector<16xf32>,
        %swap3A_63 = arith.index_cast %add3A_59 : i32 to index
        %swap3A_64 = tpu.vector_load %arg9[%swap3A_63] {strides = array<i32>} : memref<10000xf32, #tpu.memory_space<vmem>>, vector<16xf32>,
        tpu.vector_store %arg9[%swap3A_63], %gather3A_62 {strides = array<i32>} : memref<10000xf32, #tpu.memory_space<vmem>>, vector<16xf32>,
        %add3A_65 = arith.constant 64 : i32
        %add3A_66 = arith.addi %mul3A_39, %add3A_65 : i32
        %get3A_67 = arith.index_cast %add3A_66 : i32 to index
        %get3A_68 = tpu.vector_load %arg8[%get3A_67] {strides = array<i32>} : memref<10000xi32, #tpu.memory_space<vmem>>, vector<16xi32>,
        %gather3A_69 = tpu.vector_load_idx %arg7[%get3A_68] : memref<102400xf32, #tpu.memory_space<vmem>>[vector<16xi32>], vector<16xf32>,
        %swap3A_70 = arith.index_cast %add3A_66 : i32 to index
        %swap3A_71 = tpu.vector_load %arg9[%swap3A_70] {strides = array<i32>} : memref<10000xf32, #tpu.memory_space<vmem>>, vector<16xf32>,
        tpu.vector_store %arg9[%swap3A_70], %gather3A_69 {strides = array<i32>} : memref<10000xf32, #tpu.memory_space<vmem>>, vector<16xf32>,
        %scan3A_72 = arith.constant 0 : i32
        scf.yield %scan3A_72 : i32
      }
      %scan3A_34 = arith.constant 125 : i32
      "tpu.region"() ({
        %run_scoped3A = tpu.sem_alloc : memref<!tpu.dma_semaphore, #tpu.memory_space<semaphore_mem>>
        %dma_start3A = tpu.memref_slice %arg6[%mul3A_27] : memref<1600000xf32, #tpu.memory_space<hbm>> -> memref<10000xf32, #tpu.memory_space<hbm>>
        %dma_start3A_36 = tpu.memref_slice %arg6[%mul3A_27] : memref<1600000xf32, #tpu.memory_space<hbm>> -> memref<10000xf32, #tpu.memory_space<hbm>>
        tpu.enqueue_dma source(%arg9 : memref<10000xf32, #tpu.memory_space<vmem>>) target(%dma_start3A_36 : memref<10000xf32, #tpu.memory_space<hbm>>) target_semaphore(%run_scoped3A : memref<!tpu.dma_semaphore, #tpu.memory_space<semaphore_mem>>)
        %dma_wait3A = tpu.memref_slice %arg6[%mul3A_27] : memref<1600000xf32, #tpu.memory_space<hbm>> -> memref<10000xf32, #tpu.memory_space<hbm>>
        %dma_wait3A_37 = tpu.memref_slice %arg6[%mul3A_27] : memref<1600000xf32, #tpu.memory_space<hbm>> -> memref<10000xf32, #tpu.memory_space<hbm>>
        tpu.wait_dma2 semaphore(%run_scoped3A : memref<!tpu.dma_semaphore, #tpu.memory_space<semaphore_mem>>) src(%arg9 : memref<10000xf32, #tpu.memory_space<vmem>>) dst(%dma_wait3A_37 : memref<10000xf32, #tpu.memory_space<hbm>>)
        tpu.yield
      }) : () -> ()
      %scan3A_35 = arith.constant 0 : i32
      scf.yield %scan3A_35 : i32
    }
    %scan3A_20 = arith.constant 5 : i32
    return
  }
}

#map = affine_map<(d0, d1) -> (0)>
module attributes {stable_mosaic.version = 14 : i64} {
  func.func @k(%arg0: i32, %arg1: i32, %arg2: memref<1600000xi32, #tpu.memory_space<hbm>>, %arg3: memref<1600000xi32, #tpu.memory_space<hbm>>, %arg4: memref<1600000xf32, #tpu.memory_space<hbm>>, %arg5: memref<1600000xf32, #tpu.memory_space<hbm>>, %arg6: memref<3276800xf32, #tpu.memory_space<hbm>>, %arg7: memref<3276800xf32, #tpu.memory_space<hbm>>, %arg8: memref<3276800xf32, #tpu.memory_space<hbm>>, %arg9: memref<3276800xf32, #tpu.memory_space<hbm>>, %arg10: memref<102400xf32, #tpu.memory_space<vmem>>, %arg11: memref<10000xi32, #tpu.memory_space<vmem>>, %arg12: memref<10000xf32, #tpu.memory_space<vmem>>) attributes {dimension_semantics = [#tpu.dimension_semantics<core_parallel>, #tpu.dimension_semantics<subcore_parallel>], iteration_bounds = array<i64: 2, 16>, scalar_prefetch = 0 : i64, scratch_operands = 3 : i64, tpu.core_type = #tpu.core_type<sc_vector_subcore>, window_params = [{transform_indices = #map}, {transform_indices = #map}, {transform_indices = #map}, {transform_indices = #map}, {transform_indices = #map}, {transform_indices = #map}, {transform_indices = #map}, {transform_indices = #map}]} {
    %mul3A = arith.constant 2 : i32
    %mul3A_0 = arith.muli %arg1, %mul3A : i32
    %add3A = arith.addi %mul3A_0, %arg0 : i32
    %broadcast_in_dim3A = arith.constant 0.000000e+00 : f32
    %broadcast_in_dim3A_1 = vector.broadcast %broadcast_in_dim3A : f32 to vector<16xf32>
    %scan3A = arith.constant 0 : i32
    %scan3A_2 = arith.constant 0 : i32
    %scan3A_3 = arith.constant 1280 : i32
    %scan3A_4 = arith.addi %scan3A_2, %scan3A_3 : i32
    %scan3A_5 = arith.constant 1 : i32
    %scan3A_6 = scf.for %scan3A_89 = %scan3A_2 to %scan3A_4 step %scan3A_5 iter_args(%scan3A_90 = %scan3A) -> (i32)  : i32 {
      %mul3A_91 = arith.constant 80 : i32
      %mul3A_92 = arith.muli %scan3A_89, %mul3A_91 : i32
      %add3A_93 = arith.constant 0 : i32
      %add3A_94 = arith.addi %mul3A_92, %add3A_93 : i32
      %swap3A = arith.index_cast %add3A_94 : i32 to index
      %swap3A_95 = tpu.vector_load %arg10[%swap3A] {strides = array<i32>} : memref<102400xf32, #tpu.memory_space<vmem>>, vector<16xf32>,
      tpu.vector_store %arg10[%swap3A], %broadcast_in_dim3A_1 {strides = array<i32>} : memref<102400xf32, #tpu.memory_space<vmem>>, vector<16xf32>,
      %add3A_96 = arith.constant 16 : i32
      %add3A_97 = arith.addi %mul3A_92, %add3A_96 : i32
      %swap3A_98 = arith.index_cast %add3A_97 : i32 to index
      %swap3A_99 = tpu.vector_load %arg10[%swap3A_98] {strides = array<i32>} : memref<102400xf32, #tpu.memory_space<vmem>>, vector<16xf32>,
      tpu.vector_store %arg10[%swap3A_98], %broadcast_in_dim3A_1 {strides = array<i32>} : memref<102400xf32, #tpu.memory_space<vmem>>, vector<16xf32>,
      %add3A_100 = arith.constant 32 : i32
      %add3A_101 = arith.addi %mul3A_92, %add3A_100 : i32
      %swap3A_102 = arith.index_cast %add3A_101 : i32 to index
      %swap3A_103 = tpu.vector_load %arg10[%swap3A_102] {strides = array<i32>} : memref<102400xf32, #tpu.memory_space<vmem>>, vector<16xf32>,
      tpu.vector_store %arg10[%swap3A_102], %broadcast_in_dim3A_1 {strides = array<i32>} : memref<102400xf32, #tpu.memory_space<vmem>>, vector<16xf32>,
      %add3A_104 = arith.constant 48 : i32
      %add3A_105 = arith.addi %mul3A_92, %add3A_104 : i32
      %swap3A_106 = arith.index_cast %add3A_105 : i32 to index
      %swap3A_107 = tpu.vector_load %arg10[%swap3A_106] {strides = array<i32>} : memref<102400xf32, #tpu.memory_space<vmem>>, vector<16xf32>,
      tpu.vector_store %arg10[%swap3A_106], %broadcast_in_dim3A_1 {strides = array<i32>} : memref<102400xf32, #tpu.memory_space<vmem>>, vector<16xf32>,
      %add3A_108 = arith.constant 64 : i32
      %add3A_109 = arith.addi %mul3A_92, %add3A_108 : i32
      %swap3A_110 = arith.index_cast %add3A_109 : i32 to index
      %swap3A_111 = tpu.vector_load %arg10[%swap3A_110] {strides = array<i32>} : memref<102400xf32, #tpu.memory_space<vmem>>, vector<16xf32>,
      tpu.vector_store %arg10[%swap3A_110], %broadcast_in_dim3A_1 {strides = array<i32>} : memref<102400xf32, #tpu.memory_space<vmem>>, vector<16xf32>,
      %scan3A_112 = arith.constant 0 : i32
      scf.yield %scan3A_112 : i32
    }
    %scan3A_7 = arith.constant 1280 : i32
    %scan3A_8 = arith.constant 0 : i32
    %scan3A_9 = arith.constant 0 : i32
    %scan3A_10 = arith.constant 5 : i32
    %scan3A_11 = arith.addi %scan3A_9, %scan3A_10 : i32
    %scan3A_12 = arith.constant 1 : i32
    %scan3A_13 = scf.for %scan3A_89 = %scan3A_9 to %scan3A_11 step %scan3A_12 iter_args(%scan3A_90 = %scan3A_8) -> (i32)  : i32 {
      %mul3A_91 = arith.constant 5 : i32
      %mul3A_92 = arith.muli %add3A, %mul3A_91 : i32
      %add3A_93 = arith.addi %mul3A_92, %scan3A_89 : i32
      %mul3A_94 = arith.constant 10000 : i32
      %mul3A_95 = arith.muli %add3A_93, %mul3A_94 : i32
      "tpu.region"() ({
        %run_scoped3A = tpu.sem_alloc : memref<!tpu.dma_semaphore, #tpu.memory_space<semaphore_mem>>
        %dma_start3A = tpu.memref_slice %arg2[%mul3A_95] : memref<1600000xi32, #tpu.memory_space<hbm>> -> memref<10000xi32, #tpu.memory_space<hbm>>
        %dma_start3A_104 = tpu.memref_slice %arg2[%mul3A_95] : memref<1600000xi32, #tpu.memory_space<hbm>> -> memref<10000xi32, #tpu.memory_space<hbm>>
        tpu.enqueue_dma source(%dma_start3A_104 : memref<10000xi32, #tpu.memory_space<hbm>>) target(%arg11 : memref<10000xi32, #tpu.memory_space<vmem>>) target_semaphore(%run_scoped3A : memref<!tpu.dma_semaphore, #tpu.memory_space<semaphore_mem>>)
        %dma_wait3A = tpu.memref_slice %arg2[%mul3A_95] : memref<1600000xi32, #tpu.memory_space<hbm>> -> memref<10000xi32, #tpu.memory_space<hbm>>
        %dma_wait3A_105 = tpu.memref_slice %arg2[%mul3A_95] : memref<1600000xi32, #tpu.memory_space<hbm>> -> memref<10000xi32, #tpu.memory_space<hbm>>
        tpu.wait_dma2 semaphore(%run_scoped3A : memref<!tpu.dma_semaphore, #tpu.memory_space<semaphore_mem>>) src(%dma_wait3A_105 : memref<10000xi32, #tpu.memory_space<hbm>>) dst(%arg11 : memref<10000xi32, #tpu.memory_space<vmem>>)
        tpu.yield
      }) : () -> ()
      "tpu.region"() ({
        %run_scoped3A = tpu.sem_alloc : memref<!tpu.dma_semaphore, #tpu.memory_space<semaphore_mem>>
        %dma_start3A = tpu.memref_slice %arg4[%mul3A_95] : memref<1600000xf32, #tpu.memory_space<hbm>> -> memref<10000xf32, #tpu.memory_space<hbm>>
        %dma_start3A_104 = tpu.memref_slice %arg4[%mul3A_95] : memref<1600000xf32, #tpu.memory_space<hbm>> -> memref<10000xf32, #tpu.memory_space<hbm>>
        tpu.enqueue_dma source(%dma_start3A_104 : memref<10000xf32, #tpu.memory_space<hbm>>) target(%arg12 : memref<10000xf32, #tpu.memory_space<vmem>>) target_semaphore(%run_scoped3A : memref<!tpu.dma_semaphore, #tpu.memory_space<semaphore_mem>>)
        %dma_wait3A = tpu.memref_slice %arg4[%mul3A_95] : memref<1600000xf32, #tpu.memory_space<hbm>> -> memref<10000xf32, #tpu.memory_space<hbm>>
        %dma_wait3A_105 = tpu.memref_slice %arg4[%mul3A_95] : memref<1600000xf32, #tpu.memory_space<hbm>> -> memref<10000xf32, #tpu.memory_space<hbm>>
        tpu.wait_dma2 semaphore(%run_scoped3A : memref<!tpu.dma_semaphore, #tpu.memory_space<semaphore_mem>>) src(%dma_wait3A_105 : memref<10000xf32, #tpu.memory_space<hbm>>) dst(%arg12 : memref<10000xf32, #tpu.memory_space<vmem>>)
        tpu.yield
      }) : () -> ()
      %scan3A_96 = arith.constant 0 : i32
      %scan3A_97 = arith.constant 0 : i32
      %scan3A_98 = arith.constant 125 : i32
      %scan3A_99 = arith.addi %scan3A_97, %scan3A_98 : i32
      %scan3A_100 = arith.constant 1 : i32
      %scan3A_101 = scf.for %scan3A_104 = %scan3A_97 to %scan3A_99 step %scan3A_100 iter_args(%scan3A_105 = %scan3A_96) -> (i32)  : i32 {
        %mul3A_106 = arith.constant 80 : i32
        %mul3A_107 = arith.muli %scan3A_104, %mul3A_106 : i32
        %add3A_108 = arith.constant 0 : i32
        %add3A_109 = arith.addi %mul3A_107, %add3A_108 : i32
        %get3A = arith.index_cast %add3A_109 : i32 to index
        %get3A_110 = tpu.vector_load %arg11[%get3A] {strides = array<i32>} : memref<10000xi32, #tpu.memory_space<vmem>>, vector<16xi32>,
        %get3A_111 = arith.index_cast %add3A_109 : i32 to index
        %get3A_112 = tpu.vector_load %arg12[%get3A_111] {strides = array<i32>} : memref<10000xf32, #tpu.memory_space<vmem>>, vector<16xf32>,
        tpu.vector_store_idx %arg10[%get3A_110], %get3A_112 {add = true} : memref<102400xf32, #tpu.memory_space<vmem>>[vector<16xi32>], vector<16xf32>,
        %add3A_113 = arith.constant 16 : i32
        %add3A_114 = arith.addi %mul3A_107, %add3A_113 : i32
        %get3A_115 = arith.index_cast %add3A_114 : i32 to index
        %get3A_116 = tpu.vector_load %arg11[%get3A_115] {strides = array<i32>} : memref<10000xi32, #tpu.memory_space<vmem>>, vector<16xi32>,
        %get3A_117 = arith.index_cast %add3A_114 : i32 to index
        %get3A_118 = tpu.vector_load %arg12[%get3A_117] {strides = array<i32>} : memref<10000xf32, #tpu.memory_space<vmem>>, vector<16xf32>,
        tpu.vector_store_idx %arg10[%get3A_116], %get3A_118 {add = true} : memref<102400xf32, #tpu.memory_space<vmem>>[vector<16xi32>], vector<16xf32>,
        %add3A_119 = arith.constant 32 : i32
        %add3A_120 = arith.addi %mul3A_107, %add3A_119 : i32
        %get3A_121 = arith.index_cast %add3A_120 : i32 to index
        %get3A_122 = tpu.vector_load %arg11[%get3A_121] {strides = array<i32>} : memref<10000xi32, #tpu.memory_space<vmem>>, vector<16xi32>,
        %get3A_123 = arith.index_cast %add3A_120 : i32 to index
        %get3A_124 = tpu.vector_load %arg12[%get3A_123] {strides = array<i32>} : memref<10000xf32, #tpu.memory_space<vmem>>, vector<16xf32>,
        tpu.vector_store_idx %arg10[%get3A_122], %get3A_124 {add = true} : memref<102400xf32, #tpu.memory_space<vmem>>[vector<16xi32>], vector<16xf32>,
        %add3A_125 = arith.constant 48 : i32
        %add3A_126 = arith.addi %mul3A_107, %add3A_125 : i32
        %get3A_127 = arith.index_cast %add3A_126 : i32 to index
        %get3A_128 = tpu.vector_load %arg11[%get3A_127] {strides = array<i32>} : memref<10000xi32, #tpu.memory_space<vmem>>, vector<16xi32>,
        %get3A_129 = arith.index_cast %add3A_126 : i32 to index
        %get3A_130 = tpu.vector_load %arg12[%get3A_129] {strides = array<i32>} : memref<10000xf32, #tpu.memory_space<vmem>>, vector<16xf32>,
        tpu.vector_store_idx %arg10[%get3A_128], %get3A_130 {add = true} : memref<102400xf32, #tpu.memory_space<vmem>>[vector<16xi32>], vector<16xf32>,
        %add3A_131 = arith.constant 64 : i32
        %add3A_132 = arith.addi %mul3A_107, %add3A_131 : i32
        %get3A_133 = arith.index_cast %add3A_132 : i32 to index
        %get3A_134 = tpu.vector_load %arg11[%get3A_133] {strides = array<i32>} : memref<10000xi32, #tpu.memory_space<vmem>>, vector<16xi32>,
        %get3A_135 = arith.index_cast %add3A_132 : i32 to index
        %get3A_136 = tpu.vector_load %arg12[%get3A_135] {strides = array<i32>} : memref<10000xf32, #tpu.memory_space<vmem>>, vector<16xf32>,
        tpu.vector_store_idx %arg10[%get3A_134], %get3A_136 {add = true} : memref<102400xf32, #tpu.memory_space<vmem>>[vector<16xi32>], vector<16xf32>,
        %scan3A_137 = arith.constant 0 : i32
        scf.yield %scan3A_137 : i32
      }
      %scan3A_102 = arith.constant 125 : i32
      %scan3A_103 = arith.constant 0 : i32
      scf.yield %scan3A_103 : i32
    }
    %scan3A_14 = arith.constant 5 : i32
    %mul3A_15 = arith.constant 102400 : i32
    %mul3A_16 = arith.muli %add3A, %mul3A_15 : i32
    "tpu.region"() ({
      %run_scoped3A = tpu.sem_alloc : memref<!tpu.dma_semaphore, #tpu.memory_space<semaphore_mem>>
      %dma_start3A = tpu.memref_slice %arg6[%mul3A_16] : memref<3276800xf32, #tpu.memory_space<hbm>> -> memref<102400xf32, #tpu.memory_space<hbm>>
      %dma_start3A_89 = tpu.memref_slice %arg6[%mul3A_16] : memref<3276800xf32, #tpu.memory_space<hbm>> -> memref<102400xf32, #tpu.memory_space<hbm>>
      tpu.enqueue_dma source(%arg10 : memref<102400xf32, #tpu.memory_space<vmem>>) target(%dma_start3A_89 : memref<102400xf32, #tpu.memory_space<hbm>>) target_semaphore(%run_scoped3A : memref<!tpu.dma_semaphore, #tpu.memory_space<semaphore_mem>>)
      %dma_wait3A = tpu.memref_slice %arg6[%mul3A_16] : memref<3276800xf32, #tpu.memory_space<hbm>> -> memref<102400xf32, #tpu.memory_space<hbm>>
      %dma_wait3A_90 = tpu.memref_slice %arg6[%mul3A_16] : memref<3276800xf32, #tpu.memory_space<hbm>> -> memref<102400xf32, #tpu.memory_space<hbm>>
      tpu.wait_dma2 semaphore(%run_scoped3A : memref<!tpu.dma_semaphore, #tpu.memory_space<semaphore_mem>>) src(%arg10 : memref<102400xf32, #tpu.memory_space<vmem>>) dst(%dma_wait3A_90 : memref<102400xf32, #tpu.memory_space<hbm>>)
      tpu.yield
    }) : () -> ()
    %broadcast_in_dim3A_17 = arith.constant 0.000000e+00 : f32
    %broadcast_in_dim3A_18 = vector.broadcast %broadcast_in_dim3A_17 : f32 to vector<16xf32>
    %scan3A_19 = arith.constant 0 : i32
    %scan3A_20 = arith.constant 0 : i32
    %scan3A_21 = arith.constant 1280 : i32
    %scan3A_22 = arith.addi %scan3A_20, %scan3A_21 : i32
    %scan3A_23 = arith.constant 1 : i32
    %scan3A_24 = scf.for %scan3A_89 = %scan3A_20 to %scan3A_22 step %scan3A_23 iter_args(%scan3A_90 = %scan3A_19) -> (i32)  : i32 {
      %mul3A_91 = arith.constant 80 : i32
      %mul3A_92 = arith.muli %scan3A_89, %mul3A_91 : i32
      %add3A_93 = arith.constant 0 : i32
      %add3A_94 = arith.addi %mul3A_92, %add3A_93 : i32
      %swap3A = arith.index_cast %add3A_94 : i32 to index
      %swap3A_95 = tpu.vector_load %arg10[%swap3A] {strides = array<i32>} : memref<102400xf32, #tpu.memory_space<vmem>>, vector<16xf32>,
      tpu.vector_store %arg10[%swap3A], %broadcast_in_dim3A_18 {strides = array<i32>} : memref<102400xf32, #tpu.memory_space<vmem>>, vector<16xf32>,
      %add3A_96 = arith.constant 16 : i32
      %add3A_97 = arith.addi %mul3A_92, %add3A_96 : i32
      %swap3A_98 = arith.index_cast %add3A_97 : i32 to index
      %swap3A_99 = tpu.vector_load %arg10[%swap3A_98] {strides = array<i32>} : memref<102400xf32, #tpu.memory_space<vmem>>, vector<16xf32>,
      tpu.vector_store %arg10[%swap3A_98], %broadcast_in_dim3A_18 {strides = array<i32>} : memref<102400xf32, #tpu.memory_space<vmem>>, vector<16xf32>,
      %add3A_100 = arith.constant 32 : i32
      %add3A_101 = arith.addi %mul3A_92, %add3A_100 : i32
      %swap3A_102 = arith.index_cast %add3A_101 : i32 to index
      %swap3A_103 = tpu.vector_load %arg10[%swap3A_102] {strides = array<i32>} : memref<102400xf32, #tpu.memory_space<vmem>>, vector<16xf32>,
      tpu.vector_store %arg10[%swap3A_102], %broadcast_in_dim3A_18 {strides = array<i32>} : memref<102400xf32, #tpu.memory_space<vmem>>, vector<16xf32>,
      %add3A_104 = arith.constant 48 : i32
      %add3A_105 = arith.addi %mul3A_92, %add3A_104 : i32
      %swap3A_106 = arith.index_cast %add3A_105 : i32 to index
      %swap3A_107 = tpu.vector_load %arg10[%swap3A_106] {strides = array<i32>} : memref<102400xf32, #tpu.memory_space<vmem>>, vector<16xf32>,
      tpu.vector_store %arg10[%swap3A_106], %broadcast_in_dim3A_18 {strides = array<i32>} : memref<102400xf32, #tpu.memory_space<vmem>>, vector<16xf32>,
      %add3A_108 = arith.constant 64 : i32
      %add3A_109 = arith.addi %mul3A_92, %add3A_108 : i32
      %swap3A_110 = arith.index_cast %add3A_109 : i32 to index
      %swap3A_111 = tpu.vector_load %arg10[%swap3A_110] {strides = array<i32>} : memref<102400xf32, #tpu.memory_space<vmem>>, vector<16xf32>,
      tpu.vector_store %arg10[%swap3A_110], %broadcast_in_dim3A_18 {strides = array<i32>} : memref<102400xf32, #tpu.memory_space<vmem>>, vector<16xf32>,
      %scan3A_112 = arith.constant 0 : i32
      scf.yield %scan3A_112 : i32
    }
    %scan3A_25 = arith.constant 1280 : i32
    %scan3A_26 = arith.constant 0 : i32
    %scan3A_27 = arith.constant 0 : i32
    %scan3A_28 = arith.constant 5 : i32
    %scan3A_29 = arith.addi %scan3A_27, %scan3A_28 : i32
    %scan3A_30 = arith.constant 1 : i32
    %scan3A_31 = scf.for %scan3A_89 = %scan3A_27 to %scan3A_29 step %scan3A_30 iter_args(%scan3A_90 = %scan3A_26) -> (i32)  : i32 {
      %mul3A_91 = arith.constant 5 : i32
      %mul3A_92 = arith.muli %add3A, %mul3A_91 : i32
      %add3A_93 = arith.addi %mul3A_92, %scan3A_89 : i32
      %mul3A_94 = arith.constant 10000 : i32
      %mul3A_95 = arith.muli %add3A_93, %mul3A_94 : i32
      "tpu.region"() ({
        %run_scoped3A = tpu.sem_alloc : memref<!tpu.dma_semaphore, #tpu.memory_space<semaphore_mem>>
        %dma_start3A = tpu.memref_slice %arg2[%mul3A_95] : memref<1600000xi32, #tpu.memory_space<hbm>> -> memref<10000xi32, #tpu.memory_space<hbm>>
        %dma_start3A_104 = tpu.memref_slice %arg2[%mul3A_95] : memref<1600000xi32, #tpu.memory_space<hbm>> -> memref<10000xi32, #tpu.memory_space<hbm>>
        tpu.enqueue_dma source(%dma_start3A_104 : memref<10000xi32, #tpu.memory_space<hbm>>) target(%arg11 : memref<10000xi32, #tpu.memory_space<vmem>>) target_semaphore(%run_scoped3A : memref<!tpu.dma_semaphore, #tpu.memory_space<semaphore_mem>>)
        %dma_wait3A = tpu.memref_slice %arg2[%mul3A_95] : memref<1600000xi32, #tpu.memory_space<hbm>> -> memref<10000xi32, #tpu.memory_space<hbm>>
        %dma_wait3A_105 = tpu.memref_slice %arg2[%mul3A_95] : memref<1600000xi32, #tpu.memory_space<hbm>> -> memref<10000xi32, #tpu.memory_space<hbm>>
        tpu.wait_dma2 semaphore(%run_scoped3A : memref<!tpu.dma_semaphore, #tpu.memory_space<semaphore_mem>>) src(%dma_wait3A_105 : memref<10000xi32, #tpu.memory_space<hbm>>) dst(%arg11 : memref<10000xi32, #tpu.memory_space<vmem>>)
        tpu.yield
      }) : () -> ()
      "tpu.region"() ({
        %run_scoped3A = tpu.sem_alloc : memref<!tpu.dma_semaphore, #tpu.memory_space<semaphore_mem>>
        %dma_start3A = tpu.memref_slice %arg5[%mul3A_95] : memref<1600000xf32, #tpu.memory_space<hbm>> -> memref<10000xf32, #tpu.memory_space<hbm>>
        %dma_start3A_104 = tpu.memref_slice %arg5[%mul3A_95] : memref<1600000xf32, #tpu.memory_space<hbm>> -> memref<10000xf32, #tpu.memory_space<hbm>>
        tpu.enqueue_dma source(%dma_start3A_104 : memref<10000xf32, #tpu.memory_space<hbm>>) target(%arg12 : memref<10000xf32, #tpu.memory_space<vmem>>) target_semaphore(%run_scoped3A : memref<!tpu.dma_semaphore, #tpu.memory_space<semaphore_mem>>)
        %dma_wait3A = tpu.memref_slice %arg5[%mul3A_95] : memref<1600000xf32, #tpu.memory_space<hbm>> -> memref<10000xf32, #tpu.memory_space<hbm>>
        %dma_wait3A_105 = tpu.memref_slice %arg5[%mul3A_95] : memref<1600000xf32, #tpu.memory_space<hbm>> -> memref<10000xf32, #tpu.memory_space<hbm>>
        tpu.wait_dma2 semaphore(%run_scoped3A : memref<!tpu.dma_semaphore, #tpu.memory_space<semaphore_mem>>) src(%dma_wait3A_105 : memref<10000xf32, #tpu.memory_space<hbm>>) dst(%arg12 : memref<10000xf32, #tpu.memory_space<vmem>>)
        tpu.yield
      }) : () -> ()
      %scan3A_96 = arith.constant 0 : i32
      %scan3A_97 = arith.constant 0 : i32
      %scan3A_98 = arith.constant 125 : i32
      %scan3A_99 = arith.addi %scan3A_97, %scan3A_98 : i32
      %scan3A_100 = arith.constant 1 : i32
      %scan3A_101 = scf.for %scan3A_104 = %scan3A_97 to %scan3A_99 step %scan3A_100 iter_args(%scan3A_105 = %scan3A_96) -> (i32)  : i32 {
        %mul3A_106 = arith.constant 80 : i32
        %mul3A_107 = arith.muli %scan3A_104, %mul3A_106 : i32
        %add3A_108 = arith.constant 0 : i32
        %add3A_109 = arith.addi %mul3A_107, %add3A_108 : i32
        %get3A = arith.index_cast %add3A_109 : i32 to index
        %get3A_110 = tpu.vector_load %arg11[%get3A] {strides = array<i32>} : memref<10000xi32, #tpu.memory_space<vmem>>, vector<16xi32>,
        %get3A_111 = arith.index_cast %add3A_109 : i32 to index
        %get3A_112 = tpu.vector_load %arg12[%get3A_111] {strides = array<i32>} : memref<10000xf32, #tpu.memory_space<vmem>>, vector<16xf32>,
        tpu.vector_store_idx %arg10[%get3A_110], %get3A_112 {add = true} : memref<102400xf32, #tpu.memory_space<vmem>>[vector<16xi32>], vector<16xf32>,
        %add3A_113 = arith.constant 16 : i32
        %add3A_114 = arith.addi %mul3A_107, %add3A_113 : i32
        %get3A_115 = arith.index_cast %add3A_114 : i32 to index
        %get3A_116 = tpu.vector_load %arg11[%get3A_115] {strides = array<i32>} : memref<10000xi32, #tpu.memory_space<vmem>>, vector<16xi32>,
        %get3A_117 = arith.index_cast %add3A_114 : i32 to index
        %get3A_118 = tpu.vector_load %arg12[%get3A_117] {strides = array<i32>} : memref<10000xf32, #tpu.memory_space<vmem>>, vector<16xf32>,
        tpu.vector_store_idx %arg10[%get3A_116], %get3A_118 {add = true} : memref<102400xf32, #tpu.memory_space<vmem>>[vector<16xi32>], vector<16xf32>,
        %add3A_119 = arith.constant 32 : i32
        %add3A_120 = arith.addi %mul3A_107, %add3A_119 : i32
        %get3A_121 = arith.index_cast %add3A_120 : i32 to index
        %get3A_122 = tpu.vector_load %arg11[%get3A_121] {strides = array<i32>} : memref<10000xi32, #tpu.memory_space<vmem>>, vector<16xi32>,
        %get3A_123 = arith.index_cast %add3A_120 : i32 to index
        %get3A_124 = tpu.vector_load %arg12[%get3A_123] {strides = array<i32>} : memref<10000xf32, #tpu.memory_space<vmem>>, vector<16xf32>,
        tpu.vector_store_idx %arg10[%get3A_122], %get3A_124 {add = true} : memref<102400xf32, #tpu.memory_space<vmem>>[vector<16xi32>], vector<16xf32>,
        %add3A_125 = arith.constant 48 : i32
        %add3A_126 = arith.addi %mul3A_107, %add3A_125 : i32
        %get3A_127 = arith.index_cast %add3A_126 : i32 to index
        %get3A_128 = tpu.vector_load %arg11[%get3A_127] {strides = array<i32>} : memref<10000xi32, #tpu.memory_space<vmem>>, vector<16xi32>,
        %get3A_129 = arith.index_cast %add3A_126 : i32 to index
        %get3A_130 = tpu.vector_load %arg12[%get3A_129] {strides = array<i32>} : memref<10000xf32, #tpu.memory_space<vmem>>, vector<16xf32>,
        tpu.vector_store_idx %arg10[%get3A_128], %get3A_130 {add = true} : memref<102400xf32, #tpu.memory_space<vmem>>[vector<16xi32>], vector<16xf32>,
        %add3A_131 = arith.constant 64 : i32
        %add3A_132 = arith.addi %mul3A_107, %add3A_131 : i32
        %get3A_133 = arith.index_cast %add3A_132 : i32 to index
        %get3A_134 = tpu.vector_load %arg11[%get3A_133] {strides = array<i32>} : memref<10000xi32, #tpu.memory_space<vmem>>, vector<16xi32>,
        %get3A_135 = arith.index_cast %add3A_132 : i32 to index
        %get3A_136 = tpu.vector_load %arg12[%get3A_135] {strides = array<i32>} : memref<10000xf32, #tpu.memory_space<vmem>>, vector<16xf32>,
        tpu.vector_store_idx %arg10[%get3A_134], %get3A_136 {add = true} : memref<102400xf32, #tpu.memory_space<vmem>>[vector<16xi32>], vector<16xf32>,
        %scan3A_137 = arith.constant 0 : i32
        scf.yield %scan3A_137 : i32
      }
      %scan3A_102 = arith.constant 125 : i32
      %scan3A_103 = arith.constant 0 : i32
      scf.yield %scan3A_103 : i32
    }
    %scan3A_32 = arith.constant 5 : i32
    %mul3A_33 = arith.constant 102400 : i32
    %mul3A_34 = arith.muli %add3A, %mul3A_33 : i32
    "tpu.region"() ({
      %run_scoped3A = tpu.sem_alloc : memref<!tpu.dma_semaphore, #tpu.memory_space<semaphore_mem>>
      %dma_start3A = tpu.memref_slice %arg7[%mul3A_34] : memref<3276800xf32, #tpu.memory_space<hbm>> -> memref<102400xf32, #tpu.memory_space<hbm>>
      %dma_start3A_89 = tpu.memref_slice %arg7[%mul3A_34] : memref<3276800xf32, #tpu.memory_space<hbm>> -> memref<102400xf32, #tpu.memory_space<hbm>>
      tpu.enqueue_dma source(%arg10 : memref<102400xf32, #tpu.memory_space<vmem>>) target(%dma_start3A_89 : memref<102400xf32, #tpu.memory_space<hbm>>) target_semaphore(%run_scoped3A : memref<!tpu.dma_semaphore, #tpu.memory_space<semaphore_mem>>)
      %dma_wait3A = tpu.memref_slice %arg7[%mul3A_34] : memref<3276800xf32, #tpu.memory_space<hbm>> -> memref<102400xf32, #tpu.memory_space<hbm>>
      %dma_wait3A_90 = tpu.memref_slice %arg7[%mul3A_34] : memref<3276800xf32, #tpu.memory_space<hbm>> -> memref<102400xf32, #tpu.memory_space<hbm>>
      tpu.wait_dma2 semaphore(%run_scoped3A : memref<!tpu.dma_semaphore, #tpu.memory_space<semaphore_mem>>) src(%arg10 : memref<102400xf32, #tpu.memory_space<vmem>>) dst(%dma_wait3A_90 : memref<102400xf32, #tpu.memory_space<hbm>>)
      tpu.yield
    }) : () -> ()
    %broadcast_in_dim3A_35 = arith.constant 0.000000e+00 : f32
    %broadcast_in_dim3A_36 = vector.broadcast %broadcast_in_dim3A_35 : f32 to vector<16xf32>
    %scan3A_37 = arith.constant 0 : i32
    %scan3A_38 = arith.constant 0 : i32
    %scan3A_39 = arith.constant 1280 : i32
    %scan3A_40 = arith.addi %scan3A_38, %scan3A_39 : i32
    %scan3A_41 = arith.constant 1 : i32
    %scan3A_42 = scf.for %scan3A_89 = %scan3A_38 to %scan3A_40 step %scan3A_41 iter_args(%scan3A_90 = %scan3A_37) -> (i32)  : i32 {
      %mul3A_91 = arith.constant 80 : i32
      %mul3A_92 = arith.muli %scan3A_89, %mul3A_91 : i32
      %add3A_93 = arith.constant 0 : i32
      %add3A_94 = arith.addi %mul3A_92, %add3A_93 : i32
      %swap3A = arith.index_cast %add3A_94 : i32 to index
      %swap3A_95 = tpu.vector_load %arg10[%swap3A] {strides = array<i32>} : memref<102400xf32, #tpu.memory_space<vmem>>, vector<16xf32>,
      tpu.vector_store %arg10[%swap3A], %broadcast_in_dim3A_36 {strides = array<i32>} : memref<102400xf32, #tpu.memory_space<vmem>>, vector<16xf32>,
      %add3A_96 = arith.constant 16 : i32
      %add3A_97 = arith.addi %mul3A_92, %add3A_96 : i32
      %swap3A_98 = arith.index_cast %add3A_97 : i32 to index
      %swap3A_99 = tpu.vector_load %arg10[%swap3A_98] {strides = array<i32>} : memref<102400xf32, #tpu.memory_space<vmem>>, vector<16xf32>,
      tpu.vector_store %arg10[%swap3A_98], %broadcast_in_dim3A_36 {strides = array<i32>} : memref<102400xf32, #tpu.memory_space<vmem>>, vector<16xf32>,
      %add3A_100 = arith.constant 32 : i32
      %add3A_101 = arith.addi %mul3A_92, %add3A_100 : i32
      %swap3A_102 = arith.index_cast %add3A_101 : i32 to index
      %swap3A_103 = tpu.vector_load %arg10[%swap3A_102] {strides = array<i32>} : memref<102400xf32, #tpu.memory_space<vmem>>, vector<16xf32>,
      tpu.vector_store %arg10[%swap3A_102], %broadcast_in_dim3A_36 {strides = array<i32>} : memref<102400xf32, #tpu.memory_space<vmem>>, vector<16xf32>,
      %add3A_104 = arith.constant 48 : i32
      %add3A_105 = arith.addi %mul3A_92, %add3A_104 : i32
      %swap3A_106 = arith.index_cast %add3A_105 : i32 to index
      %swap3A_107 = tpu.vector_load %arg10[%swap3A_106] {strides = array<i32>} : memref<102400xf32, #tpu.memory_space<vmem>>, vector<16xf32>,
      tpu.vector_store %arg10[%swap3A_106], %broadcast_in_dim3A_36 {strides = array<i32>} : memref<102400xf32, #tpu.memory_space<vmem>>, vector<16xf32>,
      %add3A_108 = arith.constant 64 : i32
      %add3A_109 = arith.addi %mul3A_92, %add3A_108 : i32
      %swap3A_110 = arith.index_cast %add3A_109 : i32 to index
      %swap3A_111 = tpu.vector_load %arg10[%swap3A_110] {strides = array<i32>} : memref<102400xf32, #tpu.memory_space<vmem>>, vector<16xf32>,
      tpu.vector_store %arg10[%swap3A_110], %broadcast_in_dim3A_36 {strides = array<i32>} : memref<102400xf32, #tpu.memory_space<vmem>>, vector<16xf32>,
      %scan3A_112 = arith.constant 0 : i32
      scf.yield %scan3A_112 : i32
    }
    %scan3A_43 = arith.constant 1280 : i32
    %broadcast_in_dim3A_44 = arith.constant 1.000000e+00 : f32
    %broadcast_in_dim3A_45 = vector.broadcast %broadcast_in_dim3A_44 : f32 to vector<16xf32>
    %scan3A_46 = arith.constant 0 : i32
    %scan3A_47 = arith.constant 0 : i32
    %scan3A_48 = arith.constant 125 : i32
    %scan3A_49 = arith.addi %scan3A_47, %scan3A_48 : i32
    %scan3A_50 = arith.constant 1 : i32
    %scan3A_51 = scf.for %scan3A_89 = %scan3A_47 to %scan3A_49 step %scan3A_50 iter_args(%scan3A_90 = %scan3A_46) -> (i32)  : i32 {
      %mul3A_91 = arith.constant 80 : i32
      %mul3A_92 = arith.muli %scan3A_89, %mul3A_91 : i32
      %add3A_93 = arith.constant 0 : i32
      %add3A_94 = arith.addi %mul3A_92, %add3A_93 : i32
      %swap3A = arith.index_cast %add3A_94 : i32 to index
      %swap3A_95 = tpu.vector_load %arg12[%swap3A] {strides = array<i32>} : memref<10000xf32, #tpu.memory_space<vmem>>, vector<16xf32>,
      tpu.vector_store %arg12[%swap3A], %broadcast_in_dim3A_45 {strides = array<i32>} : memref<10000xf32, #tpu.memory_space<vmem>>, vector<16xf32>,
      %add3A_96 = arith.constant 16 : i32
      %add3A_97 = arith.addi %mul3A_92, %add3A_96 : i32
      %swap3A_98 = arith.index_cast %add3A_97 : i32 to index
      %swap3A_99 = tpu.vector_load %arg12[%swap3A_98] {strides = array<i32>} : memref<10000xf32, #tpu.memory_space<vmem>>, vector<16xf32>,
      tpu.vector_store %arg12[%swap3A_98], %broadcast_in_dim3A_45 {strides = array<i32>} : memref<10000xf32, #tpu.memory_space<vmem>>, vector<16xf32>,
      %add3A_100 = arith.constant 32 : i32
      %add3A_101 = arith.addi %mul3A_92, %add3A_100 : i32
      %swap3A_102 = arith.index_cast %add3A_101 : i32 to index
      %swap3A_103 = tpu.vector_load %arg12[%swap3A_102] {strides = array<i32>} : memref<10000xf32, #tpu.memory_space<vmem>>, vector<16xf32>,
      tpu.vector_store %arg12[%swap3A_102], %broadcast_in_dim3A_45 {strides = array<i32>} : memref<10000xf32, #tpu.memory_space<vmem>>, vector<16xf32>,
      %add3A_104 = arith.constant 48 : i32
      %add3A_105 = arith.addi %mul3A_92, %add3A_104 : i32
      %swap3A_106 = arith.index_cast %add3A_105 : i32 to index
      %swap3A_107 = tpu.vector_load %arg12[%swap3A_106] {strides = array<i32>} : memref<10000xf32, #tpu.memory_space<vmem>>, vector<16xf32>,
      tpu.vector_store %arg12[%swap3A_106], %broadcast_in_dim3A_45 {strides = array<i32>} : memref<10000xf32, #tpu.memory_space<vmem>>, vector<16xf32>,
      %add3A_108 = arith.constant 64 : i32
      %add3A_109 = arith.addi %mul3A_92, %add3A_108 : i32
      %swap3A_110 = arith.index_cast %add3A_109 : i32 to index
      %swap3A_111 = tpu.vector_load %arg12[%swap3A_110] {strides = array<i32>} : memref<10000xf32, #tpu.memory_space<vmem>>, vector<16xf32>,
      tpu.vector_store %arg12[%swap3A_110], %broadcast_in_dim3A_45 {strides = array<i32>} : memref<10000xf32, #tpu.memory_space<vmem>>, vector<16xf32>,
      %scan3A_112 = arith.constant 0 : i32
      scf.yield %scan3A_112 : i32
    }
    %scan3A_52 = arith.constant 125 : i32
    %scan3A_53 = arith.constant 0 : i32
    %scan3A_54 = arith.constant 0 : i32
    %scan3A_55 = arith.constant 5 : i32
    %scan3A_56 = arith.addi %scan3A_54, %scan3A_55 : i32
    %scan3A_57 = arith.constant 1 : i32
    %scan3A_58 = scf.for %scan3A_89 = %scan3A_54 to %scan3A_56 step %scan3A_57 iter_args(%scan3A_90 = %scan3A_53) -> (i32)  : i32 {
      %mul3A_91 = arith.constant 5 : i32
      %mul3A_92 = arith.muli %add3A, %mul3A_91 : i32
      %add3A_93 = arith.addi %mul3A_92, %scan3A_89 : i32
      %mul3A_94 = arith.constant 10000 : i32
      %mul3A_95 = arith.muli %add3A_93, %mul3A_94 : i32
      "tpu.region"() ({
        %run_scoped3A = tpu.sem_alloc : memref<!tpu.dma_semaphore, #tpu.memory_space<semaphore_mem>>
        %dma_start3A = tpu.memref_slice %arg2[%mul3A_95] : memref<1600000xi32, #tpu.memory_space<hbm>> -> memref<10000xi32, #tpu.memory_space<hbm>>
        %dma_start3A_104 = tpu.memref_slice %arg2[%mul3A_95] : memref<1600000xi32, #tpu.memory_space<hbm>> -> memref<10000xi32, #tpu.memory_space<hbm>>
        tpu.enqueue_dma source(%dma_start3A_104 : memref<10000xi32, #tpu.memory_space<hbm>>) target(%arg11 : memref<10000xi32, #tpu.memory_space<vmem>>) target_semaphore(%run_scoped3A : memref<!tpu.dma_semaphore, #tpu.memory_space<semaphore_mem>>)
        %dma_wait3A = tpu.memref_slice %arg2[%mul3A_95] : memref<1600000xi32, #tpu.memory_space<hbm>> -> memref<10000xi32, #tpu.memory_space<hbm>>
        %dma_wait3A_105 = tpu.memref_slice %arg2[%mul3A_95] : memref<1600000xi32, #tpu.memory_space<hbm>> -> memref<10000xi32, #tpu.memory_space<hbm>>
        tpu.wait_dma2 semaphore(%run_scoped3A : memref<!tpu.dma_semaphore, #tpu.memory_space<semaphore_mem>>) src(%dma_wait3A_105 : memref<10000xi32, #tpu.memory_space<hbm>>) dst(%arg11 : memref<10000xi32, #tpu.memory_space<vmem>>)
        tpu.yield
      }) : () -> ()
      %scan3A_96 = arith.constant 0 : i32
      %scan3A_97 = arith.constant 0 : i32
      %scan3A_98 = arith.constant 125 : i32
      %scan3A_99 = arith.addi %scan3A_97, %scan3A_98 : i32
      %scan3A_100 = arith.constant 1 : i32
      %scan3A_101 = scf.for %scan3A_104 = %scan3A_97 to %scan3A_99 step %scan3A_100 iter_args(%scan3A_105 = %scan3A_96) -> (i32)  : i32 {
        %mul3A_106 = arith.constant 80 : i32
        %mul3A_107 = arith.muli %scan3A_104, %mul3A_106 : i32
        %add3A_108 = arith.constant 0 : i32
        %add3A_109 = arith.addi %mul3A_107, %add3A_108 : i32
        %get3A = arith.index_cast %add3A_109 : i32 to index
        %get3A_110 = tpu.vector_load %arg11[%get3A] {strides = array<i32>} : memref<10000xi32, #tpu.memory_space<vmem>>, vector<16xi32>,
        %get3A_111 = arith.index_cast %add3A_109 : i32 to index
        %get3A_112 = tpu.vector_load %arg12[%get3A_111] {strides = array<i32>} : memref<10000xf32, #tpu.memory_space<vmem>>, vector<16xf32>,
        tpu.vector_store_idx %arg10[%get3A_110], %get3A_112 {add = true} : memref<102400xf32, #tpu.memory_space<vmem>>[vector<16xi32>], vector<16xf32>,
        %add3A_113 = arith.constant 16 : i32
        %add3A_114 = arith.addi %mul3A_107, %add3A_113 : i32
        %get3A_115 = arith.index_cast %add3A_114 : i32 to index
        %get3A_116 = tpu.vector_load %arg11[%get3A_115] {strides = array<i32>} : memref<10000xi32, #tpu.memory_space<vmem>>, vector<16xi32>,
        %get3A_117 = arith.index_cast %add3A_114 : i32 to index
        %get3A_118 = tpu.vector_load %arg12[%get3A_117] {strides = array<i32>} : memref<10000xf32, #tpu.memory_space<vmem>>, vector<16xf32>,
        tpu.vector_store_idx %arg10[%get3A_116], %get3A_118 {add = true} : memref<102400xf32, #tpu.memory_space<vmem>>[vector<16xi32>], vector<16xf32>,
        %add3A_119 = arith.constant 32 : i32
        %add3A_120 = arith.addi %mul3A_107, %add3A_119 : i32
        %get3A_121 = arith.index_cast %add3A_120 : i32 to index
        %get3A_122 = tpu.vector_load %arg11[%get3A_121] {strides = array<i32>} : memref<10000xi32, #tpu.memory_space<vmem>>, vector<16xi32>,
        %get3A_123 = arith.index_cast %add3A_120 : i32 to index
        %get3A_124 = tpu.vector_load %arg12[%get3A_123] {strides = array<i32>} : memref<10000xf32, #tpu.memory_space<vmem>>, vector<16xf32>,
        tpu.vector_store_idx %arg10[%get3A_122], %get3A_124 {add = true} : memref<102400xf32, #tpu.memory_space<vmem>>[vector<16xi32>], vector<16xf32>,
        %add3A_125 = arith.constant 48 : i32
        %add3A_126 = arith.addi %mul3A_107, %add3A_125 : i32
        %get3A_127 = arith.index_cast %add3A_126 : i32 to index
        %get3A_128 = tpu.vector_load %arg11[%get3A_127] {strides = array<i32>} : memref<10000xi32, #tpu.memory_space<vmem>>, vector<16xi32>,
        %get3A_129 = arith.index_cast %add3A_126 : i32 to index
        %get3A_130 = tpu.vector_load %arg12[%get3A_129] {strides = array<i32>} : memref<10000xf32, #tpu.memory_space<vmem>>, vector<16xf32>,
        tpu.vector_store_idx %arg10[%get3A_128], %get3A_130 {add = true} : memref<102400xf32, #tpu.memory_space<vmem>>[vector<16xi32>], vector<16xf32>,
        %add3A_131 = arith.constant 64 : i32
        %add3A_132 = arith.addi %mul3A_107, %add3A_131 : i32
        %get3A_133 = arith.index_cast %add3A_132 : i32 to index
        %get3A_134 = tpu.vector_load %arg11[%get3A_133] {strides = array<i32>} : memref<10000xi32, #tpu.memory_space<vmem>>, vector<16xi32>,
        %get3A_135 = arith.index_cast %add3A_132 : i32 to index
        %get3A_136 = tpu.vector_load %arg12[%get3A_135] {strides = array<i32>} : memref<10000xf32, #tpu.memory_space<vmem>>, vector<16xf32>,
        tpu.vector_store_idx %arg10[%get3A_134], %get3A_136 {add = true} : memref<102400xf32, #tpu.memory_space<vmem>>[vector<16xi32>], vector<16xf32>,
        %scan3A_137 = arith.constant 0 : i32
        scf.yield %scan3A_137 : i32
      }
      %scan3A_102 = arith.constant 125 : i32
      %scan3A_103 = arith.constant 0 : i32
      scf.yield %scan3A_103 : i32
    }
    %scan3A_59 = arith.constant 5 : i32
    %mul3A_60 = arith.constant 102400 : i32
    %mul3A_61 = arith.muli %add3A, %mul3A_60 : i32
    "tpu.region"() ({
      %run_scoped3A = tpu.sem_alloc : memref<!tpu.dma_semaphore, #tpu.memory_space<semaphore_mem>>
      %dma_start3A = tpu.memref_slice %arg8[%mul3A_61] : memref<3276800xf32, #tpu.memory_space<hbm>> -> memref<102400xf32, #tpu.memory_space<hbm>>
      %dma_start3A_89 = tpu.memref_slice %arg8[%mul3A_61] : memref<3276800xf32, #tpu.memory_space<hbm>> -> memref<102400xf32, #tpu.memory_space<hbm>>
      tpu.enqueue_dma source(%arg10 : memref<102400xf32, #tpu.memory_space<vmem>>) target(%dma_start3A_89 : memref<102400xf32, #tpu.memory_space<hbm>>) target_semaphore(%run_scoped3A : memref<!tpu.dma_semaphore, #tpu.memory_space<semaphore_mem>>)
      %dma_wait3A = tpu.memref_slice %arg8[%mul3A_61] : memref<3276800xf32, #tpu.memory_space<hbm>> -> memref<102400xf32, #tpu.memory_space<hbm>>
      %dma_wait3A_90 = tpu.memref_slice %arg8[%mul3A_61] : memref<3276800xf32, #tpu.memory_space<hbm>> -> memref<102400xf32, #tpu.memory_space<hbm>>
      tpu.wait_dma2 semaphore(%run_scoped3A : memref<!tpu.dma_semaphore, #tpu.memory_space<semaphore_mem>>) src(%arg10 : memref<102400xf32, #tpu.memory_space<vmem>>) dst(%dma_wait3A_90 : memref<102400xf32, #tpu.memory_space<hbm>>)
      tpu.yield
    }) : () -> ()
    %broadcast_in_dim3A_62 = arith.constant 0.000000e+00 : f32
    %broadcast_in_dim3A_63 = vector.broadcast %broadcast_in_dim3A_62 : f32 to vector<16xf32>
    %scan3A_64 = arith.constant 0 : i32
    %scan3A_65 = arith.constant 0 : i32
    %scan3A_66 = arith.constant 1280 : i32
    %scan3A_67 = arith.addi %scan3A_65, %scan3A_66 : i32
    %scan3A_68 = arith.constant 1 : i32
    %scan3A_69 = scf.for %scan3A_89 = %scan3A_65 to %scan3A_67 step %scan3A_68 iter_args(%scan3A_90 = %scan3A_64) -> (i32)  : i32 {
      %mul3A_91 = arith.constant 80 : i32
      %mul3A_92 = arith.muli %scan3A_89, %mul3A_91 : i32
      %add3A_93 = arith.constant 0 : i32
      %add3A_94 = arith.addi %mul3A_92, %add3A_93 : i32
      %swap3A = arith.index_cast %add3A_94 : i32 to index
      %swap3A_95 = tpu.vector_load %arg10[%swap3A] {strides = array<i32>} : memref<102400xf32, #tpu.memory_space<vmem>>, vector<16xf32>,
      tpu.vector_store %arg10[%swap3A], %broadcast_in_dim3A_63 {strides = array<i32>} : memref<102400xf32, #tpu.memory_space<vmem>>, vector<16xf32>,
      %add3A_96 = arith.constant 16 : i32
      %add3A_97 = arith.addi %mul3A_92, %add3A_96 : i32
      %swap3A_98 = arith.index_cast %add3A_97 : i32 to index
      %swap3A_99 = tpu.vector_load %arg10[%swap3A_98] {strides = array<i32>} : memref<102400xf32, #tpu.memory_space<vmem>>, vector<16xf32>,
      tpu.vector_store %arg10[%swap3A_98], %broadcast_in_dim3A_63 {strides = array<i32>} : memref<102400xf32, #tpu.memory_space<vmem>>, vector<16xf32>,
      %add3A_100 = arith.constant 32 : i32
      %add3A_101 = arith.addi %mul3A_92, %add3A_100 : i32
      %swap3A_102 = arith.index_cast %add3A_101 : i32 to index
      %swap3A_103 = tpu.vector_load %arg10[%swap3A_102] {strides = array<i32>} : memref<102400xf32, #tpu.memory_space<vmem>>, vector<16xf32>,
      tpu.vector_store %arg10[%swap3A_102], %broadcast_in_dim3A_63 {strides = array<i32>} : memref<102400xf32, #tpu.memory_space<vmem>>, vector<16xf32>,
      %add3A_104 = arith.constant 48 : i32
      %add3A_105 = arith.addi %mul3A_92, %add3A_104 : i32
      %swap3A_106 = arith.index_cast %add3A_105 : i32 to index
      %swap3A_107 = tpu.vector_load %arg10[%swap3A_106] {strides = array<i32>} : memref<102400xf32, #tpu.memory_space<vmem>>, vector<16xf32>,
      tpu.vector_store %arg10[%swap3A_106], %broadcast_in_dim3A_63 {strides = array<i32>} : memref<102400xf32, #tpu.memory_space<vmem>>, vector<16xf32>,
      %add3A_108 = arith.constant 64 : i32
      %add3A_109 = arith.addi %mul3A_92, %add3A_108 : i32
      %swap3A_110 = arith.index_cast %add3A_109 : i32 to index
      %swap3A_111 = tpu.vector_load %arg10[%swap3A_110] {strides = array<i32>} : memref<102400xf32, #tpu.memory_space<vmem>>, vector<16xf32>,
      tpu.vector_store %arg10[%swap3A_110], %broadcast_in_dim3A_63 {strides = array<i32>} : memref<102400xf32, #tpu.memory_space<vmem>>, vector<16xf32>,
      %scan3A_112 = arith.constant 0 : i32
      scf.yield %scan3A_112 : i32
    }
    %scan3A_70 = arith.constant 1280 : i32
    %broadcast_in_dim3A_71 = arith.constant 1.000000e+00 : f32
    %broadcast_in_dim3A_72 = vector.broadcast %broadcast_in_dim3A_71 : f32 to vector<16xf32>
    %scan3A_73 = arith.constant 0 : i32
    %scan3A_74 = arith.constant 0 : i32
    %scan3A_75 = arith.constant 125 : i32
    %scan3A_76 = arith.addi %scan3A_74, %scan3A_75 : i32
    %scan3A_77 = arith.constant 1 : i32
    %scan3A_78 = scf.for %scan3A_89 = %scan3A_74 to %scan3A_76 step %scan3A_77 iter_args(%scan3A_90 = %scan3A_73) -> (i32)  : i32 {
      %mul3A_91 = arith.constant 80 : i32
      %mul3A_92 = arith.muli %scan3A_89, %mul3A_91 : i32
      %add3A_93 = arith.constant 0 : i32
      %add3A_94 = arith.addi %mul3A_92, %add3A_93 : i32
      %swap3A = arith.index_cast %add3A_94 : i32 to index
      %swap3A_95 = tpu.vector_load %arg12[%swap3A] {strides = array<i32>} : memref<10000xf32, #tpu.memory_space<vmem>>, vector<16xf32>,
      tpu.vector_store %arg12[%swap3A], %broadcast_in_dim3A_72 {strides = array<i32>} : memref<10000xf32, #tpu.memory_space<vmem>>, vector<16xf32>,
      %add3A_96 = arith.constant 16 : i32
      %add3A_97 = arith.addi %mul3A_92, %add3A_96 : i32
      %swap3A_98 = arith.index_cast %add3A_97 : i32 to index
      %swap3A_99 = tpu.vector_load %arg12[%swap3A_98] {strides = array<i32>} : memref<10000xf32, #tpu.memory_space<vmem>>, vector<16xf32>,
      tpu.vector_store %arg12[%swap3A_98], %broadcast_in_dim3A_72 {strides = array<i32>} : memref<10000xf32, #tpu.memory_space<vmem>>, vector<16xf32>,
      %add3A_100 = arith.constant 32 : i32
      %add3A_101 = arith.addi %mul3A_92, %add3A_100 : i32
      %swap3A_102 = arith.index_cast %add3A_101 : i32 to index
      %swap3A_103 = tpu.vector_load %arg12[%swap3A_102] {strides = array<i32>} : memref<10000xf32, #tpu.memory_space<vmem>>, vector<16xf32>,
      tpu.vector_store %arg12[%swap3A_102], %broadcast_in_dim3A_72 {strides = array<i32>} : memref<10000xf32, #tpu.memory_space<vmem>>, vector<16xf32>,
      %add3A_104 = arith.constant 48 : i32
      %add3A_105 = arith.addi %mul3A_92, %add3A_104 : i32
      %swap3A_106 = arith.index_cast %add3A_105 : i32 to index
      %swap3A_107 = tpu.vector_load %arg12[%swap3A_106] {strides = array<i32>} : memref<10000xf32, #tpu.memory_space<vmem>>, vector<16xf32>,
      tpu.vector_store %arg12[%swap3A_106], %broadcast_in_dim3A_72 {strides = array<i32>} : memref<10000xf32, #tpu.memory_space<vmem>>, vector<16xf32>,
      %add3A_108 = arith.constant 64 : i32
      %add3A_109 = arith.addi %mul3A_92, %add3A_108 : i32
      %swap3A_110 = arith.index_cast %add3A_109 : i32 to index
      %swap3A_111 = tpu.vector_load %arg12[%swap3A_110] {strides = array<i32>} : memref<10000xf32, #tpu.memory_space<vmem>>, vector<16xf32>,
      tpu.vector_store %arg12[%swap3A_110], %broadcast_in_dim3A_72 {strides = array<i32>} : memref<10000xf32, #tpu.memory_space<vmem>>, vector<16xf32>,
      %scan3A_112 = arith.constant 0 : i32
      scf.yield %scan3A_112 : i32
    }
    %scan3A_79 = arith.constant 125 : i32
    %scan3A_80 = arith.constant 0 : i32
    %scan3A_81 = arith.constant 0 : i32
    %scan3A_82 = arith.constant 5 : i32
    %scan3A_83 = arith.addi %scan3A_81, %scan3A_82 : i32
    %scan3A_84 = arith.constant 1 : i32
    %scan3A_85 = scf.for %scan3A_89 = %scan3A_81 to %scan3A_83 step %scan3A_84 iter_args(%scan3A_90 = %scan3A_80) -> (i32)  : i32 {
      %mul3A_91 = arith.constant 5 : i32
      %mul3A_92 = arith.muli %add3A, %mul3A_91 : i32
      %add3A_93 = arith.addi %mul3A_92, %scan3A_89 : i32
      %mul3A_94 = arith.constant 10000 : i32
      %mul3A_95 = arith.muli %add3A_93, %mul3A_94 : i32
      "tpu.region"() ({
        %run_scoped3A = tpu.sem_alloc : memref<!tpu.dma_semaphore, #tpu.memory_space<semaphore_mem>>
        %dma_start3A = tpu.memref_slice %arg3[%mul3A_95] : memref<1600000xi32, #tpu.memory_space<hbm>> -> memref<10000xi32, #tpu.memory_space<hbm>>
        %dma_start3A_104 = tpu.memref_slice %arg3[%mul3A_95] : memref<1600000xi32, #tpu.memory_space<hbm>> -> memref<10000xi32, #tpu.memory_space<hbm>>
        tpu.enqueue_dma source(%dma_start3A_104 : memref<10000xi32, #tpu.memory_space<hbm>>) target(%arg11 : memref<10000xi32, #tpu.memory_space<vmem>>) target_semaphore(%run_scoped3A : memref<!tpu.dma_semaphore, #tpu.memory_space<semaphore_mem>>)
        %dma_wait3A = tpu.memref_slice %arg3[%mul3A_95] : memref<1600000xi32, #tpu.memory_space<hbm>> -> memref<10000xi32, #tpu.memory_space<hbm>>
        %dma_wait3A_105 = tpu.memref_slice %arg3[%mul3A_95] : memref<1600000xi32, #tpu.memory_space<hbm>> -> memref<10000xi32, #tpu.memory_space<hbm>>
        tpu.wait_dma2 semaphore(%run_scoped3A : memref<!tpu.dma_semaphore, #tpu.memory_space<semaphore_mem>>) src(%dma_wait3A_105 : memref<10000xi32, #tpu.memory_space<hbm>>) dst(%arg11 : memref<10000xi32, #tpu.memory_space<vmem>>)
        tpu.yield
      }) : () -> ()
      %scan3A_96 = arith.constant 0 : i32
      %scan3A_97 = arith.constant 0 : i32
      %scan3A_98 = arith.constant 125 : i32
      %scan3A_99 = arith.addi %scan3A_97, %scan3A_98 : i32
      %scan3A_100 = arith.constant 1 : i32
      %scan3A_101 = scf.for %scan3A_104 = %scan3A_97 to %scan3A_99 step %scan3A_100 iter_args(%scan3A_105 = %scan3A_96) -> (i32)  : i32 {
        %mul3A_106 = arith.constant 80 : i32
        %mul3A_107 = arith.muli %scan3A_104, %mul3A_106 : i32
        %add3A_108 = arith.constant 0 : i32
        %add3A_109 = arith.addi %mul3A_107, %add3A_108 : i32
        %get3A = arith.index_cast %add3A_109 : i32 to index
        %get3A_110 = tpu.vector_load %arg11[%get3A] {strides = array<i32>} : memref<10000xi32, #tpu.memory_space<vmem>>, vector<16xi32>,
        %get3A_111 = arith.index_cast %add3A_109 : i32 to index
        %get3A_112 = tpu.vector_load %arg12[%get3A_111] {strides = array<i32>} : memref<10000xf32, #tpu.memory_space<vmem>>, vector<16xf32>,
        tpu.vector_store_idx %arg10[%get3A_110], %get3A_112 {add = true} : memref<102400xf32, #tpu.memory_space<vmem>>[vector<16xi32>], vector<16xf32>,
        %add3A_113 = arith.constant 16 : i32
        %add3A_114 = arith.addi %mul3A_107, %add3A_113 : i32
        %get3A_115 = arith.index_cast %add3A_114 : i32 to index
        %get3A_116 = tpu.vector_load %arg11[%get3A_115] {strides = array<i32>} : memref<10000xi32, #tpu.memory_space<vmem>>, vector<16xi32>,
        %get3A_117 = arith.index_cast %add3A_114 : i32 to index
        %get3A_118 = tpu.vector_load %arg12[%get3A_117] {strides = array<i32>} : memref<10000xf32, #tpu.memory_space<vmem>>, vector<16xf32>,
        tpu.vector_store_idx %arg10[%get3A_116], %get3A_118 {add = true} : memref<102400xf32, #tpu.memory_space<vmem>>[vector<16xi32>], vector<16xf32>,
        %add3A_119 = arith.constant 32 : i32
        %add3A_120 = arith.addi %mul3A_107, %add3A_119 : i32
        %get3A_121 = arith.index_cast %add3A_120 : i32 to index
        %get3A_122 = tpu.vector_load %arg11[%get3A_121] {strides = array<i32>} : memref<10000xi32, #tpu.memory_space<vmem>>, vector<16xi32>,
        %get3A_123 = arith.index_cast %add3A_120 : i32 to index
        %get3A_124 = tpu.vector_load %arg12[%get3A_123] {strides = array<i32>} : memref<10000xf32, #tpu.memory_space<vmem>>, vector<16xf32>,
        tpu.vector_store_idx %arg10[%get3A_122], %get3A_124 {add = true} : memref<102400xf32, #tpu.memory_space<vmem>>[vector<16xi32>], vector<16xf32>,
        %add3A_125 = arith.constant 48 : i32
        %add3A_126 = arith.addi %mul3A_107, %add3A_125 : i32
        %get3A_127 = arith.index_cast %add3A_126 : i32 to index
        %get3A_128 = tpu.vector_load %arg11[%get3A_127] {strides = array<i32>} : memref<10000xi32, #tpu.memory_space<vmem>>, vector<16xi32>,
        %get3A_129 = arith.index_cast %add3A_126 : i32 to index
        %get3A_130 = tpu.vector_load %arg12[%get3A_129] {strides = array<i32>} : memref<10000xf32, #tpu.memory_space<vmem>>, vector<16xf32>,
        tpu.vector_store_idx %arg10[%get3A_128], %get3A_130 {add = true} : memref<102400xf32, #tpu.memory_space<vmem>>[vector<16xi32>], vector<16xf32>,
        %add3A_131 = arith.constant 64 : i32
        %add3A_132 = arith.addi %mul3A_107, %add3A_131 : i32
        %get3A_133 = arith.index_cast %add3A_132 : i32 to index
        %get3A_134 = tpu.vector_load %arg11[%get3A_133] {strides = array<i32>} : memref<10000xi32, #tpu.memory_space<vmem>>, vector<16xi32>,
        %get3A_135 = arith.index_cast %add3A_132 : i32 to index
        %get3A_136 = tpu.vector_load %arg12[%get3A_135] {strides = array<i32>} : memref<10000xf32, #tpu.memory_space<vmem>>, vector<16xf32>,
        tpu.vector_store_idx %arg10[%get3A_134], %get3A_136 {add = true} : memref<102400xf32, #tpu.memory_space<vmem>>[vector<16xi32>], vector<16xf32>,
        %scan3A_137 = arith.constant 0 : i32
        scf.yield %scan3A_137 : i32
      }
      %scan3A_102 = arith.constant 125 : i32
      %scan3A_103 = arith.constant 0 : i32
      scf.yield %scan3A_103 : i32
    }
    %scan3A_86 = arith.constant 5 : i32
    %mul3A_87 = arith.constant 102400 : i32
    %mul3A_88 = arith.muli %add3A, %mul3A_87 : i32
    "tpu.region"() ({
      %run_scoped3A = tpu.sem_alloc : memref<!tpu.dma_semaphore, #tpu.memory_space<semaphore_mem>>
      %dma_start3A = tpu.memref_slice %arg9[%mul3A_88] : memref<3276800xf32, #tpu.memory_space<hbm>> -> memref<102400xf32, #tpu.memory_space<hbm>>
      %dma_start3A_89 = tpu.memref_slice %arg9[%mul3A_88] : memref<3276800xf32, #tpu.memory_space<hbm>> -> memref<102400xf32, #tpu.memory_space<hbm>>
      tpu.enqueue_dma source(%arg10 : memref<102400xf32, #tpu.memory_space<vmem>>) target(%dma_start3A_89 : memref<102400xf32, #tpu.memory_space<hbm>>) target_semaphore(%run_scoped3A : memref<!tpu.dma_semaphore, #tpu.memory_space<semaphore_mem>>)
      %dma_wait3A = tpu.memref_slice %arg9[%mul3A_88] : memref<3276800xf32, #tpu.memory_space<hbm>> -> memref<102400xf32, #tpu.memory_space<hbm>>
      %dma_wait3A_90 = tpu.memref_slice %arg9[%mul3A_88] : memref<3276800xf32, #tpu.memory_space<hbm>> -> memref<102400xf32, #tpu.memory_space<hbm>>
      tpu.wait_dma2 semaphore(%run_scoped3A : memref<!tpu.dma_semaphore, #tpu.memory_space<semaphore_mem>>) src(%arg10 : memref<102400xf32, #tpu.memory_space<vmem>>) dst(%dma_wait3A_90 : memref<102400xf32, #tpu.memory_space<hbm>>)
      tpu.yield
    }) : () -> ()
    return
  }
}

module attributes {stable_mosaic.version = 14 : i64} {
  func.func @body(%arg0: i32, %arg1: memref<3x4096xf32, #tpu.memory_space<vmem>>, %arg2: memref<3x2xf32, #tpu.memory_space<vmem>>) attributes {dimension_semantics = [#tpu.dimension_semantics<arbitrary>], iteration_bounds = array<i64: 25>, scalar_prefetch = 0 : i64, scratch_operands = 0 : i64, tpu.core_type = #tpu.core_type<tc>, window_params = [{transform_indices = @transform_0, window_bounds = array<i64: 3, 4096>}, {pipeline_mode = #tpu.pipeline_mode<synchronous>, transform_indices = @transform_1, window_bounds = array<i64: 3, 2>}]} {
    %get3A = arith.constant 0 : index
    %get3A_0 = arith.constant 0 : index
    %get3A_1 = vector.load %arg1[%get3A, %get3A_0] : memref<3x4096xf32, #tpu.memory_space<vmem>>, vector<3x4096xf32>
    %reduce_sum3A = arith.constant dense<0.000000e+00> : vector<3xf32>
    %reduce_sum3A_2 = vector.multi_reduction <add>, %get3A_1, %reduce_sum3A [1] : vector<3x4096xf32> to vector<3xf32>
    %broadcast_in_dim3A = vector.shape_cast %reduce_sum3A_2 : vector<3xf32> to vector<3x1xf32>
    %mul3A = arith.mulf %get3A_1, %get3A_1 : vector<3x4096xf32>
    %reduce_sum3A_3 = arith.constant dense<0.000000e+00> : vector<3xf32>
    %reduce_sum3A_4 = vector.multi_reduction <add>, %mul3A, %reduce_sum3A_3 [1] : vector<3x4096xf32> to vector<3xf32>
    %broadcast_in_dim3A_5 = vector.shape_cast %reduce_sum3A_4 : vector<3xf32> to vector<3x1xf32>
    %concatenate3A = tpu.concatenate %broadcast_in_dim3A, %broadcast_in_dim3A_5 in 1 : vector<3x1xf32>, vector<3x1xf32> -> vector<3x2xf32>
    %eq3A = arith.constant 0 : i32
    %eq3A_6 = arith.cmpi eq, %arg0, %eq3A : i32
    %convert_element_type3A = arith.extui %eq3A_6 : i1 to i32
    %cond3A = arith.constant 0 : i32
    %cond3A_7 = arith.cmpi ne, %convert_element_type3A, %cond3A : i32
    scf.if %cond3A_7 {
      %broadcast_in_dim3A_13 = arith.constant 0.000000e+00 : f32
      %broadcast_in_dim3A_14 = vector.broadcast %broadcast_in_dim3A_13 : f32 to vector<3x2xf32>
      %swap3A_15 = arith.constant 0 : index
      %swap3A_16 = arith.constant 0 : index
      %swap3A_17 = vector.load %arg2[%swap3A_15, %swap3A_16] : memref<3x2xf32, #tpu.memory_space<vmem>>, vector<3x2xf32>
      tpu.vector_store %arg2[%swap3A_15, %swap3A_16], %broadcast_in_dim3A_14 {strides = array<i32>} : memref<3x2xf32, #tpu.memory_space<vmem>>, vector<3x2xf32>,
    } else {
    }
    %get3A_8 = arith.constant 0 : index
    %get3A_9 = arith.constant 0 : index
    %get3A_10 = vector.load %arg2[%get3A_8, %get3A_9] : memref<3x2xf32, #tpu.memory_space<vmem>>, vector<3x2xf32>
    %add3A = arith.addf %get3A_10, %concatenate3A : vector<3x2xf32>
    %swap3A = arith.constant 0 : index
    %swap3A_11 = arith.constant 0 : index
    %swap3A_12 = vector.load %arg2[%swap3A, %swap3A_11] : memref<3x2xf32, #tpu.memory_space<vmem>>, vector<3x2xf32>
    tpu.vector_store %arg2[%swap3A, %swap3A_11], %add3A {strides = array<i32>} : memref<3x2xf32, #tpu.memory_space<vmem>>, vector<3x2xf32>,
    return
  }
  func.func @transform_0(%arg0: i32) -> (i32, i32) {
    %c0_i32 = arith.constant 0 : i32
    %c0_i32_0 = arith.constant 0 : i32
    return %c0_i32, %arg0 : i32, i32
  }
  func.func @transform_1(%arg0: i32) -> (i32, i32) {
    %c0_i32 = arith.constant 0 : i32
    %c0_i32_0 = arith.constant 0 : i32
    %c0_i32_1 = arith.constant 0 : i32
    return %c0_i32, %c0_i32_0 : i32, i32
  }
}

module attributes {stable_mosaic.version = 14 : i64} {
  func.func @body(%arg0: i32, %arg1: memref<8192xf32, #tpu.memory_space<vmem>>, %arg2: memref<8192xf32, #tpu.memory_space<vmem>>, %arg3: memref<8192xf32, #tpu.memory_space<vmem>>, %arg4: memref<4x8192xf32, #tpu.memory_space<vmem>>, %arg5: memref<3x2xf32, #tpu.memory_space<vmem>>, %arg6: memref<3x32xf32, #tpu.memory_space<vmem>>, %arg7: memref<4x32xf32, #tpu.memory_space<vmem>>, %arg8: memref<32x1xf32, #tpu.memory_space<vmem>>, %arg9: memref<32x64xf32, #tpu.memory_space<vmem>>, %arg10: memref<64x1xf32, #tpu.memory_space<vmem>>, %arg11: memref<64x32xf32, #tpu.memory_space<vmem>>, %arg12: memref<32x1xf32, #tpu.memory_space<vmem>>, %arg13: memref<32x2xf32, #tpu.memory_space<vmem>>, %arg14: memref<2x1xf32, #tpu.memory_space<vmem>>, %arg15: memref<8192xf32, #tpu.memory_space<vmem>>, %arg16: memref<8192xf32, #tpu.memory_space<vmem>>) attributes {dimension_semantics = [#tpu.dimension_semantics<arbitrary>], iteration_bounds = array<i64: 196>, scalar_prefetch = 0 : i64, scratch_operands = 0 : i64, tpu.core_type = #tpu.core_type<tc>, window_params = [{transform_indices = @transform_0, window_bounds = array<i64: 8192>}, {transform_indices = @transform_1, window_bounds = array<i64: 8192>}, {transform_indices = @transform_2, window_bounds = array<i64: 8192>}, {transform_indices = @transform_3, window_bounds = array<i64: 4, 8192>}, {pipeline_mode = #tpu.pipeline_mode<synchronous>, transform_indices = @transform_4, window_bounds = array<i64: 3, 2>}, {pipeline_mode = #tpu.pipeline_mode<synchronous>, transform_indices = @transform_5, window_bounds = array<i64: 3, 32>}, {pipeline_mode = #tpu.pipeline_mode<synchronous>, transform_indices = @transform_6, window_bounds = array<i64: 4, 32>}, {pipeline_mode = #tpu.pipeline_mode<synchronous>, transform_indices = @transform_7, window_bounds = array<i64: 32, 1>}, {pipeline_mode = #tpu.pipeline_mode<synchronous>, transform_indices = @transform_8, window_bounds = array<i64: 32, 64>}, {pipeline_mode = #tpu.pipeline_mode<synchronous>, transform_indices = @transform_9, window_bounds = array<i64: 64, 1>}, {pipeline_mode = #tpu.pipeline_mode<synchronous>, transform_indices = @transform_10, window_bounds = array<i64: 64, 32>}, {pipeline_mode = #tpu.pipeline_mode<synchronous>, transform_indices = @transform_11, window_bounds = array<i64: 32, 1>}, {pipeline_mode = #tpu.pipeline_mode<synchronous>, transform_indices = @transform_12, window_bounds = array<i64: 32, 2>}, {pipeline_mode = #tpu.pipeline_mode<synchronous>, transform_indices = @transform_13, window_bounds = array<i64: 2, 1>}, {transform_indices = @transform_14, window_bounds = array<i64: 8192>}, {transform_indices = @transform_15, window_bounds = array<i64: 8192>}]} {
    %get3A = arith.constant 0 : index
    %get3A_0 = vector.load %arg1[%get3A] : memref<8192xf32, #tpu.memory_space<vmem>>, vector<8192xf32>
    %reshape3A = vector.shape_cast %get3A_0 : vector<8192xf32> to vector<1x8192xf32>
    %get3A_1 = arith.constant 0 : index
    %get3A_2 = vector.load %arg2[%get3A_1] : memref<8192xf32, #tpu.memory_space<vmem>>, vector<8192xf32>
    %reshape3A_3 = vector.shape_cast %get3A_2 : vector<8192xf32> to vector<1x8192xf32>
    %get3A_4 = arith.constant 0 : index
    %get3A_5 = vector.load %arg3[%get3A_4] : memref<8192xf32, #tpu.memory_space<vmem>>, vector<8192xf32>
    %reshape3A_6 = vector.shape_cast %get3A_5 : vector<8192xf32> to vector<1x8192xf32>
    %concatenate3A = tpu.concatenate %reshape3A, %reshape3A_3, %reshape3A_6 in 0 : vector<1x8192xf32>, vector<1x8192xf32>, vector<1x8192xf32> -> vector<3x8192xf32>
    %get3A_7 = arith.constant 0 : index
    %get3A_8 = arith.constant 0 : index
    %get3A_9 = vector.load %arg5[%get3A_7, %get3A_8] : memref<3x2xf32, #tpu.memory_space<vmem>>, vector<3x2xf32>
    %slice3A = vector.extract_strided_slice %get3A_9 {offsets = [0, 0], sizes = [3, 1], strides = [1, 1]} : vector<3x2xf32> to vector<3x1xf32>
    %mul3A = vector.broadcast %slice3A : vector<3x1xf32> to vector<3x8192xf32>
    %mul3A_10 = arith.mulf %concatenate3A, %mul3A : vector<3x8192xf32>
    %slice3A_11 = vector.extract_strided_slice %get3A_9 {offsets = [0, 1], sizes = [3, 1], strides = [1, 1]} : vector<3x2xf32> to vector<3x1xf32>
    %add3A = vector.broadcast %slice3A_11 : vector<3x1xf32> to vector<3x8192xf32>
    %add3A_12 = arith.addf %mul3A_10, %add3A : vector<3x8192xf32>
    %get3A_13 = arith.constant 0 : index
    %get3A_14 = arith.constant 0 : index
    %get3A_15 = vector.load %arg6[%get3A_13, %get3A_14] : memref<3x32xf32, #tpu.memory_space<vmem>>, vector<3x32xf32>
    %dot_general3A = arith.constant dense<0.000000e+00> : vector<32x8192xf32>
    %dot_general3A_16 = tpu.matmul %get3A_15, %add3A_12, %dot_general3A {dimension_numbers = #tpu.dot_dimension_numbers<[0], [0], [1], [1], [0, 1, 1, 1], [], []>, transpose_lhs_hint = false} : vector<3x32xf32>, vector<3x8192xf32>, vector<32x8192xf32> -> vector<32x8192xf32>
    %get3A_17 = arith.constant 0 : index
    %get3A_18 = arith.constant 0 : index
    %get3A_19 = vector.load %arg7[%get3A_17, %get3A_18] : memref<4x32xf32, #tpu.memory_space<vmem>>, vector<4x32xf32>
    %get3A_20 = arith.constant 0 : index
    %get3A_21 = arith.constant 0 : index
    %get3A_22 = vector.load %arg4[%get3A_20, %get3A_21] : memref<4x8192xf32, #tpu.memory_space<vmem>>, vector<4x8192xf32>
    %dot_general3A_23 = arith.constant dense<0.000000e+00> : vector<32x8192xf32>
    %dot_general3A_24 = tpu.matmul %get3A_19, %get3A_22, %dot_general3A_23 {dimension_numbers = #tpu.dot_dimension_numbers<[0], [0], [1], [1], [0, 1, 1, 1], [], []>, transpose_lhs_hint = false} : vector<4x32xf32>, vector<4x8192xf32>, vector<32x8192xf32> -> vector<32x8192xf32>
    %add3A_25 = arith.addf %dot_general3A_16, %dot_general3A_24 : vector<32x8192xf32>
    %get3A_26 = arith.constant 0 : index
    %get3A_27 = arith.constant 0 : index
    %get3A_28 = vector.load %arg8[%get3A_26, %get3A_27] : memref<32x1xf32, #tpu.memory_space<vmem>>, vector<32x1xf32>
    %add3A_29 = vector.broadcast %get3A_28 : vector<32x1xf32> to vector<32x8192xf32>
    %add3A_30 = arith.addf %add3A_25, %add3A_29 : vector<32x8192xf32>
    %max3A = arith.constant 0.000000e+00 : f32
    %max3A_31 = vector.broadcast %max3A : f32 to vector<32x8192xf32>
    %max3A_32 = arith.maximumf %add3A_30, %max3A_31 : vector<32x8192xf32>
    %get3A_33 = arith.constant 0 : index
    %get3A_34 = arith.constant 0 : index
    %get3A_35 = vector.load %arg9[%get3A_33, %get3A_34] : memref<32x64xf32, #tpu.memory_space<vmem>>, vector<32x64xf32>
    %dot_general3A_36 = arith.constant dense<0.000000e+00> : vector<64x8192xf32>
    %dot_general3A_37 = tpu.matmul %get3A_35, %max3A_32, %dot_general3A_36 {dimension_numbers = #tpu.dot_dimension_numbers<[0], [0], [1], [1], [0, 1, 1, 1], [], []>, transpose_lhs_hint = false} : vector<32x64xf32>, vector<32x8192xf32>, vector<64x8192xf32> -> vector<64x8192xf32>
    %get3A_38 = arith.constant 0 : index
    %get3A_39 = arith.constant 0 : index
    %get3A_40 = vector.load %arg10[%get3A_38, %get3A_39] : memref<64x1xf32, #tpu.memory_space<vmem>>, vector<64x1xf32>
    %add3A_41 = vector.broadcast %get3A_40 : vector<64x1xf32> to vector<64x8192xf32>
    %add3A_42 = arith.addf %dot_general3A_37, %add3A_41 : vector<64x8192xf32>
    %max3A_43 = arith.constant 0.000000e+00 : f32
    %max3A_44 = vector.broadcast %max3A_43 : f32 to vector<64x8192xf32>
    %max3A_45 = arith.maximumf %add3A_42, %max3A_44 : vector<64x8192xf32>
    %get3A_46 = arith.constant 0 : index
    %get3A_47 = arith.constant 0 : index
    %get3A_48 = vector.load %arg11[%get3A_46, %get3A_47] : memref<64x32xf32, #tpu.memory_space<vmem>>, vector<64x32xf32>
    %dot_general3A_49 = arith.constant dense<0.000000e+00> : vector<32x8192xf32>
    %dot_general3A_50 = tpu.matmul %get3A_48, %max3A_45, %dot_general3A_49 {dimension_numbers = #tpu.dot_dimension_numbers<[0], [0], [1], [1], [0, 1, 1, 1], [], []>, transpose_lhs_hint = false} : vector<64x32xf32>, vector<64x8192xf32>, vector<32x8192xf32> -> vector<32x8192xf32>
    %get3A_51 = arith.constant 0 : index
    %get3A_52 = arith.constant 0 : index
    %get3A_53 = vector.load %arg12[%get3A_51, %get3A_52] : memref<32x1xf32, #tpu.memory_space<vmem>>, vector<32x1xf32>
    %add3A_54 = vector.broadcast %get3A_53 : vector<32x1xf32> to vector<32x8192xf32>
    %add3A_55 = arith.addf %dot_general3A_50, %add3A_54 : vector<32x8192xf32>
    %max3A_56 = arith.constant 0.000000e+00 : f32
    %max3A_57 = vector.broadcast %max3A_56 : f32 to vector<32x8192xf32>
    %max3A_58 = arith.maximumf %add3A_55, %max3A_57 : vector<32x8192xf32>
    %get3A_59 = arith.constant 0 : index
    %get3A_60 = arith.constant 0 : index
    %get3A_61 = vector.load %arg13[%get3A_59, %get3A_60] : memref<32x2xf32, #tpu.memory_space<vmem>>, vector<32x2xf32>
    %dot_general3A_62 = arith.constant dense<0.000000e+00> : vector<2x8192xf32>
    %dot_general3A_63 = tpu.matmul %get3A_61, %max3A_58, %dot_general3A_62 {dimension_numbers = #tpu.dot_dimension_numbers<[0], [0], [1], [1], [0, 1, 1, 1], [], []>, transpose_lhs_hint = false} : vector<32x2xf32>, vector<32x8192xf32>, vector<2x8192xf32> -> vector<2x8192xf32>
    %get3A_64 = arith.constant 0 : index
    %get3A_65 = arith.constant 0 : index
    %get3A_66 = vector.load %arg14[%get3A_64, %get3A_65] : memref<2x1xf32, #tpu.memory_space<vmem>>, vector<2x1xf32>
    %add3A_67 = vector.broadcast %get3A_66 : vector<2x1xf32> to vector<2x8192xf32>
    %add3A_68 = arith.addf %dot_general3A_63, %add3A_67 : vector<2x8192xf32>
    %max3A_69 = arith.constant 0.000000e+00 : f32
    %max3A_70 = vector.broadcast %max3A_69 : f32 to vector<2x8192xf32>
    %max3A_71 = arith.maximumf %add3A_68, %max3A_70 : vector<2x8192xf32>
    %slice3A_72 = vector.extract_strided_slice %max3A_71 {offsets = [0, 0], sizes = [1, 8192], strides = [1, 1]} : vector<2x8192xf32> to vector<1x8192xf32>
    %squeeze3A = vector.shape_cast %slice3A_72 : vector<1x8192xf32> to vector<8192xf32>
    %swap3A = arith.constant 0 : index
    %swap3A_73 = vector.load %arg15[%swap3A] : memref<8192xf32, #tpu.memory_space<vmem>>, vector<8192xf32>
    tpu.vector_store %arg15[%swap3A], %squeeze3A {strides = array<i32>} : memref<8192xf32, #tpu.memory_space<vmem>>, vector<8192xf32>,
    %slice3A_74 = vector.extract_strided_slice %max3A_71 {offsets = [1, 0], sizes = [1, 8192], strides = [1, 1]} : vector<2x8192xf32> to vector<1x8192xf32>
    %squeeze3A_75 = vector.shape_cast %slice3A_74 : vector<1x8192xf32> to vector<8192xf32>
    %swap3A_76 = arith.constant 0 : index
    %swap3A_77 = vector.load %arg16[%swap3A_76] : memref<8192xf32, #tpu.memory_space<vmem>>, vector<8192xf32>
    tpu.vector_store %arg16[%swap3A_76], %squeeze3A_75 {strides = array<i32>} : memref<8192xf32, #tpu.memory_space<vmem>>, vector<8192xf32>,
    return
  }
  func.func @transform_0(%arg0: i32) -> i32 {
    %c0_i32 = arith.constant 0 : i32
    return %arg0 : i32
  }
  func.func @transform_1(%arg0: i32) -> i32 {
    %c0_i32 = arith.constant 0 : i32
    return %arg0 : i32
  }
  func.func @transform_2(%arg0: i32) -> i32 {
    %c0_i32 = arith.constant 0 : i32
    return %arg0 : i32
  }
  func.func @transform_3(%arg0: i32) -> (i32, i32) {
    %c0_i32 = arith.constant 0 : i32
    %c0_i32_0 = arith.constant 0 : i32
    return %c0_i32, %arg0 : i32, i32
  }
  func.func @transform_4(%arg0: i32) -> (i32, i32) {
    %c0_i32 = arith.constant 0 : i32
    %c0_i32_0 = arith.constant 0 : i32
    %c0_i32_1 = arith.constant 0 : i32
    return %c0_i32, %c0_i32_0 : i32, i32
  }
  func.func @transform_5(%arg0: i32) -> (i32, i32) {
    %c0_i32 = arith.constant 0 : i32
    %c0_i32_0 = arith.constant 0 : i32
    %c0_i32_1 = arith.constant 0 : i32
    return %c0_i32, %c0_i32_0 : i32, i32
  }
  func.func @transform_6(%arg0: i32) -> (i32, i32) {
    %c0_i32 = arith.constant 0 : i32
    %c0_i32_0 = arith.constant 0 : i32
    %c0_i32_1 = arith.constant 0 : i32
    return %c0_i32, %c0_i32_0 : i32, i32
  }
  func.func @transform_7(%arg0: i32) -> (i32, i32) {
    %c0_i32 = arith.constant 0 : i32
    %c0_i32_0 = arith.constant 0 : i32
    %c0_i32_1 = arith.constant 0 : i32
    return %c0_i32, %c0_i32_0 : i32, i32
  }
  func.func @transform_8(%arg0: i32) -> (i32, i32) {
    %c0_i32 = arith.constant 0 : i32
    %c0_i32_0 = arith.constant 0 : i32
    %c0_i32_1 = arith.constant 0 : i32
    return %c0_i32, %c0_i32_0 : i32, i32
  }
  func.func @transform_9(%arg0: i32) -> (i32, i32) {
    %c0_i32 = arith.constant 0 : i32
    %c0_i32_0 = arith.constant 0 : i32
    %c0_i32_1 = arith.constant 0 : i32
    return %c0_i32, %c0_i32_0 : i32, i32
  }
  func.func @transform_10(%arg0: i32) -> (i32, i32) {
    %c0_i32 = arith.constant 0 : i32
    %c0_i32_0 = arith.constant 0 : i32
    %c0_i32_1 = arith.constant 0 : i32
    return %c0_i32, %c0_i32_0 : i32, i32
  }
  func.func @transform_11(%arg0: i32) -> (i32, i32) {
    %c0_i32 = arith.constant 0 : i32
    %c0_i32_0 = arith.constant 0 : i32
    %c0_i32_1 = arith.constant 0 : i32
    return %c0_i32, %c0_i32_0 : i32, i32
  }
  func.func @transform_12(%arg0: i32) -> (i32, i32) {
    %c0_i32 = arith.constant 0 : i32
    %c0_i32_0 = arith.constant 0 : i32
    %c0_i32_1 = arith.constant 0 : i32
    return %c0_i32, %c0_i32_0 : i32, i32
  }
  func.func @transform_13(%arg0: i32) -> (i32, i32) {
    %c0_i32 = arith.constant 0 : i32
    %c0_i32_0 = arith.constant 0 : i32
    %c0_i32_1 = arith.constant 0 : i32
    return %c0_i32, %c0_i32_0 : i32, i32
  }
  func.func @transform_14(%arg0: i32) -> i32 {
    %c0_i32 = arith.constant 0 : i32
    return %arg0 : i32
  }
  func.func @transform_15(%arg0: i32) -> i32 {
    %c0_i32 = arith.constant 0 : i32
    return %arg0 : i32
  }
}

module attributes {stable_mosaic.version = 14 : i64} {
  func.func @body(%arg0: i32, %arg1: i32, %arg2: memref<4096xf32, #tpu.memory_space<vmem>>, %arg3: memref<4096xf32, #tpu.memory_space<vmem>>, %arg4: memref<4096xf32, #tpu.memory_space<vmem>>, %arg5: memref<4096xf32, #tpu.memory_space<vmem>>, %arg6: memref<4096xf32, #tpu.memory_space<vmem>>, %arg7: memref<4096xf32, #tpu.memory_space<vmem>>, %arg8: memref<4096xf32, #tpu.memory_space<vmem>>, %arg9: memref<4096xf32, #tpu.memory_space<vmem>>, %arg10: memref<1x4xf32, #tpu.memory_space<vmem>>) attributes {dimension_semantics = [#tpu.dimension_semantics<arbitrary>, #tpu.dimension_semantics<arbitrary>], iteration_bounds = array<i64: 25, 32>, scalar_prefetch = 0 : i64, scratch_operands = 0 : i64, tpu.core_type = #tpu.core_type<tc>, window_params = [{transform_indices = @transform_0, window_bounds = array<i64: 4096>}, {transform_indices = @transform_1, window_bounds = array<i64: 4096>}, {transform_indices = @transform_2, window_bounds = array<i64: 4096>}, {transform_indices = @transform_3, window_bounds = array<i64: 4096>}, {transform_indices = @transform_4, window_bounds = array<i64: 4096>}, {transform_indices = @transform_5, window_bounds = array<i64: 4096>}, {transform_indices = @transform_6, window_bounds = array<i64: 4096>}, {transform_indices = @transform_7, window_bounds = array<i64: 4096>}, {pipeline_mode = #tpu.pipeline_mode<synchronous>, transform_indices = @transform_8, window_bounds = array<i64: 1, 4>}]} {
    %eq3A = arith.constant 0 : i32
    %eq3A_0 = arith.cmpi eq, %arg1, %eq3A : i32
    %convert_element_type3A = arith.extui %eq3A_0 : i1 to i32
    %cond3A = arith.constant 0 : i32
    %cond3A_1 = arith.cmpi ne, %convert_element_type3A, %cond3A : i32
    scf.if %cond3A_1 {
      %broadcast_in_dim3A = arith.constant 0.000000e+00 : f32
      %broadcast_in_dim3A_32 = vector.broadcast %broadcast_in_dim3A : f32 to vector<4096xf32>
      %swap3A_33 = arith.constant 0 : index
      %swap3A_34 = vector.load %arg6[%swap3A_33] : memref<4096xf32, #tpu.memory_space<vmem>>, vector<4096xf32>
      tpu.vector_store %arg6[%swap3A_33], %broadcast_in_dim3A_32 {strides = array<i32>} : memref<4096xf32, #tpu.memory_space<vmem>>, vector<4096xf32>,
      %broadcast_in_dim3A_35 = arith.constant 0.000000e+00 : f32
      %broadcast_in_dim3A_36 = vector.broadcast %broadcast_in_dim3A_35 : f32 to vector<4096xf32>
      %swap3A_37 = arith.constant 0 : index
      %swap3A_38 = vector.load %arg7[%swap3A_37] : memref<4096xf32, #tpu.memory_space<vmem>>, vector<4096xf32>
      tpu.vector_store %arg7[%swap3A_37], %broadcast_in_dim3A_36 {strides = array<i32>} : memref<4096xf32, #tpu.memory_space<vmem>>, vector<4096xf32>,
      %broadcast_in_dim3A_39 = arith.constant 0.000000e+00 : f32
      %broadcast_in_dim3A_40 = vector.broadcast %broadcast_in_dim3A_39 : f32 to vector<4096xf32>
      %swap3A_41 = arith.constant 0 : index
      %swap3A_42 = vector.load %arg8[%swap3A_41] : memref<4096xf32, #tpu.memory_space<vmem>>, vector<4096xf32>
      tpu.vector_store %arg8[%swap3A_41], %broadcast_in_dim3A_40 {strides = array<i32>} : memref<4096xf32, #tpu.memory_space<vmem>>, vector<4096xf32>,
      %broadcast_in_dim3A_43 = arith.constant 0.000000e+00 : f32
      %broadcast_in_dim3A_44 = vector.broadcast %broadcast_in_dim3A_43 : f32 to vector<4096xf32>
      %swap3A_45 = arith.constant 0 : index
      %swap3A_46 = vector.load %arg9[%swap3A_45] : memref<4096xf32, #tpu.memory_space<vmem>>, vector<4096xf32>
      tpu.vector_store %arg9[%swap3A_45], %broadcast_in_dim3A_44 {strides = array<i32>} : memref<4096xf32, #tpu.memory_space<vmem>>, vector<4096xf32>,
    } else {
    }
    %get3A = arith.constant 0 : index
    %get3A_2 = vector.load %arg6[%get3A] : memref<4096xf32, #tpu.memory_space<vmem>>, vector<4096xf32>
    %get3A_3 = arith.constant 0 : index
    %get3A_4 = vector.load %arg2[%get3A_3] : memref<4096xf32, #tpu.memory_space<vmem>>, vector<4096xf32>
    %add3A = arith.addf %get3A_2, %get3A_4 : vector<4096xf32>
    %swap3A = arith.constant 0 : index
    %swap3A_5 = vector.load %arg6[%swap3A] : memref<4096xf32, #tpu.memory_space<vmem>>, vector<4096xf32>
    tpu.vector_store %arg6[%swap3A], %add3A {strides = array<i32>} : memref<4096xf32, #tpu.memory_space<vmem>>, vector<4096xf32>,
    %get3A_6 = arith.constant 0 : index
    %get3A_7 = vector.load %arg7[%get3A_6] : memref<4096xf32, #tpu.memory_space<vmem>>, vector<4096xf32>
    %get3A_8 = arith.constant 0 : index
    %get3A_9 = vector.load %arg3[%get3A_8] : memref<4096xf32, #tpu.memory_space<vmem>>, vector<4096xf32>
    %add3A_10 = arith.addf %get3A_7, %get3A_9 : vector<4096xf32>
    %swap3A_11 = arith.constant 0 : index
    %swap3A_12 = vector.load %arg7[%swap3A_11] : memref<4096xf32, #tpu.memory_space<vmem>>, vector<4096xf32>
    tpu.vector_store %arg7[%swap3A_11], %add3A_10 {strides = array<i32>} : memref<4096xf32, #tpu.memory_space<vmem>>, vector<4096xf32>,
    %get3A_13 = arith.constant 0 : index
    %get3A_14 = vector.load %arg8[%get3A_13] : memref<4096xf32, #tpu.memory_space<vmem>>, vector<4096xf32>
    %get3A_15 = arith.constant 0 : index
    %get3A_16 = vector.load %arg4[%get3A_15] : memref<4096xf32, #tpu.memory_space<vmem>>, vector<4096xf32>
    %add3A_17 = arith.addf %get3A_14, %get3A_16 : vector<4096xf32>
    %swap3A_18 = arith.constant 0 : index
    %swap3A_19 = vector.load %arg8[%swap3A_18] : memref<4096xf32, #tpu.memory_space<vmem>>, vector<4096xf32>
    tpu.vector_store %arg8[%swap3A_18], %add3A_17 {strides = array<i32>} : memref<4096xf32, #tpu.memory_space<vmem>>, vector<4096xf32>,
    %get3A_20 = arith.constant 0 : index
    %get3A_21 = vector.load %arg9[%get3A_20] : memref<4096xf32, #tpu.memory_space<vmem>>, vector<4096xf32>
    %get3A_22 = arith.constant 0 : index
    %get3A_23 = vector.load %arg5[%get3A_22] : memref<4096xf32, #tpu.memory_space<vmem>>, vector<4096xf32>
    %add3A_24 = arith.addf %get3A_21, %get3A_23 : vector<4096xf32>
    %swap3A_25 = arith.constant 0 : index
    %swap3A_26 = vector.load %arg9[%swap3A_25] : memref<4096xf32, #tpu.memory_space<vmem>>, vector<4096xf32>
    tpu.vector_store %arg9[%swap3A_25], %add3A_24 {strides = array<i32>} : memref<4096xf32, #tpu.memory_space<vmem>>, vector<4096xf32>,
    %eq3A_27 = arith.constant 31 : i32
    %eq3A_28 = arith.cmpi eq, %arg1, %eq3A_27 : i32
    %convert_element_type3A_29 = arith.extui %eq3A_28 : i1 to i32
    %cond3A_30 = arith.constant 0 : i32
    %cond3A_31 = arith.cmpi ne, %convert_element_type3A_29, %cond3A_30 : i32
    scf.if %cond3A_31 {
      %get3A_32 = arith.constant 0 : index
      %get3A_33 = vector.load %arg8[%get3A_32] : memref<4096xf32, #tpu.memory_space<vmem>>, vector<4096xf32>
      %max3A = arith.constant 1.000000e+00 : f32
      %max3A_34 = vector.broadcast %max3A : f32 to vector<4096xf32>
      %max3A_35 = arith.maximumf %get3A_33, %max3A_34 : vector<4096xf32>
      %get3A_36 = arith.constant 0 : index
      %get3A_37 = vector.load %arg6[%get3A_36] : memref<4096xf32, #tpu.memory_space<vmem>>, vector<4096xf32>
      %div3A = arith.divf %get3A_37, %max3A_35 : vector<4096xf32>
      %get3A_38 = arith.constant 0 : index
      %get3A_39 = vector.load %arg7[%get3A_38] : memref<4096xf32, #tpu.memory_space<vmem>>, vector<4096xf32>
      %div3A_40 = arith.divf %get3A_39, %max3A_35 : vector<4096xf32>
      %swap3A_41 = arith.constant 0 : index
      %swap3A_42 = vector.load %arg6[%swap3A_41] : memref<4096xf32, #tpu.memory_space<vmem>>, vector<4096xf32>
      tpu.vector_store %arg6[%swap3A_41], %div3A {strides = array<i32>} : memref<4096xf32, #tpu.memory_space<vmem>>, vector<4096xf32>,
      %swap3A_43 = arith.constant 0 : index
      %swap3A_44 = vector.load %arg7[%swap3A_43] : memref<4096xf32, #tpu.memory_space<vmem>>, vector<4096xf32>
      tpu.vector_store %arg7[%swap3A_43], %div3A_40 {strides = array<i32>} : memref<4096xf32, #tpu.memory_space<vmem>>, vector<4096xf32>,
      %reshape3A = vector.shape_cast %div3A : vector<4096xf32> to vector<1x4096xf32>
      %reshape3A_45 = vector.shape_cast %div3A_40 : vector<4096xf32> to vector<1x4096xf32>
      %reduce_sum3A = arith.constant dense<0.000000e+00> : vector<1xf32>
      %reduce_sum3A_46 = vector.multi_reduction <add>, %reshape3A, %reduce_sum3A [1] : vector<1x4096xf32> to vector<1xf32>
      %broadcast_in_dim3A = vector.shape_cast %reduce_sum3A_46 : vector<1xf32> to vector<1x1xf32>
      %mul3A = arith.mulf %reshape3A, %reshape3A : vector<1x4096xf32>
      %reduce_sum3A_47 = arith.constant dense<0.000000e+00> : vector<1xf32>
      %reduce_sum3A_48 = vector.multi_reduction <add>, %mul3A, %reduce_sum3A_47 [1] : vector<1x4096xf32> to vector<1xf32>
      %broadcast_in_dim3A_49 = vector.shape_cast %reduce_sum3A_48 : vector<1xf32> to vector<1x1xf32>
      %reduce_sum3A_50 = arith.constant dense<0.000000e+00> : vector<1xf32>
      %reduce_sum3A_51 = vector.multi_reduction <add>, %reshape3A_45, %reduce_sum3A_50 [1] : vector<1x4096xf32> to vector<1xf32>
      %broadcast_in_dim3A_52 = vector.shape_cast %reduce_sum3A_51 : vector<1xf32> to vector<1x1xf32>
      %mul3A_53 = arith.mulf %reshape3A_45, %reshape3A_45 : vector<1x4096xf32>
      %reduce_sum3A_54 = arith.constant dense<0.000000e+00> : vector<1xf32>
      %reduce_sum3A_55 = vector.multi_reduction <add>, %mul3A_53, %reduce_sum3A_54 [1] : vector<1x4096xf32> to vector<1xf32>
      %broadcast_in_dim3A_56 = vector.shape_cast %reduce_sum3A_55 : vector<1xf32> to vector<1x1xf32>
      %concatenate3A = tpu.concatenate %broadcast_in_dim3A, %broadcast_in_dim3A_49, %broadcast_in_dim3A_52, %broadcast_in_dim3A_56 in 1 : vector<1x1xf32>, vector<1x1xf32>, vector<1x1xf32>, vector<1x1xf32> -> vector<1x4xf32>
      %eq3A_57 = arith.constant 0 : i32
      %eq3A_58 = arith.cmpi eq, %arg0, %eq3A_57 : i32
      %convert_element_type3A_59 = arith.extui %eq3A_58 : i1 to i32
      %cond3A_60 = arith.constant 0 : i32
      %cond3A_61 = arith.cmpi ne, %convert_element_type3A_59, %cond3A_60 : i32
      scf.if %cond3A_61 {
        %broadcast_in_dim3A_69 = arith.constant 0.000000e+00 : f32
        %broadcast_in_dim3A_70 = vector.broadcast %broadcast_in_dim3A_69 : f32 to vector<1x4xf32>
        %swap3A_71 = arith.constant 0 : index
        %swap3A_72 = arith.constant 0 : index
        %swap3A_73 = vector.load %arg10[%swap3A_71, %swap3A_72] : memref<1x4xf32, #tpu.memory_space<vmem>>, vector<1x4xf32>
        tpu.vector_store %arg10[%swap3A_71, %swap3A_72], %broadcast_in_dim3A_70 {strides = array<i32>} : memref<1x4xf32, #tpu.memory_space<vmem>>, vector<1x4xf32>,
      } else {
      }
      %get3A_62 = arith.constant 0 : index
      %get3A_63 = arith.constant 0 : index
      %get3A_64 = vector.load %arg10[%get3A_62, %get3A_63] : memref<1x4xf32, #tpu.memory_space<vmem>>, vector<1x4xf32>
      %add3A_65 = arith.addf %get3A_64, %concatenate3A : vector<1x4xf32>
      %swap3A_66 = arith.constant 0 : index
      %swap3A_67 = arith.constant 0 : index
      %swap3A_68 = vector.load %arg10[%swap3A_66, %swap3A_67] : memref<1x4xf32, #tpu.memory_space<vmem>>, vector<1x4xf32>
      tpu.vector_store %arg10[%swap3A_66, %swap3A_67], %add3A_65 {strides = array<i32>} : memref<1x4xf32, #tpu.memory_space<vmem>>, vector<1x4xf32>,
    } else {
    }
    return
  }
  func.func @transform_0(%arg0: i32, %arg1: i32) -> i32 {
    %mul3A = arith.constant 25 : i32
    %mul3A_0 = arith.muli %arg1, %mul3A : i32
    %add3A = arith.addi %mul3A_0, %arg0 : i32
    %c0_i32 = arith.constant 0 : i32
    return %add3A : i32
  }
  func.func @transform_1(%arg0: i32, %arg1: i32) -> i32 {
    %mul3A = arith.constant 25 : i32
    %mul3A_0 = arith.muli %arg1, %mul3A : i32
    %add3A = arith.addi %mul3A_0, %arg0 : i32
    %c0_i32 = arith.constant 0 : i32
    return %add3A : i32
  }
  func.func @transform_2(%arg0: i32, %arg1: i32) -> i32 {
    %mul3A = arith.constant 25 : i32
    %mul3A_0 = arith.muli %arg1, %mul3A : i32
    %add3A = arith.addi %mul3A_0, %arg0 : i32
    %c0_i32 = arith.constant 0 : i32
    return %add3A : i32
  }
  func.func @transform_3(%arg0: i32, %arg1: i32) -> i32 {
    %mul3A = arith.constant 25 : i32
    %mul3A_0 = arith.muli %arg1, %mul3A : i32
    %add3A = arith.addi %mul3A_0, %arg0 : i32
    %c0_i32 = arith.constant 0 : i32
    return %add3A : i32
  }
  func.func @transform_4(%arg0: i32, %arg1: i32) -> i32 {
    %c0_i32 = arith.constant 0 : i32
    return %arg0 : i32
  }
  func.func @transform_5(%arg0: i32, %arg1: i32) -> i32 {
    %c0_i32 = arith.constant 0 : i32
    return %arg0 : i32
  }
  func.func @transform_6(%arg0: i32, %arg1: i32) -> i32 {
    %c0_i32 = arith.constant 0 : i32
    return %arg0 : i32
  }
  func.func @transform_7(%arg0: i32, %arg1: i32) -> i32 {
    %c0_i32 = arith.constant 0 : i32
    return %arg0 : i32
  }
  func.func @transform_8(%arg0: i32, %arg1: i32) -> (i32, i32) {
    %c0_i32 = arith.constant 0 : i32
    %c0_i32_0 = arith.constant 0 : i32
    %c0_i32_1 = arith.constant 0 : i32
    return %c0_i32, %c0_i32_0 : i32, i32
  }
}

module attributes {stable_mosaic.version = 14 : i64} {
  func.func @body(%arg0: i32, %arg1: memref<4096xf32, #tpu.memory_space<vmem>>, %arg2: memref<4096xf32, #tpu.memory_space<vmem>>, %arg3: memref<4096xf32, #tpu.memory_space<vmem>>, %arg4: memref<4096xf32, #tpu.memory_space<vmem>>, %arg5: memref<1x4xf32, #tpu.memory_space<vmem>>, %arg6: memref<4096xf32, #tpu.memory_space<vmem>>, %arg7: memref<4096xf32, #tpu.memory_space<vmem>>, %arg8: memref<1x8xf32, #tpu.memory_space<vmem>>) attributes {dimension_semantics = [#tpu.dimension_semantics<arbitrary>], iteration_bounds = array<i64: 25>, scalar_prefetch = 0 : i64, scratch_operands = 0 : i64, tpu.core_type = #tpu.core_type<tc>, window_params = [{transform_indices = @transform_0, window_bounds = array<i64: 4096>}, {transform_indices = @transform_1, window_bounds = array<i64: 4096>}, {transform_indices = @transform_2, window_bounds = array<i64: 4096>}, {transform_indices = @transform_3, window_bounds = array<i64: 4096>}, {pipeline_mode = #tpu.pipeline_mode<synchronous>, transform_indices = @transform_4, window_bounds = array<i64: 1, 4>}, {transform_indices = @transform_5, window_bounds = array<i64: 4096>}, {transform_indices = @transform_6, window_bounds = array<i64: 4096>}, {pipeline_mode = #tpu.pipeline_mode<synchronous>, transform_indices = @transform_7, window_bounds = array<i64: 1, 8>}]} {
    %get3A = arith.constant 0 : index
    %get3A_0 = arith.constant 0 : index
    %get3A_1 = vector.load %arg5[%get3A, %get3A_0] : memref<1x4xf32, #tpu.memory_space<vmem>>, vector<1x4xf32>
    %get3A_2 = arith.constant 0 : index
    %get3A_3 = vector.load %arg1[%get3A_2] : memref<4096xf32, #tpu.memory_space<vmem>>, vector<4096xf32>
    %slice3A = vector.extract_strided_slice %get3A_1 {offsets = [0, 0], sizes = [1, 1], strides = [1, 1]} : vector<1x4xf32> to vector<1x1xf32>
    %squeeze3A = vector.extract %slice3A[0, 0] : f32 from vector<1x1xf32>
    %mul3A = vector.broadcast %squeeze3A : f32 to vector<4096xf32>
    %mul3A_4 = arith.mulf %get3A_3, %mul3A : vector<4096xf32>
    %slice3A_5 = vector.extract_strided_slice %get3A_1 {offsets = [0, 1], sizes = [1, 1], strides = [1, 1]} : vector<1x4xf32> to vector<1x1xf32>
    %squeeze3A_6 = vector.extract %slice3A_5[0, 0] : f32 from vector<1x1xf32>
    %add3A = vector.broadcast %squeeze3A_6 : f32 to vector<4096xf32>
    %add3A_7 = arith.addf %mul3A_4, %add3A : vector<4096xf32>
    %get3A_8 = arith.constant 0 : index
    %get3A_9 = vector.load %arg2[%get3A_8] : memref<4096xf32, #tpu.memory_space<vmem>>, vector<4096xf32>
    %slice3A_10 = vector.extract_strided_slice %get3A_1 {offsets = [0, 2], sizes = [1, 1], strides = [1, 1]} : vector<1x4xf32> to vector<1x1xf32>
    %squeeze3A_11 = vector.extract %slice3A_10[0, 0] : f32 from vector<1x1xf32>
    %mul3A_12 = vector.broadcast %squeeze3A_11 : f32 to vector<4096xf32>
    %mul3A_13 = arith.mulf %get3A_9, %mul3A_12 : vector<4096xf32>
    %slice3A_14 = vector.extract_strided_slice %get3A_1 {offsets = [0, 3], sizes = [1, 1], strides = [1, 1]} : vector<1x4xf32> to vector<1x1xf32>
    %squeeze3A_15 = vector.extract %slice3A_14[0, 0] : f32 from vector<1x1xf32>
    %add3A_16 = vector.broadcast %squeeze3A_15 : f32 to vector<4096xf32>
    %add3A_17 = arith.addf %mul3A_13, %add3A_16 : vector<4096xf32>
    %swap3A = arith.constant 0 : index
    %swap3A_18 = vector.load %arg6[%swap3A] : memref<4096xf32, #tpu.memory_space<vmem>>, vector<4096xf32>
    tpu.vector_store %arg6[%swap3A], %add3A_7 {strides = array<i32>} : memref<4096xf32, #tpu.memory_space<vmem>>, vector<4096xf32>,
    %swap3A_19 = arith.constant 0 : index
    %swap3A_20 = vector.load %arg7[%swap3A_19] : memref<4096xf32, #tpu.memory_space<vmem>>, vector<4096xf32>
    tpu.vector_store %arg7[%swap3A_19], %add3A_17 {strides = array<i32>} : memref<4096xf32, #tpu.memory_space<vmem>>, vector<4096xf32>,
    %get3A_21 = arith.constant 0 : index
    %get3A_22 = vector.load %arg3[%get3A_21] : memref<4096xf32, #tpu.memory_space<vmem>>, vector<4096xf32>
    %reshape3A = vector.shape_cast %get3A_22 : vector<4096xf32> to vector<1x4096xf32>
    %get3A_23 = arith.constant 0 : index
    %get3A_24 = vector.load %arg4[%get3A_23] : memref<4096xf32, #tpu.memory_space<vmem>>, vector<4096xf32>
    %reshape3A_25 = vector.shape_cast %get3A_24 : vector<4096xf32> to vector<1x4096xf32>
    %reshape3A_26 = vector.shape_cast %add3A_7 : vector<4096xf32> to vector<1x4096xf32>
    %reshape3A_27 = vector.shape_cast %add3A_17 : vector<4096xf32> to vector<1x4096xf32>
    %mul3A_28 = arith.mulf %reshape3A_25, %reshape3A_26 : vector<1x4096xf32>
    %mul3A_29 = arith.mulf %reshape3A_25, %reshape3A_26 : vector<1x4096xf32>
    %mul3A_30 = arith.mulf %mul3A_29, %reshape3A_26 : vector<1x4096xf32>
    %mul3A_31 = arith.mulf %reshape3A_25, %reshape3A_27 : vector<1x4096xf32>
    %mul3A_32 = arith.mulf %reshape3A_25, %reshape3A_27 : vector<1x4096xf32>
    %mul3A_33 = arith.mulf %mul3A_32, %reshape3A_27 : vector<1x4096xf32>
    %mul3A_34 = arith.mulf %reshape3A, %reshape3A_26 : vector<1x4096xf32>
    %mul3A_35 = arith.mulf %reshape3A, %reshape3A_26 : vector<1x4096xf32>
    %mul3A_36 = arith.mulf %mul3A_35, %reshape3A_26 : vector<1x4096xf32>
    %mul3A_37 = arith.mulf %reshape3A, %reshape3A_27 : vector<1x4096xf32>
    %mul3A_38 = arith.mulf %reshape3A, %reshape3A_27 : vector<1x4096xf32>
    %mul3A_39 = arith.mulf %mul3A_38, %reshape3A_27 : vector<1x4096xf32>
    %reduce_sum3A = arith.constant dense<0.000000e+00> : vector<1xf32>
    %reduce_sum3A_40 = vector.multi_reduction <add>, %mul3A_28, %reduce_sum3A [1] : vector<1x4096xf32> to vector<1xf32>
    %broadcast_in_dim3A = vector.shape_cast %reduce_sum3A_40 : vector<1xf32> to vector<1x1xf32>
    %reduce_sum3A_41 = arith.constant dense<0.000000e+00> : vector<1xf32>
    %reduce_sum3A_42 = vector.multi_reduction <add>, %mul3A_30, %reduce_sum3A_41 [1] : vector<1x4096xf32> to vector<1xf32>
    %broadcast_in_dim3A_43 = vector.shape_cast %reduce_sum3A_42 : vector<1xf32> to vector<1x1xf32>
    %reduce_sum3A_44 = arith.constant dense<0.000000e+00> : vector<1xf32>
    %reduce_sum3A_45 = vector.multi_reduction <add>, %mul3A_31, %reduce_sum3A_44 [1] : vector<1x4096xf32> to vector<1xf32>
    %broadcast_in_dim3A_46 = vector.shape_cast %reduce_sum3A_45 : vector<1xf32> to vector<1x1xf32>
    %reduce_sum3A_47 = arith.constant dense<0.000000e+00> : vector<1xf32>
    %reduce_sum3A_48 = vector.multi_reduction <add>, %mul3A_33, %reduce_sum3A_47 [1] : vector<1x4096xf32> to vector<1xf32>
    %broadcast_in_dim3A_49 = vector.shape_cast %reduce_sum3A_48 : vector<1xf32> to vector<1x1xf32>
    %reduce_sum3A_50 = arith.constant dense<0.000000e+00> : vector<1xf32>
    %reduce_sum3A_51 = vector.multi_reduction <add>, %mul3A_34, %reduce_sum3A_50 [1] : vector<1x4096xf32> to vector<1xf32>
    %broadcast_in_dim3A_52 = vector.shape_cast %reduce_sum3A_51 : vector<1xf32> to vector<1x1xf32>
    %reduce_sum3A_53 = arith.constant dense<0.000000e+00> : vector<1xf32>
    %reduce_sum3A_54 = vector.multi_reduction <add>, %mul3A_36, %reduce_sum3A_53 [1] : vector<1x4096xf32> to vector<1xf32>
    %broadcast_in_dim3A_55 = vector.shape_cast %reduce_sum3A_54 : vector<1xf32> to vector<1x1xf32>
    %reduce_sum3A_56 = arith.constant dense<0.000000e+00> : vector<1xf32>
    %reduce_sum3A_57 = vector.multi_reduction <add>, %mul3A_37, %reduce_sum3A_56 [1] : vector<1x4096xf32> to vector<1xf32>
    %broadcast_in_dim3A_58 = vector.shape_cast %reduce_sum3A_57 : vector<1xf32> to vector<1x1xf32>
    %reduce_sum3A_59 = arith.constant dense<0.000000e+00> : vector<1xf32>
    %reduce_sum3A_60 = vector.multi_reduction <add>, %mul3A_39, %reduce_sum3A_59 [1] : vector<1x4096xf32> to vector<1xf32>
    %broadcast_in_dim3A_61 = vector.shape_cast %reduce_sum3A_60 : vector<1xf32> to vector<1x1xf32>
    %concatenate3A = tpu.concatenate %broadcast_in_dim3A, %broadcast_in_dim3A_43, %broadcast_in_dim3A_46, %broadcast_in_dim3A_49, %broadcast_in_dim3A_52, %broadcast_in_dim3A_55, %broadcast_in_dim3A_58, %broadcast_in_dim3A_61 in 1 : vector<1x1xf32>, vector<1x1xf32>, vector<1x1xf32>, vector<1x1xf32>, vector<1x1xf32>, vector<1x1xf32>, vector<1x1xf32>, vector<1x1xf32> -> vector<1x8xf32>
    %eq3A = arith.constant 0 : i32
    %eq3A_62 = arith.cmpi eq, %arg0, %eq3A : i32
    %convert_element_type3A = arith.extui %eq3A_62 : i1 to i32
    %cond3A = arith.constant 0 : i32
    %cond3A_63 = arith.cmpi ne, %convert_element_type3A, %cond3A : i32
    scf.if %cond3A_63 {
      %broadcast_in_dim3A_71 = arith.constant 0.000000e+00 : f32
      %broadcast_in_dim3A_72 = vector.broadcast %broadcast_in_dim3A_71 : f32 to vector<1x8xf32>
      %swap3A_73 = arith.constant 0 : index
      %swap3A_74 = arith.constant 0 : index
      %swap3A_75 = vector.load %arg8[%swap3A_73, %swap3A_74] : memref<1x8xf32, #tpu.memory_space<vmem>>, vector<1x8xf32>
      tpu.vector_store %arg8[%swap3A_73, %swap3A_74], %broadcast_in_dim3A_72 {strides = array<i32>} : memref<1x8xf32, #tpu.memory_space<vmem>>, vector<1x8xf32>,
    } else {
    }
    %get3A_64 = arith.constant 0 : index
    %get3A_65 = arith.constant 0 : index
    %get3A_66 = vector.load %arg8[%get3A_64, %get3A_65] : memref<1x8xf32, #tpu.memory_space<vmem>>, vector<1x8xf32>
    %add3A_67 = arith.addf %get3A_66, %concatenate3A : vector<1x8xf32>
    %swap3A_68 = arith.constant 0 : index
    %swap3A_69 = arith.constant 0 : index
    %swap3A_70 = vector.load %arg8[%swap3A_68, %swap3A_69] : memref<1x8xf32, #tpu.memory_space<vmem>>, vector<1x8xf32>
    tpu.vector_store %arg8[%swap3A_68, %swap3A_69], %add3A_67 {strides = array<i32>} : memref<1x8xf32, #tpu.memory_space<vmem>>, vector<1x8xf32>,
    return
  }
  func.func @transform_0(%arg0: i32) -> i32 {
    %c0_i32 = arith.constant 0 : i32
    return %arg0 : i32
  }
  func.func @transform_1(%arg0: i32) -> i32 {
    %c0_i32 = arith.constant 0 : i32
    return %arg0 : i32
  }
  func.func @transform_2(%arg0: i32) -> i32 {
    %c0_i32 = arith.constant 0 : i32
    return %arg0 : i32
  }
  func.func @transform_3(%arg0: i32) -> i32 {
    %c0_i32 = arith.constant 0 : i32
    return %arg0 : i32
  }
  func.func @transform_4(%arg0: i32) -> (i32, i32) {
    %c0_i32 = arith.constant 0 : i32
    %c0_i32_0 = arith.constant 0 : i32
    %c0_i32_1 = arith.constant 0 : i32
    return %c0_i32, %c0_i32_0 : i32, i32
  }
  func.func @transform_5(%arg0: i32) -> i32 {
    %c0_i32 = arith.constant 0 : i32
    return %arg0 : i32
  }
  func.func @transform_6(%arg0: i32) -> i32 {
    %c0_i32 = arith.constant 0 : i32
    return %arg0 : i32
  }
  func.func @transform_7(%arg0: i32) -> (i32, i32) {
    %c0_i32 = arith.constant 0 : i32
    %c0_i32_0 = arith.constant 0 : i32
    %c0_i32_1 = arith.constant 0 : i32
    return %c0_i32, %c0_i32_0 : i32, i32
  }
}

module attributes {stable_mosaic.version = 14 : i64} {
  func.func @body(%arg0: i32, %arg1: memref<8192xf32, #tpu.memory_space<vmem>>, %arg2: memref<8192xf32, #tpu.memory_space<vmem>>, %arg3: memref<8192xf32, #tpu.memory_space<vmem>>, %arg4: memref<8192xf32, #tpu.memory_space<vmem>>, %arg5: memref<4x32xf32, #tpu.memory_space<vmem>>, %arg6: memref<32x1xf32, #tpu.memory_space<vmem>>, %arg7: memref<32x64xf32, #tpu.memory_space<vmem>>, %arg8: memref<64x1xf32, #tpu.memory_space<vmem>>, %arg9: memref<64x32xf32, #tpu.memory_space<vmem>>, %arg10: memref<32x1xf32, #tpu.memory_space<vmem>>, %arg11: memref<32x3xf32, #tpu.memory_space<vmem>>, %arg12: memref<3x1xf32, #tpu.memory_space<vmem>>, %arg13: memref<4x2xf32, #tpu.memory_space<vmem>>, %arg14: memref<2x32xf32, #tpu.memory_space<vmem>>, %arg15: memref<2x32xf32, #tpu.memory_space<vmem>>, %arg16: memref<32x1xf32, #tpu.memory_space<vmem>>, %arg17: memref<8192xf32, #tpu.memory_space<vmem>>, %arg18: memref<8192xf32, #tpu.memory_space<vmem>>, %arg19: memref<8192xf32, #tpu.memory_space<vmem>>, %arg20: memref<32x2xf32, #tpu.memory_space<vmem>>) attributes {dimension_semantics = [#tpu.dimension_semantics<arbitrary>], iteration_bounds = array<i64: 196>, scalar_prefetch = 0 : i64, scratch_operands = 0 : i64, tpu.core_type = #tpu.core_type<tc>, window_params = [{transform_indices = @transform_0, window_bounds = array<i64: 8192>}, {transform_indices = @transform_1, window_bounds = array<i64: 8192>}, {transform_indices = @transform_2, window_bounds = array<i64: 8192>}, {transform_indices = @transform_3, window_bounds = array<i64: 8192>}, {pipeline_mode = #tpu.pipeline_mode<synchronous>, transform_indices = @transform_4, window_bounds = array<i64: 4, 32>}, {pipeline_mode = #tpu.pipeline_mode<synchronous>, transform_indices = @transform_5, window_bounds = array<i64: 32, 1>}, {pipeline_mode = #tpu.pipeline_mode<synchronous>, transform_indices = @transform_6, window_bounds = array<i64: 32, 64>}, {pipeline_mode = #tpu.pipeline_mode<synchronous>, transform_indices = @transform_7, window_bounds = array<i64: 64, 1>}, {pipeline_mode = #tpu.pipeline_mode<synchronous>, transform_indices = @transform_8, window_bounds = array<i64: 64, 32>}, {pipeline_mode = #tpu.pipeline_mode<synchronous>, transform_indices = @transform_9, window_bounds = array<i64: 32, 1>}, {pipeline_mode = #tpu.pipeline_mode<synchronous>, transform_indices = @transform_10, window_bounds = array<i64: 32, 3>}, {pipeline_mode = #tpu.pipeline_mode<synchronous>, transform_indices = @transform_11, window_bounds = array<i64: 3, 1>}, {pipeline_mode = #tpu.pipeline_mode<synchronous>, transform_indices = @transform_12, window_bounds = array<i64: 4, 2>}, {pipeline_mode = #tpu.pipeline_mode<synchronous>, transform_indices = @transform_13, window_bounds = array<i64: 2, 32>}, {pipeline_mode = #tpu.pipeline_mode<synchronous>, transform_indices = @transform_14, window_bounds = array<i64: 2, 32>}, {pipeline_mode = #tpu.pipeline_mode<synchronous>, transform_indices = @transform_15, window_bounds = array<i64: 32, 1>}, {transform_indices = @transform_16, window_bounds = array<i64: 8192>}, {transform_indices = @transform_17, window_bounds = array<i64: 8192>}, {transform_indices = @transform_18, window_bounds = array<i64: 8192>}, {pipeline_mode = #tpu.pipeline_mode<synchronous>, transform_indices = @transform_19, window_bounds = array<i64: 32, 2>}]} {
    %get3A = arith.constant 0 : index
    %get3A_0 = vector.load %arg1[%get3A] : memref<8192xf32, #tpu.memory_space<vmem>>, vector<8192xf32>
    %reshape3A = vector.shape_cast %get3A_0 : vector<8192xf32> to vector<1x8192xf32>
    %get3A_1 = arith.constant 0 : index
    %get3A_2 = vector.load %arg2[%get3A_1] : memref<8192xf32, #tpu.memory_space<vmem>>, vector<8192xf32>
    %reshape3A_3 = vector.shape_cast %get3A_2 : vector<8192xf32> to vector<1x8192xf32>
    %concatenate3A = tpu.concatenate %reshape3A, %reshape3A_3 in 0 : vector<1x8192xf32>, vector<1x8192xf32> -> vector<2x8192xf32>
    %get3A_4 = arith.constant 0 : index
    %get3A_5 = vector.load %arg3[%get3A_4] : memref<8192xf32, #tpu.memory_space<vmem>>, vector<8192xf32>
    %reshape3A_6 = vector.shape_cast %get3A_5 : vector<8192xf32> to vector<1x8192xf32>
    %get3A_7 = arith.constant 0 : index
    %get3A_8 = vector.load %arg4[%get3A_7] : memref<8192xf32, #tpu.memory_space<vmem>>, vector<8192xf32>
    %reshape3A_9 = vector.shape_cast %get3A_8 : vector<8192xf32> to vector<1x8192xf32>
    %concatenate3A_10 = tpu.concatenate %reshape3A_6, %reshape3A_9 in 0 : vector<1x8192xf32>, vector<1x8192xf32> -> vector<2x8192xf32>
    %sub3A = arith.subf %concatenate3A_10, %concatenate3A : vector<2x8192xf32>
    %get3A_11 = arith.constant 0 : index
    %get3A_12 = arith.constant 0 : index
    %get3A_13 = vector.load %arg5[%get3A_11, %get3A_12] : memref<4x32xf32, #tpu.memory_space<vmem>>, vector<4x32xf32>
    %slice3A = vector.extract_strided_slice %get3A_13 {offsets = [0, 0], sizes = [2, 32], strides = [1, 1]} : vector<4x32xf32> to vector<2x32xf32>
    %dot_general3A = arith.constant dense<0.000000e+00> : vector<32x8192xf32>
    %dot_general3A_14 = tpu.matmul %slice3A, %concatenate3A, %dot_general3A {dimension_numbers = #tpu.dot_dimension_numbers<[0], [0], [1], [1], [0, 1, 1, 1], [], []>, transpose_lhs_hint = false} : vector<2x32xf32>, vector<2x8192xf32>, vector<32x8192xf32> -> vector<32x8192xf32>
    %slice3A_15 = vector.extract_strided_slice %get3A_13 {offsets = [2, 0], sizes = [2, 32], strides = [1, 1]} : vector<4x32xf32> to vector<2x32xf32>
    %dot_general3A_16 = arith.constant dense<0.000000e+00> : vector<32x8192xf32>
    %dot_general3A_17 = tpu.matmul %slice3A_15, %sub3A, %dot_general3A_16 {dimension_numbers = #tpu.dot_dimension_numbers<[0], [0], [1], [1], [0, 1, 1, 1], [], []>, transpose_lhs_hint = false} : vector<2x32xf32>, vector<2x8192xf32>, vector<32x8192xf32> -> vector<32x8192xf32>
    %add3A = arith.addf %dot_general3A_14, %dot_general3A_17 : vector<32x8192xf32>
    %get3A_18 = arith.constant 0 : index
    %get3A_19 = arith.constant 0 : index
    %get3A_20 = vector.load %arg6[%get3A_18, %get3A_19] : memref<32x1xf32, #tpu.memory_space<vmem>>, vector<32x1xf32>
    %add3A_21 = vector.broadcast %get3A_20 : vector<32x1xf32> to vector<32x8192xf32>
    %add3A_22 = arith.addf %add3A, %add3A_21 : vector<32x8192xf32>
    %max3A = arith.constant 0.000000e+00 : f32
    %max3A_23 = vector.broadcast %max3A : f32 to vector<32x8192xf32>
    %max3A_24 = arith.maximumf %add3A_22, %max3A_23 : vector<32x8192xf32>
    %get3A_25 = arith.constant 0 : index
    %get3A_26 = arith.constant 0 : index
    %get3A_27 = vector.load %arg7[%get3A_25, %get3A_26] : memref<32x64xf32, #tpu.memory_space<vmem>>, vector<32x64xf32>
    %dot_general3A_28 = arith.constant dense<0.000000e+00> : vector<64x8192xf32>
    %dot_general3A_29 = tpu.matmul %get3A_27, %max3A_24, %dot_general3A_28 {dimension_numbers = #tpu.dot_dimension_numbers<[0], [0], [1], [1], [0, 1, 1, 1], [], []>, transpose_lhs_hint = false} : vector<32x64xf32>, vector<32x8192xf32>, vector<64x8192xf32> -> vector<64x8192xf32>
    %get3A_30 = arith.constant 0 : index
    %get3A_31 = arith.constant 0 : index
    %get3A_32 = vector.load %arg8[%get3A_30, %get3A_31] : memref<64x1xf32, #tpu.memory_space<vmem>>, vector<64x1xf32>
    %add3A_33 = vector.broadcast %get3A_32 : vector<64x1xf32> to vector<64x8192xf32>
    %add3A_34 = arith.addf %dot_general3A_29, %add3A_33 : vector<64x8192xf32>
    %max3A_35 = arith.constant 0.000000e+00 : f32
    %max3A_36 = vector.broadcast %max3A_35 : f32 to vector<64x8192xf32>
    %max3A_37 = arith.maximumf %add3A_34, %max3A_36 : vector<64x8192xf32>
    %get3A_38 = arith.constant 0 : index
    %get3A_39 = arith.constant 0 : index
    %get3A_40 = vector.load %arg9[%get3A_38, %get3A_39] : memref<64x32xf32, #tpu.memory_space<vmem>>, vector<64x32xf32>
    %dot_general3A_41 = arith.constant dense<0.000000e+00> : vector<32x8192xf32>
    %dot_general3A_42 = tpu.matmul %get3A_40, %max3A_37, %dot_general3A_41 {dimension_numbers = #tpu.dot_dimension_numbers<[0], [0], [1], [1], [0, 1, 1, 1], [], []>, transpose_lhs_hint = false} : vector<64x32xf32>, vector<64x8192xf32>, vector<32x8192xf32> -> vector<32x8192xf32>
    %get3A_43 = arith.constant 0 : index
    %get3A_44 = arith.constant 0 : index
    %get3A_45 = vector.load %arg10[%get3A_43, %get3A_44] : memref<32x1xf32, #tpu.memory_space<vmem>>, vector<32x1xf32>
    %add3A_46 = vector.broadcast %get3A_45 : vector<32x1xf32> to vector<32x8192xf32>
    %add3A_47 = arith.addf %dot_general3A_42, %add3A_46 : vector<32x8192xf32>
    %max3A_48 = arith.constant 0.000000e+00 : f32
    %max3A_49 = vector.broadcast %max3A_48 : f32 to vector<32x8192xf32>
    %max3A_50 = arith.maximumf %add3A_47, %max3A_49 : vector<32x8192xf32>
    %get3A_51 = arith.constant 0 : index
    %get3A_52 = arith.constant 0 : index
    %get3A_53 = vector.load %arg11[%get3A_51, %get3A_52] : memref<32x3xf32, #tpu.memory_space<vmem>>, vector<32x3xf32>
    %dot_general3A_54 = arith.constant dense<0.000000e+00> : vector<3x8192xf32>
    %dot_general3A_55 = tpu.matmul %get3A_53, %max3A_50, %dot_general3A_54 {dimension_numbers = #tpu.dot_dimension_numbers<[0], [0], [1], [1], [0, 1, 1, 1], [], []>, transpose_lhs_hint = false} : vector<32x3xf32>, vector<32x8192xf32>, vector<3x8192xf32> -> vector<3x8192xf32>
    %get3A_56 = arith.constant 0 : index
    %get3A_57 = arith.constant 0 : index
    %get3A_58 = vector.load %arg12[%get3A_56, %get3A_57] : memref<3x1xf32, #tpu.memory_space<vmem>>, vector<3x1xf32>
    %add3A_59 = vector.broadcast %get3A_58 : vector<3x1xf32> to vector<3x8192xf32>
    %add3A_60 = arith.addf %dot_general3A_55, %add3A_59 : vector<3x8192xf32>
    %slice3A_61 = vector.extract_strided_slice %add3A_60 {offsets = [0, 0], sizes = [1, 8192], strides = [1, 1]} : vector<3x8192xf32> to vector<1x8192xf32>
    %squeeze3A = vector.shape_cast %slice3A_61 : vector<1x8192xf32> to vector<8192xf32>
    %swap3A = arith.constant 0 : index
    %swap3A_62 = vector.load %arg17[%swap3A] : memref<8192xf32, #tpu.memory_space<vmem>>, vector<8192xf32>
    tpu.vector_store %arg17[%swap3A], %squeeze3A {strides = array<i32>} : memref<8192xf32, #tpu.memory_space<vmem>>, vector<8192xf32>,
    %slice3A_63 = vector.extract_strided_slice %add3A_60 {offsets = [1, 0], sizes = [1, 8192], strides = [1, 1]} : vector<3x8192xf32> to vector<1x8192xf32>
    %squeeze3A_64 = vector.shape_cast %slice3A_63 : vector<1x8192xf32> to vector<8192xf32>
    %swap3A_65 = arith.constant 0 : index
    %swap3A_66 = vector.load %arg18[%swap3A_65] : memref<8192xf32, #tpu.memory_space<vmem>>, vector<8192xf32>
    tpu.vector_store %arg18[%swap3A_65], %squeeze3A_64 {strides = array<i32>} : memref<8192xf32, #tpu.memory_space<vmem>>, vector<8192xf32>,
    %slice3A_67 = vector.extract_strided_slice %add3A_60 {offsets = [2, 0], sizes = [1, 8192], strides = [1, 1]} : vector<3x8192xf32> to vector<1x8192xf32>
    %squeeze3A_68 = vector.shape_cast %slice3A_67 : vector<1x8192xf32> to vector<8192xf32>
    %swap3A_69 = arith.constant 0 : index
    %swap3A_70 = vector.load %arg19[%swap3A_69] : memref<8192xf32, #tpu.memory_space<vmem>>, vector<8192xf32>
    tpu.vector_store %arg19[%swap3A_69], %squeeze3A_68 {strides = array<i32>} : memref<8192xf32, #tpu.memory_space<vmem>>, vector<8192xf32>,
    %get3A_71 = arith.constant 0 : index
    %get3A_72 = arith.constant 0 : index
    %get3A_73 = vector.load %arg13[%get3A_71, %get3A_72] : memref<4x2xf32, #tpu.memory_space<vmem>>, vector<4x2xf32>
    %slice3A_74 = vector.extract_strided_slice %get3A_73 {offsets = [0, 0], sizes = [2, 1], strides = [1, 1]} : vector<4x2xf32> to vector<2x1xf32>
    %mul3A = vector.broadcast %slice3A_74 : vector<2x1xf32> to vector<2x8192xf32>
    %mul3A_75 = arith.mulf %concatenate3A_10, %mul3A : vector<2x8192xf32>
    %slice3A_76 = vector.extract_strided_slice %get3A_73 {offsets = [0, 1], sizes = [2, 1], strides = [1, 1]} : vector<4x2xf32> to vector<2x1xf32>
    %add3A_77 = vector.broadcast %slice3A_76 : vector<2x1xf32> to vector<2x8192xf32>
    %add3A_78 = arith.addf %mul3A_75, %add3A_77 : vector<2x8192xf32>
    %slice3A_79 = vector.extract_strided_slice %get3A_73 {offsets = [2, 0], sizes = [2, 1], strides = [1, 1]} : vector<4x2xf32> to vector<2x1xf32>
    %mul3A_80 = vector.broadcast %slice3A_79 : vector<2x1xf32> to vector<2x8192xf32>
    %mul3A_81 = arith.mulf %concatenate3A, %mul3A_80 : vector<2x8192xf32>
    %slice3A_82 = vector.extract_strided_slice %get3A_73 {offsets = [2, 1], sizes = [2, 1], strides = [1, 1]} : vector<4x2xf32> to vector<2x1xf32>
    %add3A_83 = vector.broadcast %slice3A_82 : vector<2x1xf32> to vector<2x8192xf32>
    %add3A_84 = arith.addf %mul3A_81, %add3A_83 : vector<2x8192xf32>
    %get3A_85 = arith.constant 0 : index
    %get3A_86 = arith.constant 0 : index
    %get3A_87 = vector.load %arg14[%get3A_85, %get3A_86] : memref<2x32xf32, #tpu.memory_space<vmem>>, vector<2x32xf32>
    %dot_general3A_88 = arith.constant dense<0.000000e+00> : vector<32x8192xf32>
    %dot_general3A_89 = tpu.matmul %get3A_87, %add3A_78, %dot_general3A_88 {dimension_numbers = #tpu.dot_dimension_numbers<[0], [0], [1], [1], [0, 1, 1, 1], [], []>, transpose_lhs_hint = false} : vector<2x32xf32>, vector<2x8192xf32>, vector<32x8192xf32> -> vector<32x8192xf32>
    %get3A_90 = arith.constant 0 : index
    %get3A_91 = arith.constant 0 : index
    %get3A_92 = vector.load %arg15[%get3A_90, %get3A_91] : memref<2x32xf32, #tpu.memory_space<vmem>>, vector<2x32xf32>
    %dot_general3A_93 = arith.constant dense<0.000000e+00> : vector<32x8192xf32>
    %dot_general3A_94 = tpu.matmul %get3A_92, %add3A_84, %dot_general3A_93 {dimension_numbers = #tpu.dot_dimension_numbers<[0], [0], [1], [1], [0, 1, 1, 1], [], []>, transpose_lhs_hint = false} : vector<2x32xf32>, vector<2x8192xf32>, vector<32x8192xf32> -> vector<32x8192xf32>
    %add3A_95 = arith.addf %dot_general3A_89, %dot_general3A_94 : vector<32x8192xf32>
    %get3A_96 = arith.constant 0 : index
    %get3A_97 = arith.constant 0 : index
    %get3A_98 = vector.load %arg16[%get3A_96, %get3A_97] : memref<32x1xf32, #tpu.memory_space<vmem>>, vector<32x1xf32>
    %add3A_99 = vector.broadcast %get3A_98 : vector<32x1xf32> to vector<32x8192xf32>
    %add3A_100 = arith.addf %add3A_95, %add3A_99 : vector<32x8192xf32>
    %max3A_101 = arith.constant 0.000000e+00 : f32
    %max3A_102 = vector.broadcast %max3A_101 : f32 to vector<32x8192xf32>
    %max3A_103 = arith.maximumf %add3A_100, %max3A_102 : vector<32x8192xf32>
    %iota3A = tpu.iota {dimensions = array<i32: 1>} : vector<1x8192xi32>
    %mul3A_104 = arith.constant 8192 : i32
    %mul3A_105 = arith.muli %arg0, %mul3A_104 : i32
    %add3A_106 = vector.broadcast %mul3A_105 : i32 to vector<1x8192xi32>
    %add3A_107 = arith.addi %iota3A, %add3A_106 : vector<1x8192xi32>
    %lt3A = arith.constant 1600000 : i32
    %lt3A_108 = vector.broadcast %lt3A : i32 to vector<1x8192xi32>
    %lt3A_109 = arith.cmpi slt, %add3A_107, %lt3A_108 : vector<1x8192xi32>
    %jit3A = arith.constant 0.000000e+00 : f32
    %broadcast_in_dim3A = vector.shape_cast %lt3A_109 : vector<1x8192xi1> to vector<1x8192xi1>
    %broadcast_in_dim3A_110 = vector.broadcast %broadcast_in_dim3A : vector<1x8192xi1> to vector<32x8192xi1>
    %broadcast_in_dim3A_111 = vector.broadcast %jit3A : f32 to vector<32x8192xf32>
    %select_n3A = arith.select %broadcast_in_dim3A_110, %max3A_103, %broadcast_in_dim3A_111 : vector<32x8192xi1>, vector<32x8192xf32>
    %reduce_sum3A = arith.constant dense<0.000000e+00> : vector<32xf32>
    %reduce_sum3A_112 = vector.multi_reduction <add>, %select_n3A, %reduce_sum3A [1] : vector<32x8192xf32> to vector<32xf32>
    %broadcast_in_dim3A_113 = vector.shape_cast %reduce_sum3A_112 : vector<32xf32> to vector<32x1xf32>
    %mul3A_114 = arith.mulf %select_n3A, %select_n3A : vector<32x8192xf32>
    %reduce_sum3A_115 = arith.constant dense<0.000000e+00> : vector<32xf32>
    %reduce_sum3A_116 = vector.multi_reduction <add>, %mul3A_114, %reduce_sum3A_115 [1] : vector<32x8192xf32> to vector<32xf32>
    %broadcast_in_dim3A_117 = vector.shape_cast %reduce_sum3A_116 : vector<32xf32> to vector<32x1xf32>
    %concatenate3A_118 = tpu.concatenate %broadcast_in_dim3A_113, %broadcast_in_dim3A_117 in 1 : vector<32x1xf32>, vector<32x1xf32> -> vector<32x2xf32>
    %eq3A = arith.constant 0 : i32
    %eq3A_119 = arith.cmpi eq, %arg0, %eq3A : i32
    %convert_element_type3A = arith.extui %eq3A_119 : i1 to i32
    %cond3A = arith.constant 0 : i32
    %cond3A_120 = arith.cmpi ne, %convert_element_type3A, %cond3A : i32
    scf.if %cond3A_120 {
      %broadcast_in_dim3A_128 = arith.constant 0.000000e+00 : f32
      %broadcast_in_dim3A_129 = vector.broadcast %broadcast_in_dim3A_128 : f32 to vector<32x2xf32>
      %swap3A_130 = arith.constant 0 : index
      %swap3A_131 = arith.constant 0 : index
      %swap3A_132 = vector.load %arg20[%swap3A_130, %swap3A_131] : memref<32x2xf32, #tpu.memory_space<vmem>>, vector<32x2xf32>
      tpu.vector_store %arg20[%swap3A_130, %swap3A_131], %broadcast_in_dim3A_129 {strides = array<i32>} : memref<32x2xf32, #tpu.memory_space<vmem>>, vector<32x2xf32>,
    } else {
    }
    %get3A_121 = arith.constant 0 : index
    %get3A_122 = arith.constant 0 : index
    %get3A_123 = vector.load %arg20[%get3A_121, %get3A_122] : memref<32x2xf32, #tpu.memory_space<vmem>>, vector<32x2xf32>
    %add3A_124 = arith.addf %get3A_123, %concatenate3A_118 : vector<32x2xf32>
    %swap3A_125 = arith.constant 0 : index
    %swap3A_126 = arith.constant 0 : index
    %swap3A_127 = vector.load %arg20[%swap3A_125, %swap3A_126] : memref<32x2xf32, #tpu.memory_space<vmem>>, vector<32x2xf32>
    tpu.vector_store %arg20[%swap3A_125, %swap3A_126], %add3A_124 {strides = array<i32>} : memref<32x2xf32, #tpu.memory_space<vmem>>, vector<32x2xf32>,
    return
  }
  func.func @transform_0(%arg0: i32) -> i32 {
    %c0_i32 = arith.constant 0 : i32
    return %arg0 : i32
  }
  func.func @transform_1(%arg0: i32) -> i32 {
    %c0_i32 = arith.constant 0 : i32
    return %arg0 : i32
  }
  func.func @transform_2(%arg0: i32) -> i32 {
    %c0_i32 = arith.constant 0 : i32
    return %arg0 : i32
  }
  func.func @transform_3(%arg0: i32) -> i32 {
    %c0_i32 = arith.constant 0 : i32
    return %arg0 : i32
  }
  func.func @transform_4(%arg0: i32) -> (i32, i32) {
    %c0_i32 = arith.constant 0 : i32
    %c0_i32_0 = arith.constant 0 : i32
    %c0_i32_1 = arith.constant 0 : i32
    return %c0_i32, %c0_i32_0 : i32, i32
  }
  func.func @transform_5(%arg0: i32) -> (i32, i32) {
    %c0_i32 = arith.constant 0 : i32
    %c0_i32_0 = arith.constant 0 : i32
    %c0_i32_1 = arith.constant 0 : i32
    return %c0_i32, %c0_i32_0 : i32, i32
  }
  func.func @transform_6(%arg0: i32) -> (i32, i32) {
    %c0_i32 = arith.constant 0 : i32
    %c0_i32_0 = arith.constant 0 : i32
    %c0_i32_1 = arith.constant 0 : i32
    return %c0_i32, %c0_i32_0 : i32, i32
  }
  func.func @transform_7(%arg0: i32) -> (i32, i32) {
    %c0_i32 = arith.constant 0 : i32
    %c0_i32_0 = arith.constant 0 : i32
    %c0_i32_1 = arith.constant 0 : i32
    return %c0_i32, %c0_i32_0 : i32, i32
  }
  func.func @transform_8(%arg0: i32) -> (i32, i32) {
    %c0_i32 = arith.constant 0 : i32
    %c0_i32_0 = arith.constant 0 : i32
    %c0_i32_1 = arith.constant 0 : i32
    return %c0_i32, %c0_i32_0 : i32, i32
  }
  func.func @transform_9(%arg0: i32) -> (i32, i32) {
    %c0_i32 = arith.constant 0 : i32
    %c0_i32_0 = arith.constant 0 : i32
    %c0_i32_1 = arith.constant 0 : i32
    return %c0_i32, %c0_i32_0 : i32, i32
  }
  func.func @transform_10(%arg0: i32) -> (i32, i32) {
    %c0_i32 = arith.constant 0 : i32
    %c0_i32_0 = arith.constant 0 : i32
    %c0_i32_1 = arith.constant 0 : i32
    return %c0_i32, %c0_i32_0 : i32, i32
  }
  func.func @transform_11(%arg0: i32) -> (i32, i32) {
    %c0_i32 = arith.constant 0 : i32
    %c0_i32_0 = arith.constant 0 : i32
    %c0_i32_1 = arith.constant 0 : i32
    return %c0_i32, %c0_i32_0 : i32, i32
  }
  func.func @transform_12(%arg0: i32) -> (i32, i32) {
    %c0_i32 = arith.constant 0 : i32
    %c0_i32_0 = arith.constant 0 : i32
    %c0_i32_1 = arith.constant 0 : i32
    return %c0_i32, %c0_i32_0 : i32, i32
  }
  func.func @transform_13(%arg0: i32) -> (i32, i32) {
    %c0_i32 = arith.constant 0 : i32
    %c0_i32_0 = arith.constant 0 : i32
    %c0_i32_1 = arith.constant 0 : i32
    return %c0_i32, %c0_i32_0 : i32, i32
  }
  func.func @transform_14(%arg0: i32) -> (i32, i32) {
    %c0_i32 = arith.constant 0 : i32
    %c0_i32_0 = arith.constant 0 : i32
    %c0_i32_1 = arith.constant 0 : i32
    return %c0_i32, %c0_i32_0 : i32, i32
  }
  func.func @transform_15(%arg0: i32) -> (i32, i32) {
    %c0_i32 = arith.constant 0 : i32
    %c0_i32_0 = arith.constant 0 : i32
    %c0_i32_1 = arith.constant 0 : i32
    return %c0_i32, %c0_i32_0 : i32, i32
  }
  func.func @transform_16(%arg0: i32) -> i32 {
    %c0_i32 = arith.constant 0 : i32
    return %arg0 : i32
  }
  func.func @transform_17(%arg0: i32) -> i32 {
    %c0_i32 = arith.constant 0 : i32
    return %arg0 : i32
  }
  func.func @transform_18(%arg0: i32) -> i32 {
    %c0_i32 = arith.constant 0 : i32
    return %arg0 : i32
  }
  func.func @transform_19(%arg0: i32) -> (i32, i32) {
    %c0_i32 = arith.constant 0 : i32
    %c0_i32_0 = arith.constant 0 : i32
    %c0_i32_1 = arith.constant 0 : i32
    return %c0_i32, %c0_i32_0 : i32, i32
  }
}

module attributes {stable_mosaic.version = 14 : i64} {
  func.func @body(%arg0: i32, %arg1: memref<8192xf32, #tpu.memory_space<vmem>>, %arg2: memref<8192xf32, #tpu.memory_space<vmem>>, %arg3: memref<8192xf32, #tpu.memory_space<vmem>>, %arg4: memref<8192xf32, #tpu.memory_space<vmem>>, %arg5: memref<4x2xf32, #tpu.memory_space<vmem>>, %arg6: memref<2x32xf32, #tpu.memory_space<vmem>>, %arg7: memref<2x32xf32, #tpu.memory_space<vmem>>, %arg8: memref<32x1xf32, #tpu.memory_space<vmem>>, %arg9: memref<32x1xf32, #tpu.memory_space<vmem>>, %arg10: memref<32x1xf32, #tpu.memory_space<vmem>>, %arg11: memref<32x32xf32, #tpu.memory_space<vmem>>, %arg12: memref<32x1xf32, #tpu.memory_space<vmem>>, %arg13: memref<32x2xf32, #tpu.memory_space<vmem>>) attributes {dimension_semantics = [#tpu.dimension_semantics<arbitrary>], iteration_bounds = array<i64: 196>, scalar_prefetch = 0 : i64, scratch_operands = 0 : i64, tpu.core_type = #tpu.core_type<tc>, window_params = [{transform_indices = @transform_0, window_bounds = array<i64: 8192>}, {transform_indices = @transform_1, window_bounds = array<i64: 8192>}, {transform_indices = @transform_2, window_bounds = array<i64: 8192>}, {transform_indices = @transform_3, window_bounds = array<i64: 8192>}, {pipeline_mode = #tpu.pipeline_mode<synchronous>, transform_indices = @transform_4, window_bounds = array<i64: 4, 2>}, {pipeline_mode = #tpu.pipeline_mode<synchronous>, transform_indices = @transform_5, window_bounds = array<i64: 2, 32>}, {pipeline_mode = #tpu.pipeline_mode<synchronous>, transform_indices = @transform_6, window_bounds = array<i64: 2, 32>}, {pipeline_mode = #tpu.pipeline_mode<synchronous>, transform_indices = @transform_7, window_bounds = array<i64: 32, 1>}, {pipeline_mode = #tpu.pipeline_mode<synchronous>, transform_indices = @transform_8, window_bounds = array<i64: 32, 1>}, {pipeline_mode = #tpu.pipeline_mode<synchronous>, transform_indices = @transform_9, window_bounds = array<i64: 32, 1>}, {pipeline_mode = #tpu.pipeline_mode<synchronous>, transform_indices = @transform_10, window_bounds = array<i64: 32, 32>}, {pipeline_mode = #tpu.pipeline_mode<synchronous>, transform_indices = @transform_11, window_bounds = array<i64: 32, 1>}, {pipeline_mode = #tpu.pipeline_mode<synchronous>, transform_indices = @transform_12, window_bounds = array<i64: 32, 2>}]} {
    %get3A = arith.constant 0 : index
    %get3A_0 = vector.load %arg1[%get3A] : memref<8192xf32, #tpu.memory_space<vmem>>, vector<8192xf32>
    %reshape3A = vector.shape_cast %get3A_0 : vector<8192xf32> to vector<1x8192xf32>
    %get3A_1 = arith.constant 0 : index
    %get3A_2 = vector.load %arg2[%get3A_1] : memref<8192xf32, #tpu.memory_space<vmem>>, vector<8192xf32>
    %reshape3A_3 = vector.shape_cast %get3A_2 : vector<8192xf32> to vector<1x8192xf32>
    %concatenate3A = tpu.concatenate %reshape3A, %reshape3A_3 in 0 : vector<1x8192xf32>, vector<1x8192xf32> -> vector<2x8192xf32>
    %get3A_4 = arith.constant 0 : index
    %get3A_5 = vector.load %arg3[%get3A_4] : memref<8192xf32, #tpu.memory_space<vmem>>, vector<8192xf32>
    %reshape3A_6 = vector.shape_cast %get3A_5 : vector<8192xf32> to vector<1x8192xf32>
    %get3A_7 = arith.constant 0 : index
    %get3A_8 = vector.load %arg4[%get3A_7] : memref<8192xf32, #tpu.memory_space<vmem>>, vector<8192xf32>
    %reshape3A_9 = vector.shape_cast %get3A_8 : vector<8192xf32> to vector<1x8192xf32>
    %concatenate3A_10 = tpu.concatenate %reshape3A_6, %reshape3A_9 in 0 : vector<1x8192xf32>, vector<1x8192xf32> -> vector<2x8192xf32>
    %get3A_11 = arith.constant 0 : index
    %get3A_12 = arith.constant 0 : index
    %get3A_13 = vector.load %arg5[%get3A_11, %get3A_12] : memref<4x2xf32, #tpu.memory_space<vmem>>, vector<4x2xf32>
    %slice3A = vector.extract_strided_slice %get3A_13 {offsets = [0, 0], sizes = [2, 1], strides = [1, 1]} : vector<4x2xf32> to vector<2x1xf32>
    %mul3A = vector.broadcast %slice3A : vector<2x1xf32> to vector<2x8192xf32>
    %mul3A_14 = arith.mulf %concatenate3A_10, %mul3A : vector<2x8192xf32>
    %slice3A_15 = vector.extract_strided_slice %get3A_13 {offsets = [0, 1], sizes = [2, 1], strides = [1, 1]} : vector<4x2xf32> to vector<2x1xf32>
    %add3A = vector.broadcast %slice3A_15 : vector<2x1xf32> to vector<2x8192xf32>
    %add3A_16 = arith.addf %mul3A_14, %add3A : vector<2x8192xf32>
    %slice3A_17 = vector.extract_strided_slice %get3A_13 {offsets = [2, 0], sizes = [2, 1], strides = [1, 1]} : vector<4x2xf32> to vector<2x1xf32>
    %mul3A_18 = vector.broadcast %slice3A_17 : vector<2x1xf32> to vector<2x8192xf32>
    %mul3A_19 = arith.mulf %concatenate3A, %mul3A_18 : vector<2x8192xf32>
    %slice3A_20 = vector.extract_strided_slice %get3A_13 {offsets = [2, 1], sizes = [2, 1], strides = [1, 1]} : vector<4x2xf32> to vector<2x1xf32>
    %add3A_21 = vector.broadcast %slice3A_20 : vector<2x1xf32> to vector<2x8192xf32>
    %add3A_22 = arith.addf %mul3A_19, %add3A_21 : vector<2x8192xf32>
    %get3A_23 = arith.constant 0 : index
    %get3A_24 = arith.constant 0 : index
    %get3A_25 = vector.load %arg6[%get3A_23, %get3A_24] : memref<2x32xf32, #tpu.memory_space<vmem>>, vector<2x32xf32>
    %dot_general3A = arith.constant dense<0.000000e+00> : vector<32x8192xf32>
    %dot_general3A_26 = tpu.matmul %get3A_25, %add3A_16, %dot_general3A {dimension_numbers = #tpu.dot_dimension_numbers<[0], [0], [1], [1], [0, 1, 1, 1], [], []>, transpose_lhs_hint = false} : vector<2x32xf32>, vector<2x8192xf32>, vector<32x8192xf32> -> vector<32x8192xf32>
    %get3A_27 = arith.constant 0 : index
    %get3A_28 = arith.constant 0 : index
    %get3A_29 = vector.load %arg7[%get3A_27, %get3A_28] : memref<2x32xf32, #tpu.memory_space<vmem>>, vector<2x32xf32>
    %dot_general3A_30 = arith.constant dense<0.000000e+00> : vector<32x8192xf32>
    %dot_general3A_31 = tpu.matmul %get3A_29, %add3A_22, %dot_general3A_30 {dimension_numbers = #tpu.dot_dimension_numbers<[0], [0], [1], [1], [0, 1, 1, 1], [], []>, transpose_lhs_hint = false} : vector<2x32xf32>, vector<2x8192xf32>, vector<32x8192xf32> -> vector<32x8192xf32>
    %add3A_32 = arith.addf %dot_general3A_26, %dot_general3A_31 : vector<32x8192xf32>
    %get3A_33 = arith.constant 0 : index
    %get3A_34 = arith.constant 0 : index
    %get3A_35 = vector.load %arg8[%get3A_33, %get3A_34] : memref<32x1xf32, #tpu.memory_space<vmem>>, vector<32x1xf32>
    %add3A_36 = vector.broadcast %get3A_35 : vector<32x1xf32> to vector<32x8192xf32>
    %add3A_37 = arith.addf %add3A_32, %add3A_36 : vector<32x8192xf32>
    %max3A = arith.constant 0.000000e+00 : f32
    %max3A_38 = vector.broadcast %max3A : f32 to vector<32x8192xf32>
    %max3A_39 = arith.maximumf %add3A_37, %max3A_38 : vector<32x8192xf32>
    %get3A_40 = arith.constant 0 : index
    %get3A_41 = arith.constant 0 : index
    %get3A_42 = vector.load %arg9[%get3A_40, %get3A_41] : memref<32x1xf32, #tpu.memory_space<vmem>>, vector<32x1xf32>
    %mul3A_43 = vector.broadcast %get3A_42 : vector<32x1xf32> to vector<32x8192xf32>
    %mul3A_44 = arith.mulf %max3A_39, %mul3A_43 : vector<32x8192xf32>
    %get3A_45 = arith.constant 0 : index
    %get3A_46 = arith.constant 0 : index
    %get3A_47 = vector.load %arg10[%get3A_45, %get3A_46] : memref<32x1xf32, #tpu.memory_space<vmem>>, vector<32x1xf32>
    %add3A_48 = vector.broadcast %get3A_47 : vector<32x1xf32> to vector<32x8192xf32>
    %add3A_49 = arith.addf %mul3A_44, %add3A_48 : vector<32x8192xf32>
    %get3A_50 = arith.constant 0 : index
    %get3A_51 = arith.constant 0 : index
    %get3A_52 = vector.load %arg11[%get3A_50, %get3A_51] : memref<32x32xf32, #tpu.memory_space<vmem>>, vector<32x32xf32>
    %dot_general3A_53 = arith.constant dense<0.000000e+00> : vector<32x8192xf32>
    %dot_general3A_54 = tpu.matmul %get3A_52, %add3A_49, %dot_general3A_53 {dimension_numbers = #tpu.dot_dimension_numbers<[0], [0], [1], [1], [0, 1, 1, 1], [], []>, transpose_lhs_hint = false} : vector<32x32xf32>, vector<32x8192xf32>, vector<32x8192xf32> -> vector<32x8192xf32>
    %get3A_55 = arith.constant 0 : index
    %get3A_56 = arith.constant 0 : index
    %get3A_57 = vector.load %arg12[%get3A_55, %get3A_56] : memref<32x1xf32, #tpu.memory_space<vmem>>, vector<32x1xf32>
    %add3A_58 = vector.broadcast %get3A_57 : vector<32x1xf32> to vector<32x8192xf32>
    %add3A_59 = arith.addf %dot_general3A_54, %add3A_58 : vector<32x8192xf32>
    %max3A_60 = arith.constant 0.000000e+00 : f32
    %max3A_61 = vector.broadcast %max3A_60 : f32 to vector<32x8192xf32>
    %max3A_62 = arith.maximumf %add3A_59, %max3A_61 : vector<32x8192xf32>
    %iota3A = tpu.iota {dimensions = array<i32: 1>} : vector<1x8192xi32>
    %mul3A_63 = arith.constant 8192 : i32
    %mul3A_64 = arith.muli %arg0, %mul3A_63 : i32
    %add3A_65 = vector.broadcast %mul3A_64 : i32 to vector<1x8192xi32>
    %add3A_66 = arith.addi %iota3A, %add3A_65 : vector<1x8192xi32>
    %lt3A = arith.constant 1600000 : i32
    %lt3A_67 = vector.broadcast %lt3A : i32 to vector<1x8192xi32>
    %lt3A_68 = arith.cmpi slt, %add3A_66, %lt3A_67 : vector<1x8192xi32>
    %jit3A = arith.constant 0.000000e+00 : f32
    %broadcast_in_dim3A = vector.shape_cast %lt3A_68 : vector<1x8192xi1> to vector<1x8192xi1>
    %broadcast_in_dim3A_69 = vector.broadcast %broadcast_in_dim3A : vector<1x8192xi1> to vector<32x8192xi1>
    %broadcast_in_dim3A_70 = vector.broadcast %jit3A : f32 to vector<32x8192xf32>
    %select_n3A = arith.select %broadcast_in_dim3A_69, %max3A_62, %broadcast_in_dim3A_70 : vector<32x8192xi1>, vector<32x8192xf32>
    %reduce_sum3A = arith.constant dense<0.000000e+00> : vector<32xf32>
    %reduce_sum3A_71 = vector.multi_reduction <add>, %select_n3A, %reduce_sum3A [1] : vector<32x8192xf32> to vector<32xf32>
    %broadcast_in_dim3A_72 = vector.shape_cast %reduce_sum3A_71 : vector<32xf32> to vector<32x1xf32>
    %mul3A_73 = arith.mulf %select_n3A, %select_n3A : vector<32x8192xf32>
    %reduce_sum3A_74 = arith.constant dense<0.000000e+00> : vector<32xf32>
    %reduce_sum3A_75 = vector.multi_reduction <add>, %mul3A_73, %reduce_sum3A_74 [1] : vector<32x8192xf32> to vector<32xf32>
    %broadcast_in_dim3A_76 = vector.shape_cast %reduce_sum3A_75 : vector<32xf32> to vector<32x1xf32>
    %concatenate3A_77 = tpu.concatenate %broadcast_in_dim3A_72, %broadcast_in_dim3A_76 in 1 : vector<32x1xf32>, vector<32x1xf32> -> vector<32x2xf32>
    %eq3A = arith.constant 0 : i32
    %eq3A_78 = arith.cmpi eq, %arg0, %eq3A : i32
    %convert_element_type3A = arith.extui %eq3A_78 : i1 to i32
    %cond3A = arith.constant 0 : i32
    %cond3A_79 = arith.cmpi ne, %convert_element_type3A, %cond3A : i32
    scf.if %cond3A_79 {
      %broadcast_in_dim3A_86 = arith.constant 0.000000e+00 : f32
      %broadcast_in_dim3A_87 = vector.broadcast %broadcast_in_dim3A_86 : f32 to vector<32x2xf32>
      %swap3A_88 = arith.constant 0 : index
      %swap3A_89 = arith.constant 0 : index
      %swap3A_90 = vector.load %arg13[%swap3A_88, %swap3A_89] : memref<32x2xf32, #tpu.memory_space<vmem>>, vector<32x2xf32>
      tpu.vector_store %arg13[%swap3A_88, %swap3A_89], %broadcast_in_dim3A_87 {strides = array<i32>} : memref<32x2xf32, #tpu.memory_space<vmem>>, vector<32x2xf32>,
    } else {
    }
    %get3A_80 = arith.constant 0 : index
    %get3A_81 = arith.constant 0 : index
    %get3A_82 = vector.load %arg13[%get3A_80, %get3A_81] : memref<32x2xf32, #tpu.memory_space<vmem>>, vector<32x2xf32>
    %add3A_83 = arith.addf %get3A_82, %concatenate3A_77 : vector<32x2xf32>
    %swap3A = arith.constant 0 : index
    %swap3A_84 = arith.constant 0 : index
    %swap3A_85 = vector.load %arg13[%swap3A, %swap3A_84] : memref<32x2xf32, #tpu.memory_space<vmem>>, vector<32x2xf32>
    tpu.vector_store %arg13[%swap3A, %swap3A_84], %add3A_83 {strides = array<i32>} : memref<32x2xf32, #tpu.memory_space<vmem>>, vector<32x2xf32>,
    return
  }
  func.func @transform_0(%arg0: i32) -> i32 {
    %c0_i32 = arith.constant 0 : i32
    return %arg0 : i32
  }
  func.func @transform_1(%arg0: i32) -> i32 {
    %c0_i32 = arith.constant 0 : i32
    return %arg0 : i32
  }
  func.func @transform_2(%arg0: i32) -> i32 {
    %c0_i32 = arith.constant 0 : i32
    return %arg0 : i32
  }
  func.func @transform_3(%arg0: i32) -> i32 {
    %c0_i32 = arith.constant 0 : i32
    return %arg0 : i32
  }
  func.func @transform_4(%arg0: i32) -> (i32, i32) {
    %c0_i32 = arith.constant 0 : i32
    %c0_i32_0 = arith.constant 0 : i32
    %c0_i32_1 = arith.constant 0 : i32
    return %c0_i32, %c0_i32_0 : i32, i32
  }
  func.func @transform_5(%arg0: i32) -> (i32, i32) {
    %c0_i32 = arith.constant 0 : i32
    %c0_i32_0 = arith.constant 0 : i32
    %c0_i32_1 = arith.constant 0 : i32
    return %c0_i32, %c0_i32_0 : i32, i32
  }
  func.func @transform_6(%arg0: i32) -> (i32, i32) {
    %c0_i32 = arith.constant 0 : i32
    %c0_i32_0 = arith.constant 0 : i32
    %c0_i32_1 = arith.constant 0 : i32
    return %c0_i32, %c0_i32_0 : i32, i32
  }
  func.func @transform_7(%arg0: i32) -> (i32, i32) {
    %c0_i32 = arith.constant 0 : i32
    %c0_i32_0 = arith.constant 0 : i32
    %c0_i32_1 = arith.constant 0 : i32
    return %c0_i32, %c0_i32_0 : i32, i32
  }
  func.func @transform_8(%arg0: i32) -> (i32, i32) {
    %c0_i32 = arith.constant 0 : i32
    %c0_i32_0 = arith.constant 0 : i32
    %c0_i32_1 = arith.constant 0 : i32
    return %c0_i32, %c0_i32_0 : i32, i32
  }
  func.func @transform_9(%arg0: i32) -> (i32, i32) {
    %c0_i32 = arith.constant 0 : i32
    %c0_i32_0 = arith.constant 0 : i32
    %c0_i32_1 = arith.constant 0 : i32
    return %c0_i32, %c0_i32_0 : i32, i32
  }
  func.func @transform_10(%arg0: i32) -> (i32, i32) {
    %c0_i32 = arith.constant 0 : i32
    %c0_i32_0 = arith.constant 0 : i32
    %c0_i32_1 = arith.constant 0 : i32
    return %c0_i32, %c0_i32_0 : i32, i32
  }
  func.func @transform_11(%arg0: i32) -> (i32, i32) {
    %c0_i32 = arith.constant 0 : i32
    %c0_i32_0 = arith.constant 0 : i32
    %c0_i32_1 = arith.constant 0 : i32
    return %c0_i32, %c0_i32_0 : i32, i32
  }
  func.func @transform_12(%arg0: i32) -> (i32, i32) {
    %c0_i32 = arith.constant 0 : i32
    %c0_i32_0 = arith.constant 0 : i32
    %c0_i32_1 = arith.constant 0 : i32
    return %c0_i32, %c0_i32_0 : i32, i32
  }
}

module attributes {stable_mosaic.version = 14 : i64} {
  func.func @body(%arg0: i32, %arg1: memref<8192xf32, #tpu.memory_space<vmem>>, %arg2: memref<8192xf32, #tpu.memory_space<vmem>>, %arg3: memref<8192xf32, #tpu.memory_space<vmem>>, %arg4: memref<8192xf32, #tpu.memory_space<vmem>>, %arg5: memref<4x2xf32, #tpu.memory_space<vmem>>, %arg6: memref<2x32xf32, #tpu.memory_space<vmem>>, %arg7: memref<2x32xf32, #tpu.memory_space<vmem>>, %arg8: memref<32x1xf32, #tpu.memory_space<vmem>>, %arg9: memref<32x1xf32, #tpu.memory_space<vmem>>, %arg10: memref<32x1xf32, #tpu.memory_space<vmem>>, %arg11: memref<32x32xf32, #tpu.memory_space<vmem>>, %arg12: memref<32x1xf32, #tpu.memory_space<vmem>>, %arg13: memref<32x1xf32, #tpu.memory_space<vmem>>, %arg14: memref<32x1xf32, #tpu.memory_space<vmem>>, %arg15: memref<32x4xf32, #tpu.memory_space<vmem>>, %arg16: memref<1x4xf32, #tpu.memory_space<vmem>>, %arg17: memref<8192x4xf32, #tpu.memory_space<vmem>>) attributes {dimension_semantics = [#tpu.dimension_semantics<arbitrary>], iteration_bounds = array<i64: 196>, scalar_prefetch = 0 : i64, scratch_operands = 0 : i64, tpu.core_type = #tpu.core_type<tc>, window_params = [{transform_indices = @transform_0, window_bounds = array<i64: 8192>}, {transform_indices = @transform_1, window_bounds = array<i64: 8192>}, {transform_indices = @transform_2, window_bounds = array<i64: 8192>}, {transform_indices = @transform_3, window_bounds = array<i64: 8192>}, {pipeline_mode = #tpu.pipeline_mode<synchronous>, transform_indices = @transform_4, window_bounds = array<i64: 4, 2>}, {pipeline_mode = #tpu.pipeline_mode<synchronous>, transform_indices = @transform_5, window_bounds = array<i64: 2, 32>}, {pipeline_mode = #tpu.pipeline_mode<synchronous>, transform_indices = @transform_6, window_bounds = array<i64: 2, 32>}, {pipeline_mode = #tpu.pipeline_mode<synchronous>, transform_indices = @transform_7, window_bounds = array<i64: 32, 1>}, {pipeline_mode = #tpu.pipeline_mode<synchronous>, transform_indices = @transform_8, window_bounds = array<i64: 32, 1>}, {pipeline_mode = #tpu.pipeline_mode<synchronous>, transform_indices = @transform_9, window_bounds = array<i64: 32, 1>}, {pipeline_mode = #tpu.pipeline_mode<synchronous>, transform_indices = @transform_10, window_bounds = array<i64: 32, 32>}, {pipeline_mode = #tpu.pipeline_mode<synchronous>, transform_indices = @transform_11, window_bounds = array<i64: 32, 1>}, {pipeline_mode = #tpu.pipeline_mode<synchronous>, transform_indices = @transform_12, window_bounds = array<i64: 32, 1>}, {pipeline_mode = #tpu.pipeline_mode<synchronous>, transform_indices = @transform_13, window_bounds = array<i64: 32, 1>}, {pipeline_mode = #tpu.pipeline_mode<synchronous>, transform_indices = @transform_14, window_bounds = array<i64: 32, 4>}, {pipeline_mode = #tpu.pipeline_mode<synchronous>, transform_indices = @transform_15, window_bounds = array<i64: 1, 4>}, {transform_indices = @transform_16, window_bounds = array<i64: 8192, 4>}]} {
    %get3A = arith.constant 0 : index
    %get3A_0 = vector.load %arg1[%get3A] : memref<8192xf32, #tpu.memory_space<vmem>>, vector<8192xf32>
    %reshape3A = vector.shape_cast %get3A_0 : vector<8192xf32> to vector<1x8192xf32>
    %get3A_1 = arith.constant 0 : index
    %get3A_2 = vector.load %arg2[%get3A_1] : memref<8192xf32, #tpu.memory_space<vmem>>, vector<8192xf32>
    %reshape3A_3 = vector.shape_cast %get3A_2 : vector<8192xf32> to vector<1x8192xf32>
    %concatenate3A = tpu.concatenate %reshape3A, %reshape3A_3 in 0 : vector<1x8192xf32>, vector<1x8192xf32> -> vector<2x8192xf32>
    %get3A_4 = arith.constant 0 : index
    %get3A_5 = vector.load %arg3[%get3A_4] : memref<8192xf32, #tpu.memory_space<vmem>>, vector<8192xf32>
    %reshape3A_6 = vector.shape_cast %get3A_5 : vector<8192xf32> to vector<1x8192xf32>
    %get3A_7 = arith.constant 0 : index
    %get3A_8 = vector.load %arg4[%get3A_7] : memref<8192xf32, #tpu.memory_space<vmem>>, vector<8192xf32>
    %reshape3A_9 = vector.shape_cast %get3A_8 : vector<8192xf32> to vector<1x8192xf32>
    %concatenate3A_10 = tpu.concatenate %reshape3A_6, %reshape3A_9 in 0 : vector<1x8192xf32>, vector<1x8192xf32> -> vector<2x8192xf32>
    %get3A_11 = arith.constant 0 : index
    %get3A_12 = arith.constant 0 : index
    %get3A_13 = vector.load %arg5[%get3A_11, %get3A_12] : memref<4x2xf32, #tpu.memory_space<vmem>>, vector<4x2xf32>
    %slice3A = vector.extract_strided_slice %get3A_13 {offsets = [0, 0], sizes = [2, 1], strides = [1, 1]} : vector<4x2xf32> to vector<2x1xf32>
    %mul3A = vector.broadcast %slice3A : vector<2x1xf32> to vector<2x8192xf32>
    %mul3A_14 = arith.mulf %concatenate3A_10, %mul3A : vector<2x8192xf32>
    %slice3A_15 = vector.extract_strided_slice %get3A_13 {offsets = [0, 1], sizes = [2, 1], strides = [1, 1]} : vector<4x2xf32> to vector<2x1xf32>
    %add3A = vector.broadcast %slice3A_15 : vector<2x1xf32> to vector<2x8192xf32>
    %add3A_16 = arith.addf %mul3A_14, %add3A : vector<2x8192xf32>
    %slice3A_17 = vector.extract_strided_slice %get3A_13 {offsets = [2, 0], sizes = [2, 1], strides = [1, 1]} : vector<4x2xf32> to vector<2x1xf32>
    %mul3A_18 = vector.broadcast %slice3A_17 : vector<2x1xf32> to vector<2x8192xf32>
    %mul3A_19 = arith.mulf %concatenate3A, %mul3A_18 : vector<2x8192xf32>
    %slice3A_20 = vector.extract_strided_slice %get3A_13 {offsets = [2, 1], sizes = [2, 1], strides = [1, 1]} : vector<4x2xf32> to vector<2x1xf32>
    %add3A_21 = vector.broadcast %slice3A_20 : vector<2x1xf32> to vector<2x8192xf32>
    %add3A_22 = arith.addf %mul3A_19, %add3A_21 : vector<2x8192xf32>
    %get3A_23 = arith.constant 0 : index
    %get3A_24 = arith.constant 0 : index
    %get3A_25 = vector.load %arg6[%get3A_23, %get3A_24] : memref<2x32xf32, #tpu.memory_space<vmem>>, vector<2x32xf32>
    %dot_general3A = arith.constant dense<0.000000e+00> : vector<32x8192xf32>
    %dot_general3A_26 = tpu.matmul %get3A_25, %add3A_16, %dot_general3A {dimension_numbers = #tpu.dot_dimension_numbers<[0], [0], [1], [1], [0, 1, 1, 1], [], []>, transpose_lhs_hint = false} : vector<2x32xf32>, vector<2x8192xf32>, vector<32x8192xf32> -> vector<32x8192xf32>
    %get3A_27 = arith.constant 0 : index
    %get3A_28 = arith.constant 0 : index
    %get3A_29 = vector.load %arg7[%get3A_27, %get3A_28] : memref<2x32xf32, #tpu.memory_space<vmem>>, vector<2x32xf32>
    %dot_general3A_30 = arith.constant dense<0.000000e+00> : vector<32x8192xf32>
    %dot_general3A_31 = tpu.matmul %get3A_29, %add3A_22, %dot_general3A_30 {dimension_numbers = #tpu.dot_dimension_numbers<[0], [0], [1], [1], [0, 1, 1, 1], [], []>, transpose_lhs_hint = false} : vector<2x32xf32>, vector<2x8192xf32>, vector<32x8192xf32> -> vector<32x8192xf32>
    %add3A_32 = arith.addf %dot_general3A_26, %dot_general3A_31 : vector<32x8192xf32>
    %get3A_33 = arith.constant 0 : index
    %get3A_34 = arith.constant 0 : index
    %get3A_35 = vector.load %arg8[%get3A_33, %get3A_34] : memref<32x1xf32, #tpu.memory_space<vmem>>, vector<32x1xf32>
    %add3A_36 = vector.broadcast %get3A_35 : vector<32x1xf32> to vector<32x8192xf32>
    %add3A_37 = arith.addf %add3A_32, %add3A_36 : vector<32x8192xf32>
    %max3A = arith.constant 0.000000e+00 : f32
    %max3A_38 = vector.broadcast %max3A : f32 to vector<32x8192xf32>
    %max3A_39 = arith.maximumf %add3A_37, %max3A_38 : vector<32x8192xf32>
    %get3A_40 = arith.constant 0 : index
    %get3A_41 = arith.constant 0 : index
    %get3A_42 = vector.load %arg9[%get3A_40, %get3A_41] : memref<32x1xf32, #tpu.memory_space<vmem>>, vector<32x1xf32>
    %mul3A_43 = vector.broadcast %get3A_42 : vector<32x1xf32> to vector<32x8192xf32>
    %mul3A_44 = arith.mulf %max3A_39, %mul3A_43 : vector<32x8192xf32>
    %get3A_45 = arith.constant 0 : index
    %get3A_46 = arith.constant 0 : index
    %get3A_47 = vector.load %arg10[%get3A_45, %get3A_46] : memref<32x1xf32, #tpu.memory_space<vmem>>, vector<32x1xf32>
    %add3A_48 = vector.broadcast %get3A_47 : vector<32x1xf32> to vector<32x8192xf32>
    %add3A_49 = arith.addf %mul3A_44, %add3A_48 : vector<32x8192xf32>
    %get3A_50 = arith.constant 0 : index
    %get3A_51 = arith.constant 0 : index
    %get3A_52 = vector.load %arg11[%get3A_50, %get3A_51] : memref<32x32xf32, #tpu.memory_space<vmem>>, vector<32x32xf32>
    %dot_general3A_53 = arith.constant dense<0.000000e+00> : vector<32x8192xf32>
    %dot_general3A_54 = tpu.matmul %get3A_52, %add3A_49, %dot_general3A_53 {dimension_numbers = #tpu.dot_dimension_numbers<[0], [0], [1], [1], [0, 1, 1, 1], [], []>, transpose_lhs_hint = false} : vector<32x32xf32>, vector<32x8192xf32>, vector<32x8192xf32> -> vector<32x8192xf32>
    %get3A_55 = arith.constant 0 : index
    %get3A_56 = arith.constant 0 : index
    %get3A_57 = vector.load %arg12[%get3A_55, %get3A_56] : memref<32x1xf32, #tpu.memory_space<vmem>>, vector<32x1xf32>
    %add3A_58 = vector.broadcast %get3A_57 : vector<32x1xf32> to vector<32x8192xf32>
    %add3A_59 = arith.addf %dot_general3A_54, %add3A_58 : vector<32x8192xf32>
    %max3A_60 = arith.constant 0.000000e+00 : f32
    %max3A_61 = vector.broadcast %max3A_60 : f32 to vector<32x8192xf32>
    %max3A_62 = arith.maximumf %add3A_59, %max3A_61 : vector<32x8192xf32>
    %get3A_63 = arith.constant 0 : index
    %get3A_64 = arith.constant 0 : index
    %get3A_65 = vector.load %arg13[%get3A_63, %get3A_64] : memref<32x1xf32, #tpu.memory_space<vmem>>, vector<32x1xf32>
    %mul3A_66 = vector.broadcast %get3A_65 : vector<32x1xf32> to vector<32x8192xf32>
    %mul3A_67 = arith.mulf %max3A_62, %mul3A_66 : vector<32x8192xf32>
    %add3A_68 = arith.addf %add3A_49, %mul3A_67 : vector<32x8192xf32>
    %get3A_69 = arith.constant 0 : index
    %get3A_70 = arith.constant 0 : index
    %get3A_71 = vector.load %arg14[%get3A_69, %get3A_70] : memref<32x1xf32, #tpu.memory_space<vmem>>, vector<32x1xf32>
    %add3A_72 = vector.broadcast %get3A_71 : vector<32x1xf32> to vector<32x8192xf32>
    %add3A_73 = arith.addf %add3A_68, %add3A_72 : vector<32x8192xf32>
    %get3A_74 = arith.constant 0 : index
    %get3A_75 = arith.constant 0 : index
    %get3A_76 = vector.load %arg15[%get3A_74, %get3A_75] : memref<32x4xf32, #tpu.memory_space<vmem>>, vector<32x4xf32>
    %dot_general3A_77 = arith.constant dense<0.000000e+00> : vector<8192x4xf32>
    %dot_general3A_78 = tpu.matmul %add3A_73, %get3A_76, %dot_general3A_77 {dimension_numbers = #tpu.dot_dimension_numbers<[0], [0], [1], [1], [0, 1, 1, 1], [], []>, transpose_lhs_hint = false} : vector<32x8192xf32>, vector<32x4xf32>, vector<8192x4xf32> -> vector<8192x4xf32>
    %get3A_79 = arith.constant 0 : index
    %get3A_80 = arith.constant 0 : index
    %get3A_81 = vector.load %arg16[%get3A_79, %get3A_80] : memref<1x4xf32, #tpu.memory_space<vmem>>, vector<1x4xf32>
    %add3A_82 = vector.broadcast %get3A_81 : vector<1x4xf32> to vector<8192x4xf32>
    %add3A_83 = arith.addf %dot_general3A_78, %add3A_82 : vector<8192x4xf32>
    %swap3A = arith.constant 0 : index
    %swap3A_84 = arith.constant 0 : index
    %swap3A_85 = vector.load %arg17[%swap3A, %swap3A_84] : memref<8192x4xf32, #tpu.memory_space<vmem>>, vector<8192x4xf32>
    tpu.vector_store %arg17[%swap3A, %swap3A_84], %add3A_83 {strides = array<i32>} : memref<8192x4xf32, #tpu.memory_space<vmem>>, vector<8192x4xf32>,
    return
  }
  func.func @transform_0(%arg0: i32) -> i32 {
    %c0_i32 = arith.constant 0 : i32
    return %arg0 : i32
  }
  func.func @transform_1(%arg0: i32) -> i32 {
    %c0_i32 = arith.constant 0 : i32
    return %arg0 : i32
  }
  func.func @transform_2(%arg0: i32) -> i32 {
    %c0_i32 = arith.constant 0 : i32
    return %arg0 : i32
  }
  func.func @transform_3(%arg0: i32) -> i32 {
    %c0_i32 = arith.constant 0 : i32
    return %arg0 : i32
  }
  func.func @transform_4(%arg0: i32) -> (i32, i32) {
    %c0_i32 = arith.constant 0 : i32
    %c0_i32_0 = arith.constant 0 : i32
    %c0_i32_1 = arith.constant 0 : i32
    return %c0_i32, %c0_i32_0 : i32, i32
  }
  func.func @transform_5(%arg0: i32) -> (i32, i32) {
    %c0_i32 = arith.constant 0 : i32
    %c0_i32_0 = arith.constant 0 : i32
    %c0_i32_1 = arith.constant 0 : i32
    return %c0_i32, %c0_i32_0 : i32, i32
  }
  func.func @transform_6(%arg0: i32) -> (i32, i32) {
    %c0_i32 = arith.constant 0 : i32
    %c0_i32_0 = arith.constant 0 : i32
    %c0_i32_1 = arith.constant 0 : i32
    return %c0_i32, %c0_i32_0 : i32, i32
  }
  func.func @transform_7(%arg0: i32) -> (i32, i32) {
    %c0_i32 = arith.constant 0 : i32
    %c0_i32_0 = arith.constant 0 : i32
    %c0_i32_1 = arith.constant 0 : i32
    return %c0_i32, %c0_i32_0 : i32, i32
  }
  func.func @transform_8(%arg0: i32) -> (i32, i32) {
    %c0_i32 = arith.constant 0 : i32
    %c0_i32_0 = arith.constant 0 : i32
    %c0_i32_1 = arith.constant 0 : i32
    return %c0_i32, %c0_i32_0 : i32, i32
  }
  func.func @transform_9(%arg0: i32) -> (i32, i32) {
    %c0_i32 = arith.constant 0 : i32
    %c0_i32_0 = arith.constant 0 : i32
    %c0_i32_1 = arith.constant 0 : i32
    return %c0_i32, %c0_i32_0 : i32, i32
  }
  func.func @transform_10(%arg0: i32) -> (i32, i32) {
    %c0_i32 = arith.constant 0 : i32
    %c0_i32_0 = arith.constant 0 : i32
    %c0_i32_1 = arith.constant 0 : i32
    return %c0_i32, %c0_i32_0 : i32, i32
  }
  func.func @transform_11(%arg0: i32) -> (i32, i32) {
    %c0_i32 = arith.constant 0 : i32
    %c0_i32_0 = arith.constant 0 : i32
    %c0_i32_1 = arith.constant 0 : i32
    return %c0_i32, %c0_i32_0 : i32, i32
  }
  func.func @transform_12(%arg0: i32) -> (i32, i32) {
    %c0_i32 = arith.constant 0 : i32
    %c0_i32_0 = arith.constant 0 : i32
    %c0_i32_1 = arith.constant 0 : i32
    return %c0_i32, %c0_i32_0 : i32, i32
  }
  func.func @transform_13(%arg0: i32) -> (i32, i32) {
    %c0_i32 = arith.constant 0 : i32
    %c0_i32_0 = arith.constant 0 : i32
    %c0_i32_1 = arith.constant 0 : i32
    return %c0_i32, %c0_i32_0 : i32, i32
  }
  func.func @transform_14(%arg0: i32) -> (i32, i32) {
    %c0_i32 = arith.constant 0 : i32
    %c0_i32_0 = arith.constant 0 : i32
    %c0_i32_1 = arith.constant 0 : i32
    return %c0_i32, %c0_i32_0 : i32, i32
  }
  func.func @transform_15(%arg0: i32) -> (i32, i32) {
    %c0_i32 = arith.constant 0 : i32
    %c0_i32_0 = arith.constant 0 : i32
    %c0_i32_1 = arith.constant 0 : i32
    return %c0_i32, %c0_i32_0 : i32, i32
  }
  func.func @transform_16(%arg0: i32) -> (i32, i32) {
    %c0_i32 = arith.constant 0 : i32
    %c0_i32_0 = arith.constant 0 : i32
    return %arg0, %c0_i32 : i32, i32
  }
}

module attributes {stable_mosaic.version = 14 : i64} {
  func.func @body(%arg0: i32, %arg1: i32, %arg2: memref<4096xf32, #tpu.memory_space<vmem>>, %arg3: memref<4096xf32, #tpu.memory_space<vmem>>, %arg4: memref<4096xf32, #tpu.memory_space<vmem>>, %arg5: memref<4096xf32, #tpu.memory_space<vmem>>, %arg6: memref<4096xf32, #tpu.memory_space<vmem>>, %arg7: memref<4096xf32, #tpu.memory_space<vmem>>, %arg8: memref<4096xf32, #tpu.memory_space<vmem>>) attributes {dimension_semantics = [#tpu.dimension_semantics<arbitrary>, #tpu.dimension_semantics<arbitrary>], iteration_bounds = array<i64: 25, 32>, scalar_prefetch = 0 : i64, scratch_operands = 0 : i64, tpu.core_type = #tpu.core_type<tc>, window_params = [{transform_indices = @transform_0, window_bounds = array<i64: 4096>}, {transform_indices = @transform_1, window_bounds = array<i64: 4096>}, {transform_indices = @transform_2, window_bounds = array<i64: 4096>}, {transform_indices = @transform_3, window_bounds = array<i64: 4096>}, {transform_indices = @transform_4, window_bounds = array<i64: 4096>}, {transform_indices = @transform_5, window_bounds = array<i64: 4096>}, {transform_indices = @transform_6, window_bounds = array<i64: 4096>}]} {
    %eq3A = arith.constant 0 : i32
    %eq3A_0 = arith.cmpi eq, %arg1, %eq3A : i32
    %convert_element_type3A = arith.extui %eq3A_0 : i1 to i32
    %cond3A = arith.constant 0 : i32
    %cond3A_1 = arith.cmpi ne, %convert_element_type3A, %cond3A : i32
    scf.if %cond3A_1 {
      %broadcast_in_dim3A = arith.constant 0.000000e+00 : f32
      %broadcast_in_dim3A_25 = vector.broadcast %broadcast_in_dim3A : f32 to vector<4096xf32>
      %swap3A_26 = arith.constant 0 : index
      %swap3A_27 = vector.load %arg6[%swap3A_26] : memref<4096xf32, #tpu.memory_space<vmem>>, vector<4096xf32>
      tpu.vector_store %arg6[%swap3A_26], %broadcast_in_dim3A_25 {strides = array<i32>} : memref<4096xf32, #tpu.memory_space<vmem>>, vector<4096xf32>,
      %broadcast_in_dim3A_28 = arith.constant 0.000000e+00 : f32
      %broadcast_in_dim3A_29 = vector.broadcast %broadcast_in_dim3A_28 : f32 to vector<4096xf32>
      %swap3A_30 = arith.constant 0 : index
      %swap3A_31 = vector.load %arg7[%swap3A_30] : memref<4096xf32, #tpu.memory_space<vmem>>, vector<4096xf32>
      tpu.vector_store %arg7[%swap3A_30], %broadcast_in_dim3A_29 {strides = array<i32>} : memref<4096xf32, #tpu.memory_space<vmem>>, vector<4096xf32>,
      %broadcast_in_dim3A_32 = arith.constant 0.000000e+00 : f32
      %broadcast_in_dim3A_33 = vector.broadcast %broadcast_in_dim3A_32 : f32 to vector<4096xf32>
      %swap3A_34 = arith.constant 0 : index
      %swap3A_35 = vector.load %arg8[%swap3A_34] : memref<4096xf32, #tpu.memory_space<vmem>>, vector<4096xf32>
      tpu.vector_store %arg8[%swap3A_34], %broadcast_in_dim3A_33 {strides = array<i32>} : memref<4096xf32, #tpu.memory_space<vmem>>, vector<4096xf32>,
    } else {
    }
    %get3A = arith.constant 0 : index
    %get3A_2 = vector.load %arg6[%get3A] : memref<4096xf32, #tpu.memory_space<vmem>>, vector<4096xf32>
    %get3A_3 = arith.constant 0 : index
    %get3A_4 = vector.load %arg2[%get3A_3] : memref<4096xf32, #tpu.memory_space<vmem>>, vector<4096xf32>
    %add3A = arith.addf %get3A_2, %get3A_4 : vector<4096xf32>
    %swap3A = arith.constant 0 : index
    %swap3A_5 = vector.load %arg6[%swap3A] : memref<4096xf32, #tpu.memory_space<vmem>>, vector<4096xf32>
    tpu.vector_store %arg6[%swap3A], %add3A {strides = array<i32>} : memref<4096xf32, #tpu.memory_space<vmem>>, vector<4096xf32>,
    %get3A_6 = arith.constant 0 : index
    %get3A_7 = vector.load %arg7[%get3A_6] : memref<4096xf32, #tpu.memory_space<vmem>>, vector<4096xf32>
    %get3A_8 = arith.constant 0 : index
    %get3A_9 = vector.load %arg3[%get3A_8] : memref<4096xf32, #tpu.memory_space<vmem>>, vector<4096xf32>
    %add3A_10 = arith.addf %get3A_7, %get3A_9 : vector<4096xf32>
    %swap3A_11 = arith.constant 0 : index
    %swap3A_12 = vector.load %arg7[%swap3A_11] : memref<4096xf32, #tpu.memory_space<vmem>>, vector<4096xf32>
    tpu.vector_store %arg7[%swap3A_11], %add3A_10 {strides = array<i32>} : memref<4096xf32, #tpu.memory_space<vmem>>, vector<4096xf32>,
    %get3A_13 = arith.constant 0 : index
    %get3A_14 = vector.load %arg8[%get3A_13] : memref<4096xf32, #tpu.memory_space<vmem>>, vector<4096xf32>
    %get3A_15 = arith.constant 0 : index
    %get3A_16 = vector.load %arg4[%get3A_15] : memref<4096xf32, #tpu.memory_space<vmem>>, vector<4096xf32>
    %add3A_17 = arith.addf %get3A_14, %get3A_16 : vector<4096xf32>
    %swap3A_18 = arith.constant 0 : index
    %swap3A_19 = vector.load %arg8[%swap3A_18] : memref<4096xf32, #tpu.memory_space<vmem>>, vector<4096xf32>
    tpu.vector_store %arg8[%swap3A_18], %add3A_17 {strides = array<i32>} : memref<4096xf32, #tpu.memory_space<vmem>>, vector<4096xf32>,
    %eq3A_20 = arith.constant 31 : i32
    %eq3A_21 = arith.cmpi eq, %arg1, %eq3A_20 : i32
    %convert_element_type3A_22 = arith.extui %eq3A_21 : i1 to i32
    %cond3A_23 = arith.constant 0 : i32
    %cond3A_24 = arith.cmpi ne, %convert_element_type3A_22, %cond3A_23 : i32
    scf.if %cond3A_24 {
      %get3A_25 = arith.constant 0 : index
      %get3A_26 = vector.load %arg5[%get3A_25] : memref<4096xf32, #tpu.memory_space<vmem>>, vector<4096xf32>
      %max3A = arith.constant 1.000000e+00 : f32
      %max3A_27 = vector.broadcast %max3A : f32 to vector<4096xf32>
      %max3A_28 = arith.maximumf %get3A_26, %max3A_27 : vector<4096xf32>
      %div3A = arith.constant 1.000000e+00 : f32
      %div3A_29 = vector.broadcast %div3A : f32 to vector<4096xf32>
      %div3A_30 = arith.divf %div3A_29, %max3A_28 : vector<4096xf32>
      %get3A_31 = arith.constant 0 : index
      %get3A_32 = vector.load %arg6[%get3A_31] : memref<4096xf32, #tpu.memory_space<vmem>>, vector<4096xf32>
      %mul3A = arith.mulf %get3A_32, %div3A_30 : vector<4096xf32>
      %swap3A_33 = arith.constant 0 : index
      %swap3A_34 = vector.load %arg6[%swap3A_33] : memref<4096xf32, #tpu.memory_space<vmem>>, vector<4096xf32>
      tpu.vector_store %arg6[%swap3A_33], %mul3A {strides = array<i32>} : memref<4096xf32, #tpu.memory_space<vmem>>, vector<4096xf32>,
      %get3A_35 = arith.constant 0 : index
      %get3A_36 = vector.load %arg7[%get3A_35] : memref<4096xf32, #tpu.memory_space<vmem>>, vector<4096xf32>
      %mul3A_37 = arith.mulf %get3A_36, %div3A_30 : vector<4096xf32>
      %swap3A_38 = arith.constant 0 : index
      %swap3A_39 = vector.load %arg7[%swap3A_38] : memref<4096xf32, #tpu.memory_space<vmem>>, vector<4096xf32>
      tpu.vector_store %arg7[%swap3A_38], %mul3A_37 {strides = array<i32>} : memref<4096xf32, #tpu.memory_space<vmem>>, vector<4096xf32>,
      %get3A_40 = arith.constant 0 : index
      %get3A_41 = vector.load %arg8[%get3A_40] : memref<4096xf32, #tpu.memory_space<vmem>>, vector<4096xf32>
      %mul3A_42 = arith.mulf %get3A_41, %div3A_30 : vector<4096xf32>
      %swap3A_43 = arith.constant 0 : index
      %swap3A_44 = vector.load %arg8[%swap3A_43] : memref<4096xf32, #tpu.memory_space<vmem>>, vector<4096xf32>
      tpu.vector_store %arg8[%swap3A_43], %mul3A_42 {strides = array<i32>} : memref<4096xf32, #tpu.memory_space<vmem>>, vector<4096xf32>,
    } else {
    }
    return
  }
  func.func @transform_0(%arg0: i32, %arg1: i32) -> i32 {
    %mul3A = arith.constant 25 : i32
    %mul3A_0 = arith.muli %arg1, %mul3A : i32
    %add3A = arith.addi %mul3A_0, %arg0 : i32
    %c0_i32 = arith.constant 0 : i32
    return %add3A : i32
  }
  func.func @transform_1(%arg0: i32, %arg1: i32) -> i32 {
    %mul3A = arith.constant 25 : i32
    %mul3A_0 = arith.muli %arg1, %mul3A : i32
    %add3A = arith.addi %mul3A_0, %arg0 : i32
    %c0_i32 = arith.constant 0 : i32
    return %add3A : i32
  }
  func.func @transform_2(%arg0: i32, %arg1: i32) -> i32 {
    %mul3A = arith.constant 25 : i32
    %mul3A_0 = arith.muli %arg1, %mul3A : i32
    %add3A = arith.addi %mul3A_0, %arg0 : i32
    %c0_i32 = arith.constant 0 : i32
    return %add3A : i32
  }
  func.func @transform_3(%arg0: i32, %arg1: i32) -> i32 {
    %c0_i32 = arith.constant 0 : i32
    return %arg0 : i32
  }
  func.func @transform_4(%arg0: i32, %arg1: i32) -> i32 {
    %c0_i32 = arith.constant 0 : i32
    return %arg0 : i32
  }
  func.func @transform_5(%arg0: i32, %arg1: i32) -> i32 {
    %c0_i32 = arith.constant 0 : i32
    return %arg0 : i32
  }
  func.func @transform_6(%arg0: i32, %arg1: i32) -> i32 {
    %c0_i32 = arith.constant 0 : i32
    return %arg0 : i32
  }
}

</mosaic_0001>

<sc_bundles>
// kernel: kernel.14.cloned.1.call-start
scs
__scs_entry_jumppad:
0x0: {  	(pc) =	sbr.rel $0x88, $3  }
0x1: {  	(tag) =	ssettag $0x0;
	lr =	simm.s32 $0x1  }
0x2: {  	[smem:$0x3F7E] =	sst lr;
	_ =	strace $0xD0000000  }
0x3: {  	_ = 	snop  }
0x4: {  	_ = 	snop  }
0x5: {  	_ = 	snop  }
0x6: {  	_ = 	snop  }
0x7: {  	_ = 	snop  }
__scs_overlays_trampoline_lowered:
0x8: {  	[smem:$0x3F8D] =	sst s0  }
0x9: {  	[smem:$0x3F8E] =	sst s1  }
0xa: {  	[smem:$0x3F8F] =	sst s2  }
0xb: {  	[smem:$0x3F90] =	sst s3  }
0xc: {  	[smem:$0x3F91] =	sst s4  }
0xd: {  	[smem:$0x3F92] =	sst s5  }
0xe: {  	[smem:$0x3F93] =	sst s6  }
0xf: {  	[smem:$0x3F94] =	sst s7  }
0x10: {  	[smem:$0x3F95] =	sst s8  }
0x11: {  	[smem:$0x3F96] =	sst s9;
	s0 =	simm.s32 @!p0 $0x0  }
0x12: {  	s1 =	sld [smem:$0x3F7C];
	s0 =	simm.s32 @p0 $0x1  }
0x13: {  	[smem:$0x3F97] =	sst s0;
	s0 =	simm.s32 @!p1 $0x0  }
0x14: {  	s2 =	sld [smem:$0x3F7B];
	s0 =	simm.s32 @p1 $0x1  }
0x15: {  	[smem:$0x3F98] =	sst s0;
	s0 =	simm.s32 @!p2 $0x0  }
0x16: {  	s3 =	sld [smem:$0x3FDB];
	s0 =	simm.s32 @p2 $0x1  }
0x17: {  	s4 =	simm.s32 $0x1BF5;
	[smem:$0x3F9A] =	sst s0  }
0x18: {  	s0 =	sld [smem:$0x3F7D];
	_ =	swait.ge [sflag:s4], $0x0  }
0x19: {  	s7 =	sld [smem:$0x3F7E]  }
0x1a: {  	s8 =	sadd.s32 $0xFFFFE003, lr  }
0x1b: {  	s9 =	sadd.s32 $0xFFFFFEF7, lr;
	s5 =	simm.s32 $0xFFFFFFFF;
	p2 =	slt.u32 s8, $0xFFFFF086  }
0x1c: {  	p1 =	slt.u32 s9, $0xF7A;
	s5 =	simm.s32 @!p2 $0x0  }
0x1d: {  	s5 =	simm.s32 @p1 $0x1;
	p0 =	seq.s32 s7, s2  }
0x1e: {  	s7 =	smul.u32 @!p0 $0xF7A, s2;
	p2 =	seq.s32 @!p0 s5, $0x0  }
0x1f: {  	s9 =	smul.u32 $0xF7A, s1;
	s8 =	simm.s32 @!p0 $0x1BF5;
	p2 =	por !p2, p0  }
0x20: {  	[sflag:s8] =	ssyncset.s32 @!p0 $0xFFFFF086;
	s6 =	sadd.s32 @!p0 s3, s7;
	s7 =	simm.s32 @!p0 $0x108  }
0x21: {  	s3 =	sadd.s32 s3, s9;
	s6 =	sadd.s32 @!p0 $0x88, s6;
	s7 =	simm.s32 @p2 $0x1082  }
0x22: {  	[simem:s7], [sflag:s8] =	dma.local @!p0 [hbm:s6], $0xF7A  }
0x23: {  	s9 =	sor.u32 $0xD0000000, s2;
	s6 =	simm.s32 $0x108;
	_ =	swait.ge @!p0 [sflag:s8], $0x0  }
0x24: {  	s3 =	sadd.s32 $0x88, s3;
	s6 =	simm.s32 @!p1 $0x1082;
	[sflag:s4] =	ssyncset.s32 $0xFFFFF086  }
0x25: {  	[simem:s6], [sflag:s4] =	dma.local [hbm:s3], $0xF7A  }
0x26: {  	[smem:$0x3F7E] =	sst s1;
	(tag) =	ssettag s2;
	_ =	strace s9  }
0x27: {  	s1 =	sld [smem:$0x3F8E]  }
0x28: {  	s2 =	sld [smem:$0x3F8F]  }
0x29: {  	s4 =	sld [smem:$0x3F91]  }
0x2a: {  	p0 =	seq.s32 s5, $0x0;
	s5 =	sld [smem:$0x3F92]  }
0x2b: {  	s6 =	sld [smem:$0x3F93]  }
0x2c: {  	s7 =	sld [smem:$0x3F94]  }
0x2d: {  	s3 =	simm.s32 $0x108;
	s8 =	sld [smem:$0x3F95]  }
0x2e: {  	s3 =	simm.s32 @!p0 $0x1082;
	s9 =	sld [smem:$0x3F96]  }
0x2f: {  	lr =	sadd.s32 s0, s3;
	s0 =	sld [smem:$0x3F8D]  }
0x30: {  	s3 =	sld [smem:$0x3F90]  }
0x31: {  	[smem:$0x3F99] =	sst s10  }
0x32: {  	s10 =	sld [smem:$0x3F97];
	_ =	sdelay $0x3  }
0x33: {  	p0 =	seq.s32 s10, $0x1;
	s10 =	sld [smem:$0x3F99];
	_ =	sdelay $0x3  }
0x34: {  	[smem:$0x3F99] =	sst s10  }
0x35: {  	s10 =	sld [smem:$0x3F98];
	_ =	sdelay $0x3  }
0x36: {  	p1 =	seq.s32 s10, $0x1;
	s10 =	sld [smem:$0x3F99];
	_ =	sdelay $0x3  }
0x37: {  	[smem:$0x3F99] =	sst s10  }
0x38: {  	s10 =	sld [smem:$0x3F9A]  }
0x39: {  	_ = 	snop;
	(pc) =	sbr.ind lr, $3  }
0x3a: {  	_ = 	snop  }
0x3b: {  	_ = 	snop  }
0x3c: {  	p2 =	seq.s32 s10, $0x1;
	s10 =	sld [smem:$0x3F99]  }
0x3d: {  	_ =	shalt  }
0x3e: {  	_ =	shalt  }
0x3f: {  	_ =	shalt  }
0x40: {  	_ =	shalt  }
0x41: {  	_ =	shalt  }
0x42: {  	_ =	shalt  }
0x43: {  	_ =	shalt  }
0x44: {  	_ =	shalt  }
0x45: {  	_ =	shalt  }
0x46: {  	_ =	shalt  }
0x47: {  	_ =	shalt  }
0x48: {  	_ =	shalt  }
0x49: {  	_ =	shalt  }
0x4a: {  	_ =	shalt  }
0x4b: {  	_ =	shalt  }
0x4c: {  	_ =	shalt  }
0x4d: {  	_ =	shalt  }
0x4e: {  	_ =	shalt  }
0x4f: {  	_ =	shalt  }
0x50: {  	_ =	shalt  }
0x51: {  	_ =	shalt  }
0x52: {  	_ =	shalt  }
0x53: {  	_ =	shalt  }
0x54: {  	_ =	shalt  }
0x55: {  	_ =	shalt  }
0x56: {  	_ =	shalt  }
0x57: {  	_ =	shalt  }
0x58: {  	_ =	shalt  }
0x59: {  	_ =	shalt  }
0x5a: {  	_ =	shalt  }
0x5b: {  	_ =	shalt  }
0x5c: {  	_ =	shalt  }
0x5d: {  	_ =	shalt  }
0x5e: {  	_ =	shalt  }
0x5f: {  	_ =	shalt  }
0x60: {  	_ =	shalt  }
0x61: {  	_ =	shalt  }
0x62: {  	_ =	shalt  }
0x63: {  	_ =	shalt  }
0x64: {  	_ =	shalt  }
0x65: {  	_ =	shalt  }
0x66: {  	_ =	shalt  }
0x67: {  	_ =	shalt  }
0x68: {  	_ =	shalt  }
0x69: {  	_ =	shalt  }
0x6a: {  	_ =	shalt  }
0x6b: {  	_ =	shalt  }
0x6c: {  	_ =	shalt  }
0x6d: {  	_ =	shalt  }
0x6e: {  	_ =	shalt  }
0x6f: {  	_ =	shalt  }
0x70: {  	_ =	shalt  }
0x71: {  	_ =	shalt  }
0x72: {  	_ =	shalt  }
0x73: {  	_ =	shalt  }
0x74: {  	_ =	shalt  }
0x75: {  	_ =	shalt  }
0x76: {  	_ =	shalt  }
0x77: {  	_ =	shalt  }
0x78: {  	_ =	shalt  }
0x79: {  	_ =	shalt  }
0x7a: {  	_ =	shalt  }
0x7b: {  	_ =	shalt  }
0x7c: {  	_ =	shalt  }
0x7d: {  	_ =	shalt  }
0x7e: {  	_ =	shalt  }
0x7f: {  	_ =	shalt  }
0x80: {  	_ =	shalt  }
0x81: {  	_ =	shalt  }
0x82: {  	_ =	shalt  }
0x83: {  	_ =	shalt  }
0x84: {  	_ =	shalt  }
0x85: {  	_ =	shalt  }
0x86: {  	_ =	shalt  }
0x87: {  	_ =	shalt  }
.Lfunc_end0:
.L_simem_size_0:
called_computation_lowered:
.L_overlay_start_0:
0x88: {  	s2 =	sld [smem:$0x3FD9]  }
0x89: {  	s3 =	sld [smem:$0x3FFE];
	_ =	sdelay $0x1  }
0x8a: {  	s1 =	srdreg.scid  }
0x8b: {  	s0 =	sand.u32 $0x1, s1  }
0x8c: {  	s14 =	sshll.u32 s0, $0xA;
	s2 =	sadd.s32 s3, s2  }
0x8d: {  	s2 =	sadd.s32 s2, s14  }
0x8e: {  	[smem:$0x3FA5] =	sst s2  }
0x8f: {  	_ = 	snop  }
0x90: {  	s2 =	sld [smem:$0x3FD0];
	_ =	sdelay $0x2  }
0x91: {  	s15 =	simm.s32 $0xA;
	s4 =	simm.s32 $0x10  }
0x92: {  	[smem:s4], [sflag:s15] =	dma.local [hbm:s2], $0x1  }
0x93: {  	_ =	swait.eq [sflag:s15], $0x1  }
0x94: {  	[sflag:s15] =	ssyncset.done $0x0  }
0x95: {  	s16 =	sld [smem:$0x10];
	[sflag:s15] =	ssyncadd.s32 $0xFFFFFFFF  }
0x96: {  	s17 =	sld [smem:$0x11];
	(tm) =	ssettm $0x1  }
0x97: {  	s18 =	sld [smem:$0x3FFB];
	_ =	sdelay $0x3  }
0x98: {  	_ =	strace s18  }
0x99: {  	s4 =	sld [smem:$0x3FFC];
	_ =	sdelay $0x3  }
0x9a: {  	_ =	strace s4  }
0x9b: {  	s4 =	sld [smem:$0x3FFD];
	_ =	sdelay $0x3  }
0x9c: {  	_ =	strace s4  }
0x9d: {  	_ =	strace $0x8FFFFFFF  }
0x9e: {  	s19 =	sld [smem:$0x3FDB];
	_ =	sdelay $0x1  }
0x9f: {  	s5 =	simm.s32 $_scs_section_size  }
0xa0: {  	s6 =	simm.s32 $_size__tile_overlayer_lowered;
	s7 =	simm.s32 $_tile_overlayer_lowered  }
0xa1: {  	s22 =	simm.s32 $0x1BFF;
	s21 =	sshll.u32 s7, $0x1;
	s4 =	sadd.s32 s5, s19  }
0xa2: {  	s8 =	simm.s32 $0x0;
	s20 =	sshll.u32 s6, $0x1;
	s6 =	sadd.s32 s21, s4  }
0xa3: {  	[timem:s8], [sflag:s22] =	dma.local [hbm:s6], s20  }
0xa4: {  	_ =	swait.ge [sflag:s22], s20  }
0xa5: {  	s5 =	ssub.s32 $0x0, s20;
	[sflag:s22] =	ssyncset.done $0x0  }
0xa6: {  	[sflag:s22] =	ssyncadd.s32 s5;
	_ =	sdelay $0x1  }
0xa7: {  	s23 =	simm.s32 $0x1B8B  }
0xa8: {  	_ =	swait.ge [sflag:s23], $0x1  }
0xa9: {  	[sflag:s23] =	ssyncset.done $0x0  }
0xaa: {  	s25 =	simm.s32 $0x1B8E;
	s24 =	sld [smem:$0x3FFE];
	[sflag:s23] =	ssyncadd.s32 $0xFFFFFFFF  }
0xab: {  	s26 =	simm.s32 $execute0_lowered;
	[smem:$0x3FD2] =	sst s25  }
0xac: {  	s6 =	sshll.u32 s26, $0x1;
	_ =	strace $0x80000046;
	[dreg:$0x1] =	wrdreg $0xFFFFFFFF  }
0xad: {  	s28 =	simm.s32 $_size_execute0_lowered;
	s4 =	sadd.s32 s4, s6;
	[dreg:$0x0] =	wrdreg $0x0  }
0xae: {  	s6 =	sshll.u32 s28, $0x1;
	[dreg:$0x2] =	wrdreg s4  }
0xaf: {  	[dreg:$0x3] =	wrdreg s6  }
0xb0: {  	[dreg:$0x4] =	wrdreg $0xC0  }
0xb1: {  	_ =	task [dreg:s8], $0x5FFFF  }
0xb2: {  	[dreg:$0x1] =	wrdreg $0xFFFFFFFF  }
0xb3: {  	[dreg:$0x0] =	wrdreg $0x60  }
0xb4: {  	[dreg:$0x2] =	wrdreg s16  }
0xb5: {  	[dreg:$0x3] =	wrdreg s24  }
0xb6: {  	[dreg:$0x4] =	wrdreg s17  }
0xb7: {  	[dreg:$0x5] =	wrdreg $0x9  }
0xb8: {  	_ =	task.clear_ibuf [dreg:s8], $0x6FFFF;
	_ =	strace $0x90000046  }
0xb9: {  	s29 =	simm.s32 $0x9;
	_ =	strace $0x80000048  }
0xba: {  	_ =	swait.ge [sflag:s29], $0x1  }
0xbb: {  	[sflag:s29] =	ssyncadd.s32 $0xFFFFFFFF  }
0xbc: {  	_ =	strace $0x90000048  }
0xbd: {  	_ =	sfence  }
0xbe: {  	s30 =	sld [smem:$0x0];
	_ =	sdelay $0x2  }
0xbf: {  	s31 =	sshll.u32 s1, $0xD;
	s1 =	sshrl.u32 s1, $0x2  }
0xc0: {  	s3 =	sand.u32 $0x4000, s31;
	s1 =	sadd.s32 s1, s30  }
0xc1: {  	s0 =	sor.u32 s3, s0;
	s1 =	sshll.u32 s1, $0x11  }
0xc2: {  	s0 =	sor.u32 s1, s0  }
0xc3: {  	s0 =	sadd.s32 $0x8F2B, s0  }
0xc4: {  	[sflag:s0] =	ssyncadd.remote.s32 $0x1  }
0xc5: {  	_ =	sfence.sel $0xFFFF  }
0xc6: {  	[dreg:$0x0] =	wrdreg $0xFFFFFFFF;
	(pc) =	sbr.abs _section_cstart, $3  }
0xc7: {  	[dreg:$0x1] =	wrdreg $0xFFFFFFFF  }
0xc8: {  	_ =	task.clear_ibuf [dreg:s8], $0x2FFFF;
	_ =	strace $0x9FFFFFFF  }
0xc9: {  	(tm) =	ssettm $0x7FFFFFFF  }
tec
execute0_lowered:
.L_overlay_start_1:
0x0: {  	(tag) =	ssettag $0x1  }
0x1: {  	s1 =	rddreg [dreg:$0x0]  }
0x2: {  	s7 =	rddreg [dreg:$0x1]  }
0x3: {  	s2 =	rddreg [dreg:$0x2]  }
0x4: {  	s0 =	rddreg [dreg:$0x3];
	s3 =	simm.s32 $0x0  }
0x5: {  	s6 =	srdreg.scid;
	s4 =	stileid.u32;
	s12 =	simm.s32 $0x1  }
0x6: {  	s13 =	simm.s32 $0x19000;
	s14 =	simm.s32 $0x1B780;
	s15 =	simm.s32 $0x0  }
0x7: {  	[smem:$0x7FF] =	sst s3;
	s5 =	sadd.s32 $0x38E00, s7;
	s8 =	sand.u32 $0x1, s6  }
0x8: {  	s6 =	sadd.s32 $0x69C00, s7;
	s10 =	sshll.u32 s4, $0x1;
	s9 =	ssub.s32 $0x2, s8  }
0x9: {  	s7 =	sadd.s32 $0x9AA00, s7;
	_ =	strace $0x80000047;
	s11 =	sshrl.u32 s9, $0x1  }
0xa: {  	s8 =	sor.u32 s8, s10;
	s10 =	sadd.s32 $0x6400, s1;
	s11 =	ssub.s32 s9, s11  }
0xb: {  	s8 =	smul.u32 $0x5, s8;
	s9 =	sadd.s32 $0x3200, s1;
	s11 =	smax.u32 s11, $0x1  }
.LBB2_1:
0xc: {  	[tilespmem:s3], [sflag:$0x1] =	stream.linear.gather [hbm4b:s1+s3], $0x19000, $0x38;
	[tilespmem:$0x1DF00] =	vst v63  }
0xd: {  	_ =	swait.ge [sflag:s12], $0x19000  }
0xe: {  	[sflag:s12] =	ssyncset.done $0x0  }
0xf: {  	s16 =	simm.s32 $0x0;
	[sflag:s12] =	ssyncadd.s32 $0xFFFE7000  }
.LBB2_2:
0x10: {  	s17 =	sadd.s32 s8, s16  }
0x11: {  	s17 =	smul.u32 $0x4E2, s17;
	_ =	sdelay $0x1  }
0x12: {  	s19 =	simm.s32 $0x0;
	s18 =	sadd.s32 s5, s17  }
0x13: {  	[tilespmem:s13], [sflag:$0x1] =	stream.linear.gather [hbm4b:s18+s19], $0x2710, $0x38;
	[tilespmem:$0x1DF00] =	vst v63  }
0x14: {  	_ =	swait.ge [sflag:s12], $0x2710  }
0x15: {  	[sflag:s12] =	ssyncset.done $0x0  }
0x16: {  	s18 =	simm.s32 $0x0;
	[sflag:s12] =	ssyncadd.s32 $0xFFFFD8F0  }
0x17: {  	v0 =	vld [tilespmem:s18+$0x19000];
	_ =	sdelay $0x6  }
0x18: {  	v1 =	vld [tilespmem:s18+$0x19010]  }
0x19: {  	v0 =	vld.idx.msk [tilespmem:v0+s3+$0x0], $0xffff;
	_ =	sdelay $0x4  }
0x1a: {  	[tilespmem:s18+$0x1B780] =	vst v0;
	v0 =	vld [tilespmem:s18+$0x19020];
	_ =	sdelay $0x1  }
0x1b: {  	v1 =	vld.idx.msk [tilespmem:v1+s3+$0x0], $0xffff;
	_ =	sdelay $0x4  }
0x1c: {  	[tilespmem:s18+$0x1B790] =	vst v1;
	v1 =	vld [tilespmem:s18+$0x19030]  }
0x1d: {  	v0 =	vld.idx.msk [tilespmem:v0+s3+$0x0], $0xffff;
	_ =	sdelay $0x4  }
0x1e: {  	[tilespmem:s18+$0x1B7A0] =	vst v0;
	v0 =	vld [tilespmem:s18+$0x19040];
	_ =	sdelay $0x1  }
0x1f: {  	v1 =	vld.idx.msk [tilespmem:v1+s3+$0x0], $0xffff;
	_ =	sdelay $0x3  }
0x20: {  	s20 =	simm.s32 $0x50;
	s19 =	simm.s32 $0x280  }
.LBB2_3:
0x21: {  	p0 =	sne.s32 s19, $0x9B00;
	v2 =	vld [tilespmem:s20+$0x19000];
	[tilespmem:s18+$0x1B7B0] =	vst v1  }
0x22: {  	v0 =	vld.idx.msk [tilespmem:v0+s3+$0x0], $0xffff;
	_ =	sdelay $0x5  }
0x23: {  	v1 =	vld [tilespmem:s20+$0x19010];
	[tilespmem:s18+$0x1B7C0] =	vst v0;
	s18 =	smov.u32 s20  }
0x24: {  	v0 =	vld.idx.msk [tilespmem:v2+s3+$0x0], $0xffff;
	_ =	sdelay $0x5  }
0x25: {  	[tilespmem:s18+$0x1B780] =	vst v0;
	v0 =	vld [tilespmem:s18+$0x19020]  }
0x26: {  	v1 =	vld.idx.msk [tilespmem:v1+s3+$0x0], $0xffff;
	_ =	sdelay $0x5  }
0x27: {  	[tilespmem:s18+$0x1B790] =	vst v1;
	v1 =	vld [tilespmem:s18+$0x19030]  }
0x28: {  	v0 =	vld.idx.msk [tilespmem:v0+s3+$0x0], $0xffff;
	_ =	sdelay $0x5  }
0x29: {  	[tilespmem:s18+$0x1B7A0] =	vst v0;
	v0 =	vld [tilespmem:s18+$0x19040]  }
0x2a: {  	v1 =	vld.idx.msk [tilespmem:v1+s3+$0x0], $0xffff  }
.Ltmp0:
0x2b: {  	(pc) =	sbr.rel @p0 .LBB2_3-.Ltmp0, $2  }
0x2c: {  	_ =	sdelay $0x2  }
0x2d: {  	s20 =	sshra.s32 s19, $0x2;
	s19 =	sadd.s32 $0x140, s19  }
0x2e: {  	_ =	sdelay $0x1  }
0x2f: {  	v2 =	vld [tilespmem:s20+$0x19000]  }
0x30: {  	[tilespmem:s18+$0x1B7B0] =	vst v1  }
0x31: {  	v0 =	vld.idx.msk [tilespmem:v0+s3+$0x0], $0xffff;
	_ =	sdelay $0x3  }
0x32: {  	v1 =	vld [tilespmem:s20+$0x19010]  }
0x33: {  	[tilespmem:s18+$0x1B7C0] =	vst v0  }
0x34: {  	v0 =	vld.idx.msk [tilespmem:v2+s3+$0x0], $0xffff;
	_ =	sdelay $0x3  }
0x35: {  	v61 =	vld [tilespmem:s20+$0x19020]  }
0x36: {  	[tilespmem:s20+$0x1B780] =	vst v0  }
0x37: {  	v1 =	vld.idx.msk [tilespmem:v1+s3+$0x0], $0xffff;
	_ =	sdelay $0x3  }
0x38: {  	v62 =	vld [tilespmem:s20+$0x19030]  }
0x39: {  	[tilespmem:s20+$0x1B790] =	vst v1  }
0x3a: {  	v0 =	vld.idx.msk [tilespmem:v61+s3+$0x0], $0xffff;
	_ =	sdelay $0x3  }
0x3b: {  	v63 =	vld [tilespmem:s20+$0x19040]  }
0x3c: {  	[tilespmem:s20+$0x1B7A0] =	vst v0  }
0x3d: {  	v1 =	vld.idx.msk [tilespmem:v62+s3+$0x0], $0xffff;
	_ =	sdelay $0x4  }
0x3e: {  	[tilespmem:s20+$0x1B7B0] =	vst v1  }
0x3f: {  	v0 =	vld.idx.msk [tilespmem:v63+s3+$0x0], $0xffff;
	_ =	sdelay $0x2  }
0x40: {  	s16 =	sadd.s32 $0x1, s16  }
0x41: {  	p0 =	sne.s32 s16, $0x5  }
.Ltmp1:
0x42: {  	s17 =	sadd.s32 s2, s17;
	[tilespmem:s20+$0x1B7C0] =	vst v0;
	(pc) =	sbr.rel @p0 .LBB2_2-.Ltmp1, $4  }
0x43: {  	[hbm4b:s17+s3] =	stream.linear.scatter [tilespmem:s14], [sflag:$0x1], $0x2710, $0x38;
	[tilespmem:$0x1DF00] =	vst v63  }
0x44: {  	_ =	swait.ge [sflag:s12], $0x2710  }
0x45: {  	[sflag:s12] =	ssyncset.done $0x0  }
0x46: {  	[sflag:s12] =	ssyncadd.s32 $0xFFFFD8F0  }
0x47: {  	s16 =	simm.s32 $0x0  }
0x48: {  	[tilespmem:s16], [sflag:$0x1] =	stream.linear.gather [hbm4b:s9+s16], $0x19000, $0x38;
	[tilespmem:$0x1DF00] =	vst v63  }
0x49: {  	_ =	swait.ge [sflag:s12], $0x19000  }
0x4a: {  	[sflag:s12] =	ssyncset.done $0x0  }
0x4b: {  	s17 =	simm.s32 $0x0;
	[sflag:s12] =	ssyncadd.s32 $0xFFFE7000  }
.LBB2_6:
0x4c: {  	s18 =	sadd.s32 s8, s17  }
0x4d: {  	s18 =	smul.u32 $0x4E2, s18;
	_ =	sdelay $0x1  }
0x4e: {  	s19 =	sadd.s32 s5, s18  }
0x4f: {  	[tilespmem:s13], [sflag:$0x1] =	stream.linear.gather [hbm4b:s19+s16], $0x2710, $0x38;
	[tilespmem:$0x1DF00] =	vst v63  }
0x50: {  	_ =	swait.ge [sflag:s12], $0x2710  }
0x51: {  	[sflag:s12] =	ssyncset.done $0x0  }
0x52: {  	s19 =	simm.s32 $0x0;
	[sflag:s12] =	ssyncadd.s32 $0xFFFFD8F0  }
0x53: {  	v0 =	vld [tilespmem:s19+$0x19000];
	_ =	sdelay $0x6  }
0x54: {  	v1 =	vld [tilespmem:s19+$0x19010]  }
0x55: {  	v0 =	vld.idx.msk [tilespmem:v0+s3+$0x0], $0xffff;
	_ =	sdelay $0x4  }
0x56: {  	[tilespmem:s19+$0x1B780] =	vst v0;
	v0 =	vld [tilespmem:s19+$0x19020];
	_ =	sdelay $0x1  }
0x57: {  	v1 =	vld.idx.msk [tilespmem:v1+s3+$0x0], $0xffff;
	_ =	sdelay $0x4  }
0x58: {  	[tilespmem:s19+$0x1B790] =	vst v1;
	v1 =	vld [tilespmem:s19+$0x19030]  }
0x59: {  	v0 =	vld.idx.msk [tilespmem:v0+s3+$0x0], $0xffff;
	_ =	sdelay $0x4  }
0x5a: {  	[tilespmem:s19+$0x1B7A0] =	vst v0;
	v0 =	vld [tilespmem:s19+$0x19040];
	_ =	sdelay $0x1  }
0x5b: {  	v1 =	vld.idx.msk [tilespmem:v1+s3+$0x0], $0xffff;
	_ =	sdelay $0x3  }
0x5c: {  	s21 =	simm.s32 $0x50;
	s20 =	simm.s32 $0x280  }
.LBB2_7:
0x5d: {  	p0 =	sne.s32 s20, $0x9B00;
	v2 =	vld [tilespmem:s21+$0x19000];
	[tilespmem:s19+$0x1B7B0] =	vst v1  }
0x5e: {  	v0 =	vld.idx.msk [tilespmem:v0+s3+$0x0], $0xffff;
	_ =	sdelay $0x5  }
0x5f: {  	v1 =	vld [tilespmem:s21+$0x19010];
	[tilespmem:s19+$0x1B7C0] =	vst v0;
	s19 =	smov.u32 s21  }
0x60: {  	v0 =	vld.idx.msk [tilespmem:v2+s3+$0x0], $0xffff;
	_ =	sdelay $0x5  }
0x61: {  	[tilespmem:s19+$0x1B780] =	vst v0;
	v0 =	vld [tilespmem:s19+$0x19020]  }
0x62: {  	v1 =	vld.idx.msk [tilespmem:v1+s3+$0x0], $0xffff;
	_ =	sdelay $0x5  }
0x63: {  	[tilespmem:s19+$0x1B790] =	vst v1;
	v1 =	vld [tilespmem:s19+$0x19030]  }
0x64: {  	v0 =	vld.idx.msk [tilespmem:v0+s3+$0x0], $0xffff;
	_ =	sdelay $0x5  }
0x65: {  	[tilespmem:s19+$0x1B7A0] =	vst v0;
	v0 =	vld [tilespmem:s19+$0x19040]  }
0x66: {  	v1 =	vld.idx.msk [tilespmem:v1+s3+$0x0], $0xffff  }
.Ltmp2:
0x67: {  	(pc) =	sbr.rel @p0 .LBB2_7-.Ltmp2, $2  }
0x68: {  	_ =	sdelay $0x2  }
0x69: {  	s21 =	sshra.s32 s20, $0x2;
	s20 =	sadd.s32 $0x140, s20  }
0x6a: {  	_ =	sdelay $0x1  }
0x6b: {  	v2 =	vld [tilespmem:s21+$0x19000]  }
0x6c: {  	[tilespmem:s19+$0x1B7B0] =	vst v1  }
0x6d: {  	v0 =	vld.idx.msk [tilespmem:v0+s3+$0x0], $0xffff;
	_ =	sdelay $0x3  }
0x6e: {  	v1 =	vld [tilespmem:s21+$0x19010]  }
0x6f: {  	[tilespmem:s19+$0x1B7C0] =	vst v0  }
0x70: {  	v0 =	vld.idx.msk [tilespmem:v2+s3+$0x0], $0xffff;
	_ =	sdelay $0x3  }
0x71: {  	v61 =	vld [tilespmem:s21+$0x19020]  }
0x72: {  	[tilespmem:s21+$0x1B780] =	vst v0  }
0x73: {  	v1 =	vld.idx.msk [tilespmem:v1+s3+$0x0], $0xffff;
	_ =	sdelay $0x3  }
0x74: {  	v62 =	vld [tilespmem:s21+$0x19030]  }
0x75: {  	[tilespmem:s21+$0x1B790] =	vst v1  }
0x76: {  	v0 =	vld.idx.msk [tilespmem:v61+s3+$0x0], $0xffff;
	_ =	sdelay $0x3  }
0x77: {  	v63 =	vld [tilespmem:s21+$0x19040]  }
0x78: {  	[tilespmem:s21+$0x1B7A0] =	vst v0  }
0x79: {  	v1 =	vld.idx.msk [tilespmem:v62+s3+$0x0], $0xffff;
	_ =	sdelay $0x4  }
0x7a: {  	[tilespmem:s21+$0x1B7B0] =	vst v1  }
0x7b: {  	v0 =	vld.idx.msk [tilespmem:v63+s3+$0x0], $0xffff;
	_ =	sdelay $0x2  }
0x7c: {  	s17 =	sadd.s32 $0x1, s17  }
0x7d: {  	p0 =	sne.s32 s17, $0x5  }
.Ltmp3:
0x7e: {  	s18 =	sadd.s32 s6, s18;
	[tilespmem:s21+$0x1B7C0] =	vst v0;
	(pc) =	sbr.rel @p0 .LBB2_6-.Ltmp3, $4  }
0x7f: {  	[hbm4b:s18+s3] =	stream.linear.scatter [tilespmem:s14], [sflag:$0x1], $0x2710, $0x38;
	[tilespmem:$0x1DF00] =	vst v63  }
0x80: {  	_ =	swait.ge [sflag:s12], $0x2710  }
0x81: {  	[sflag:s12] =	ssyncset.done $0x0  }
0x82: {  	[sflag:s12] =	ssyncadd.s32 $0xFFFFD8F0  }
0x83: {  	s16 =	simm.s32 $0x0  }
0x84: {  	[tilespmem:s16], [sflag:$0x1] =	stream.linear.gather [hbm4b:s10+s16], $0x19000, $0x38;
	[tilespmem:$0x1DF00] =	vst v63  }
0x85: {  	_ =	swait.ge [sflag:s12], $0x19000  }
0x86: {  	[sflag:s12] =	ssyncset.done $0x0  }
0x87: {  	s17 =	simm.s32 $0x0;
	[sflag:s12] =	ssyncadd.s32 $0xFFFE7000  }
.LBB2_10:
0x88: {  	s18 =	sadd.s32 s8, s17  }
0x89: {  	s18 =	smul.u32 $0x4E2, s18;
	_ =	sdelay $0x1  }
0x8a: {  	s19 =	sadd.s32 s5, s18  }
0x8b: {  	[tilespmem:s13], [sflag:$0x1] =	stream.linear.gather [hbm4b:s19+s16], $0x2710, $0x38;
	[tilespmem:$0x1DF00] =	vst v63  }
0x8c: {  	_ =	swait.ge [sflag:s12], $0x2710  }
0x8d: {  	[sflag:s12] =	ssyncset.done $0x0  }
0x8e: {  	s19 =	simm.s32 $0x0;
	[sflag:s12] =	ssyncadd.s32 $0xFFFFD8F0  }
0x8f: {  	v0 =	vld [tilespmem:s19+$0x19000];
	_ =	sdelay $0x6  }
0x90: {  	v1 =	vld [tilespmem:s19+$0x19010]  }
0x91: {  	v0 =	vld.idx.msk [tilespmem:v0+s3+$0x0], $0xffff;
	_ =	sdelay $0x4  }
0x92: {  	[tilespmem:s19+$0x1B780] =	vst v0;
	v0 =	vld [tilespmem:s19+$0x19020];
	_ =	sdelay $0x1  }
0x93: {  	v1 =	vld.idx.msk [tilespmem:v1+s3+$0x0], $0xffff;
	_ =	sdelay $0x4  }
0x94: {  	[tilespmem:s19+$0x1B790] =	vst v1;
	v1 =	vld [tilespmem:s19+$0x19030]  }
0x95: {  	v0 =	vld.idx.msk [tilespmem:v0+s3+$0x0], $0xffff;
	_ =	sdelay $0x4  }
0x96: {  	[tilespmem:s19+$0x1B7A0] =	vst v0;
	v0 =	vld [tilespmem:s19+$0x19040];
	_ =	sdelay $0x1  }
0x97: {  	v1 =	vld.idx.msk [tilespmem:v1+s3+$0x0], $0xffff;
	_ =	sdelay $0x3  }
0x98: {  	s21 =	simm.s32 $0x50;
	s20 =	simm.s32 $0x280  }
.LBB2_11:
0x99: {  	p0 =	sne.s32 s20, $0x9B00;
	v2 =	vld [tilespmem:s21+$0x19000];
	[tilespmem:s19+$0x1B7B0] =	vst v1  }
0x9a: {  	v0 =	vld.idx.msk [tilespmem:v0+s3+$0x0], $0xffff;
	_ =	sdelay $0x5  }
0x9b: {  	v1 =	vld [tilespmem:s21+$0x19010];
	[tilespmem:s19+$0x1B7C0] =	vst v0;
	s19 =	smov.u32 s21  }
0x9c: {  	v0 =	vld.idx.msk [tilespmem:v2+s3+$0x0], $0xffff;
	_ =	sdelay $0x5  }
0x9d: {  	[tilespmem:s19+$0x1B780] =	vst v0;
	v0 =	vld [tilespmem:s19+$0x19020]  }
0x9e: {  	v1 =	vld.idx.msk [tilespmem:v1+s3+$0x0], $0xffff;
	_ =	sdelay $0x5  }
0x9f: {  	[tilespmem:s19+$0x1B790] =	vst v1;
	v1 =	vld [tilespmem:s19+$0x19030]  }
0xa0: {  	v0 =	vld.idx.msk [tilespmem:v0+s3+$0x0], $0xffff;
	_ =	sdelay $0x5  }
0xa1: {  	[tilespmem:s19+$0x1B7A0] =	vst v0;
	v0 =	vld [tilespmem:s19+$0x19040]  }
0xa2: {  	v1 =	vld.idx.msk [tilespmem:v1+s3+$0x0], $0xffff  }
.Ltmp4:
0xa3: {  	(pc) =	sbr.rel @p0 .LBB2_11-.Ltmp4, $2  }
0xa4: {  	_ =	sdelay $0x2  }
0xa5: {  	s21 =	sshra.s32 s20, $0x2;
	s20 =	sadd.s32 $0x140, s20  }
0xa6: {  	_ =	sdelay $0x1  }
0xa7: {  	v2 =	vld [tilespmem:s21+$0x19000]  }
0xa8: {  	[tilespmem:s19+$0x1B7B0] =	vst v1  }
0xa9: {  	v0 =	vld.idx.msk [tilespmem:v0+s3+$0x0], $0xffff;
	_ =	sdelay $0x3  }
0xaa: {  	v1 =	vld [tilespmem:s21+$0x19010]  }
0xab: {  	[tilespmem:s19+$0x1B7C0] =	vst v0  }
0xac: {  	v0 =	vld.idx.msk [tilespmem:v2+s3+$0x0], $0xffff;
	_ =	sdelay $0x3  }
0xad: {  	v61 =	vld [tilespmem:s21+$0x19020]  }
0xae: {  	[tilespmem:s21+$0x1B780] =	vst v0  }
0xaf: {  	v1 =	vld.idx.msk [tilespmem:v1+s3+$0x0], $0xffff;
	_ =	sdelay $0x3  }
0xb0: {  	v62 =	vld [tilespmem:s21+$0x19030]  }
0xb1: {  	[tilespmem:s21+$0x1B790] =	vst v1  }
0xb2: {  	v0 =	vld.idx.msk [tilespmem:v61+s3+$0x0], $0xffff;
	_ =	sdelay $0x3  }
0xb3: {  	v63 =	vld [tilespmem:s21+$0x19040]  }
0xb4: {  	[tilespmem:s21+$0x1B7A0] =	vst v0  }
0xb5: {  	v1 =	vld.idx.msk [tilespmem:v62+s3+$0x0], $0xffff;
	_ =	sdelay $0x4  }
0xb6: {  	[tilespmem:s21+$0x1B7B0] =	vst v1  }
0xb7: {  	v0 =	vld.idx.msk [tilespmem:v63+s3+$0x0], $0xffff;
	_ =	sdelay $0x2  }
0xb8: {  	s17 =	sadd.s32 $0x1, s17  }
0xb9: {  	p0 =	sne.s32 s17, $0x5  }
.Ltmp5:
0xba: {  	s18 =	sadd.s32 s7, s18;
	[tilespmem:s21+$0x1B7C0] =	vst v0;
	(pc) =	sbr.rel @p0 .LBB2_10-.Ltmp5, $4  }
0xbb: {  	[hbm4b:s18+s3] =	stream.linear.scatter [tilespmem:s14], [sflag:$0x1], $0x2710, $0x38;
	[tilespmem:$0x1DF00] =	vst v63  }
0xbc: {  	_ =	swait.ge [sflag:s12], $0x2710  }
0xbd: {  	[sflag:s12] =	ssyncset.done $0x0  }
0xbe: {  	[sflag:s12] =	ssyncadd.s32 $0xFFFFD8F0  }
0xbf: {  	s15 =	sadd.s32 $0x1, s15  }
0xc0: {  	p0 =	sne.s32 s15, s11  }
.Ltmp6:
0xc1: {  	_ = 	snop;
	(pc) =	sbr.rel @p0 .LBB2_1-.Ltmp6, $1  }
0xc2: {  	_ =	sdelay $0x3  }
0xc3: {  	_ =	sfence.sel $0x180000  }
0xc4: {  	[bflag:$0x0] =	sbarrier.arrive $0xFFFF  }
0xc5: {  	p0 =	sne.s32 s4, $0x0;
	_ =	strace $0x90000047  }
0xc6: {  	s0 =	sadd.s32 @!p0 $0x100000, s0;
	[bflag:$0x2] =	sbarrier.arrive $0xFFFF  }
0xc7: {  	[sflag:s0] =	ssyncadd.tile.s32 @!p0 $0x1;
	_ =	shalt  }
.Lfunc_end2:
_tile_overlayer_lowered:
.L_overlay_start_2:
0xc8: {  	(tag) =	ssettag $0x2  }
0xc9: {  	s0 =	rddreg [dreg:$0x0];
	s2 =	stileid.u32  }
0xca: {  	s1 =	rddreg [dreg:$0x1];
	p0 =	sne.s32 s2, $0x0  }
0xcb: {  	s3 =	rddreg [dreg:$0x2];
	[bflag:$0x3] =	sbarrier.arrive $0xFFFF;
	s2 =	simm.s32 @!p0 $0x1C01  }
0xcc: {  	[timem:s3], [sflag:s2] =	dma.local @!p0 [hbm:s0], s1  }
0xcd: {  	s0 =	simm.s32 @!p0 $0x1  }
0xce: {  	_ =	swait.ge @!p0 [sflag:s0], s1  }
0xcf: {  	s1 =	ssub.s32 @!p0 $0x0, s1;
	[sflag:s0] =	ssyncset.done @!p0 $0x0  }
0xd0: {  	[sflag:s0] =	ssyncadd.s32 @!p0 s1  }
0xd1: {  	[bflag:$0x3] =	sbarrier.arrive $0xFFFF  }
0xd2: {  	_ =	shalt  }

// kernel: kernel.17.cloned.1.call-start
scs
__scs_entry_jumppad:
0x0: {  	(pc) =	sbr.rel $0x88, $3  }
0x1: {  	(tag) =	ssettag $0x0;
	lr =	simm.s32 $0x1  }
0x2: {  	[smem:$0x3F7E] =	sst lr;
	_ =	strace $0xD0000000  }
0x3: {  	_ = 	snop  }
0x4: {  	_ = 	snop  }
0x5: {  	_ = 	snop  }
0x6: {  	_ = 	snop  }
0x7: {  	_ = 	snop  }
__scs_overlays_trampoline_lowered:
0x8: {  	[smem:$0x3F8D] =	sst s0  }
0x9: {  	[smem:$0x3F8E] =	sst s1  }
0xa: {  	[smem:$0x3F8F] =	sst s2  }
0xb: {  	[smem:$0x3F90] =	sst s3  }
0xc: {  	[smem:$0x3F91] =	sst s4  }
0xd: {  	[smem:$0x3F92] =	sst s5  }
0xe: {  	[smem:$0x3F93] =	sst s6  }
0xf: {  	[smem:$0x3F94] =	sst s7  }
0x10: {  	[smem:$0x3F95] =	sst s8  }
0x11: {  	[smem:$0x3F96] =	sst s9;
	s0 =	simm.s32 @!p0 $0x0  }
0x12: {  	s1 =	sld [smem:$0x3F7C];
	s0 =	simm.s32 @p0 $0x1  }
0x13: {  	[smem:$0x3F97] =	sst s0;
	s0 =	simm.s32 @!p1 $0x0  }
0x14: {  	s2 =	sld [smem:$0x3F7B];
	s0 =	simm.s32 @p1 $0x1  }
0x15: {  	[smem:$0x3F98] =	sst s0;
	s0 =	simm.s32 @!p2 $0x0  }
0x16: {  	s3 =	sld [smem:$0x3FDB];
	s0 =	simm.s32 @p2 $0x1  }
0x17: {  	s4 =	simm.s32 $0x1BF5;
	[smem:$0x3F9A] =	sst s0  }
0x18: {  	s0 =	sld [smem:$0x3F7D];
	_ =	swait.ge [sflag:s4], $0x0  }
0x19: {  	s7 =	sld [smem:$0x3F7E]  }
0x1a: {  	s8 =	sadd.s32 $0xFFFFE003, lr  }
0x1b: {  	s9 =	sadd.s32 $0xFFFFFEF7, lr;
	s5 =	simm.s32 $0xFFFFFFFF;
	p2 =	slt.u32 s8, $0xFFFFF086  }
0x1c: {  	p1 =	slt.u32 s9, $0xF7A;
	s5 =	simm.s32 @!p2 $0x0  }
0x1d: {  	s5 =	simm.s32 @p1 $0x1;
	p0 =	seq.s32 s7, s2  }
0x1e: {  	s7 =	smul.u32 @!p0 $0xF7A, s2;
	p2 =	seq.s32 @!p0 s5, $0x0  }
0x1f: {  	s9 =	smul.u32 $0xF7A, s1;
	s8 =	simm.s32 @!p0 $0x1BF5;
	p2 =	por !p2, p0  }
0x20: {  	[sflag:s8] =	ssyncset.s32 @!p0 $0xFFFFF086;
	s6 =	sadd.s32 @!p0 s3, s7;
	s7 =	simm.s32 @!p0 $0x108  }
0x21: {  	s3 =	sadd.s32 s3, s9;
	s6 =	sadd.s32 @!p0 $0x88, s6;
	s7 =	simm.s32 @p2 $0x1082  }
0x22: {  	[simem:s7], [sflag:s8] =	dma.local @!p0 [hbm:s6], $0xF7A  }
0x23: {  	s9 =	sor.u32 $0xD0000000, s2;
	s6 =	simm.s32 $0x108;
	_ =	swait.ge @!p0 [sflag:s8], $0x0  }
0x24: {  	s3 =	sadd.s32 $0x88, s3;
	s6 =	simm.s32 @!p1 $0x1082;
	[sflag:s4] =	ssyncset.s32 $0xFFFFF086  }
0x25: {  	[simem:s6], [sflag:s4] =	dma.local [hbm:s3], $0xF7A  }
0x26: {  	[smem:$0x3F7E] =	sst s1;
	(tag) =	ssettag s2;
	_ =	strace s9  }
0x27: {  	s1 =	sld [smem:$0x3F8E]  }
0x28: {  	s2 =	sld [smem:$0x3F8F]  }
0x29: {  	s4 =	sld [smem:$0x3F91]  }
0x2a: {  	p0 =	seq.s32 s5, $0x0;
	s5 =	sld [smem:$0x3F92]  }
0x2b: {  	s6 =	sld [smem:$0x3F93]  }
0x2c: {  	s7 =	sld [smem:$0x3F94]  }
0x2d: {  	s3 =	simm.s32 $0x108;
	s8 =	sld [smem:$0x3F95]  }
0x2e: {  	s3 =	simm.s32 @!p0 $0x1082;
	s9 =	sld [smem:$0x3F96]  }
0x2f: {  	lr =	sadd.s32 s0, s3;
	s0 =	sld [smem:$0x3F8D]  }
0x30: {  	s3 =	sld [smem:$0x3F90]  }
0x31: {  	[smem:$0x3F99] =	sst s10  }
0x32: {  	s10 =	sld [smem:$0x3F97];
	_ =	sdelay $0x3  }
0x33: {  	p0 =	seq.s32 s10, $0x1;
	s10 =	sld [smem:$0x3F99];
	_ =	sdelay $0x3  }
0x34: {  	[smem:$0x3F99] =	sst s10  }
0x35: {  	s10 =	sld [smem:$0x3F98];
	_ =	sdelay $0x3  }
0x36: {  	p1 =	seq.s32 s10, $0x1;
	s10 =	sld [smem:$0x3F99];
	_ =	sdelay $0x3  }
0x37: {  	[smem:$0x3F99] =	sst s10  }
0x38: {  	s10 =	sld [smem:$0x3F9A]  }
0x39: {  	_ = 	snop;
	(pc) =	sbr.ind lr, $3  }
0x3a: {  	_ = 	snop  }
0x3b: {  	_ = 	snop  }
0x3c: {  	p2 =	seq.s32 s10, $0x1;
	s10 =	sld [smem:$0x3F99]  }
0x3d: {  	_ =	shalt  }
0x3e: {  	_ =	shalt  }
0x3f: {  	_ =	shalt  }
0x40: {  	_ =	shalt  }
0x41: {  	_ =	shalt  }
0x42: {  	_ =	shalt  }
0x43: {  	_ =	shalt  }
0x44: {  	_ =	shalt  }
0x45: {  	_ =	shalt  }
0x46: {  	_ =	shalt  }
0x47: {  	_ =	shalt  }
0x48: {  	_ =	shalt  }
0x49: {  	_ =	shalt  }
0x4a: {  	_ =	shalt  }
0x4b: {  	_ =	shalt  }
0x4c: {  	_ =	shalt  }
0x4d: {  	_ =	shalt  }
0x4e: {  	_ =	shalt  }
0x4f: {  	_ =	shalt  }
0x50: {  	_ =	shalt  }
0x51: {  	_ =	shalt  }
0x52: {  	_ =	shalt  }
0x53: {  	_ =	shalt  }
0x54: {  	_ =	shalt  }
0x55: {  	_ =	shalt  }
0x56: {  	_ =	shalt  }
0x57: {  	_ =	shalt  }
0x58: {  	_ =	shalt  }
0x59: {  	_ =	shalt  }
0x5a: {  	_ =	shalt  }
0x5b: {  	_ =	shalt  }
0x5c: {  	_ =	shalt  }
0x5d: {  	_ =	shalt  }
0x5e: {  	_ =	shalt  }
0x5f: {  	_ =	shalt  }
0x60: {  	_ =	shalt  }
0x61: {  	_ =	shalt  }
0x62: {  	_ =	shalt  }
0x63: {  	_ =	shalt  }
0x64: {  	_ =	shalt  }
0x65: {  	_ =	shalt  }
0x66: {  	_ =	shalt  }
0x67: {  	_ =	shalt  }
0x68: {  	_ =	shalt  }
0x69: {  	_ =	shalt  }
0x6a: {  	_ =	shalt  }
0x6b: {  	_ =	shalt  }
0x6c: {  	_ =	shalt  }
0x6d: {  	_ =	shalt  }
0x6e: {  	_ =	shalt  }
0x6f: {  	_ =	shalt  }
0x70: {  	_ =	shalt  }
0x71: {  	_ =	shalt  }
0x72: {  	_ =	shalt  }
0x73: {  	_ =	shalt  }
0x74: {  	_ =	shalt  }
0x75: {  	_ =	shalt  }
0x76: {  	_ =	shalt  }
0x77: {  	_ =	shalt  }
0x78: {  	_ =	shalt  }
0x79: {  	_ =	shalt  }
0x7a: {  	_ =	shalt  }
0x7b: {  	_ =	shalt  }
0x7c: {  	_ =	shalt  }
0x7d: {  	_ =	shalt  }
0x7e: {  	_ =	shalt  }
0x7f: {  	_ =	shalt  }
0x80: {  	_ =	shalt  }
0x81: {  	_ =	shalt  }
0x82: {  	_ =	shalt  }
0x83: {  	_ =	shalt  }
0x84: {  	_ =	shalt  }
0x85: {  	_ =	shalt  }
0x86: {  	_ =	shalt  }
0x87: {  	_ =	shalt  }
.Lfunc_end0:
.L_simem_size_0:
called_computation.1_lowered:
.L_overlay_start_0:
0x88: {  	s2 =	sld [smem:$0x3FD9]  }
0x89: {  	s3 =	sld [smem:$0x3FFE];
	_ =	sdelay $0x1  }
0x8a: {  	s1 =	srdreg.scid  }
0x8b: {  	s0 =	sand.u32 $0x1, s1  }
0x8c: {  	s14 =	sshll.u32 s0, $0xA;
	s2 =	sadd.s32 s3, s2  }
0x8d: {  	s2 =	sadd.s32 s2, s14  }
0x8e: {  	[smem:$0x3FA5] =	sst s2  }
0x8f: {  	_ = 	snop  }
0x90: {  	s2 =	sld [smem:$0x3FD0];
	_ =	sdelay $0x2  }
0x91: {  	s15 =	simm.s32 $0xA;
	s4 =	simm.s32 $0x10  }
0x92: {  	[smem:s4], [sflag:s15] =	dma.local [hbm:s2], $0x1  }
0x93: {  	_ =	swait.eq [sflag:s15], $0x1  }
0x94: {  	[sflag:s15] =	ssyncset.done $0x0  }
0x95: {  	[sflag:s15] =	ssyncadd.s32 $0xFFFFFFFF  }
0x96: {  	s16 =	sld [smem:$0x11];
	(tm) =	ssettm $0x1  }
0x97: {  	s17 =	sld [smem:$0x3FFB];
	_ =	sdelay $0x3  }
0x98: {  	_ =	strace s17  }
0x99: {  	s3 =	sld [smem:$0x3FFC];
	_ =	sdelay $0x3  }
0x9a: {  	_ =	strace s3  }
0x9b: {  	s3 =	sld [smem:$0x3FFD];
	_ =	sdelay $0x3  }
0x9c: {  	_ =	strace s3  }
0x9d: {  	_ =	strace $0x8FFFFFFF  }
0x9e: {  	s18 =	sld [smem:$0x3FDB];
	_ =	sdelay $0x1  }
0x9f: {  	s19 =	simm.s32 $_scs_section_size  }
0xa0: {  	s5 =	simm.s32 $_size__tile_overlayer_lowered;
	s6 =	simm.s32 $_tile_overlayer_lowered  }
0xa1: {  	s22 =	simm.s32 $0x1BFF;
	s21 =	sshll.u32 s6, $0x1;
	s3 =	sadd.s32 s19, s18  }
0xa2: {  	s7 =	simm.s32 $0x0;
	s20 =	sshll.u32 s5, $0x1;
	s5 =	sadd.s32 s21, s3  }
0xa3: {  	[timem:s7], [sflag:s22] =	dma.local [hbm:s5], s20  }
0xa4: {  	_ =	swait.ge [sflag:s22], s20  }
0xa5: {  	s4 =	ssub.s32 $0x0, s20;
	[sflag:s22] =	ssyncset.done $0x0  }
0xa6: {  	[sflag:s22] =	ssyncadd.s32 s4;
	_ =	sdelay $0x1  }
0xa7: {  	s23 =	simm.s32 $0x1B8B  }
0xa8: {  	_ =	swait.ge [sflag:s23], $0x1  }
0xa9: {  	[sflag:s23] =	ssyncset.done $0x0  }
0xaa: {  	s25 =	simm.s32 $0x1B8E;
	s24 =	sld [smem:$0x3FFE];
	[sflag:s23] =	ssyncadd.s32 $0xFFFFFFFF  }
0xab: {  	s26 =	simm.s32 $execute0_lowered;
	[smem:$0x3FD2] =	sst s25  }
0xac: {  	s5 =	sshll.u32 s26, $0x1;
	_ =	strace $0x80000049;
	[dreg:$0x1] =	wrdreg $0xFFFFFFFF  }
0xad: {  	s28 =	simm.s32 $_size_execute0_lowered;
	s3 =	sadd.s32 s3, s5;
	[dreg:$0x0] =	wrdreg $0x0  }
0xae: {  	s5 =	sshll.u32 s28, $0x1;
	[dreg:$0x2] =	wrdreg s3  }
0xaf: {  	[dreg:$0x3] =	wrdreg s5  }
0xb0: {  	[dreg:$0x4] =	wrdreg $0xC0  }
0xb1: {  	_ =	task [dreg:s7], $0x5FFFF  }
0xb2: {  	[dreg:$0x1] =	wrdreg $0xFFFFFFFF  }
0xb3: {  	[dreg:$0x0] =	wrdreg $0x60  }
0xb4: {  	[dreg:$0x2] =	wrdreg s24  }
0xb5: {  	[dreg:$0x3] =	wrdreg s16  }
0xb6: {  	[dreg:$0x4] =	wrdreg $0x9  }
0xb7: {  	_ =	task.clear_ibuf [dreg:s7], $0x5FFFF;
	_ =	strace $0x90000049  }
0xb8: {  	s29 =	simm.s32 $0x9;
	_ =	strace $0x8000004B  }
0xb9: {  	_ =	swait.ge [sflag:s29], $0x1  }
0xba: {  	[sflag:s29] =	ssyncadd.s32 $0xFFFFFFFF  }
0xbb: {  	_ =	strace $0x9000004B  }
0xbc: {  	_ =	sfence  }
0xbd: {  	s30 =	sld [smem:$0x0];
	_ =	sdelay $0x2  }
0xbe: {  	s31 =	sshll.u32 s1, $0xD;
	s1 =	sshrl.u32 s1, $0x2  }
0xbf: {  	s3 =	sand.u32 $0x4000, s31;
	s1 =	sadd.s32 s1, s30  }
0xc0: {  	s0 =	sor.u32 s3, s0;
	s1 =	sshll.u32 s1, $0x11  }
0xc1: {  	s0 =	sor.u32 s1, s0  }
0xc2: {  	s0 =	sadd.s32 $0x8F2B, s0  }
0xc3: {  	[sflag:s0] =	ssyncadd.remote.s32 $0x1  }
0xc4: {  	_ =	sfence.sel $0xFFFF  }
0xc5: {  	[dreg:$0x0] =	wrdreg $0xFFFFFFFF;
	(pc) =	sbr.abs _section_cstart, $3  }
0xc6: {  	[dreg:$0x1] =	wrdreg $0xFFFFFFFF  }
0xc7: {  	_ =	task.clear_ibuf [dreg:s7], $0x2FFFF;
	_ =	strace $0x9FFFFFFF  }
0xc8: {  	(tm) =	ssettm $0x7FFFFFFF  }
0xc9: {  	_ =	shalt  }
tec
execute0_lowered:
.L_overlay_start_1:
0x0: {  	(tag) =	ssettag $0x1  }
0x1: {  	s7 =	rddreg [dreg:$0x0]  }
0x2: {  	s8 =	rddreg [dreg:$0x1]  }
0x3: {  	s0 =	rddreg [dreg:$0x2]  }
0x4: {  	s2 =	simm.s32 $0x0;
	s3 =	srdreg.scid;
	s1 =	stileid.u32  }
0x5: {  	s14 =	simm.s32 $0x1;
	s15 =	simm.s32 $0x1B780;
	s16 =	simm.s32 $0x0  }
0x6: {  	[smem:$0x7FF] =	sst s2;
	s5 =	sand.u32 $0x1, s3;
	s4 =	sshll.u32 s1, $0x1  }
0x7: {  	s3 =	sadd.s32 $0x38E00, s7;
	s6 =	sadd.s32 $0x9AA00, s7;
	s9 =	sor.u32 s5, s4  }
0x8: {  	_ =	strace $0x8000004A;
	s11 =	ssub.s32 $0x2, s5;
	s10 =	smul.u32 $0x3200, s9  }
0x9: {  	s4 =	sadd.s32 $0x8000, s7;
	s5 =	sadd.s32 $0x69C00, s7;
	s12 =	sshrl.u32 s11, $0x1  }
0xa: {  	s12 =	ssub.s32 s11, s12;
	s13 =	sadd.s32 s10, s7;
	s7 =	smul.u32 $0x5, s9  }
0xb: {  	s8 =	sadd.s32 s8, s10;
	s12 =	smax.u32 s12, $0x1;
	s10 =	sadd.s32 $0x12F800, s13  }
0xc: {  	v0 =	vimm.f32 $0.0e+00;
	v1 =	vimm.f32 $1.000000000e+00;
	s9 =	sadd.s32 $0xCB800, s13;
	s11 =	sadd.s32 $0x193800, s13;
	s13 =	simm.s32 $0x19000  }
.LBB2_1:
0xd: {  	s17 =	simm.s32 $0x140;
	s18 =	simm.s32 $0x0  }
.LBB2_2:
0xe: {  	p0 =	sne.s32 s17, $0x63EC0;
	[tilespmem:s18+$0x40] =	vst v0;
	s19 =	smov.u32 s17;
	s17 =	sadd.s32 $0x140, s17  }
.Ltmp0:
0xf: {  	[tilespmem:s18+$0x30] =	vst v0;
	(pc) =	sbr.rel @p0 .LBB2_2-.Ltmp0, $4  }
0x10: {  	[tilespmem:s18+$0x20] =	vst v0  }
0x11: {  	[tilespmem:s18+$0x0] =	vst v0  }
0x12: {  	[tilespmem:s18+$0x10] =	vst v0  }
0x13: {  	s18 =	sshra.s32 s19, $0x2  }
0x14: {  	[tilespmem:s18+$0x40] =	vst v0  }
0x15: {  	[tilespmem:s18+$0x30] =	vst v0  }
0x16: {  	[tilespmem:s18+$0x20] =	vst v0  }
0x17: {  	[tilespmem:s18+$0x0] =	vst v0  }
0x18: {  	s17 =	simm.s32 $0x0;
	[tilespmem:s18+$0x10] =	vst v0;
	s18 =	simm.s32 $0x0  }
.LBB2_4:
0x19: {  	s19 =	sadd.s32 s7, s18  }
0x1a: {  	s19 =	smul.u32 $0x4E2, s19;
	_ =	sdelay $0x1  }
0x1b: {  	s20 =	sadd.s32 s3, s19  }
0x1c: {  	[tilespmem:s13], [sflag:$0x1] =	stream.linear.gather [hbm4b:s20+s17], $0x2710, $0x38;
	[tilespmem:$0x1DF00] =	vst v63  }
0x1d: {  	_ =	swait.ge [sflag:s14], $0x2710  }
0x1e: {  	[sflag:s14] =	ssyncset.done $0x0  }
0x1f: {  	s19 =	sadd.s32 s5, s19;
	[sflag:s14] =	ssyncadd.s32 $0xFFFFD8F0  }
0x20: {  	[tilespmem:s15], [sflag:$0x1] =	stream.linear.gather [hbm4b:s19+s17], $0x2710, $0x38;
	[tilespmem:$0x1DF00] =	vst v63  }
0x21: {  	_ =	swait.ge [sflag:s14], $0x2710  }
0x22: {  	[sflag:s14] =	ssyncset.done $0x0  }
0x23: {  	s19 =	simm.s32 $0x0;
	[sflag:s14] =	ssyncadd.s32 $0xFFFFD8F0  }
.LBB2_5:
0x24: {  	s20 =	sshra.s32 s19, $0x2  }
0x25: {  	v2 =	vld [tilespmem:s20+$0x19000];
	_ =	sdelay $0x2  }
0x26: {  	v3 =	vld [tilespmem:s20+$0x1B780];
	_ =	sdelay $0x4  }
0x27: {  	[tilespmem:v2+s2+$0x0] =	vst.idx.add.f32.msk $0xffff, v3  }
0x28: {  	v2 =	vld [tilespmem:s20+$0x19010];
	_ =	sdelay $0x2  }
0x29: {  	v3 =	vld [tilespmem:s20+$0x1B790];
	_ =	sdelay $0x4  }
0x2a: {  	[tilespmem:v2+s2+$0x0] =	vst.idx.add.f32.msk $0xffff, v3  }
0x2b: {  	v2 =	vld [tilespmem:s20+$0x19020];
	_ =	sdelay $0x2  }
0x2c: {  	v3 =	vld [tilespmem:s20+$0x1B7A0];
	_ =	sdelay $0x4  }
0x2d: {  	[tilespmem:v2+s2+$0x0] =	vst.idx.add.f32.msk $0xffff, v3  }
0x2e: {  	v2 =	vld [tilespmem:s20+$0x19030];
	_ =	sdelay $0x2  }
0x2f: {  	v3 =	vld [tilespmem:s20+$0x1B7B0];
	_ =	sdelay $0x4  }
0x30: {  	[tilespmem:v2+s2+$0x0] =	vst.idx.add.f32.msk $0xffff, v3  }
0x31: {  	v2 =	vld [tilespmem:s20+$0x19040];
	_ =	sdelay $0x2  }
0x32: {  	p0 =	sne.s32 s19, $0x9B00;
	v3 =	vld [tilespmem:s20+$0x1B7C0]  }
.Ltmp1:
0x33: {  	_ = 	snop;
	(pc) =	sbr.rel @p0 .LBB2_5-.Ltmp1, $2  }
0x34: {  	_ =	sdelay $0x2  }
0x35: {  	s19 =	sadd.s32 $0x140, s19;
	[tilespmem:v2+s2+$0x0] =	vst.idx.add.f32.msk $0xffff, v3  }
0x36: {  	s18 =	sadd.s32 $0x1, s18  }
0x37: {  	p0 =	sne.s32 s18, $0x5  }
.Ltmp2:
0x38: {  	_ = 	snop;
	(pc) =	sbr.rel @p0 .LBB2_4-.Ltmp2, $1  }
0x39: {  	_ =	sdelay $0x3  }
0x3a: {  	s17 =	simm.s32 $0x0  }
0x3b: {  	[hbm4b:s8+s17] =	stream.linear.scatter [tilespmem:s17], [sflag:$0x1], $0x19000, $0x38;
	[tilespmem:$0x1DF00] =	vst v63  }
0x3c: {  	_ =	swait.ge [sflag:s14], $0x19000  }
0x3d: {  	[sflag:s14] =	ssyncset.done $0x0  }
0x3e: {  	s19 =	simm.s32 $0x140;
	s18 =	simm.s32 $0x0;
	[sflag:s14] =	ssyncadd.s32 $0xFFFE7000  }
.LBB2_8:
0x3f: {  	p0 =	sne.s32 s19, $0x63EC0;
	[tilespmem:s18+$0x40] =	vst v0;
	s20 =	smov.u32 s19;
	s19 =	sadd.s32 $0x140, s19  }
.Ltmp3:
0x40: {  	[tilespmem:s18+$0x30] =	vst v0;
	(pc) =	sbr.rel @p0 .LBB2_8-.Ltmp3, $4  }
0x41: {  	[tilespmem:s18+$0x20] =	vst v0  }
0x42: {  	[tilespmem:s18+$0x0] =	vst v0  }
0x43: {  	[tilespmem:s18+$0x10] =	vst v0  }
0x44: {  	s18 =	sshra.s32 s20, $0x2  }
0x45: {  	[tilespmem:s18+$0x40] =	vst v0  }
0x46: {  	[tilespmem:s18+$0x30] =	vst v0  }
0x47: {  	[tilespmem:s18+$0x20] =	vst v0  }
0x48: {  	[tilespmem:s18+$0x0] =	vst v0  }
0x49: {  	[tilespmem:s18+$0x10] =	vst v0  }
.LBB2_10:
0x4a: {  	s18 =	sadd.s32 s7, s17  }
0x4b: {  	s19 =	smul.u32 $0x4E2, s18;
	_ =	sdelay $0x1  }
0x4c: {  	s18 =	simm.s32 $0x0;
	s20 =	sadd.s32 s3, s19  }
0x4d: {  	[tilespmem:s13], [sflag:$0x1] =	stream.linear.gather [hbm4b:s20+s18], $0x2710, $0x38;
	[tilespmem:$0x1DF00] =	vst v63  }
0x4e: {  	_ =	swait.ge [sflag:s14], $0x2710  }
0x4f: {  	[sflag:s14] =	ssyncset.done $0x0  }
0x50: {  	s19 =	sadd.s32 s6, s19;
	[sflag:s14] =	ssyncadd.s32 $0xFFFFD8F0  }
0x51: {  	[tilespmem:s15], [sflag:$0x1] =	stream.linear.gather [hbm4b:s19+s18], $0x2710, $0x38;
	[tilespmem:$0x1DF00] =	vst v63  }
0x52: {  	_ =	swait.ge [sflag:s14], $0x2710  }
0x53: {  	[sflag:s14] =	ssyncset.done $0x0  }
0x54: {  	[sflag:s14] =	ssyncadd.s32 $0xFFFFD8F0  }
.LBB2_11:
0x55: {  	s19 =	sshra.s32 s18, $0x2  }
0x56: {  	v2 =	vld [tilespmem:s19+$0x19000];
	_ =	sdelay $0x2  }
0x57: {  	v3 =	vld [tilespmem:s19+$0x1B780];
	_ =	sdelay $0x4  }
0x58: {  	[tilespmem:v2+s2+$0x0] =	vst.idx.add.f32.msk $0xffff, v3  }
0x59: {  	v2 =	vld [tilespmem:s19+$0x19010];
	_ =	sdelay $0x2  }
0x5a: {  	v3 =	vld [tilespmem:s19+$0x1B790];
	_ =	sdelay $0x4  }
0x5b: {  	[tilespmem:v2+s2+$0x0] =	vst.idx.add.f32.msk $0xffff, v3  }
0x5c: {  	v2 =	vld [tilespmem:s19+$0x19020];
	_ =	sdelay $0x2  }
0x5d: {  	v3 =	vld [tilespmem:s19+$0x1B7A0];
	_ =	sdelay $0x4  }
0x5e: {  	[tilespmem:v2+s2+$0x0] =	vst.idx.add.f32.msk $0xffff, v3  }
0x5f: {  	v2 =	vld [tilespmem:s19+$0x19030];
	_ =	sdelay $0x2  }
0x60: {  	v3 =	vld [tilespmem:s19+$0x1B7B0];
	_ =	sdelay $0x4  }
0x61: {  	[tilespmem:v2+s2+$0x0] =	vst.idx.add.f32.msk $0xffff, v3  }
0x62: {  	v2 =	vld [tilespmem:s19+$0x19040];
	_ =	sdelay $0x2  }
0x63: {  	p0 =	sne.s32 s18, $0x9B00;
	v3 =	vld [tilespmem:s19+$0x1B7C0]  }
.Ltmp4:
0x64: {  	_ = 	snop;
	(pc) =	sbr.rel @p0 .LBB2_11-.Ltmp4, $2  }
0x65: {  	_ =	sdelay $0x2  }
0x66: {  	s18 =	sadd.s32 $0x140, s18;
	[tilespmem:v2+s2+$0x0] =	vst.idx.add.f32.msk $0xffff, v3  }
0x67: {  	s17 =	sadd.s32 $0x1, s17  }
0x68: {  	p0 =	sne.s32 s17, $0x5  }
.Ltmp5:
0x69: {  	_ = 	snop;
	(pc) =	sbr.rel @p0 .LBB2_10-.Ltmp5, $1  }
0x6a: {  	_ =	sdelay $0x3  }
0x6b: {  	s17 =	simm.s32 $0x0  }
0x6c: {  	[hbm4b:s9+s17] =	stream.linear.scatter [tilespmem:s17], [sflag:$0x1], $0x19000, $0x38;
	[tilespmem:$0x1DF00] =	vst v63  }
0x6d: {  	_ =	swait.ge [sflag:s14], $0x19000  }
0x6e: {  	[sflag:s14] =	ssyncset.done $0x0  }
0x6f: {  	s18 =	simm.s32 $0x140;
	s17 =	simm.s32 $0x0;
	[sflag:s14] =	ssyncadd.s32 $0xFFFE7000  }
.LBB2_14:
0x70: {  	p0 =	sne.s32 s18, $0x63EC0;
	[tilespmem:s17+$0x40] =	vst v0;
	s19 =	smov.u32 s18;
	s18 =	sadd.s32 $0x140, s18  }
.Ltmp6:
0x71: {  	[tilespmem:s17+$0x30] =	vst v0;
	(pc) =	sbr.rel @p0 .LBB2_14-.Ltmp6, $4  }
0x72: {  	[tilespmem:s17+$0x20] =	vst v0  }
0x73: {  	[tilespmem:s17+$0x0] =	vst v0  }
0x74: {  	[tilespmem:s17+$0x10] =	vst v0  }
0x75: {  	s17 =	sshra.s32 s19, $0x2  }
0x76: {  	[tilespmem:s17+$0x40] =	vst v0  }
0x77: {  	[tilespmem:s17+$0x30] =	vst v0  }
0x78: {  	[tilespmem:s17+$0x20] =	vst v0  }
0x79: {  	[tilespmem:s17+$0x0] =	vst v0  }
0x7a: {  	[tilespmem:s17+$0x10] =	vst v0;
	s17 =	simm.s32 $0x140;
	s18 =	simm.s32 $0x0  }
.LBB2_16:
0x7b: {  	p0 =	sne.s32 s17, $0x9B00;
	[tilespmem:s18+$0x1B7C0] =	vst v1;
	s19 =	smov.u32 s17;
	s17 =	sadd.s32 $0x140, s17  }
.Ltmp7:
0x7c: {  	[tilespmem:s18+$0x1B7B0] =	vst v1;
	(pc) =	sbr.rel @p0 .LBB2_16-.Ltmp7, $4  }
0x7d: {  	[tilespmem:s18+$0x1B7A0] =	vst v1  }
0x7e: {  	[tilespmem:s18+$0x1B780] =	vst v1  }
0x7f: {  	[tilespmem:s18+$0x1B790] =	vst v1  }
0x80: {  	s18 =	sshra.s32 s19, $0x2  }
0x81: {  	[tilespmem:s18+$0x1B7C0] =	vst v1  }
0x82: {  	[tilespmem:s18+$0x1B7B0] =	vst v1  }
0x83: {  	[tilespmem:s18+$0x1B7A0] =	vst v1  }
0x84: {  	[tilespmem:s18+$0x1B780] =	vst v1  }
0x85: {  	s17 =	simm.s32 $0x0;
	[tilespmem:s18+$0x1B790] =	vst v1;
	s18 =	simm.s32 $0x0  }
.LBB2_18:
0x86: {  	s19 =	sadd.s32 s7, s18  }
0x87: {  	s19 =	smul.u32 $0x4E2, s19;
	_ =	sdelay $0x1  }
0x88: {  	s19 =	sadd.s32 s3, s19  }
0x89: {  	[tilespmem:s13], [sflag:$0x1] =	stream.linear.gather [hbm4b:s19+s17], $0x2710, $0x38;
	[tilespmem:$0x1DF00] =	vst v63  }
0x8a: {  	_ =	swait.ge [sflag:s14], $0x2710  }
0x8b: {  	[sflag:s14] =	ssyncset.done $0x0  }
0x8c: {  	s19 =	simm.s32 $0x0;
	[sflag:s14] =	ssyncadd.s32 $0xFFFFD8F0  }
.LBB2_19:
0x8d: {  	s20 =	sshra.s32 s19, $0x2  }
0x8e: {  	v2 =	vld [tilespmem:s20+$0x19000];
	_ =	sdelay $0x2  }
0x8f: {  	v3 =	vld [tilespmem:s20+$0x1B780];
	_ =	sdelay $0x4  }
0x90: {  	[tilespmem:v2+s2+$0x0] =	vst.idx.add.f32.msk $0xffff, v3  }
0x91: {  	v2 =	vld [tilespmem:s20+$0x19010];
	_ =	sdelay $0x2  }
0x92: {  	v3 =	vld [tilespmem:s20+$0x1B790];
	_ =	sdelay $0x4  }
0x93: {  	[tilespmem:v2+s2+$0x0] =	vst.idx.add.f32.msk $0xffff, v3  }
0x94: {  	v2 =	vld [tilespmem:s20+$0x19020];
	_ =	sdelay $0x2  }
0x95: {  	v3 =	vld [tilespmem:s20+$0x1B7A0];
	_ =	sdelay $0x4  }
0x96: {  	[tilespmem:v2+s2+$0x0] =	vst.idx.add.f32.msk $0xffff, v3  }
0x97: {  	v2 =	vld [tilespmem:s20+$0x19030];
	_ =	sdelay $0x2  }
0x98: {  	v3 =	vld [tilespmem:s20+$0x1B7B0];
	_ =	sdelay $0x4  }
0x99: {  	[tilespmem:v2+s2+$0x0] =	vst.idx.add.f32.msk $0xffff, v3  }
0x9a: {  	v2 =	vld [tilespmem:s20+$0x19040];
	_ =	sdelay $0x2  }
0x9b: {  	p0 =	sne.s32 s19, $0x9B00;
	v3 =	vld [tilespmem:s20+$0x1B7C0]  }
.Ltmp8:
0x9c: {  	_ = 	snop;
	(pc) =	sbr.rel @p0 .LBB2_19-.Ltmp8, $2  }
0x9d: {  	_ =	sdelay $0x2  }
0x9e: {  	s19 =	sadd.s32 $0x140, s19;
	[tilespmem:v2+s2+$0x0] =	vst.idx.add.f32.msk $0xffff, v3  }
0x9f: {  	s18 =	sadd.s32 $0x1, s18  }
0xa0: {  	p0 =	sne.s32 s18, $0x5  }
.Ltmp9:
0xa1: {  	_ = 	snop;
	(pc) =	sbr.rel @p0 .LBB2_18-.Ltmp9, $1  }
0xa2: {  	_ =	sdelay $0x3  }
0xa3: {  	s17 =	simm.s32 $0x0  }
0xa4: {  	[hbm4b:s10+s17] =	stream.linear.scatter [tilespmem:s17], [sflag:$0x1], $0x19000, $0x38;
	[tilespmem:$0x1DF00] =	vst v63  }
0xa5: {  	_ =	swait.ge [sflag:s14], $0x19000  }
0xa6: {  	[sflag:s14] =	ssyncset.done $0x0  }
0xa7: {  	s18 =	simm.s32 $0x140;
	s17 =	simm.s32 $0x0;
	[sflag:s14] =	ssyncadd.s32 $0xFFFE7000  }
.LBB2_22:
0xa8: {  	p0 =	sne.s32 s18, $0x63EC0;
	[tilespmem:s17+$0x40] =	vst v0;
	s19 =	smov.u32 s18;
	s18 =	sadd.s32 $0x140, s18  }
.Ltmp10:
0xa9: {  	[tilespmem:s17+$0x30] =	vst v0;
	(pc) =	sbr.rel @p0 .LBB2_22-.Ltmp10, $4  }
0xaa: {  	[tilespmem:s17+$0x20] =	vst v0  }
0xab: {  	[tilespmem:s17+$0x0] =	vst v0  }
0xac: {  	[tilespmem:s17+$0x10] =	vst v0  }
0xad: {  	s17 =	sshra.s32 s19, $0x2  }
0xae: {  	[tilespmem:s17+$0x40] =	vst v0  }
0xaf: {  	[tilespmem:s17+$0x30] =	vst v0  }
0xb0: {  	[tilespmem:s17+$0x20] =	vst v0  }
0xb1: {  	[tilespmem:s17+$0x0] =	vst v0  }
0xb2: {  	[tilespmem:s17+$0x10] =	vst v0;
	s17 =	simm.s32 $0x140;
	s18 =	simm.s32 $0x0  }
.LBB2_24:
0xb3: {  	p0 =	sne.s32 s17, $0x9B00;
	[tilespmem:s18+$0x1B7C0] =	vst v1;
	s19 =	smov.u32 s17;
	s17 =	sadd.s32 $0x140, s17  }
.Ltmp11:
0xb4: {  	[tilespmem:s18+$0x1B7B0] =	vst v1;
	(pc) =	sbr.rel @p0 .LBB2_24-.Ltmp11, $4  }
0xb5: {  	[tilespmem:s18+$0x1B7A0] =	vst v1  }
0xb6: {  	[tilespmem:s18+$0x1B780] =	vst v1  }
0xb7: {  	[tilespmem:s18+$0x1B790] =	vst v1  }
0xb8: {  	s18 =	sshra.s32 s19, $0x2  }
0xb9: {  	[tilespmem:s18+$0x1B7C0] =	vst v1  }
0xba: {  	[tilespmem:s18+$0x1B7B0] =	vst v1  }
0xbb: {  	[tilespmem:s18+$0x1B7A0] =	vst v1  }
0xbc: {  	[tilespmem:s18+$0x1B780] =	vst v1  }
0xbd: {  	s17 =	simm.s32 $0x0;
	[tilespmem:s18+$0x1B790] =	vst v1;
	s18 =	simm.s32 $0x0  }
.LBB2_26:
0xbe: {  	s19 =	sadd.s32 s7, s18  }
0xbf: {  	s19 =	smul.u32 $0x4E2, s19;
	_ =	sdelay $0x1  }
0xc0: {  	s19 =	sadd.s32 s4, s19  }
0xc1: {  	[tilespmem:s13], [sflag:$0x1] =	stream.linear.gather [hbm4b:s19+s17], $0x2710, $0x38;
	[tilespmem:$0x1DF00] =	vst v63  }
0xc2: {  	_ =	swait.ge [sflag:s14], $0x2710  }
0xc3: {  	[sflag:s14] =	ssyncset.done $0x0  }
0xc4: {  	s19 =	simm.s32 $0x0;
	[sflag:s14] =	ssyncadd.s32 $0xFFFFD8F0  }
.LBB2_27:
0xc5: {  	s20 =	sshra.s32 s19, $0x2  }
0xc6: {  	v2 =	vld [tilespmem:s20+$0x19000];
	_ =	sdelay $0x2  }
0xc7: {  	v3 =	vld [tilespmem:s20+$0x1B780];
	_ =	sdelay $0x4  }
0xc8: {  	[tilespmem:v2+s2+$0x0] =	vst.idx.add.f32.msk $0xffff, v3  }
0xc9: {  	v2 =	vld [tilespmem:s20+$0x19010];
	_ =	sdelay $0x2  }
0xca: {  	v3 =	vld [tilespmem:s20+$0x1B790];
	_ =	sdelay $0x4  }
0xcb: {  	[tilespmem:v2+s2+$0x0] =	vst.idx.add.f32.msk $0xffff, v3  }
0xcc: {  	v2 =	vld [tilespmem:s20+$0x19020];
	_ =	sdelay $0x2  }
0xcd: {  	v3 =	vld [tilespmem:s20+$0x1B7A0];
	_ =	sdelay $0x4  }
0xce: {  	[tilespmem:v2+s2+$0x0] =	vst.idx.add.f32.msk $0xffff, v3  }
0xcf: {  	v2 =	vld [tilespmem:s20+$0x19030];
	_ =	sdelay $0x2  }
0xd0: {  	v3 =	vld [tilespmem:s20+$0x1B7B0];
	_ =	sdelay $0x4  }
0xd1: {  	[tilespmem:v2+s2+$0x0] =	vst.idx.add.f32.msk $0xffff, v3  }
0xd2: {  	v2 =	vld [tilespmem:s20+$0x19040];
	_ =	sdelay $0x2  }
0xd3: {  	p0 =	sne.s32 s19, $0x9B00;
	v3 =	vld [tilespmem:s20+$0x1B7C0]  }
.Ltmp12:
0xd4: {  	_ = 	snop;
	(pc) =	sbr.rel @p0 .LBB2_27-.Ltmp12, $2  }
0xd5: {  	_ =	sdelay $0x2  }
0xd6: {  	s19 =	sadd.s32 $0x140, s19;
	[tilespmem:v2+s2+$0x0] =	vst.idx.add.f32.msk $0xffff, v3  }
0xd7: {  	s18 =	sadd.s32 $0x1, s18  }
0xd8: {  	p0 =	sne.s32 s18, $0x5  }
.Ltmp13:
0xd9: {  	_ = 	snop;
	(pc) =	sbr.rel @p0 .LBB2_26-.Ltmp13, $1  }
0xda: {  	_ =	sdelay $0x3  }
0xdb: {  	s16 =	sadd.s32 $0x1, s16  }
0xdc: {  	p0 =	sne.s32 s16, s12  }
.Ltmp14:
0xdd: {  	_ = 	snop;
	(pc) =	sbr.rel @p0 .LBB2_1-.Ltmp14, $4  }
0xde: {  	[hbm4b:s11+s2] =	stream.linear.scatter [tilespmem:s2], [sflag:$0x1], $0x19000, $0x38;
	[tilespmem:$0x1DF00] =	vst v63  }
0xdf: {  	_ =	swait.ge [sflag:s14], $0x19000  }
0xe0: {  	[sflag:s14] =	ssyncset.done $0x0  }
0xe1: {  	[sflag:s14] =	ssyncadd.s32 $0xFFFE7000  }
0xe2: {  	_ =	sfence.sel $0x180000  }
0xe3: {  	[bflag:$0x0] =	sbarrier.arrive $0xFFFF  }
0xe4: {  	p0 =	sne.s32 s1, $0x0;
	_ =	strace $0x9000004A  }
0xe5: {  	s0 =	sadd.s32 @!p0 $0x100000, s0;
	[bflag:$0x2] =	sbarrier.arrive $0xFFFF  }
0xe6: {  	[sflag:s0] =	ssyncadd.tile.s32 @!p0 $0x1;
	_ =	shalt  }
.Lfunc_end2:
_tile_overlayer_lowered:
.L_overlay_start_2:
0xe7: {  	(tag) =	ssettag $0x2  }
0xe8: {  	s0 =	rddreg [dreg:$0x0];
	s2 =	stileid.u32  }
0xe9: {  	s1 =	rddreg [dreg:$0x1];
	p0 =	sne.s32 s2, $0x0  }
0xea: {  	s3 =	rddreg [dreg:$0x2];
	[bflag:$0x3] =	sbarrier.arrive $0xFFFF;
	s2 =	simm.s32 @!p0 $0x1C01  }
0xeb: {  	[timem:s3], [sflag:s2] =	dma.local @!p0 [hbm:s0], s1  }
0xec: {  	s0 =	simm.s32 @!p0 $0x1  }
0xed: {  	_ =	swait.ge @!p0 [sflag:s0], s1  }
0xee: {  	s1 =	ssub.s32 @!p0 $0x0, s1;
	[sflag:s0] =	ssyncset.done @!p0 $0x0  }
0xef: {  	[sflag:s0] =	ssyncadd.s32 @!p0 s1  }
0xf0: {  	[bflag:$0x3] =	sbarrier.arrive $0xFFFF  }
0xf1: {  	_ =	shalt  }

// kernel: kernel.20.cloned.1.call-start
scs
__scs_entry_jumppad:
0x0: {  	(pc) =	sbr.rel $0x88, $3  }
0x1: {  	(tag) =	ssettag $0x0;
	lr =	simm.s32 $0x1  }
0x2: {  	[smem:$0x3F7E] =	sst lr;
	_ =	strace $0xD0000000  }
0x3: {  	_ = 	snop  }
0x4: {  	_ = 	snop  }
0x5: {  	_ = 	snop  }
0x6: {  	_ = 	snop  }
0x7: {  	_ = 	snop  }
__scs_overlays_trampoline_lowered:
0x8: {  	[smem:$0x3F8D] =	sst s0  }
0x9: {  	[smem:$0x3F8E] =	sst s1  }
0xa: {  	[smem:$0x3F8F] =	sst s2  }
0xb: {  	[smem:$0x3F90] =	sst s3  }
0xc: {  	[smem:$0x3F91] =	sst s4  }
0xd: {  	[smem:$0x3F92] =	sst s5  }
0xe: {  	[smem:$0x3F93] =	sst s6  }
0xf: {  	[smem:$0x3F94] =	sst s7  }
0x10: {  	[smem:$0x3F95] =	sst s8  }
0x11: {  	[smem:$0x3F96] =	sst s9;
	s0 =	simm.s32 @!p0 $0x0  }
0x12: {  	s1 =	sld [smem:$0x3F7C];
	s0 =	simm.s32 @p0 $0x1  }
0x13: {  	[smem:$0x3F97] =	sst s0;
	s0 =	simm.s32 @!p1 $0x0  }
0x14: {  	s2 =	sld [smem:$0x3F7B];
	s0 =	simm.s32 @p1 $0x1  }
0x15: {  	[smem:$0x3F98] =	sst s0;
	s0 =	simm.s32 @!p2 $0x0  }
0x16: {  	s3 =	sld [smem:$0x3FDB];
	s0 =	simm.s32 @p2 $0x1  }
0x17: {  	s4 =	simm.s32 $0x1BF5;
	[smem:$0x3F9A] =	sst s0  }
0x18: {  	s0 =	sld [smem:$0x3F7D];
	_ =	swait.ge [sflag:s4], $0x0  }
0x19: {  	s7 =	sld [smem:$0x3F7E]  }
0x1a: {  	s8 =	sadd.s32 $0xFFFFE003, lr  }
0x1b: {  	s9 =	sadd.s32 $0xFFFFFEF7, lr;
	s5 =	simm.s32 $0xFFFFFFFF;
	p2 =	slt.u32 s8, $0xFFFFF086  }
0x1c: {  	p1 =	slt.u32 s9, $0xF7A;
	s5 =	simm.s32 @!p2 $0x0  }
0x1d: {  	s5 =	simm.s32 @p1 $0x1;
	p0 =	seq.s32 s7, s2  }
0x1e: {  	s7 =	smul.u32 @!p0 $0xF7A, s2;
	p2 =	seq.s32 @!p0 s5, $0x0  }
0x1f: {  	s9 =	smul.u32 $0xF7A, s1;
	s8 =	simm.s32 @!p0 $0x1BF5;
	p2 =	por !p2, p0  }
0x20: {  	[sflag:s8] =	ssyncset.s32 @!p0 $0xFFFFF086;
	s6 =	sadd.s32 @!p0 s3, s7;
	s7 =	simm.s32 @!p0 $0x108  }
0x21: {  	s3 =	sadd.s32 s3, s9;
	s6 =	sadd.s32 @!p0 $0x88, s6;
	s7 =	simm.s32 @p2 $0x1082  }
0x22: {  	[simem:s7], [sflag:s8] =	dma.local @!p0 [hbm:s6], $0xF7A  }
0x23: {  	s9 =	sor.u32 $0xD0000000, s2;
	s6 =	simm.s32 $0x108;
	_ =	swait.ge @!p0 [sflag:s8], $0x0  }
0x24: {  	s3 =	sadd.s32 $0x88, s3;
	s6 =	simm.s32 @!p1 $0x1082;
	[sflag:s4] =	ssyncset.s32 $0xFFFFF086  }
0x25: {  	[simem:s6], [sflag:s4] =	dma.local [hbm:s3], $0xF7A  }
0x26: {  	[smem:$0x3F7E] =	sst s1;
	(tag) =	ssettag s2;
	_ =	strace s9  }
0x27: {  	s1 =	sld [smem:$0x3F8E]  }
0x28: {  	s2 =	sld [smem:$0x3F8F]  }
0x29: {  	s4 =	sld [smem:$0x3F91]  }
0x2a: {  	p0 =	seq.s32 s5, $0x0;
	s5 =	sld [smem:$0x3F92]  }
0x2b: {  	s6 =	sld [smem:$0x3F93]  }
0x2c: {  	s7 =	sld [smem:$0x3F94]  }
0x2d: {  	s3 =	simm.s32 $0x108;
	s8 =	sld [smem:$0x3F95]  }
0x2e: {  	s3 =	simm.s32 @!p0 $0x1082;
	s9 =	sld [smem:$0x3F96]  }
0x2f: {  	lr =	sadd.s32 s0, s3;
	s0 =	sld [smem:$0x3F8D]  }
0x30: {  	s3 =	sld [smem:$0x3F90]  }
0x31: {  	[smem:$0x3F99] =	sst s10  }
0x32: {  	s10 =	sld [smem:$0x3F97];
	_ =	sdelay $0x3  }
0x33: {  	p0 =	seq.s32 s10, $0x1;
	s10 =	sld [smem:$0x3F99];
	_ =	sdelay $0x3  }
0x34: {  	[smem:$0x3F99] =	sst s10  }
0x35: {  	s10 =	sld [smem:$0x3F98];
	_ =	sdelay $0x3  }
0x36: {  	p1 =	seq.s32 s10, $0x1;
	s10 =	sld [smem:$0x3F99];
	_ =	sdelay $0x3  }
0x37: {  	[smem:$0x3F99] =	sst s10  }
0x38: {  	s10 =	sld [smem:$0x3F9A]  }
0x39: {  	_ = 	snop;
	(pc) =	sbr.ind lr, $3  }
0x3a: {  	_ = 	snop  }
0x3b: {  	_ = 	snop  }
0x3c: {  	p2 =	seq.s32 s10, $0x1;
	s10 =	sld [smem:$0x3F99]  }
0x3d: {  	_ =	shalt  }
0x3e: {  	_ =	shalt  }
0x3f: {  	_ =	shalt  }
0x40: {  	_ =	shalt  }
0x41: {  	_ =	shalt  }
0x42: {  	_ =	shalt  }
0x43: {  	_ =	shalt  }
0x44: {  	_ =	shalt  }
0x45: {  	_ =	shalt  }
0x46: {  	_ =	shalt  }
0x47: {  	_ =	shalt  }
0x48: {  	_ =	shalt  }
0x49: {  	_ =	shalt  }
0x4a: {  	_ =	shalt  }
0x4b: {  	_ =	shalt  }
0x4c: {  	_ =	shalt  }
0x4d: {  	_ =	shalt  }
0x4e: {  	_ =	shalt  }
0x4f: {  	_ =	shalt  }
0x50: {  	_ =	shalt  }
0x51: {  	_ =	shalt  }
0x52: {  	_ =	shalt  }
0x53: {  	_ =	shalt  }
0x54: {  	_ =	shalt  }
0x55: {  	_ =	shalt  }
0x56: {  	_ =	shalt  }
0x57: {  	_ =	shalt  }
0x58: {  	_ =	shalt  }
0x59: {  	_ =	shalt  }
0x5a: {  	_ =	shalt  }
0x5b: {  	_ =	shalt  }
0x5c: {  	_ =	shalt  }
0x5d: {  	_ =	shalt  }
0x5e: {  	_ =	shalt  }
0x5f: {  	_ =	shalt  }
0x60: {  	_ =	shalt  }
0x61: {  	_ =	shalt  }
0x62: {  	_ =	shalt  }
0x63: {  	_ =	shalt  }
0x64: {  	_ =	shalt  }
0x65: {  	_ =	shalt  }
0x66: {  	_ =	shalt  }
0x67: {  	_ =	shalt  }
0x68: {  	_ =	shalt  }
0x69: {  	_ =	shalt  }
0x6a: {  	_ =	shalt  }
0x6b: {  	_ =	shalt  }
0x6c: {  	_ =	shalt  }
0x6d: {  	_ =	shalt  }
0x6e: {  	_ =	shalt  }
0x6f: {  	_ =	shalt  }
0x70: {  	_ =	shalt  }
0x71: {  	_ =	shalt  }
0x72: {  	_ =	shalt  }
0x73: {  	_ =	shalt  }
0x74: {  	_ =	shalt  }
0x75: {  	_ =	shalt  }
0x76: {  	_ =	shalt  }
0x77: {  	_ =	shalt  }
0x78: {  	_ =	shalt  }
0x79: {  	_ =	shalt  }
0x7a: {  	_ =	shalt  }
0x7b: {  	_ =	shalt  }
0x7c: {  	_ =	shalt  }
0x7d: {  	_ =	shalt  }
0x7e: {  	_ =	shalt  }
0x7f: {  	_ =	shalt  }
0x80: {  	_ =	shalt  }
0x81: {  	_ =	shalt  }
0x82: {  	_ =	shalt  }
0x83: {  	_ =	shalt  }
0x84: {  	_ =	shalt  }
0x85: {  	_ =	shalt  }
0x86: {  	_ =	shalt  }
0x87: {  	_ =	shalt  }
.Lfunc_end0:
.L_simem_size_0:
called_computation.2_lowered:
.L_overlay_start_0:
0x88: {  	s2 =	sld [smem:$0x3FD9]  }
0x89: {  	s3 =	sld [smem:$0x3FFE];
	_ =	sdelay $0x1  }
0x8a: {  	s1 =	srdreg.scid  }
0x8b: {  	s0 =	sand.u32 $0x1, s1  }
0x8c: {  	s14 =	sshll.u32 s0, $0xA;
	s2 =	sadd.s32 s3, s2  }
0x8d: {  	s2 =	sadd.s32 s2, s14  }
0x8e: {  	[smem:$0x3FA5] =	sst s2  }
0x8f: {  	_ = 	snop  }
0x90: {  	s2 =	sld [smem:$0x3FD0];
	_ =	sdelay $0x2  }
0x91: {  	s15 =	simm.s32 $0xA;
	s4 =	simm.s32 $0x10  }
0x92: {  	[smem:s4], [sflag:s15] =	dma.local [hbm:s2], $0x1  }
0x93: {  	_ =	swait.eq [sflag:s15], $0x1  }
0x94: {  	[sflag:s15] =	ssyncset.done $0x0  }
0x95: {  	s16 =	sld [smem:$0x10];
	[sflag:s15] =	ssyncadd.s32 $0xFFFFFFFF  }
0x96: {  	s17 =	sld [smem:$0x11];
	(tm) =	ssettm $0x1  }
0x97: {  	s18 =	sld [smem:$0x3FFB];
	_ =	sdelay $0x3  }
0x98: {  	_ =	strace s18  }
0x99: {  	s4 =	sld [smem:$0x3FFC];
	_ =	sdelay $0x3  }
0x9a: {  	_ =	strace s4  }
0x9b: {  	s4 =	sld [smem:$0x3FFD];
	_ =	sdelay $0x3  }
0x9c: {  	_ =	strace s4  }
0x9d: {  	_ =	strace $0x8FFFFFFF  }
0x9e: {  	s19 =	sld [smem:$0x3FDB];
	_ =	sdelay $0x1  }
0x9f: {  	s5 =	simm.s32 $_scs_section_size  }
0xa0: {  	s6 =	simm.s32 $_size__tile_overlayer_lowered;
	s7 =	simm.s32 $_tile_overlayer_lowered  }
0xa1: {  	s22 =	simm.s32 $0x1BFF;
	s21 =	sshll.u32 s7, $0x1;
	s4 =	sadd.s32 s5, s19  }
0xa2: {  	s8 =	simm.s32 $0x0;
	s20 =	sshll.u32 s6, $0x1;
	s6 =	sadd.s32 s21, s4  }
0xa3: {  	[timem:s8], [sflag:s22] =	dma.local [hbm:s6], s20  }
0xa4: {  	_ =	swait.ge [sflag:s22], s20  }
0xa5: {  	s5 =	ssub.s32 $0x0, s20;
	[sflag:s22] =	ssyncset.done $0x0  }
0xa6: {  	[sflag:s22] =	ssyncadd.s32 s5;
	_ =	sdelay $0x1  }
0xa7: {  	s23 =	simm.s32 $0x1B8B  }
0xa8: {  	_ =	swait.ge [sflag:s23], $0x1  }
0xa9: {  	[sflag:s23] =	ssyncset.done $0x0  }
0xaa: {  	s25 =	simm.s32 $0x1B8E;
	s24 =	sld [smem:$0x3FFE];
	[sflag:s23] =	ssyncadd.s32 $0xFFFFFFFF  }
0xab: {  	s26 =	simm.s32 $execute0_lowered;
	[smem:$0x3FD2] =	sst s25  }
0xac: {  	s6 =	sshll.u32 s26, $0x1;
	_ =	strace $0x8000004C;
	[dreg:$0x1] =	wrdreg $0xFFFFFFFF  }
0xad: {  	s28 =	simm.s32 $_size_execute0_lowered;
	s4 =	sadd.s32 s4, s6;
	[dreg:$0x0] =	wrdreg $0x0  }
0xae: {  	s6 =	sshll.u32 s28, $0x1;
	[dreg:$0x2] =	wrdreg s4  }
0xaf: {  	[dreg:$0x3] =	wrdreg s6  }
0xb0: {  	[dreg:$0x4] =	wrdreg $0xC0  }
0xb1: {  	_ =	task [dreg:s8], $0x5FFFF  }
0xb2: {  	[dreg:$0x1] =	wrdreg $0xFFFFFFFF  }
0xb3: {  	[dreg:$0x0] =	wrdreg $0x60  }
0xb4: {  	[dreg:$0x2] =	wrdreg s16  }
0xb5: {  	[dreg:$0x3] =	wrdreg s24  }
0xb6: {  	[dreg:$0x4] =	wrdreg s17  }
0xb7: {  	[dreg:$0x5] =	wrdreg $0x9  }
0xb8: {  	_ =	task.clear_ibuf [dreg:s8], $0x6FFFF;
	_ =	strace $0x9000004C  }
0xb9: {  	s29 =	simm.s32 $0x9;
	_ =	strace $0x8000004E  }
0xba: {  	_ =	swait.ge [sflag:s29], $0x1  }
0xbb: {  	[sflag:s29] =	ssyncadd.s32 $0xFFFFFFFF  }
0xbc: {  	_ =	strace $0x9000004E  }
0xbd: {  	_ =	sfence  }
0xbe: {  	s30 =	sld [smem:$0x0];
	_ =	sdelay $0x2  }
0xbf: {  	s31 =	sshll.u32 s1, $0xD;
	s1 =	sshrl.u32 s1, $0x2  }
0xc0: {  	s3 =	sand.u32 $0x4000, s31;
	s1 =	sadd.s32 s1, s30  }
0xc1: {  	s0 =	sor.u32 s3, s0;
	s1 =	sshll.u32 s1, $0x11  }
0xc2: {  	s0 =	sor.u32 s1, s0  }
0xc3: {  	s0 =	sadd.s32 $0x8F2B, s0  }
0xc4: {  	[sflag:s0] =	ssyncadd.remote.s32 $0x1  }
0xc5: {  	_ =	sfence.sel $0xFFFF  }
0xc6: {  	[dreg:$0x0] =	wrdreg $0xFFFFFFFF;
	(pc) =	sbr.abs _section_cstart, $3  }
0xc7: {  	[dreg:$0x1] =	wrdreg $0xFFFFFFFF  }
0xc8: {  	_ =	task.clear_ibuf [dreg:s8], $0x2FFFF;
	_ =	strace $0x9FFFFFFF  }
0xc9: {  	(tm) =	ssettm $0x7FFFFFFF  }
tec
execute0_lowered:
.L_overlay_start_1:
0x0: {  	(tag) =	ssettag $0x1  }
0x1: {  	s1 =	rddreg [dreg:$0x0]  }
0x2: {  	s10 =	rddreg [dreg:$0x1]  }
0x3: {  	s2 =	rddreg [dreg:$0x2]  }
0x4: {  	s0 =	rddreg [dreg:$0x3];
	s3 =	simm.s32 $0x0;
	s5 =	srdreg.scid  }
0x5: {  	s15 =	simm.s32 $0x1B780;
	s16 =	simm.s32 $0x0;
	[smem:$0x7FF] =	sst s3  }
0x6: {  	s4 =	sadd.s32 $0x6CE00, s10;
	s6 =	sadd.s32 $0x38E00, s10;
	s7 =	sadd.s32 $0x8000, s10  }
0x7: {  	s11 =	sand.u32 $0x1, s5;
	s8 =	sadd.s32 $0x70000, s10;
	s5 =	stileid.u32  }
0x8: {  	s9 =	sadd.s32 $0xA0E00, s10;
	s10 =	sadd.s32 $0xD1C00, s10;
	s12 =	ssub.s32 $0x2, s11  }
0x9: {  	_ =	strace $0x8000004D;
	s14 =	sshll.u32 s5, $0x1;
	s13 =	sshrl.u32 s12, $0x1  }
0xa: {  	s11 =	sor.u32 s11, s14;
	s14 =	simm.s32 $0x19000;
	s12 =	ssub.s32 s12, s13  }
0xb: {  	s11 =	smul.u32 $0x5, s11;
	s13 =	simm.s32 $0x1;
	s12 =	smax.u32 s12, $0x1  }
.LBB2_1:
0xc: {  	[tilespmem:s3], [sflag:$0x1] =	stream.linear.gather [hbm4b:s1+s3], $0x19000, $0x38;
	[tilespmem:$0x1DF00] =	vst v63  }
0xd: {  	_ =	swait.ge [sflag:s13], $0x19000  }
0xe: {  	[sflag:s13] =	ssyncset.done $0x0  }
0xf: {  	s18 =	simm.s32 $0x0;
	[sflag:s13] =	ssyncadd.s32 $0xFFFE7000  }
.LBB2_2:
0x10: {  	s17 =	sadd.s32 s11, s18  }
0x11: {  	s17 =	smul.u32 $0x4E2, s17;
	_ =	sdelay $0x1  }
0x12: {  	s20 =	simm.s32 $0x0;
	s19 =	sadd.s32 s6, s17  }
0x13: {  	[tilespmem:s14], [sflag:$0x1] =	stream.linear.gather [hbm4b:s19+s20], $0x2710, $0x38;
	[tilespmem:$0x1DF00] =	vst v63  }
0x14: {  	_ =	swait.ge [sflag:s13], $0x2710  }
0x15: {  	[sflag:s13] =	ssyncset.done $0x0  }
0x16: {  	s19 =	simm.s32 $0x0;
	[sflag:s13] =	ssyncadd.s32 $0xFFFFD8F0  }
0x17: {  	v0 =	vld [tilespmem:s19+$0x19000];
	_ =	sdelay $0x6  }
0x18: {  	v1 =	vld [tilespmem:s19+$0x19010]  }
0x19: {  	v0 =	vld.idx.msk [tilespmem:v0+s3+$0x0], $0xffff;
	_ =	sdelay $0x4  }
0x1a: {  	[tilespmem:s19+$0x1B780] =	vst v0;
	v0 =	vld [tilespmem:s19+$0x19020];
	_ =	sdelay $0x1  }
0x1b: {  	v1 =	vld.idx.msk [tilespmem:v1+s3+$0x0], $0xffff;
	_ =	sdelay $0x4  }
0x1c: {  	[tilespmem:s19+$0x1B790] =	vst v1;
	v1 =	vld [tilespmem:s19+$0x19030]  }
0x1d: {  	v0 =	vld.idx.msk [tilespmem:v0+s3+$0x0], $0xffff;
	_ =	sdelay $0x4  }
0x1e: {  	[tilespmem:s19+$0x1B7A0] =	vst v0;
	v0 =	vld [tilespmem:s19+$0x19040];
	_ =	sdelay $0x1  }
0x1f: {  	v1 =	vld.idx.msk [tilespmem:v1+s3+$0x0], $0xffff;
	_ =	sdelay $0x3  }
0x20: {  	s21 =	simm.s32 $0x50;
	s20 =	simm.s32 $0x280  }
.LBB2_3:
0x21: {  	p0 =	sne.s32 s20, $0x9B00;
	v2 =	vld [tilespmem:s21+$0x19000];
	[tilespmem:s19+$0x1B7B0] =	vst v1  }
0x22: {  	v0 =	vld.idx.msk [tilespmem:v0+s3+$0x0], $0xffff;
	_ =	sdelay $0x5  }
0x23: {  	v1 =	vld [tilespmem:s21+$0x19010];
	[tilespmem:s19+$0x1B7C0] =	vst v0;
	s19 =	smov.u32 s21  }
0x24: {  	v0 =	vld.idx.msk [tilespmem:v2+s3+$0x0], $0xffff;
	_ =	sdelay $0x5  }
0x25: {  	[tilespmem:s19+$0x1B780] =	vst v0;
	v0 =	vld [tilespmem:s19+$0x19020]  }
0x26: {  	v1 =	vld.idx.msk [tilespmem:v1+s3+$0x0], $0xffff;
	_ =	sdelay $0x5  }
0x27: {  	[tilespmem:s19+$0x1B790] =	vst v1;
	v1 =	vld [tilespmem:s19+$0x19030]  }
0x28: {  	v0 =	vld.idx.msk [tilespmem:v0+s3+$0x0], $0xffff;
	_ =	sdelay $0x5  }
0x29: {  	[tilespmem:s19+$0x1B7A0] =	vst v0;
	v0 =	vld [tilespmem:s19+$0x19040]  }
0x2a: {  	v1 =	vld.idx.msk [tilespmem:v1+s3+$0x0], $0xffff  }
.Ltmp0:
0x2b: {  	(pc) =	sbr.rel @p0 .LBB2_3-.Ltmp0, $2  }
0x2c: {  	_ =	sdelay $0x2  }
0x2d: {  	s21 =	sshra.s32 s20, $0x2;
	s20 =	sadd.s32 $0x140, s20  }
0x2e: {  	_ =	sdelay $0x1  }
0x2f: {  	v2 =	vld [tilespmem:s21+$0x19000]  }
0x30: {  	[tilespmem:s19+$0x1B7B0] =	vst v1  }
0x31: {  	v0 =	vld.idx.msk [tilespmem:v0+s3+$0x0], $0xffff;
	_ =	sdelay $0x3  }
0x32: {  	v1 =	vld [tilespmem:s21+$0x19010]  }
0x33: {  	[tilespmem:s19+$0x1B7C0] =	vst v0  }
0x34: {  	v0 =	vld.idx.msk [tilespmem:v2+s3+$0x0], $0xffff;
	_ =	sdelay $0x3  }
0x35: {  	v61 =	vld [tilespmem:s21+$0x19020]  }
0x36: {  	[tilespmem:s21+$0x1B780] =	vst v0  }
0x37: {  	v1 =	vld.idx.msk [tilespmem:v1+s3+$0x0], $0xffff;
	_ =	sdelay $0x3  }
0x38: {  	v62 =	vld [tilespmem:s21+$0x19030]  }
0x39: {  	[tilespmem:s21+$0x1B790] =	vst v1  }
0x3a: {  	v0 =	vld.idx.msk [tilespmem:v61+s3+$0x0], $0xffff;
	_ =	sdelay $0x3  }
0x3b: {  	v63 =	vld [tilespmem:s21+$0x19040]  }
0x3c: {  	[tilespmem:s21+$0x1B7A0] =	vst v0  }
0x3d: {  	v1 =	vld.idx.msk [tilespmem:v62+s3+$0x0], $0xffff;
	_ =	sdelay $0x4  }
0x3e: {  	[tilespmem:s21+$0x1B7B0] =	vst v1  }
0x3f: {  	v0 =	vld.idx.msk [tilespmem:v63+s3+$0x0], $0xffff;
	_ =	sdelay $0x2  }
0x40: {  	s18 =	sadd.s32 $0x1, s18  }
0x41: {  	p0 =	sne.s32 s18, $0x5  }
.Ltmp1:
0x42: {  	s31 =	sadd.s32 s2, s17;
	s17 =	simm.s32 $0x0;
	[tilespmem:s21+$0x1B7C0] =	vst v0;
	(pc) =	sbr.rel @p0 .LBB2_2-.Ltmp1, $4  }
0x43: {  	[hbm4b:s31+s17] =	stream.linear.scatter [tilespmem:s15], [sflag:$0x1], $0x2710, $0x38;
	[tilespmem:$0x1DF00] =	vst v63  }
0x44: {  	_ =	swait.ge [sflag:s13], $0x2710  }
0x45: {  	[sflag:s13] =	ssyncset.done $0x0  }
0x46: {  	[sflag:s13] =	ssyncadd.s32 $0xFFFFD8F0  }
0x47: {  	s18 =	simm.s32 $0x0  }
.LBB2_6:
0x48: {  	s19 =	sadd.s32 s11, s18  }
0x49: {  	s19 =	smul.u32 $0x4E2, s19;
	_ =	sdelay $0x1  }
0x4a: {  	s20 =	sadd.s32 s7, s19  }
0x4b: {  	[tilespmem:s14], [sflag:$0x1] =	stream.linear.gather [hbm4b:s20+s17], $0x2710, $0x38;
	[tilespmem:$0x1DF00] =	vst v63  }
0x4c: {  	_ =	swait.ge [sflag:s13], $0x2710  }
0x4d: {  	[sflag:s13] =	ssyncset.done $0x0  }
0x4e: {  	s20 =	simm.s32 $0x0;
	[sflag:s13] =	ssyncadd.s32 $0xFFFFD8F0  }
0x4f: {  	v0 =	vld [tilespmem:s20+$0x19000];
	_ =	sdelay $0x6  }
0x50: {  	v1 =	vld [tilespmem:s20+$0x19010]  }
0x51: {  	v0 =	vld.idx.msk [tilespmem:v0+s3+$0x0], $0xffff;
	_ =	sdelay $0x4  }
0x52: {  	[tilespmem:s20+$0x1B780] =	vst v0;
	v0 =	vld [tilespmem:s20+$0x19020];
	_ =	sdelay $0x1  }
0x53: {  	v1 =	vld.idx.msk [tilespmem:v1+s3+$0x0], $0xffff;
	_ =	sdelay $0x4  }
0x54: {  	[tilespmem:s20+$0x1B790] =	vst v1;
	v1 =	vld [tilespmem:s20+$0x19030]  }
0x55: {  	v0 =	vld.idx.msk [tilespmem:v0+s3+$0x0], $0xffff;
	_ =	sdelay $0x4  }
0x56: {  	[tilespmem:s20+$0x1B7A0] =	vst v0;
	v0 =	vld [tilespmem:s20+$0x19040];
	_ =	sdelay $0x1  }
0x57: {  	v1 =	vld.idx.msk [tilespmem:v1+s3+$0x0], $0xffff;
	_ =	sdelay $0x3  }
0x58: {  	s22 =	simm.s32 $0x50;
	s21 =	simm.s32 $0x280  }
.LBB2_7:
0x59: {  	p0 =	sne.s32 s21, $0x9B00;
	v2 =	vld [tilespmem:s22+$0x19000];
	[tilespmem:s20+$0x1B7B0] =	vst v1  }
0x5a: {  	v0 =	vld.idx.msk [tilespmem:v0+s3+$0x0], $0xffff;
	_ =	sdelay $0x5  }
0x5b: {  	v1 =	vld [tilespmem:s22+$0x19010];
	[tilespmem:s20+$0x1B7C0] =	vst v0;
	s20 =	smov.u32 s22  }
0x5c: {  	v0 =	vld.idx.msk [tilespmem:v2+s3+$0x0], $0xffff;
	_ =	sdelay $0x5  }
0x5d: {  	[tilespmem:s20+$0x1B780] =	vst v0;
	v0 =	vld [tilespmem:s20+$0x19020]  }
0x5e: {  	v1 =	vld.idx.msk [tilespmem:v1+s3+$0x0], $0xffff;
	_ =	sdelay $0x5  }
0x5f: {  	[tilespmem:s20+$0x1B790] =	vst v1;
	v1 =	vld [tilespmem:s20+$0x19030]  }
0x60: {  	v0 =	vld.idx.msk [tilespmem:v0+s3+$0x0], $0xffff;
	_ =	sdelay $0x5  }
0x61: {  	[tilespmem:s20+$0x1B7A0] =	vst v0;
	v0 =	vld [tilespmem:s20+$0x19040]  }
0x62: {  	v1 =	vld.idx.msk [tilespmem:v1+s3+$0x0], $0xffff  }
.Ltmp2:
0x63: {  	(pc) =	sbr.rel @p0 .LBB2_7-.Ltmp2, $2  }
0x64: {  	_ =	sdelay $0x2  }
0x65: {  	s22 =	sshra.s32 s21, $0x2;
	s21 =	sadd.s32 $0x140, s21  }
0x66: {  	_ =	sdelay $0x1  }
0x67: {  	v2 =	vld [tilespmem:s22+$0x19000]  }
0x68: {  	[tilespmem:s20+$0x1B7B0] =	vst v1  }
0x69: {  	v0 =	vld.idx.msk [tilespmem:v0+s3+$0x0], $0xffff;
	_ =	sdelay $0x3  }
0x6a: {  	v1 =	vld [tilespmem:s22+$0x19010]  }
0x6b: {  	[tilespmem:s20+$0x1B7C0] =	vst v0  }
0x6c: {  	v0 =	vld.idx.msk [tilespmem:v2+s3+$0x0], $0xffff;
	_ =	sdelay $0x3  }
0x6d: {  	v61 =	vld [tilespmem:s22+$0x19020]  }
0x6e: {  	[tilespmem:s22+$0x1B780] =	vst v0  }
0x6f: {  	v1 =	vld.idx.msk [tilespmem:v1+s3+$0x0], $0xffff;
	_ =	sdelay $0x3  }
0x70: {  	v62 =	vld [tilespmem:s22+$0x19030]  }
0x71: {  	[tilespmem:s22+$0x1B790] =	vst v1  }
0x72: {  	v0 =	vld.idx.msk [tilespmem:v61+s3+$0x0], $0xffff;
	_ =	sdelay $0x3  }
0x73: {  	v63 =	vld [tilespmem:s22+$0x19040]  }
0x74: {  	[tilespmem:s22+$0x1B7A0] =	vst v0  }
0x75: {  	v1 =	vld.idx.msk [tilespmem:v62+s3+$0x0], $0xffff;
	_ =	sdelay $0x4  }
0x76: {  	[tilespmem:s22+$0x1B7B0] =	vst v1  }
0x77: {  	v0 =	vld.idx.msk [tilespmem:v63+s3+$0x0], $0xffff;
	_ =	sdelay $0x2  }
0x78: {  	s18 =	sadd.s32 $0x1, s18  }
0x79: {  	p0 =	sne.s32 s18, $0x5  }
.Ltmp3:
0x7a: {  	s19 =	sadd.s32 s9, s19;
	[tilespmem:s22+$0x1B7C0] =	vst v0;
	(pc) =	sbr.rel @p0 .LBB2_6-.Ltmp3, $4  }
0x7b: {  	[hbm4b:s19+s3] =	stream.linear.scatter [tilespmem:s15], [sflag:$0x1], $0x2710, $0x38;
	[tilespmem:$0x1DF00] =	vst v63  }
0x7c: {  	_ =	swait.ge [sflag:s13], $0x2710  }
0x7d: {  	[sflag:s13] =	ssyncset.done $0x0  }
0x7e: {  	[sflag:s13] =	ssyncadd.s32 $0xFFFFD8F0  }
0x7f: {  	s18 =	simm.s32 $0x0  }
0x80: {  	[tilespmem:s18], [sflag:$0x1] =	stream.linear.gather [hbm4b:s4+s18], $0x19000, $0x38;
	[tilespmem:$0x1DF00] =	vst v63  }
0x81: {  	_ =	swait.ge [sflag:s13], $0x19000  }
0x82: {  	[sflag:s13] =	ssyncset.done $0x0  }
0x83: {  	s19 =	simm.s32 $0x0;
	[sflag:s13] =	ssyncadd.s32 $0xFFFE7000  }
.LBB2_10:
0x84: {  	s17 =	sadd.s32 s11, s19  }
0x85: {  	s17 =	smul.u32 $0x4E2, s17;
	_ =	sdelay $0x1  }
0x86: {  	s20 =	sadd.s32 s6, s17  }
0x87: {  	[tilespmem:s14], [sflag:$0x1] =	stream.linear.gather [hbm4b:s20+s18], $0x2710, $0x38;
	[tilespmem:$0x1DF00] =	vst v63  }
0x88: {  	_ =	swait.ge [sflag:s13], $0x2710  }
0x89: {  	[sflag:s13] =	ssyncset.done $0x0  }
0x8a: {  	s20 =	simm.s32 $0x0;
	[sflag:s13] =	ssyncadd.s32 $0xFFFFD8F0  }
0x8b: {  	v0 =	vld [tilespmem:s20+$0x19000];
	_ =	sdelay $0x6  }
0x8c: {  	v1 =	vld [tilespmem:s20+$0x19010]  }
0x8d: {  	v0 =	vld.idx.msk [tilespmem:v0+s3+$0x0], $0xffff;
	_ =	sdelay $0x4  }
0x8e: {  	[tilespmem:s20+$0x1B780] =	vst v0;
	v0 =	vld [tilespmem:s20+$0x19020];
	_ =	sdelay $0x1  }
0x8f: {  	v1 =	vld.idx.msk [tilespmem:v1+s3+$0x0], $0xffff;
	_ =	sdelay $0x4  }
0x90: {  	[tilespmem:s20+$0x1B790] =	vst v1;
	v1 =	vld [tilespmem:s20+$0x19030]  }
0x91: {  	v0 =	vld.idx.msk [tilespmem:v0+s3+$0x0], $0xffff;
	_ =	sdelay $0x4  }
0x92: {  	[tilespmem:s20+$0x1B7A0] =	vst v0;
	v0 =	vld [tilespmem:s20+$0x19040];
	_ =	sdelay $0x1  }
0x93: {  	v1 =	vld.idx.msk [tilespmem:v1+s3+$0x0], $0xffff;
	_ =	sdelay $0x3  }
0x94: {  	s22 =	simm.s32 $0x50;
	s21 =	simm.s32 $0x280  }
.LBB2_11:
0x95: {  	p0 =	sne.s32 s21, $0x9B00;
	v2 =	vld [tilespmem:s22+$0x19000];
	[tilespmem:s20+$0x1B7B0] =	vst v1  }
0x96: {  	v0 =	vld.idx.msk [tilespmem:v0+s3+$0x0], $0xffff;
	_ =	sdelay $0x5  }
0x97: {  	v1 =	vld [tilespmem:s22+$0x19010];
	[tilespmem:s20+$0x1B7C0] =	vst v0;
	s20 =	smov.u32 s22  }
0x98: {  	v0 =	vld.idx.msk [tilespmem:v2+s3+$0x0], $0xffff;
	_ =	sdelay $0x5  }
0x99: {  	[tilespmem:s20+$0x1B780] =	vst v0;
	v0 =	vld [tilespmem:s20+$0x19020]  }
0x9a: {  	v1 =	vld.idx.msk [tilespmem:v1+s3+$0x0], $0xffff;
	_ =	sdelay $0x5  }
0x9b: {  	[tilespmem:s20+$0x1B790] =	vst v1;
	v1 =	vld [tilespmem:s20+$0x19030]  }
0x9c: {  	v0 =	vld.idx.msk [tilespmem:v0+s3+$0x0], $0xffff;
	_ =	sdelay $0x5  }
0x9d: {  	[tilespmem:s20+$0x1B7A0] =	vst v0;
	v0 =	vld [tilespmem:s20+$0x19040]  }
0x9e: {  	v1 =	vld.idx.msk [tilespmem:v1+s3+$0x0], $0xffff  }
.Ltmp4:
0x9f: {  	(pc) =	sbr.rel @p0 .LBB2_11-.Ltmp4, $2  }
0xa0: {  	_ =	sdelay $0x2  }
0xa1: {  	s22 =	sshra.s32 s21, $0x2;
	s21 =	sadd.s32 $0x140, s21  }
0xa2: {  	_ =	sdelay $0x1  }
0xa3: {  	v2 =	vld [tilespmem:s22+$0x19000]  }
0xa4: {  	[tilespmem:s20+$0x1B7B0] =	vst v1  }
0xa5: {  	v0 =	vld.idx.msk [tilespmem:v0+s3+$0x0], $0xffff;
	_ =	sdelay $0x3  }
0xa6: {  	v1 =	vld [tilespmem:s22+$0x19010]  }
0xa7: {  	[tilespmem:s20+$0x1B7C0] =	vst v0  }
0xa8: {  	v0 =	vld.idx.msk [tilespmem:v2+s3+$0x0], $0xffff;
	_ =	sdelay $0x3  }
0xa9: {  	v61 =	vld [tilespmem:s22+$0x19020]  }
0xaa: {  	[tilespmem:s22+$0x1B780] =	vst v0  }
0xab: {  	v1 =	vld.idx.msk [tilespmem:v1+s3+$0x0], $0xffff;
	_ =	sdelay $0x3  }
0xac: {  	v62 =	vld [tilespmem:s22+$0x19030]  }
0xad: {  	[tilespmem:s22+$0x1B790] =	vst v1  }
0xae: {  	v0 =	vld.idx.msk [tilespmem:v61+s3+$0x0], $0xffff;
	_ =	sdelay $0x3  }
0xaf: {  	v63 =	vld [tilespmem:s22+$0x19040]  }
0xb0: {  	[tilespmem:s22+$0x1B7A0] =	vst v0  }
0xb1: {  	v1 =	vld.idx.msk [tilespmem:v62+s3+$0x0], $0xffff;
	_ =	sdelay $0x4  }
0xb2: {  	[tilespmem:s22+$0x1B7B0] =	vst v1  }
0xb3: {  	v0 =	vld.idx.msk [tilespmem:v63+s3+$0x0], $0xffff;
	_ =	sdelay $0x2  }
0xb4: {  	s19 =	sadd.s32 $0x1, s19  }
0xb5: {  	p0 =	sne.s32 s19, $0x5  }
.Ltmp5:
0xb6: {  	s31 =	sadd.s32 s8, s17;
	s17 =	simm.s32 $0x0;
	[tilespmem:s22+$0x1B7C0] =	vst v0;
	(pc) =	sbr.rel @p0 .LBB2_10-.Ltmp5, $4  }
0xb7: {  	[hbm4b:s31+s17] =	stream.linear.scatter [tilespmem:s15], [sflag:$0x1], $0x2710, $0x38;
	[tilespmem:$0x1DF00] =	vst v63  }
0xb8: {  	_ =	swait.ge [sflag:s13], $0x2710  }
0xb9: {  	[sflag:s13] =	ssyncset.done $0x0  }
0xba: {  	[sflag:s13] =	ssyncadd.s32 $0xFFFFD8F0  }
0xbb: {  	s18 =	simm.s32 $0x0  }
.LBB2_14:
0xbc: {  	s19 =	sadd.s32 s11, s18  }
0xbd: {  	s19 =	smul.u32 $0x4E2, s19;
	_ =	sdelay $0x1  }
0xbe: {  	s20 =	sadd.s32 s7, s19  }
0xbf: {  	[tilespmem:s14], [sflag:$0x1] =	stream.linear.gather [hbm4b:s20+s17], $0x2710, $0x38;
	[tilespmem:$0x1DF00] =	vst v63  }
0xc0: {  	_ =	swait.ge [sflag:s13], $0x2710  }
0xc1: {  	[sflag:s13] =	ssyncset.done $0x0  }
0xc2: {  	s20 =	simm.s32 $0x0;
	[sflag:s13] =	ssyncadd.s32 $0xFFFFD8F0  }
0xc3: {  	v0 =	vld [tilespmem:s20+$0x19000];
	_ =	sdelay $0x6  }
0xc4: {  	v1 =	vld [tilespmem:s20+$0x19010]  }
0xc5: {  	v0 =	vld.idx.msk [tilespmem:v0+s3+$0x0], $0xffff;
	_ =	sdelay $0x4  }
0xc6: {  	[tilespmem:s20+$0x1B780] =	vst v0;
	v0 =	vld [tilespmem:s20+$0x19020];
	_ =	sdelay $0x1  }
0xc7: {  	v1 =	vld.idx.msk [tilespmem:v1+s3+$0x0], $0xffff;
	_ =	sdelay $0x4  }
0xc8: {  	[tilespmem:s20+$0x1B790] =	vst v1;
	v1 =	vld [tilespmem:s20+$0x19030]  }
0xc9: {  	v0 =	vld.idx.msk [tilespmem:v0+s3+$0x0], $0xffff;
	_ =	sdelay $0x4  }
0xca: {  	[tilespmem:s20+$0x1B7A0] =	vst v0;
	v0 =	vld [tilespmem:s20+$0x19040];
	_ =	sdelay $0x1  }
0xcb: {  	v1 =	vld.idx.msk [tilespmem:v1+s3+$0x0], $0xffff;
	_ =	sdelay $0x3  }
0xcc: {  	s22 =	simm.s32 $0x50;
	s21 =	simm.s32 $0x280  }
.LBB2_15:
0xcd: {  	p0 =	sne.s32 s21, $0x9B00;
	v2 =	vld [tilespmem:s22+$0x19000];
	[tilespmem:s20+$0x1B7B0] =	vst v1  }
0xce: {  	v0 =	vld.idx.msk [tilespmem:v0+s3+$0x0], $0xffff;
	_ =	sdelay $0x5  }
0xcf: {  	v1 =	vld [tilespmem:s22+$0x19010];
	[tilespmem:s20+$0x1B7C0] =	vst v0;
	s20 =	smov.u32 s22  }
0xd0: {  	v0 =	vld.idx.msk [tilespmem:v2+s3+$0x0], $0xffff;
	_ =	sdelay $0x5  }
0xd1: {  	[tilespmem:s20+$0x1B780] =	vst v0;
	v0 =	vld [tilespmem:s20+$0x19020]  }
0xd2: {  	v1 =	vld.idx.msk [tilespmem:v1+s3+$0x0], $0xffff;
	_ =	sdelay $0x5  }
0xd3: {  	[tilespmem:s20+$0x1B790] =	vst v1;
	v1 =	vld [tilespmem:s20+$0x19030]  }
0xd4: {  	v0 =	vld.idx.msk [tilespmem:v0+s3+$0x0], $0xffff;
	_ =	sdelay $0x5  }
0xd5: {  	[tilespmem:s20+$0x1B7A0] =	vst v0;
	v0 =	vld [tilespmem:s20+$0x19040]  }
0xd6: {  	v1 =	vld.idx.msk [tilespmem:v1+s3+$0x0], $0xffff  }
.Ltmp6:
0xd7: {  	(pc) =	sbr.rel @p0 .LBB2_15-.Ltmp6, $2  }
0xd8: {  	_ =	sdelay $0x2  }
0xd9: {  	s22 =	sshra.s32 s21, $0x2;
	s21 =	sadd.s32 $0x140, s21  }
0xda: {  	_ =	sdelay $0x1  }
0xdb: {  	v2 =	vld [tilespmem:s22+$0x19000]  }
0xdc: {  	[tilespmem:s20+$0x1B7B0] =	vst v1  }
0xdd: {  	v0 =	vld.idx.msk [tilespmem:v0+s3+$0x0], $0xffff;
	_ =	sdelay $0x3  }
0xde: {  	v1 =	vld [tilespmem:s22+$0x19010]  }
0xdf: {  	[tilespmem:s20+$0x1B7C0] =	vst v0  }
0xe0: {  	v0 =	vld.idx.msk [tilespmem:v2+s3+$0x0], $0xffff;
	_ =	sdelay $0x3  }
0xe1: {  	v61 =	vld [tilespmem:s22+$0x19020]  }
0xe2: {  	[tilespmem:s22+$0x1B780] =	vst v0  }
0xe3: {  	v1 =	vld.idx.msk [tilespmem:v1+s3+$0x0], $0xffff;
	_ =	sdelay $0x3  }
0xe4: {  	v62 =	vld [tilespmem:s22+$0x19030]  }
0xe5: {  	[tilespmem:s22+$0x1B790] =	vst v1  }
0xe6: {  	v0 =	vld.idx.msk [tilespmem:v61+s3+$0x0], $0xffff;
	_ =	sdelay $0x3  }
0xe7: {  	v63 =	vld [tilespmem:s22+$0x19040]  }
0xe8: {  	[tilespmem:s22+$0x1B7A0] =	vst v0  }
0xe9: {  	v1 =	vld.idx.msk [tilespmem:v62+s3+$0x0], $0xffff;
	_ =	sdelay $0x4  }
0xea: {  	[tilespmem:s22+$0x1B7B0] =	vst v1  }
0xeb: {  	v0 =	vld.idx.msk [tilespmem:v63+s3+$0x0], $0xffff;
	_ =	sdelay $0x2  }
0xec: {  	s18 =	sadd.s32 $0x1, s18  }
0xed: {  	p0 =	sne.s32 s18, $0x5  }
.Ltmp7:
0xee: {  	s19 =	sadd.s32 s10, s19;
	[tilespmem:s22+$0x1B7C0] =	vst v0;
	(pc) =	sbr.rel @p0 .LBB2_14-.Ltmp7, $4  }
0xef: {  	[hbm4b:s19+s3] =	stream.linear.scatter [tilespmem:s15], [sflag:$0x1], $0x2710, $0x38;
	[tilespmem:$0x1DF00] =	vst v63  }
0xf0: {  	_ =	swait.ge [sflag:s13], $0x2710  }
0xf1: {  	[sflag:s13] =	ssyncset.done $0x0  }
0xf2: {  	[sflag:s13] =	ssyncadd.s32 $0xFFFFD8F0  }
0xf3: {  	s16 =	sadd.s32 $0x1, s16  }
0xf4: {  	p0 =	sne.s32 s16, s12  }
.Ltmp8:
0xf5: {  	_ = 	snop;
	(pc) =	sbr.rel @p0 .LBB2_1-.Ltmp8, $1  }
0xf6: {  	_ =	sdelay $0x3  }
0xf7: {  	_ =	sfence.sel $0x180000  }
0xf8: {  	[bflag:$0x0] =	sbarrier.arrive $0xFFFF  }
0xf9: {  	p0 =	sne.s32 s5, $0x0;
	_ =	strace $0x9000004D  }
0xfa: {  	s0 =	sadd.s32 @!p0 $0x100000, s0;
	[bflag:$0x2] =	sbarrier.arrive $0xFFFF  }
0xfb: {  	[sflag:s0] =	ssyncadd.tile.s32 @!p0 $0x1;
	_ =	shalt  }
.Lfunc_end2:
_tile_overlayer_lowered:
.L_overlay_start_2:
0xfc: {  	(tag) =	ssettag $0x2  }
0xfd: {  	s0 =	rddreg [dreg:$0x0];
	s2 =	stileid.u32  }
0xfe: {  	s1 =	rddreg [dreg:$0x1];
	p0 =	sne.s32 s2, $0x0  }
0xff: {  	s3 =	rddreg [dreg:$0x2];
	[bflag:$0x3] =	sbarrier.arrive $0xFFFF;
	s2 =	simm.s32 @!p0 $0x1C01  }
0x100: {  	[timem:s3], [sflag:s2] =	dma.local @!p0 [hbm:s0], s1  }
0x101: {  	s0 =	simm.s32 @!p0 $0x1  }
0x102: {  	_ =	swait.ge @!p0 [sflag:s0], s1  }
0x103: {  	s1 =	ssub.s32 @!p0 $0x0, s1;
	[sflag:s0] =	ssyncset.done @!p0 $0x0  }
0x104: {  	[sflag:s0] =	ssyncadd.s32 @!p0 s1  }
0x105: {  	[bflag:$0x3] =	sbarrier.arrive $0xFFFF  }
0x106: {  	_ =	shalt  }

// kernel: kernel.23.cloned.1.call-start
scs
__scs_entry_jumppad:
0x0: {  	(pc) =	sbr.rel $0x88, $3  }
0x1: {  	(tag) =	ssettag $0x0;
	lr =	simm.s32 $0x1  }
0x2: {  	[smem:$0x3F7E] =	sst lr;
	_ =	strace $0xD0000000  }
0x3: {  	_ = 	snop  }
0x4: {  	_ = 	snop  }
0x5: {  	_ = 	snop  }
0x6: {  	_ = 	snop  }
0x7: {  	_ = 	snop  }
__scs_overlays_trampoline_lowered:
0x8: {  	[smem:$0x3F8D] =	sst s0  }
0x9: {  	[smem:$0x3F8E] =	sst s1  }
0xa: {  	[smem:$0x3F8F] =	sst s2  }
0xb: {  	[smem:$0x3F90] =	sst s3  }
0xc: {  	[smem:$0x3F91] =	sst s4  }
0xd: {  	[smem:$0x3F92] =	sst s5  }
0xe: {  	[smem:$0x3F93] =	sst s6  }
0xf: {  	[smem:$0x3F94] =	sst s7  }
0x10: {  	[smem:$0x3F95] =	sst s8  }
0x11: {  	[smem:$0x3F96] =	sst s9;
	s0 =	simm.s32 @!p0 $0x0  }
0x12: {  	s1 =	sld [smem:$0x3F7C];
	s0 =	simm.s32 @p0 $0x1  }
0x13: {  	[smem:$0x3F97] =	sst s0;
	s0 =	simm.s32 @!p1 $0x0  }
0x14: {  	s2 =	sld [smem:$0x3F7B];
	s0 =	simm.s32 @p1 $0x1  }
0x15: {  	[smem:$0x3F98] =	sst s0;
	s0 =	simm.s32 @!p2 $0x0  }
0x16: {  	s3 =	sld [smem:$0x3FDB];
	s0 =	simm.s32 @p2 $0x1  }
0x17: {  	s4 =	simm.s32 $0x1BF5;
	[smem:$0x3F9A] =	sst s0  }
0x18: {  	s0 =	sld [smem:$0x3F7D];
	_ =	swait.ge [sflag:s4], $0x0  }
0x19: {  	s7 =	sld [smem:$0x3F7E]  }
0x1a: {  	s8 =	sadd.s32 $0xFFFFE003, lr  }
0x1b: {  	s9 =	sadd.s32 $0xFFFFFEF7, lr;
	s5 =	simm.s32 $0xFFFFFFFF;
	p2 =	slt.u32 s8, $0xFFFFF086  }
0x1c: {  	p1 =	slt.u32 s9, $0xF7A;
	s5 =	simm.s32 @!p2 $0x0  }
0x1d: {  	s5 =	simm.s32 @p1 $0x1;
	p0 =	seq.s32 s7, s2  }
0x1e: {  	s7 =	smul.u32 @!p0 $0xF7A, s2;
	p2 =	seq.s32 @!p0 s5, $0x0  }
0x1f: {  	s9 =	smul.u32 $0xF7A, s1;
	s8 =	simm.s32 @!p0 $0x1BF5;
	p2 =	por !p2, p0  }
0x20: {  	[sflag:s8] =	ssyncset.s32 @!p0 $0xFFFFF086;
	s6 =	sadd.s32 @!p0 s3, s7;
	s7 =	simm.s32 @!p0 $0x108  }
0x21: {  	s3 =	sadd.s32 s3, s9;
	s6 =	sadd.s32 @!p0 $0x88, s6;
	s7 =	simm.s32 @p2 $0x1082  }
0x22: {  	[simem:s7], [sflag:s8] =	dma.local @!p0 [hbm:s6], $0xF7A  }
0x23: {  	s9 =	sor.u32 $0xD0000000, s2;
	s6 =	simm.s32 $0x108;
	_ =	swait.ge @!p0 [sflag:s8], $0x0  }
0x24: {  	s3 =	sadd.s32 $0x88, s3;
	s6 =	simm.s32 @!p1 $0x1082;
	[sflag:s4] =	ssyncset.s32 $0xFFFFF086  }
0x25: {  	[simem:s6], [sflag:s4] =	dma.local [hbm:s3], $0xF7A  }
0x26: {  	[smem:$0x3F7E] =	sst s1;
	(tag) =	ssettag s2;
	_ =	strace s9  }
0x27: {  	s1 =	sld [smem:$0x3F8E]  }
0x28: {  	s2 =	sld [smem:$0x3F8F]  }
0x29: {  	s4 =	sld [smem:$0x3F91]  }
0x2a: {  	p0 =	seq.s32 s5, $0x0;
	s5 =	sld [smem:$0x3F92]  }
0x2b: {  	s6 =	sld [smem:$0x3F93]  }
0x2c: {  	s7 =	sld [smem:$0x3F94]  }
0x2d: {  	s3 =	simm.s32 $0x108;
	s8 =	sld [smem:$0x3F95]  }
0x2e: {  	s3 =	simm.s32 @!p0 $0x1082;
	s9 =	sld [smem:$0x3F96]  }
0x2f: {  	lr =	sadd.s32 s0, s3;
	s0 =	sld [smem:$0x3F8D]  }
0x30: {  	s3 =	sld [smem:$0x3F90]  }
0x31: {  	[smem:$0x3F99] =	sst s10  }
0x32: {  	s10 =	sld [smem:$0x3F97];
	_ =	sdelay $0x3  }
0x33: {  	p0 =	seq.s32 s10, $0x1;
	s10 =	sld [smem:$0x3F99];
	_ =	sdelay $0x3  }
0x34: {  	[smem:$0x3F99] =	sst s10  }
0x35: {  	s10 =	sld [smem:$0x3F98];
	_ =	sdelay $0x3  }
0x36: {  	p1 =	seq.s32 s10, $0x1;
	s10 =	sld [smem:$0x3F99];
	_ =	sdelay $0x3  }
0x37: {  	[smem:$0x3F99] =	sst s10  }
0x38: {  	s10 =	sld [smem:$0x3F9A]  }
0x39: {  	_ = 	snop;
	(pc) =	sbr.ind lr, $3  }
0x3a: {  	_ = 	snop  }
0x3b: {  	_ = 	snop  }
0x3c: {  	p2 =	seq.s32 s10, $0x1;
	s10 =	sld [smem:$0x3F99]  }
0x3d: {  	_ =	shalt  }
0x3e: {  	_ =	shalt  }
0x3f: {  	_ =	shalt  }
0x40: {  	_ =	shalt  }
0x41: {  	_ =	shalt  }
0x42: {  	_ =	shalt  }
0x43: {  	_ =	shalt  }
0x44: {  	_ =	shalt  }
0x45: {  	_ =	shalt  }
0x46: {  	_ =	shalt  }
0x47: {  	_ =	shalt  }
0x48: {  	_ =	shalt  }
0x49: {  	_ =	shalt  }
0x4a: {  	_ =	shalt  }
0x4b: {  	_ =	shalt  }
0x4c: {  	_ =	shalt  }
0x4d: {  	_ =	shalt  }
0x4e: {  	_ =	shalt  }
0x4f: {  	_ =	shalt  }
0x50: {  	_ =	shalt  }
0x51: {  	_ =	shalt  }
0x52: {  	_ =	shalt  }
0x53: {  	_ =	shalt  }
0x54: {  	_ =	shalt  }
0x55: {  	_ =	shalt  }
0x56: {  	_ =	shalt  }
0x57: {  	_ =	shalt  }
0x58: {  	_ =	shalt  }
0x59: {  	_ =	shalt  }
0x5a: {  	_ =	shalt  }
0x5b: {  	_ =	shalt  }
0x5c: {  	_ =	shalt  }
0x5d: {  	_ =	shalt  }
0x5e: {  	_ =	shalt  }
0x5f: {  	_ =	shalt  }
0x60: {  	_ =	shalt  }
0x61: {  	_ =	shalt  }
0x62: {  	_ =	shalt  }
0x63: {  	_ =	shalt  }
0x64: {  	_ =	shalt  }
0x65: {  	_ =	shalt  }
0x66: {  	_ =	shalt  }
0x67: {  	_ =	shalt  }
0x68: {  	_ =	shalt  }
0x69: {  	_ =	shalt  }
0x6a: {  	_ =	shalt  }
0x6b: {  	_ =	shalt  }
0x6c: {  	_ =	shalt  }
0x6d: {  	_ =	shalt  }
0x6e: {  	_ =	shalt  }
0x6f: {  	_ =	shalt  }
0x70: {  	_ =	shalt  }
0x71: {  	_ =	shalt  }
0x72: {  	_ =	shalt  }
0x73: {  	_ =	shalt  }
0x74: {  	_ =	shalt  }
0x75: {  	_ =	shalt  }
0x76: {  	_ =	shalt  }
0x77: {  	_ =	shalt  }
0x78: {  	_ =	shalt  }
0x79: {  	_ =	shalt  }
0x7a: {  	_ =	shalt  }
0x7b: {  	_ =	shalt  }
0x7c: {  	_ =	shalt  }
0x7d: {  	_ =	shalt  }
0x7e: {  	_ =	shalt  }
0x7f: {  	_ =	shalt  }
0x80: {  	_ =	shalt  }
0x81: {  	_ =	shalt  }
0x82: {  	_ =	shalt  }
0x83: {  	_ =	shalt  }
0x84: {  	_ =	shalt  }
0x85: {  	_ =	shalt  }
0x86: {  	_ =	shalt  }
0x87: {  	_ =	shalt  }
.Lfunc_end0:
.L_simem_size_0:
called_computation.3_lowered:
.L_overlay_start_0:
0x88: {  	s2 =	sld [smem:$0x3FD9]  }
0x89: {  	s3 =	sld [smem:$0x3FFE];
	_ =	sdelay $0x1  }
0x8a: {  	s1 =	srdreg.scid  }
0x8b: {  	s0 =	sand.u32 $0x1, s1  }
0x8c: {  	s16 =	sshll.u32 s0, $0xA;
	s2 =	sadd.s32 s3, s2  }
0x8d: {  	s2 =	sadd.s32 s2, s16  }
0x8e: {  	[smem:$0x3FA5] =	sst s2  }
0x8f: {  	_ = 	snop  }
0x90: {  	(tm) =	ssettm $0x1  }
0x91: {  	s17 =	sld [smem:$0x3FFB];
	_ =	sdelay $0x3  }
0x92: {  	_ =	strace s17  }
0x93: {  	s2 =	sld [smem:$0x3FFC];
	_ =	sdelay $0x3  }
0x94: {  	_ =	strace s2  }
0x95: {  	s2 =	sld [smem:$0x3FFD];
	_ =	sdelay $0x3  }
0x96: {  	_ =	strace s2  }
0x97: {  	_ =	strace $0x8FFFFFFF  }
0x98: {  	s18 =	sld [smem:$0x3FDB];
	_ =	sdelay $0x1  }
0x99: {  	s19 =	simm.s32 $_scs_section_size  }
0x9a: {  	s4 =	simm.s32 $_size__tile_overlayer_lowered;
	s5 =	simm.s32 $_tile_overlayer_lowered  }
0x9b: {  	s22 =	simm.s32 $0x1BFF;
	s21 =	sshll.u32 s5, $0x1;
	s2 =	sadd.s32 s19, s18  }
0x9c: {  	s6 =	simm.s32 $0x0;
	s20 =	sshll.u32 s4, $0x1;
	s4 =	sadd.s32 s21, s2  }
0x9d: {  	[timem:s6], [sflag:s22] =	dma.local [hbm:s4], s20  }
0x9e: {  	_ =	swait.ge [sflag:s22], s20  }
0x9f: {  	s3 =	ssub.s32 $0x0, s20;
	[sflag:s22] =	ssyncset.done $0x0  }
0xa0: {  	[sflag:s22] =	ssyncadd.s32 s3;
	_ =	sdelay $0x1  }
0xa1: {  	s23 =	simm.s32 $0x1B8B  }
0xa2: {  	_ =	swait.ge [sflag:s23], $0x1  }
0xa3: {  	[sflag:s23] =	ssyncset.done $0x0  }
0xa4: {  	s25 =	simm.s32 $0x1B8E;
	s24 =	sld [smem:$0x3FFE];
	[sflag:s23] =	ssyncadd.s32 $0xFFFFFFFF  }
0xa5: {  	s26 =	simm.s32 $execute0_lowered;
	[smem:$0x3FD2] =	sst s25  }
0xa6: {  	s4 =	sshll.u32 s26, $0x1;
	_ =	strace $0x8000004F;
	[dreg:$0x1] =	wrdreg $0xFFFFFFFF  }
0xa7: {  	s28 =	simm.s32 $_size_execute0_lowered;
	s2 =	sadd.s32 s2, s4;
	[dreg:$0x0] =	wrdreg $0x0  }
0xa8: {  	s4 =	sshll.u32 s28, $0x1;
	[dreg:$0x2] =	wrdreg s2  }
0xa9: {  	[dreg:$0x3] =	wrdreg s4  }
0xaa: {  	[dreg:$0x4] =	wrdreg $0xC0  }
0xab: {  	_ =	task [dreg:s6], $0x5FFFF  }
0xac: {  	[dreg:$0x1] =	wrdreg $0xFFFFFFFF  }
0xad: {  	[dreg:$0x0] =	wrdreg $0x60  }
0xae: {  	[dreg:$0x2] =	wrdreg s24  }
0xaf: {  	[dreg:$0x3] =	wrdreg $0x9  }
0xb0: {  	_ =	task.clear_ibuf [dreg:s6], $0x4FFFF;
	_ =	strace $0x9000004F  }
0xb1: {  	s29 =	simm.s32 $0x9;
	_ =	strace $0x80000051  }
0xb2: {  	_ =	swait.ge [sflag:s29], $0x1  }
0xb3: {  	[sflag:s29] =	ssyncadd.s32 $0xFFFFFFFF  }
0xb4: {  	_ =	strace $0x90000051  }
0xb5: {  	_ =	sfence  }
0xb6: {  	s30 =	sld [smem:$0x0];
	_ =	sdelay $0x2  }
0xb7: {  	s31 =	sshll.u32 s1, $0xD;
	s1 =	sshrl.u32 s1, $0x2  }
0xb8: {  	s3 =	sand.u32 $0x4000, s31;
	s1 =	sadd.s32 s1, s30  }
0xb9: {  	s0 =	sor.u32 s3, s0;
	s1 =	sshll.u32 s1, $0x11  }
0xba: {  	s0 =	sor.u32 s1, s0  }
0xbb: {  	s0 =	sadd.s32 $0x8F2B, s0  }
0xbc: {  	[sflag:s0] =	ssyncadd.remote.s32 $0x1  }
0xbd: {  	_ =	sfence.sel $0xFFFF  }
0xbe: {  	[dreg:$0x0] =	wrdreg $0xFFFFFFFF;
	(pc) =	sbr.abs _section_cstart, $3  }
0xbf: {  	[dreg:$0x1] =	wrdreg $0xFFFFFFFF  }
0xc0: {  	_ =	task.clear_ibuf [dreg:s6], $0x2FFFF;
	_ =	strace $0x9FFFFFFF  }
0xc1: {  	(tm) =	ssettm $0x7FFFFFFF  }
tec
execute0_lowered:
.L_overlay_start_1:
0x0: {  	(tag) =	ssettag $0x1  }
0x1: {  	s7 =	rddreg [dreg:$0x0]  }
0x2: {  	s0 =	rddreg [dreg:$0x1];
	s2 =	simm.s32 $0x0;
	s3 =	srdreg.scid  }
0x3: {  	s1 =	stileid.u32;
	s13 =	simm.s32 $0x1;
	s14 =	simm.s32 $0x1B780  }
0x4: {  	s15 =	simm.s32 $0x0;
	s4 =	sand.u32 $0x1, s3;
	s31 =	sshll.u32 s1, $0x1  }
0x5: {  	[smem:$0x7FF] =	sst s2;
	s3 =	sadd.s32 $0x38E00, s7;
	s8 =	sor.u32 s4, s31  }
0x6: {  	s5 =	sadd.s32 $0x102A00, s7;
	s10 =	ssub.s32 $0x2, s4;
	s9 =	smul.u32 $0x3200, s8  }
0x7: {  	s6 =	sadd.s32 $0x133800, s7;
	_ =	strace $0x80000050;
	s11 =	sshrl.u32 s10, $0x1  }
0x8: {  	s4 =	sadd.s32 $0x8000, s7;
	s11 =	ssub.s32 s10, s11;
	s12 =	sadd.s32 s9, s7  }
0x9: {  	s7 =	smul.u32 $0x5, s8;
	s8 =	sadd.s32 $0x164600, s12;
	s9 =	sadd.s32 $0x1C8600, s12  }
0xa: {  	v0 =	vimm.f32 $0.0e+00;
	s11 =	smax.u32 s11, $0x1;
	s10 =	sadd.s32 $0x22C600, s12;
	s12 =	simm.s32 $0x19000  }
.LBB2_1:
0xb: {  	s16 =	simm.s32 $0x140;
	s17 =	simm.s32 $0x0  }
.LBB2_2:
0xc: {  	p0 =	sne.s32 s16, $0x63EC0;
	[tilespmem:s17+$0x40] =	vst v0;
	s18 =	smov.u32 s16;
	s16 =	sadd.s32 $0x140, s16  }
.Ltmp0:
0xd: {  	[tilespmem:s17+$0x30] =	vst v0;
	(pc) =	sbr.rel @p0 .LBB2_2-.Ltmp0, $4  }
0xe: {  	[tilespmem:s17+$0x20] =	vst v0  }
0xf: {  	[tilespmem:s17+$0x0] =	vst v0  }
0x10: {  	[tilespmem:s17+$0x10] =	vst v0  }
0x11: {  	s17 =	sshra.s32 s18, $0x2  }
0x12: {  	[tilespmem:s17+$0x40] =	vst v0  }
0x13: {  	[tilespmem:s17+$0x30] =	vst v0  }
0x14: {  	[tilespmem:s17+$0x20] =	vst v0  }
0x15: {  	[tilespmem:s17+$0x0] =	vst v0  }
0x16: {  	s16 =	simm.s32 $0x0;
	[tilespmem:s17+$0x10] =	vst v0;
	s17 =	simm.s32 $0x0  }
.LBB2_4:
0x17: {  	s18 =	sadd.s32 s7, s17  }
0x18: {  	s18 =	smul.u32 $0x4E2, s18;
	_ =	sdelay $0x1  }
0x19: {  	s19 =	sadd.s32 s3, s18  }
0x1a: {  	[tilespmem:s12], [sflag:$0x1] =	stream.linear.gather [hbm4b:s19+s16], $0x2710, $0x38;
	[tilespmem:$0x1DF00] =	vst v63  }
0x1b: {  	_ =	swait.ge [sflag:s13], $0x2710  }
0x1c: {  	[sflag:s13] =	ssyncset.done $0x0  }
0x1d: {  	s18 =	sadd.s32 s4, s18;
	[sflag:s13] =	ssyncadd.s32 $0xFFFFD8F0  }
0x1e: {  	[tilespmem:s14], [sflag:$0x1] =	stream.linear.gather [hbm4b:s18+s16], $0x2710, $0x38;
	[tilespmem:$0x1DF00] =	vst v63  }
0x1f: {  	_ =	swait.ge [sflag:s13], $0x2710  }
0x20: {  	[sflag:s13] =	ssyncset.done $0x0  }
0x21: {  	s18 =	simm.s32 $0x0;
	[sflag:s13] =	ssyncadd.s32 $0xFFFFD8F0  }
.LBB2_5:
0x22: {  	s19 =	sshra.s32 s18, $0x2  }
0x23: {  	v1 =	vld [tilespmem:s19+$0x19000];
	_ =	sdelay $0x2  }
0x24: {  	v2 =	vld [tilespmem:s19+$0x1B780];
	_ =	sdelay $0x4  }
0x25: {  	[tilespmem:v1+s2+$0x0] =	vst.idx.add.f32.msk $0xffff, v2  }
0x26: {  	v1 =	vld [tilespmem:s19+$0x19010];
	_ =	sdelay $0x2  }
0x27: {  	v2 =	vld [tilespmem:s19+$0x1B790];
	_ =	sdelay $0x4  }
0x28: {  	[tilespmem:v1+s2+$0x0] =	vst.idx.add.f32.msk $0xffff, v2  }
0x29: {  	v1 =	vld [tilespmem:s19+$0x19020];
	_ =	sdelay $0x2  }
0x2a: {  	v2 =	vld [tilespmem:s19+$0x1B7A0];
	_ =	sdelay $0x4  }
0x2b: {  	[tilespmem:v1+s2+$0x0] =	vst.idx.add.f32.msk $0xffff, v2  }
0x2c: {  	v1 =	vld [tilespmem:s19+$0x19030];
	_ =	sdelay $0x2  }
0x2d: {  	v2 =	vld [tilespmem:s19+$0x1B7B0];
	_ =	sdelay $0x4  }
0x2e: {  	[tilespmem:v1+s2+$0x0] =	vst.idx.add.f32.msk $0xffff, v2  }
0x2f: {  	v1 =	vld [tilespmem:s19+$0x19040];
	_ =	sdelay $0x2  }
0x30: {  	p0 =	sne.s32 s18, $0x9B00;
	v2 =	vld [tilespmem:s19+$0x1B7C0]  }
.Ltmp1:
0x31: {  	_ = 	snop;
	(pc) =	sbr.rel @p0 .LBB2_5-.Ltmp1, $2  }
0x32: {  	_ =	sdelay $0x2  }
0x33: {  	s18 =	sadd.s32 $0x140, s18;
	[tilespmem:v1+s2+$0x0] =	vst.idx.add.f32.msk $0xffff, v2  }
0x34: {  	s17 =	sadd.s32 $0x1, s17  }
0x35: {  	p0 =	sne.s32 s17, $0x5  }
.Ltmp2:
0x36: {  	_ = 	snop;
	(pc) =	sbr.rel @p0 .LBB2_4-.Ltmp2, $1  }
0x37: {  	_ =	sdelay $0x3  }
0x38: {  	s16 =	simm.s32 $0x0  }
0x39: {  	[hbm4b:s8+s16] =	stream.linear.scatter [tilespmem:s16], [sflag:$0x1], $0x19000, $0x38;
	[tilespmem:$0x1DF00] =	vst v63  }
0x3a: {  	_ =	swait.ge [sflag:s13], $0x19000  }
0x3b: {  	[sflag:s13] =	ssyncset.done $0x0  }
0x3c: {  	s18 =	simm.s32 $0x140;
	s17 =	simm.s32 $0x0;
	[sflag:s13] =	ssyncadd.s32 $0xFFFE7000  }
.LBB2_8:
0x3d: {  	p0 =	sne.s32 s18, $0x63EC0;
	[tilespmem:s17+$0x40] =	vst v0;
	s19 =	smov.u32 s18;
	s18 =	sadd.s32 $0x140, s18  }
.Ltmp3:
0x3e: {  	[tilespmem:s17+$0x30] =	vst v0;
	(pc) =	sbr.rel @p0 .LBB2_8-.Ltmp3, $4  }
0x3f: {  	[tilespmem:s17+$0x20] =	vst v0  }
0x40: {  	[tilespmem:s17+$0x0] =	vst v0  }
0x41: {  	[tilespmem:s17+$0x10] =	vst v0  }
0x42: {  	s17 =	sshra.s32 s19, $0x2  }
0x43: {  	[tilespmem:s17+$0x40] =	vst v0  }
0x44: {  	[tilespmem:s17+$0x30] =	vst v0  }
0x45: {  	[tilespmem:s17+$0x20] =	vst v0  }
0x46: {  	[tilespmem:s17+$0x0] =	vst v0  }
0x47: {  	[tilespmem:s17+$0x10] =	vst v0  }
.LBB2_10:
0x48: {  	s17 =	sadd.s32 s7, s16  }
0x49: {  	s18 =	smul.u32 $0x4E2, s17;
	_ =	sdelay $0x1  }
0x4a: {  	s17 =	simm.s32 $0x0;
	s19 =	sadd.s32 s3, s18  }
0x4b: {  	[tilespmem:s12], [sflag:$0x1] =	stream.linear.gather [hbm4b:s19+s17], $0x2710, $0x38;
	[tilespmem:$0x1DF00] =	vst v63  }
0x4c: {  	_ =	swait.ge [sflag:s13], $0x2710  }
0x4d: {  	[sflag:s13] =	ssyncset.done $0x0  }
0x4e: {  	s18 =	sadd.s32 s5, s18;
	[sflag:s13] =	ssyncadd.s32 $0xFFFFD8F0  }
0x4f: {  	[tilespmem:s14], [sflag:$0x1] =	stream.linear.gather [hbm4b:s18+s17], $0x2710, $0x38;
	[tilespmem:$0x1DF00] =	vst v63  }
0x50: {  	_ =	swait.ge [sflag:s13], $0x2710  }
0x51: {  	[sflag:s13] =	ssyncset.done $0x0  }
0x52: {  	[sflag:s13] =	ssyncadd.s32 $0xFFFFD8F0  }
.LBB2_11:
0x53: {  	s18 =	sshra.s32 s17, $0x2  }
0x54: {  	v1 =	vld [tilespmem:s18+$0x19000];
	_ =	sdelay $0x2  }
0x55: {  	v2 =	vld [tilespmem:s18+$0x1B780];
	_ =	sdelay $0x4  }
0x56: {  	[tilespmem:v1+s2+$0x0] =	vst.idx.add.f32.msk $0xffff, v2  }
0x57: {  	v1 =	vld [tilespmem:s18+$0x19010];
	_ =	sdelay $0x2  }
0x58: {  	v2 =	vld [tilespmem:s18+$0x1B790];
	_ =	sdelay $0x4  }
0x59: {  	[tilespmem:v1+s2+$0x0] =	vst.idx.add.f32.msk $0xffff, v2  }
0x5a: {  	v1 =	vld [tilespmem:s18+$0x19020];
	_ =	sdelay $0x2  }
0x5b: {  	v2 =	vld [tilespmem:s18+$0x1B7A0];
	_ =	sdelay $0x4  }
0x5c: {  	[tilespmem:v1+s2+$0x0] =	vst.idx.add.f32.msk $0xffff, v2  }
0x5d: {  	v1 =	vld [tilespmem:s18+$0x19030];
	_ =	sdelay $0x2  }
0x5e: {  	v2 =	vld [tilespmem:s18+$0x1B7B0];
	_ =	sdelay $0x4  }
0x5f: {  	[tilespmem:v1+s2+$0x0] =	vst.idx.add.f32.msk $0xffff, v2  }
0x60: {  	v1 =	vld [tilespmem:s18+$0x19040];
	_ =	sdelay $0x2  }
0x61: {  	p0 =	sne.s32 s17, $0x9B00;
	v2 =	vld [tilespmem:s18+$0x1B7C0]  }
.Ltmp4:
0x62: {  	_ = 	snop;
	(pc) =	sbr.rel @p0 .LBB2_11-.Ltmp4, $2  }
0x63: {  	_ =	sdelay $0x2  }
0x64: {  	s17 =	sadd.s32 $0x140, s17;
	[tilespmem:v1+s2+$0x0] =	vst.idx.add.f32.msk $0xffff, v2  }
0x65: {  	s16 =	sadd.s32 $0x1, s16  }
0x66: {  	p0 =	sne.s32 s16, $0x5  }
.Ltmp5:
0x67: {  	_ = 	snop;
	(pc) =	sbr.rel @p0 .LBB2_10-.Ltmp5, $1  }
0x68: {  	_ =	sdelay $0x3  }
0x69: {  	s16 =	simm.s32 $0x0  }
0x6a: {  	[hbm4b:s9+s16] =	stream.linear.scatter [tilespmem:s16], [sflag:$0x1], $0x19000, $0x38;
	[tilespmem:$0x1DF00] =	vst v63  }
0x6b: {  	_ =	swait.ge [sflag:s13], $0x19000  }
0x6c: {  	[sflag:s13] =	ssyncset.done $0x0  }
0x6d: {  	s18 =	simm.s32 $0x140;
	s17 =	simm.s32 $0x0;
	[sflag:s13] =	ssyncadd.s32 $0xFFFE7000  }
.LBB2_14:
0x6e: {  	p0 =	sne.s32 s18, $0x63EC0;
	[tilespmem:s17+$0x40] =	vst v0;
	s19 =	smov.u32 s18;
	s18 =	sadd.s32 $0x140, s18  }
.Ltmp6:
0x6f: {  	[tilespmem:s17+$0x30] =	vst v0;
	(pc) =	sbr.rel @p0 .LBB2_14-.Ltmp6, $4  }
0x70: {  	[tilespmem:s17+$0x20] =	vst v0  }
0x71: {  	[tilespmem:s17+$0x0] =	vst v0  }
0x72: {  	[tilespmem:s17+$0x10] =	vst v0  }
0x73: {  	s17 =	sshra.s32 s19, $0x2  }
0x74: {  	[tilespmem:s17+$0x40] =	vst v0  }
0x75: {  	[tilespmem:s17+$0x30] =	vst v0  }
0x76: {  	[tilespmem:s17+$0x20] =	vst v0  }
0x77: {  	[tilespmem:s17+$0x0] =	vst v0  }
0x78: {  	[tilespmem:s17+$0x10] =	vst v0  }
.LBB2_16:
0x79: {  	s17 =	sadd.s32 s7, s16  }
0x7a: {  	s18 =	smul.u32 $0x4E2, s17;
	_ =	sdelay $0x1  }
0x7b: {  	s17 =	simm.s32 $0x0;
	s19 =	sadd.s32 s3, s18  }
0x7c: {  	[tilespmem:s12], [sflag:$0x1] =	stream.linear.gather [hbm4b:s19+s17], $0x2710, $0x38;
	[tilespmem:$0x1DF00] =	vst v63  }
0x7d: {  	_ =	swait.ge [sflag:s13], $0x2710  }
0x7e: {  	[sflag:s13] =	ssyncset.done $0x0  }
0x7f: {  	s18 =	sadd.s32 s6, s18;
	[sflag:s13] =	ssyncadd.s32 $0xFFFFD8F0  }
0x80: {  	[tilespmem:s14], [sflag:$0x1] =	stream.linear.gather [hbm4b:s18+s17], $0x2710, $0x38;
	[tilespmem:$0x1DF00] =	vst v63  }
0x81: {  	_ =	swait.ge [sflag:s13], $0x2710  }
0x82: {  	[sflag:s13] =	ssyncset.done $0x0  }
0x83: {  	[sflag:s13] =	ssyncadd.s32 $0xFFFFD8F0  }
.LBB2_17:
0x84: {  	s18 =	sshra.s32 s17, $0x2  }
0x85: {  	v1 =	vld [tilespmem:s18+$0x19000];
	_ =	sdelay $0x2  }
0x86: {  	v2 =	vld [tilespmem:s18+$0x1B780];
	_ =	sdelay $0x4  }
0x87: {  	[tilespmem:v1+s2+$0x0] =	vst.idx.add.f32.msk $0xffff, v2  }
0x88: {  	v1 =	vld [tilespmem:s18+$0x19010];
	_ =	sdelay $0x2  }
0x89: {  	v2 =	vld [tilespmem:s18+$0x1B790];
	_ =	sdelay $0x4  }
0x8a: {  	[tilespmem:v1+s2+$0x0] =	vst.idx.add.f32.msk $0xffff, v2  }
0x8b: {  	v1 =	vld [tilespmem:s18+$0x19020];
	_ =	sdelay $0x2  }
0x8c: {  	v2 =	vld [tilespmem:s18+$0x1B7A0];
	_ =	sdelay $0x4  }
0x8d: {  	[tilespmem:v1+s2+$0x0] =	vst.idx.add.f32.msk $0xffff, v2  }
0x8e: {  	v1 =	vld [tilespmem:s18+$0x19030];
	_ =	sdelay $0x2  }
0x8f: {  	v2 =	vld [tilespmem:s18+$0x1B7B0];
	_ =	sdelay $0x4  }
0x90: {  	[tilespmem:v1+s2+$0x0] =	vst.idx.add.f32.msk $0xffff, v2  }
0x91: {  	v1 =	vld [tilespmem:s18+$0x19040];
	_ =	sdelay $0x2  }
0x92: {  	p0 =	sne.s32 s17, $0x9B00;
	v2 =	vld [tilespmem:s18+$0x1B7C0]  }
.Ltmp7:
0x93: {  	_ = 	snop;
	(pc) =	sbr.rel @p0 .LBB2_17-.Ltmp7, $2  }
0x94: {  	_ =	sdelay $0x2  }
0x95: {  	s17 =	sadd.s32 $0x140, s17;
	[tilespmem:v1+s2+$0x0] =	vst.idx.add.f32.msk $0xffff, v2  }
0x96: {  	s16 =	sadd.s32 $0x1, s16  }
0x97: {  	p0 =	sne.s32 s16, $0x5  }
.Ltmp8:
0x98: {  	_ = 	snop;
	(pc) =	sbr.rel @p0 .LBB2_16-.Ltmp8, $1  }
0x99: {  	_ =	sdelay $0x3  }
0x9a: {  	s15 =	sadd.s32 $0x1, s15  }
0x9b: {  	p0 =	sne.s32 s15, s11  }
.Ltmp9:
0x9c: {  	_ = 	snop;
	(pc) =	sbr.rel @p0 .LBB2_1-.Ltmp9, $4  }
0x9d: {  	[hbm4b:s10+s2] =	stream.linear.scatter [tilespmem:s2], [sflag:$0x1], $0x19000, $0x38;
	[tilespmem:$0x1DF00] =	vst v63  }
0x9e: {  	_ =	swait.ge [sflag:s13], $0x19000  }
0x9f: {  	[sflag:s13] =	ssyncset.done $0x0  }
0xa0: {  	[sflag:s13] =	ssyncadd.s32 $0xFFFE7000  }
0xa1: {  	_ =	sfence.sel $0x180000  }
0xa2: {  	[bflag:$0x0] =	sbarrier.arrive $0xFFFF  }
0xa3: {  	p0 =	sne.s32 s1, $0x0;
	_ =	strace $0x90000050  }
0xa4: {  	s0 =	sadd.s32 @!p0 $0x100000, s0;
	[bflag:$0x2] =	sbarrier.arrive $0xFFFF  }
0xa5: {  	[sflag:s0] =	ssyncadd.tile.s32 @!p0 $0x1;
	_ =	shalt  }
.Lfunc_end2:
_tile_overlayer_lowered:
.L_overlay_start_2:
0xa6: {  	(tag) =	ssettag $0x2  }
0xa7: {  	s0 =	rddreg [dreg:$0x0];
	s2 =	stileid.u32  }
0xa8: {  	s1 =	rddreg [dreg:$0x1];
	p0 =	sne.s32 s2, $0x0  }
0xa9: {  	s3 =	rddreg [dreg:$0x2];
	[bflag:$0x3] =	sbarrier.arrive $0xFFFF;
	s2 =	simm.s32 @!p0 $0x1C01  }
0xaa: {  	[timem:s3], [sflag:s2] =	dma.local @!p0 [hbm:s0], s1  }
0xab: {  	s0 =	simm.s32 @!p0 $0x1  }
0xac: {  	_ =	swait.ge @!p0 [sflag:s0], s1  }
0xad: {  	s1 =	ssub.s32 @!p0 $0x0, s1;
	[sflag:s0] =	ssyncset.done @!p0 $0x0  }
0xae: {  	[sflag:s0] =	ssyncadd.s32 @!p0 s1  }
0xaf: {  	[bflag:$0x3] =	sbarrier.arrive $0xFFFF  }
0xb0: {  	_ =	shalt  }

</sc_bundles>
